<compile_context>
chip_gen: v7x
topology: tpu7x:2x2x1
jax: 0.10.2.dev20260603
libtpu: 0.0.44.dev20260713+nightly
codegen_flags: <defaults>
</compile_context>

<pallas_src>
import functools

import jax
import jax.numpy as jnp
from jax import lax
from jax.experimental import pallas as pl
from jax.experimental.pallas import tpu as pltpu
from jax.experimental.pallas import tpu_sc as plsc

N = 10000
E = 320000
D = 128
H = 64
G = 8
NEG_SLOPE = 0.01

P = 10240
EB = 128
TILES = 32
NBLK = 80
EP = TILES * NBLK * EB
ROWS_PER_TILE = P // 16
W1W = 16
TCB = 2048
TCG = P // TCB

_mesh = plsc.VectorSubcoreMesh(core_axis_name="c", subcore_axis_name="s")
_f32 = jnp.float32
_params = pltpu.CompilerParams(use_tc_tiling_on_sc=False)



def _zero_phase(s, zsrcs_dsts):
    for zsrc, dst in zsrcs_dsts:
        pltpu.sync_copy(zsrc, dst.at[pl.ds(s * ROWS_PER_TILE, ROWS_PER_TILE)])
    plsc.subcore_barrier()


def _copy_out(c, s, pairs):
    plsc.subcore_barrier()
    for sh, out in pairs:
        sl = pl.ds(s * ROWS_PER_TILE, ROWS_PER_TILE)
        pltpu.sync_copy(sh.at[sl], out.at[c, sl])


@functools.partial(
    pl.kernel,
    mesh=_mesh,
    compiler_params=_params,
    out_type=jax.ShapeDtypeStruct((2, P, W1W), _f32),
    scratch_types=[
        pltpu.VMEM((NBLK, EB), jnp.int32),
        pltpu.VMEM((EB, W1W), _f32),
        pltpu.VMEM_SHARED((P, W1W), _f32),
        pltpu.SemaphoreType.DMA,
    ],
)
def _sc_deg(dstm, ones_hbm, zeros16, deg_out, didx, onesv, accd, sem):
    c = lax.axis_index("c")
    s = lax.axis_index("s")
    wid = s * 2 + c
    pltpu.sync_copy(ones_hbm, onesv)
    pltpu.sync_copy(dstm.at[pl.ds(wid * NBLK, NBLK)], didx)
    _zero_phase(s, [(zeros16, accd)])

    @pl.loop(0, NBLK)
    def _(j):
        pltpu.async_copy(onesv, accd.at[didx.at[j]], sem, add=True)

    @pl.loop(0, NBLK)
    def _(j):
        pltpu.make_async_copy(onesv, accd.at[didx.at[j]], sem).wait()

    _copy_out(c, s, [(accd, deg_out)])


DEPTH128 = 5
DEPTH = 8


def _prop_loop(tab, sidx, didx, rows, acc, gsems, ssems, nblk, depth):
    for b in range(depth):
        pltpu.async_copy(tab.at[sidx.at[b]], rows[b], gsems[b])

    @pl.loop(0, nblk, step=depth)
    def _(j):
        descs = []
        for b in range(depth):
            pltpu.make_async_copy(tab.at[sidx.at[j + b]], rows[b],
                                  gsems[b]).wait()
            descs.append(pltpu.async_copy(rows[b], acc.at[didx.at[j + b]],
                                          ssems[b], add=True))
        for b in range(depth):
            @pl.when(j + b + depth < nblk)
            def _(b=b):
                descs[b].wait()
                pltpu.async_copy(tab.at[sidx.at[j + b + depth]], rows[b],
                                 gsems[b])

    for b in range(depth):
        pltpu.make_async_copy(rows[b], acc.at[didx.at[nblk - depth + b]],
                              ssems[b]).wait()


NBLK2 = 2 * NBLK


@functools.partial(
    pl.kernel,
    mesh=_mesh,
    compiler_params=_params,
    out_type=jax.ShapeDtypeStruct((2, P, H), _f32),
    scratch_types=(
        [pltpu.VMEM((NBLK2, EB), jnp.int32),
         pltpu.VMEM((NBLK2, EB), jnp.int32)]
        + [pltpu.VMEM((EB, H), _f32)] * DEPTH128
        + [pltpu.VMEM_SHARED((P, H), _f32)]
        + [pltpu.SemaphoreType.DMA] * (2 * DEPTH128)
    ),
)
def _sc_prop128(srcm, dstm, tab_lo, tab_hi, zeros, acc_out,
                sidx, didx, *rest):
    rows = rest[:DEPTH128]
    acc = rest[DEPTH128]
    gsems = rest[DEPTH128 + 1:2 * DEPTH128 + 1]
    ssems = rest[2 * DEPTH128 + 1:]
    c = lax.axis_index("c")
    s = lax.axis_index("s")
    pltpu.sync_copy(srcm.at[pl.ds(s * NBLK2, NBLK2)], sidx)
    pltpu.sync_copy(dstm.at[pl.ds(s * NBLK2, NBLK2)], didx)
    _zero_phase(s, [(zeros, acc)])

    @pl.when(c == 0)
    def _():
        _prop_loop(tab_lo, sidx, didx, rows, acc, gsems, ssems, NBLK2,
                   DEPTH128)

    @pl.when(c == 1)
    def _():
        _prop_loop(tab_hi, sidx, didx, rows, acc, gsems, ssems, NBLK2,
                   DEPTH128)

    _copy_out(c, s, [(acc, acc_out)])


def _make_prop(width):
    @functools.partial(
        pl.kernel,
        mesh=_mesh,
        compiler_params=_params,
        out_type=jax.ShapeDtypeStruct((2, P, width), _f32),
        scratch_types=(
            [pltpu.VMEM((NBLK, EB), jnp.int32),
             pltpu.VMEM((NBLK, EB), jnp.int32)]
            + [pltpu.VMEM((EB, width), _f32)] * DEPTH
            + [pltpu.VMEM_SHARED((P, width), _f32)]
            + [pltpu.SemaphoreType.DMA] * (2 * DEPTH)
        ),
    )
    def _prop(srcm, dstm, tab, zeros, acc_out, sidx, didx, *rest):
        rows = rest[:DEPTH]
        acc = rest[DEPTH]
        gsems = rest[DEPTH + 1:2 * DEPTH + 1]
        ssems = rest[2 * DEPTH + 1:]
        c = lax.axis_index("c")
        s = lax.axis_index("s")
        wid = s * 2 + c
        pltpu.sync_copy(srcm.at[pl.ds(wid * NBLK, NBLK)], sidx)
        pltpu.sync_copy(dstm.at[pl.ds(wid * NBLK, NBLK)], didx)
        _zero_phase(s, [(zeros, acc)])
        _prop_loop(tab, sidx, didx, rows, acc, gsems, ssems, NBLK, DEPTH)
        _copy_out(c, s, [(acc, acc_out)])

    return _prop


_sc_prop64 = _make_prop(H)
_sc_prop16 = _make_prop(W1W)



def _tc_prep_body(degp_ref, x_ref, w0_ref, dinv_ref, u0n_lo_ref, u0n_hi_ref):
    deg = degp_ref[0][:, 0:1] + degp_ref[1][:, 0:1] + 1.0
    dv = 1.0 / jnp.sqrt(deg)
    dinv_ref[...] = dv
    u0 = jnp.dot(x_ref[...], w0_ref[...], preferred_element_type=_f32)
    u0n = dv * u0
    u0n_lo_ref[...] = u0n[:, :H]
    u0n_hi_ref[...] = u0n[:, H:]


_tc_prep = pl.pallas_call(
    _tc_prep_body,
    grid=(TCG,),
    in_specs=[
        pl.BlockSpec((2, TCB, W1W), lambda i: (0, i, 0)),
        pl.BlockSpec((TCB, D), lambda i: (i, 0)),
        pl.BlockSpec((D, D), lambda i: (0, 0)),
    ],
    out_specs=[
        pl.BlockSpec((TCB, 1), lambda i: (i, 0)),
        pl.BlockSpec((TCB, H), lambda i: (i, 0)),
        pl.BlockSpec((TCB, H), lambda i: (i, 0)),
    ],
    out_shape=[
        jax.ShapeDtypeStruct((P, 1), _f32),
        jax.ShapeDtypeStruct((P, H), _f32),
        jax.ShapeDtypeStruct((P, H), _f32),
    ],
)


def _tc_h0u1_body(acc0_ref, u0n_lo_ref, u0n_hi_ref, dinv_ref, b0_ref,
                  w1_ref, u1n_ref):
    dv = dinv_ref[...]
    h0 = jnp.concatenate(
        [dv * (acc0_ref[0] + u0n_lo_ref[...]),
         dv * (acc0_ref[1] + u0n_hi_ref[...])], axis=1) + b0_ref[...]
    u1 = jnp.dot(h0, w1_ref[...], preferred_element_type=_f32)
    u1n_ref[...] = dv * u1


_tc_h0u1 = pl.pallas_call(
    _tc_h0u1_body,
    grid=(TCG,),
    in_specs=[
        pl.BlockSpec((2, TCB, H), lambda i: (0, i, 0)),
        pl.BlockSpec((TCB, H), lambda i: (i, 0)),
        pl.BlockSpec((TCB, H), lambda i: (i, 0)),
        pl.BlockSpec((TCB, 1), lambda i: (i, 0)),
        pl.BlockSpec((1, D), lambda i: (0, 0)),
        pl.BlockSpec((D, H), lambda i: (0, 0)),
    ],
    out_specs=pl.BlockSpec((TCB, H), lambda i: (i, 0)),
    out_shape=jax.ShapeDtypeStruct((P, H), _f32),
)


def _tc_h1_body(acc1_ref, u1n_ref, dinv_ref, b1_ref, w2_ref, batch_ref,
                z2n16_ref, pool_ref, cnt_ref):
    i = pl.program_id(0)
    dv = dinv_ref[...]
    hpre = dv * (acc1_ref[0] + acc1_ref[1] + u1n_ref[...]) + b1_ref[...]
    h1 = jnp.where(hpre > 0, hpre, NEG_SLOPE * hpre)
    z2 = jnp.dot(h1, w2_ref[...], preferred_element_type=_f32)
    z2n16_ref[...] = (dv * z2) * jnp.ones((1, W1W), _f32)
    b = batch_ref[...]
    pool_rows, cnt_rows = [], []
    for g in range(G):
        m = (b == g).astype(_f32)
        pool_rows.append(jnp.sum(h1 * m, axis=0, keepdims=True))
        cnt_rows.append(jnp.sum(m * jnp.ones((1, H), _f32), axis=0,
                                keepdims=True))
    pool_blk = jnp.concatenate(pool_rows, axis=0)
    cnt_blk = jnp.concatenate(cnt_rows, axis=0)

    @pl.when(i == 0)
    def _():
        pool_ref[...] = pool_blk
        cnt_ref[...] = cnt_blk

    @pl.when(i > 0)
    def _():
        pool_ref[...] += pool_blk
        cnt_ref[...] += cnt_blk


_tc_h1 = pl.pallas_call(
    _tc_h1_body,
    grid=(TCG,),
    in_specs=[
        pl.BlockSpec((2, TCB, H), lambda i: (0, i, 0)),
        pl.BlockSpec((TCB, H), lambda i: (i, 0)),
        pl.BlockSpec((TCB, 1), lambda i: (i, 0)),
        pl.BlockSpec((1, H), lambda i: (0, 0)),
        pl.BlockSpec((H, 1), lambda i: (0, 0)),
        pl.BlockSpec((TCB, 1), lambda i: (i, 0)),
    ],
    out_specs=[
        pl.BlockSpec((TCB, W1W), lambda i: (i, 0)),
        pl.BlockSpec((G, H), lambda i: (0, 0)),
        pl.BlockSpec((G, H), lambda i: (0, 0)),
    ],
    out_shape=[
        jax.ShapeDtypeStruct((P, W1W), _f32),
        jax.ShapeDtypeStruct((G, H), _f32),
        jax.ShapeDtypeStruct((G, H), _f32),
    ],
)


def _tc_final_body(accz_ref, z2n_ref, dinv_ref, b2_ref, pool_ref, cnt_ref,
                   weos_ref, beos_ref, yl_ref, ye_ref):
    dv = dinv_ref[...]
    yl_ref[...] = (dv * (accz_ref[0][:, 0:1] + accz_ref[1][:, 0:1]
                         + z2n_ref[...][:, 0:1]) + b2_ref[...])

    @pl.when(pl.program_id(0) == 0)
    def _():
        xp = pool_ref[...] / jnp.maximum(cnt_ref[...], 1.0)
        ye_ref[...] = (jnp.dot(xp, weos_ref[...], preferred_element_type=_f32)
                       + beos_ref[...])


_tc_final = pl.pallas_call(
    _tc_final_body,
    grid=(TCG,),
    in_specs=[
        pl.BlockSpec((2, TCB, W1W), lambda i: (0, i, 0)),
        pl.BlockSpec((TCB, W1W), lambda i: (i, 0)),
        pl.BlockSpec((TCB, 1), lambda i: (i, 0)),
        pl.BlockSpec((1, 1), lambda i: (0, 0)),
        pl.BlockSpec((G, H), lambda i: (0, 0)),
        pl.BlockSpec((G, H), lambda i: (0, 0)),
        pl.BlockSpec((H, 1), lambda i: (0, 0)),
        pl.BlockSpec((1, 1), lambda i: (0, 0)),
    ],
    out_specs=[
        pl.BlockSpec((TCB, 1), lambda i: (i, 0)),
        pl.BlockSpec((G, 1), lambda i: (0, 0)),
    ],
    out_shape=[
        jax.ShapeDtypeStruct((P, 1), _f32),
        jax.ShapeDtypeStruct((G, 1), _f32),
    ],
)



def kernel(x, edge_index, batch, W0, b0, W1, b1, W2, b2, W_eos, b_eos):
    src = edge_index[0].astype(jnp.int32)
    dst = edge_index[1].astype(jnp.int32)
    pad = N + jnp.arange(EP - E, dtype=jnp.int32) % (P - N)
    srcm = jnp.concatenate([src, pad]).reshape(EP // EB, EB)
    dstm = jnp.concatenate([dst, pad]).reshape(EP // EB, EB)

    x_pad = jnp.pad(x, ((0, P - N), (0, 0)))
    batchp = jnp.pad(batch.astype(jnp.int32), (0, P - N),
                     constant_values=G).reshape(P, 1)

    zeros64 = jnp.zeros((ROWS_PER_TILE, H), _f32)
    zeros16 = jnp.zeros((ROWS_PER_TILE, W1W), _f32)
    ones_eb = jnp.ones((EB, W1W), _f32)

    b0r = b0.reshape(1, D)
    b1r = b1.reshape(1, H)
    b2r = b2.reshape(1, 1)
    beosr = b_eos.reshape(1, 1)

    degp = _sc_deg(dstm, ones_eb, zeros16)
    dinv, u0n_lo, u0n_hi = _tc_prep(degp, x_pad, W0)
    acc0 = _sc_prop128(srcm, dstm, u0n_lo, u0n_hi, zeros64)
    u1n = _tc_h0u1(acc0, u0n_lo, u0n_hi, dinv, b0r, W1)
    acc1 = _sc_prop64(srcm, dstm, u1n, zeros64)
    z2n16, pool, counts = _tc_h1(acc1, u1n, dinv, b1r, W2, batchp)
    accz = _sc_prop16(srcm, dstm, z2n16, zeros16)
    y_leafp, y_eosp = _tc_final(accz, z2n16, dinv, b2r, pool, counts,
                                W_eos, beosr)
    return y_leafp[:N, 0], y_eosp[:, 0]

# --- scband reference (transcript-rebuilt; emitter-appended) ---
"""Pipeline reference for scband-leaf-selection-head-49383533969729 (READ-ONLY COPY).

The authoritative reference and input builder live on the scoring server;
editing this copy changes nothing except your own understanding.
"""

import jax, jax.numpy as jnp
import numpy as np

N = 10000   # n_nodes
E = 320000  # n_edges
D = 128     # d_feat == backbone.hidden_dim
H = 64      # hidden_dim
G = 8       # number of graphs in the batch
NEG_SLOPE = 0.01  # torch.nn.LeakyReLU default


def gcn_conv(x, edge_index, W, b):
    # GCNConv with self-loops and symmetric normalization:
    # out = D^{-1/2} (A + I) D^{-1/2} (x @ W) + b
    n = x.shape[0]
    src = edge_index[0]
    dst = edge_index[1]
    loop = jnp.arange(n, dtype=src.dtype)
    src = jnp.concatenate([src, loop])
    dst = jnp.concatenate([dst, loop])
    xW = x @ W
    ones = jnp.ones(dst.shape[0], dtype=x.dtype)
    deg = jax.ops.segment_sum(ones, dst, num_segments=n)
    dinv = jnp.where(deg > 0, 1.0 / jnp.sqrt(deg), 0.0)
    norm = dinv[src] * dinv[dst]
    msg = xW[src] * norm[:, None]
    out = jax.ops.segment_sum(msg, dst, num_segments=n)
    return out + b


def setup_inputs(seed: int = 0) -> dict:
    key = jax.random.key(seed)
    ks = jax.random.split(key, 12)
    x = jax.random.normal(ks[0], (N, D), dtype=jnp.float32)
    edge_index = jax.random.randint(ks[1], (2, E), 0, N)
    batch = jnp.sort(jax.random.randint(ks[2], (N,), 0, G))
    # backbone GCNConv(D -> D)
    W0 = jax.random.normal(ks[3], (D, D), dtype=jnp.float32) * (1.0 / np.sqrt(D))
    b0 = jnp.zeros((D,), dtype=jnp.float32)
    # body GCNConv(D -> H)  (n_layers=2 => one body layer)
    W1 = jax.random.normal(ks[4], (D, H), dtype=jnp.float32) * (1.0 / np.sqrt(D))
    b1 = jnp.zeros((H,), dtype=jnp.float32)
    # leaf head GCNConv(H -> 1)
    W2 = jax.random.normal(ks[5], (H, 1), dtype=jnp.float32) * (1.0 / np.sqrt(H))
    b2 = jnp.zeros((1,), dtype=jnp.float32)
    # eos head Linear(H -> 1)
    W_eos = jax.random.normal(ks[6], (H, 1), dtype=jnp.float32) * (1.0 / np.sqrt(H))
    b_eos = jnp.zeros((1,), dtype=jnp.float32)
    return {"x": x, "edge_index": edge_index, "batch": batch,
            "W0": W0, "b0": b0, "W1": W1, "b1": b1,
            "W2": W2, "b2": b2, "W_eos": W_eos, "b_eos": b_eos}


def reference(x, edge_index, batch, W0, b0, W1, b1, W2, b2, W_eos, b_eos):
    # backbone
    h = gcn_conv(x, edge_index, W0, b0)
    # body: GCNConv -> LeakyReLU -> Dropout(eval: identity)
    h = gcn_conv(h, edge_index, W1, b1)
    h = jnp.where(h > 0, h, NEG_SLOPE * h)
    # leaf head
    y_leaf = gcn_conv(h, edge_index, W2, b2)
    y_leaf = jnp.squeeze(y_leaf, axis=-1)
    # global mean pool over graphs + eos head
    counts = jax.ops.segment_sum(jnp.ones((h.shape[0],), jnp.float32), batch, num_segments=G)
    sums = jax.ops.segment_sum(h, batch, num_segments=G)
    x_pool = sums / jnp.maximum(counts, 1.0)[:, None]
    y_eos = (x_pool @ W_eos + b_eos)[:, 0]
    return (y_leaf, y_eos)

if __name__ == "__main__":
    import jax
    _d = setup_inputs()
    print(jax.jit(kernel)(*tuple(_d.values())))

</pallas_src>

<mosaic_0001>
#map = affine_map<(d0, d1) -> (0, 0)>
#map1 = affine_map<(d0, d1) -> (0, 0, 0)>
module attributes {stable_mosaic.version = 14 : i64} {
  func.func @_prop(%arg0: i32, %arg1: i32, %arg2: memref<2560x128xi32, #tpu.memory_space<hbm>>, %arg3: memref<2560x128xi32, #tpu.memory_space<hbm>>, %arg4: memref<10240x64xf32, #tpu.memory_space<hbm>>, %arg5: memref<640x64xf32, #tpu.memory_space<hbm>>, %arg6: memref<2x10240x64xf32, #tpu.memory_space<hbm>>, %arg7: memref<80x128xi32, #tpu.memory_space<vmem>>, %arg8: memref<80x128xi32, #tpu.memory_space<vmem>>, %arg9: memref<128x64xf32, #tpu.memory_space<vmem>>, %arg10: memref<128x64xf32, #tpu.memory_space<vmem>>, %arg11: memref<128x64xf32, #tpu.memory_space<vmem>>, %arg12: memref<128x64xf32, #tpu.memory_space<vmem>>, %arg13: memref<128x64xf32, #tpu.memory_space<vmem>>, %arg14: memref<128x64xf32, #tpu.memory_space<vmem>>, %arg15: memref<128x64xf32, #tpu.memory_space<vmem>>, %arg16: memref<128x64xf32, #tpu.memory_space<vmem>>, %arg17: memref<10240x64xf32, #tpu.memory_space<vmem_shared>>, %arg18: memref<!tpu.dma_semaphore, #tpu.memory_space<semaphore_mem>>, %arg19: memref<!tpu.dma_semaphore, #tpu.memory_space<semaphore_mem>>, %arg20: memref<!tpu.dma_semaphore, #tpu.memory_space<semaphore_mem>>, %arg21: memref<!tpu.dma_semaphore, #tpu.memory_space<semaphore_mem>>, %arg22: memref<!tpu.dma_semaphore, #tpu.memory_space<semaphore_mem>>, %arg23: memref<!tpu.dma_semaphore, #tpu.memory_space<semaphore_mem>>, %arg24: memref<!tpu.dma_semaphore, #tpu.memory_space<semaphore_mem>>, %arg25: memref<!tpu.dma_semaphore, #tpu.memory_space<semaphore_mem>>, %arg26: memref<!tpu.dma_semaphore, #tpu.memory_space<semaphore_mem>>, %arg27: memref<!tpu.dma_semaphore, #tpu.memory_space<semaphore_mem>>, %arg28: memref<!tpu.dma_semaphore, #tpu.memory_space<semaphore_mem>>, %arg29: memref<!tpu.dma_semaphore, #tpu.memory_space<semaphore_mem>>, %arg30: memref<!tpu.dma_semaphore, #tpu.memory_space<semaphore_mem>>, %arg31: memref<!tpu.dma_semaphore, #tpu.memory_space<semaphore_mem>>, %arg32: memref<!tpu.dma_semaphore, #tpu.memory_space<semaphore_mem>>, %arg33: memref<!tpu.dma_semaphore, #tpu.memory_space<semaphore_mem>>) attributes {dimension_semantics = [#tpu.dimension_semantics<core_parallel>, #tpu.dimension_semantics<subcore_parallel>], iteration_bounds = array<i64: 2, 16>, scalar_prefetch = 0 : i64, scratch_operands = 27 : i64, tpu.core_type = #tpu.core_type<sc_vector_subcore>, window_params = [{transform_indices = #map}, {transform_indices = #map}, {transform_indices = #map}, {transform_indices = #map}, {transform_indices = #map1}]} {
    %mul3A = arith.constant 2 : i32
    %mul3A_0 = arith.muli %arg1, %mul3A : i32
    %add3A = arith.addi %mul3A_0, %arg0 : i32
    %mul3A_1 = arith.constant 80 : i32
    %mul3A_2 = arith.muli %add3A, %mul3A_1 : i32
    "tpu.region"() ({
      %run_scoped3A = tpu.sem_alloc : memref<!tpu.dma_semaphore, #tpu.memory_space<semaphore_mem>>
      %dma_start3A_124 = arith.constant 0 : i32
      %dma_start3A_125 = tpu.memref_slice %arg2[%mul3A_2, %dma_start3A_124] : memref<2560x128xi32, #tpu.memory_space<hbm>> -> memref<80x128xi32, #tpu.memory_space<hbm>>
      %dma_start3A_126 = arith.constant 0 : i32
      %dma_start3A_127 = tpu.memref_slice %arg2[%mul3A_2, %dma_start3A_126] : memref<2560x128xi32, #tpu.memory_space<hbm>> -> memref<80x128xi32, #tpu.memory_space<hbm>>
      tpu.enqueue_dma source(%dma_start3A_127 : memref<80x128xi32, #tpu.memory_space<hbm>>) target(%arg7 : memref<80x128xi32, #tpu.memory_space<vmem>>) target_semaphore(%run_scoped3A : memref<!tpu.dma_semaphore, #tpu.memory_space<semaphore_mem>>)
      %dma_wait3A_128 = arith.constant 0 : i32
      %dma_wait3A_129 = tpu.memref_slice %arg2[%mul3A_2, %dma_wait3A_128] : memref<2560x128xi32, #tpu.memory_space<hbm>> -> memref<80x128xi32, #tpu.memory_space<hbm>>
      %dma_wait3A_130 = arith.constant 0 : i32
      %dma_wait3A_131 = tpu.memref_slice %arg2[%mul3A_2, %dma_wait3A_130] : memref<2560x128xi32, #tpu.memory_space<hbm>> -> memref<80x128xi32, #tpu.memory_space<hbm>>
      tpu.wait_dma2 semaphore(%run_scoped3A : memref<!tpu.dma_semaphore, #tpu.memory_space<semaphore_mem>>) src(%dma_wait3A_131 : memref<80x128xi32, #tpu.memory_space<hbm>>) dst(%arg7 : memref<80x128xi32, #tpu.memory_space<vmem>>)
      tpu.yield
    }) : () -> ()
    %mul3A_3 = arith.constant 80 : i32
    %mul3A_4 = arith.muli %add3A, %mul3A_3 : i32
    "tpu.region"() ({
      %run_scoped3A = tpu.sem_alloc : memref<!tpu.dma_semaphore, #tpu.memory_space<semaphore_mem>>
      %dma_start3A_124 = arith.constant 0 : i32
      %dma_start3A_125 = tpu.memref_slice %arg3[%mul3A_4, %dma_start3A_124] : memref<2560x128xi32, #tpu.memory_space<hbm>> -> memref<80x128xi32, #tpu.memory_space<hbm>>
      %dma_start3A_126 = arith.constant 0 : i32
      %dma_start3A_127 = tpu.memref_slice %arg3[%mul3A_4, %dma_start3A_126] : memref<2560x128xi32, #tpu.memory_space<hbm>> -> memref<80x128xi32, #tpu.memory_space<hbm>>
      tpu.enqueue_dma source(%dma_start3A_127 : memref<80x128xi32, #tpu.memory_space<hbm>>) target(%arg8 : memref<80x128xi32, #tpu.memory_space<vmem>>) target_semaphore(%run_scoped3A : memref<!tpu.dma_semaphore, #tpu.memory_space<semaphore_mem>>)
      %dma_wait3A_128 = arith.constant 0 : i32
      %dma_wait3A_129 = tpu.memref_slice %arg3[%mul3A_4, %dma_wait3A_128] : memref<2560x128xi32, #tpu.memory_space<hbm>> -> memref<80x128xi32, #tpu.memory_space<hbm>>
      %dma_wait3A_130 = arith.constant 0 : i32
      %dma_wait3A_131 = tpu.memref_slice %arg3[%mul3A_4, %dma_wait3A_130] : memref<2560x128xi32, #tpu.memory_space<hbm>> -> memref<80x128xi32, #tpu.memory_space<hbm>>
      tpu.wait_dma2 semaphore(%run_scoped3A : memref<!tpu.dma_semaphore, #tpu.memory_space<semaphore_mem>>) src(%dma_wait3A_131 : memref<80x128xi32, #tpu.memory_space<hbm>>) dst(%arg8 : memref<80x128xi32, #tpu.memory_space<vmem>>)
      tpu.yield
    }) : () -> ()
    %mul3A_5 = arith.constant 640 : i32
    %mul3A_6 = arith.muli %arg1, %mul3A_5 : i32
    "tpu.region"() ({
      %run_scoped3A = tpu.sem_alloc : memref<!tpu.dma_semaphore, #tpu.memory_space<semaphore_mem>>
      %dma_start3A_124 = arith.constant 0 : i32
      %dma_start3A_125 = tpu.memref_slice %arg17[%mul3A_6, %dma_start3A_124] : memref<10240x64xf32, #tpu.memory_space<vmem_shared>> -> memref<640x64xf32, #tpu.memory_space<vmem_shared>>
      tpu.enqueue_dma source(%arg5 : memref<640x64xf32, #tpu.memory_space<hbm>>) target(%dma_start3A_125 : memref<640x64xf32, #tpu.memory_space<vmem_shared>>) target_semaphore(%run_scoped3A : memref<!tpu.dma_semaphore, #tpu.memory_space<semaphore_mem>>)
      %dma_wait3A_126 = arith.constant 0 : i32
      %dma_wait3A_127 = tpu.memref_slice %arg17[%mul3A_6, %dma_wait3A_126] : memref<10240x64xf32, #tpu.memory_space<vmem_shared>> -> memref<640x64xf32, #tpu.memory_space<vmem_shared>>
      tpu.wait_dma2 semaphore(%run_scoped3A : memref<!tpu.dma_semaphore, #tpu.memory_space<semaphore_mem>>) src(%arg5 : memref<640x64xf32, #tpu.memory_space<hbm>>) dst(%dma_wait3A_127 : memref<640x64xf32, #tpu.memory_space<vmem_shared>>)
      tpu.yield
    }) : () -> ()
    %barrier3A = arith.constant 0 : index
    tpu.barrier barrier_id(%barrier3A)
    %dma_start3A = arith.constant 0 : i32
    %dma_start3A_7 = arith.constant 0 : i32
    %dma_start3A_8 = tpu.memref_slice %arg7[%dma_start3A, %dma_start3A_7] : memref<80x128xi32, #tpu.memory_space<vmem>> -> memref<1x128xi32, #tpu.memory_space<vmem>>
    %dma_start3A_9 = tpu.memref_squeeze %dma_start3A_8 : memref<1x128xi32, #tpu.memory_space<vmem>> -> memref<128xi32, #tpu.memory_space<vmem>>
    %dma_start3A_10 = arith.constant 0 : i32
    %dma_start3A_11 = arith.constant 0 : i32
    %dma_start3A_12 = tpu.memref_slice %arg4[%dma_start3A_10, %dma_start3A_11] : memref<10240x64xf32, #tpu.memory_space<hbm>> -> memref<10240x64xf32, #tpu.memory_space<hbm>>
    tpu.enqueue_indirect_dma source(%dma_start3A_12 : memref<10240x64xf32, #tpu.memory_space<hbm>>) target(%arg9 : memref<128x64xf32, #tpu.memory_space<vmem>>) offsets(%dma_start3A_9 : memref<128xi32, #tpu.memory_space<vmem>>) semaphore(%arg18 : memref<!tpu.dma_semaphore, #tpu.memory_space<semaphore_mem>>)
    %dma_start3A_13 = arith.constant 1 : i32
    %dma_start3A_14 = arith.constant 0 : i32
    %dma_start3A_15 = tpu.memref_slice %arg7[%dma_start3A_13, %dma_start3A_14] : memref<80x128xi32, #tpu.memory_space<vmem>> -> memref<1x128xi32, #tpu.memory_space<vmem>>
    %dma_start3A_16 = tpu.memref_squeeze %dma_start3A_15 : memref<1x128xi32, #tpu.memory_space<vmem>> -> memref<128xi32, #tpu.memory_space<vmem>>
    %dma_start3A_17 = arith.constant 0 : i32
    %dma_start3A_18 = arith.constant 0 : i32
    %dma_start3A_19 = tpu.memref_slice %arg4[%dma_start3A_17, %dma_start3A_18] : memref<10240x64xf32, #tpu.memory_space<hbm>> -> memref<10240x64xf32, #tpu.memory_space<hbm>>
    tpu.enqueue_indirect_dma source(%dma_start3A_19 : memref<10240x64xf32, #tpu.memory_space<hbm>>) target(%arg10 : memref<128x64xf32, #tpu.memory_space<vmem>>) offsets(%dma_start3A_16 : memref<128xi32, #tpu.memory_space<vmem>>) semaphore(%arg19 : memref<!tpu.dma_semaphore, #tpu.memory_space<semaphore_mem>>)
    %dma_start3A_20 = arith.constant 2 : i32
    %dma_start3A_21 = arith.constant 0 : i32
    %dma_start3A_22 = tpu.memref_slice %arg7[%dma_start3A_20, %dma_start3A_21] : memref<80x128xi32, #tpu.memory_space<vmem>> -> memref<1x128xi32, #tpu.memory_space<vmem>>
    %dma_start3A_23 = tpu.memref_squeeze %dma_start3A_22 : memref<1x128xi32, #tpu.memory_space<vmem>> -> memref<128xi32, #tpu.memory_space<vmem>>
    %dma_start3A_24 = arith.constant 0 : i32
    %dma_start3A_25 = arith.constant 0 : i32
    %dma_start3A_26 = tpu.memref_slice %arg4[%dma_start3A_24, %dma_start3A_25] : memref<10240x64xf32, #tpu.memory_space<hbm>> -> memref<10240x64xf32, #tpu.memory_space<hbm>>
    tpu.enqueue_indirect_dma source(%dma_start3A_26 : memref<10240x64xf32, #tpu.memory_space<hbm>>) target(%arg11 : memref<128x64xf32, #tpu.memory_space<vmem>>) offsets(%dma_start3A_23 : memref<128xi32, #tpu.memory_space<vmem>>) semaphore(%arg20 : memref<!tpu.dma_semaphore, #tpu.memory_space<semaphore_mem>>)
    %dma_start3A_27 = arith.constant 3 : i32
    %dma_start3A_28 = arith.constant 0 : i32
    %dma_start3A_29 = tpu.memref_slice %arg7[%dma_start3A_27, %dma_start3A_28] : memref<80x128xi32, #tpu.memory_space<vmem>> -> memref<1x128xi32, #tpu.memory_space<vmem>>
    %dma_start3A_30 = tpu.memref_squeeze %dma_start3A_29 : memref<1x128xi32, #tpu.memory_space<vmem>> -> memref<128xi32, #tpu.memory_space<vmem>>
    %dma_start3A_31 = arith.constant 0 : i32
    %dma_start3A_32 = arith.constant 0 : i32
    %dma_start3A_33 = tpu.memref_slice %arg4[%dma_start3A_31, %dma_start3A_32] : memref<10240x64xf32, #tpu.memory_space<hbm>> -> memref<10240x64xf32, #tpu.memory_space<hbm>>
    tpu.enqueue_indirect_dma source(%dma_start3A_33 : memref<10240x64xf32, #tpu.memory_space<hbm>>) target(%arg12 : memref<128x64xf32, #tpu.memory_space<vmem>>) offsets(%dma_start3A_30 : memref<128xi32, #tpu.memory_space<vmem>>) semaphore(%arg21 : memref<!tpu.dma_semaphore, #tpu.memory_space<semaphore_mem>>)
    %dma_start3A_34 = arith.constant 4 : i32
    %dma_start3A_35 = arith.constant 0 : i32
    %dma_start3A_36 = tpu.memref_slice %arg7[%dma_start3A_34, %dma_start3A_35] : memref<80x128xi32, #tpu.memory_space<vmem>> -> memref<1x128xi32, #tpu.memory_space<vmem>>
    %dma_start3A_37 = tpu.memref_squeeze %dma_start3A_36 : memref<1x128xi32, #tpu.memory_space<vmem>> -> memref<128xi32, #tpu.memory_space<vmem>>
    %dma_start3A_38 = arith.constant 0 : i32
    %dma_start3A_39 = arith.constant 0 : i32
    %dma_start3A_40 = tpu.memref_slice %arg4[%dma_start3A_38, %dma_start3A_39] : memref<10240x64xf32, #tpu.memory_space<hbm>> -> memref<10240x64xf32, #tpu.memory_space<hbm>>
    tpu.enqueue_indirect_dma source(%dma_start3A_40 : memref<10240x64xf32, #tpu.memory_space<hbm>>) target(%arg13 : memref<128x64xf32, #tpu.memory_space<vmem>>) offsets(%dma_start3A_37 : memref<128xi32, #tpu.memory_space<vmem>>) semaphore(%arg22 : memref<!tpu.dma_semaphore, #tpu.memory_space<semaphore_mem>>)
    %dma_start3A_41 = arith.constant 5 : i32
    %dma_start3A_42 = arith.constant 0 : i32
    %dma_start3A_43 = tpu.memref_slice %arg7[%dma_start3A_41, %dma_start3A_42] : memref<80x128xi32, #tpu.memory_space<vmem>> -> memref<1x128xi32, #tpu.memory_space<vmem>>
    %dma_start3A_44 = tpu.memref_squeeze %dma_start3A_43 : memref<1x128xi32, #tpu.memory_space<vmem>> -> memref<128xi32, #tpu.memory_space<vmem>>
    %dma_start3A_45 = arith.constant 0 : i32
    %dma_start3A_46 = arith.constant 0 : i32
    %dma_start3A_47 = tpu.memref_slice %arg4[%dma_start3A_45, %dma_start3A_46] : memref<10240x64xf32, #tpu.memory_space<hbm>> -> memref<10240x64xf32, #tpu.memory_space<hbm>>
    tpu.enqueue_indirect_dma source(%dma_start3A_47 : memref<10240x64xf32, #tpu.memory_space<hbm>>) target(%arg14 : memref<128x64xf32, #tpu.memory_space<vmem>>) offsets(%dma_start3A_44 : memref<128xi32, #tpu.memory_space<vmem>>) semaphore(%arg23 : memref<!tpu.dma_semaphore, #tpu.memory_space<semaphore_mem>>)
    %dma_start3A_48 = arith.constant 6 : i32
    %dma_start3A_49 = arith.constant 0 : i32
    %dma_start3A_50 = tpu.memref_slice %arg7[%dma_start3A_48, %dma_start3A_49] : memref<80x128xi32, #tpu.memory_space<vmem>> -> memref<1x128xi32, #tpu.memory_space<vmem>>
    %dma_start3A_51 = tpu.memref_squeeze %dma_start3A_50 : memref<1x128xi32, #tpu.memory_space<vmem>> -> memref<128xi32, #tpu.memory_space<vmem>>
    %dma_start3A_52 = arith.constant 0 : i32
    %dma_start3A_53 = arith.constant 0 : i32
    %dma_start3A_54 = tpu.memref_slice %arg4[%dma_start3A_52, %dma_start3A_53] : memref<10240x64xf32, #tpu.memory_space<hbm>> -> memref<10240x64xf32, #tpu.memory_space<hbm>>
    tpu.enqueue_indirect_dma source(%dma_start3A_54 : memref<10240x64xf32, #tpu.memory_space<hbm>>) target(%arg15 : memref<128x64xf32, #tpu.memory_space<vmem>>) offsets(%dma_start3A_51 : memref<128xi32, #tpu.memory_space<vmem>>) semaphore(%arg24 : memref<!tpu.dma_semaphore, #tpu.memory_space<semaphore_mem>>)
    %dma_start3A_55 = arith.constant 7 : i32
    %dma_start3A_56 = arith.constant 0 : i32
    %dma_start3A_57 = tpu.memref_slice %arg7[%dma_start3A_55, %dma_start3A_56] : memref<80x128xi32, #tpu.memory_space<vmem>> -> memref<1x128xi32, #tpu.memory_space<vmem>>
    %dma_start3A_58 = tpu.memref_squeeze %dma_start3A_57 : memref<1x128xi32, #tpu.memory_space<vmem>> -> memref<128xi32, #tpu.memory_space<vmem>>
    %dma_start3A_59 = arith.constant 0 : i32
    %dma_start3A_60 = arith.constant 0 : i32
    %dma_start3A_61 = tpu.memref_slice %arg4[%dma_start3A_59, %dma_start3A_60] : memref<10240x64xf32, #tpu.memory_space<hbm>> -> memref<10240x64xf32, #tpu.memory_space<hbm>>
    tpu.enqueue_indirect_dma source(%dma_start3A_61 : memref<10240x64xf32, #tpu.memory_space<hbm>>) target(%arg16 : memref<128x64xf32, #tpu.memory_space<vmem>>) offsets(%dma_start3A_58 : memref<128xi32, #tpu.memory_space<vmem>>) semaphore(%arg25 : memref<!tpu.dma_semaphore, #tpu.memory_space<semaphore_mem>>)
    %scan3A = arith.constant 0 : i32
    %scan3A_62 = arith.constant 10 : i32
    %scan3A_63 = arith.addi %scan3A, %scan3A_62 : i32
    %scan3A_64 = arith.constant 1 : i32
    scf.for %scan3A_124 = %scan3A to %scan3A_63 step %scan3A_64  : i32 {
      %mul3A_125 = arith.constant 8 : i32
      %mul3A_126 = arith.muli %scan3A_124, %mul3A_125 : i32
      %add3A_127 = arith.constant 0 : i32
      %add3A_128 = arith.addi %add3A_127, %mul3A_126 : i32
      %add3A_129 = arith.constant 0 : i32
      %add3A_130 = arith.addi %add3A_128, %add3A_129 : i32
      %dma_wait3A_131 = arith.constant 0 : i32
      %dma_wait3A_132 = tpu.memref_slice %arg7[%add3A_130, %dma_wait3A_131] : memref<80x128xi32, #tpu.memory_space<vmem>> -> memref<1x128xi32, #tpu.memory_space<vmem>>
      %dma_wait3A_133 = tpu.memref_squeeze %dma_wait3A_132 : memref<1x128xi32, #tpu.memory_space<vmem>> -> memref<128xi32, #tpu.memory_space<vmem>>
      %dma_wait3A_134 = arith.constant 0 : i32
      %dma_wait3A_135 = arith.constant 0 : i32
      %dma_wait3A_136 = tpu.memref_slice %arg4[%dma_wait3A_134, %dma_wait3A_135] : memref<10240x64xf32, #tpu.memory_space<hbm>> -> memref<10240x64xf32, #tpu.memory_space<hbm>>
      tpu.wait_indirect_dma semaphore(%arg18 : memref<!tpu.dma_semaphore, #tpu.memory_space<semaphore_mem>>) src(%dma_wait3A_136 : memref<10240x64xf32, #tpu.memory_space<hbm>>) dst(%arg9 : memref<128x64xf32, #tpu.memory_space<vmem>>)
      %add3A_137 = arith.constant 0 : i32
      %add3A_138 = arith.addi %add3A_128, %add3A_137 : i32
      %dma_start3A_139 = arith.constant 0 : i32
      %dma_start3A_140 = tpu.memref_slice %arg8[%add3A_138, %dma_start3A_139] : memref<80x128xi32, #tpu.memory_space<vmem>> -> memref<1x128xi32, #tpu.memory_space<vmem>>
      %dma_start3A_141 = tpu.memref_squeeze %dma_start3A_140 : memref<1x128xi32, #tpu.memory_space<vmem>> -> memref<128xi32, #tpu.memory_space<vmem>>
      %dma_start3A_142 = arith.constant 0 : i32
      %dma_start3A_143 = arith.constant 0 : i32
      %dma_start3A_144 = tpu.memref_slice %arg17[%dma_start3A_142, %dma_start3A_143] : memref<10240x64xf32, #tpu.memory_space<vmem_shared>> -> memref<10240x64xf32, #tpu.memory_space<vmem_shared>>
      tpu.enqueue_indirect_dma source(%arg9 : memref<128x64xf32, #tpu.memory_space<vmem>>) target(%dma_start3A_144 : memref<10240x64xf32, #tpu.memory_space<vmem_shared>>) offsets(%dma_start3A_141 : memref<128xi32, #tpu.memory_space<vmem>>) semaphore(%arg26 : memref<!tpu.dma_semaphore, #tpu.memory_space<semaphore_mem>>) {add = true}
      %add3A_145 = arith.constant 1 : i32
      %add3A_146 = arith.addi %add3A_128, %add3A_145 : i32
      %dma_wait3A_147 = arith.constant 0 : i32
      %dma_wait3A_148 = tpu.memref_slice %arg7[%add3A_146, %dma_wait3A_147] : memref<80x128xi32, #tpu.memory_space<vmem>> -> memref<1x128xi32, #tpu.memory_space<vmem>>
      %dma_wait3A_149 = tpu.memref_squeeze %dma_wait3A_148 : memref<1x128xi32, #tpu.memory_space<vmem>> -> memref<128xi32, #tpu.memory_space<vmem>>
      %dma_wait3A_150 = arith.constant 0 : i32
      %dma_wait3A_151 = arith.constant 0 : i32
      %dma_wait3A_152 = tpu.memref_slice %arg4[%dma_wait3A_150, %dma_wait3A_151] : memref<10240x64xf32, #tpu.memory_space<hbm>> -> memref<10240x64xf32, #tpu.memory_space<hbm>>
      tpu.wait_indirect_dma semaphore(%arg19 : memref<!tpu.dma_semaphore, #tpu.memory_space<semaphore_mem>>) src(%dma_wait3A_152 : memref<10240x64xf32, #tpu.memory_space<hbm>>) dst(%arg10 : memref<128x64xf32, #tpu.memory_space<vmem>>)
      %add3A_153 = arith.constant 1 : i32
      %add3A_154 = arith.addi %add3A_128, %add3A_153 : i32
      %dma_start3A_155 = arith.constant 0 : i32
      %dma_start3A_156 = tpu.memref_slice %arg8[%add3A_154, %dma_start3A_155] : memref<80x128xi32, #tpu.memory_space<vmem>> -> memref<1x128xi32, #tpu.memory_space<vmem>>
      %dma_start3A_157 = tpu.memref_squeeze %dma_start3A_156 : memref<1x128xi32, #tpu.memory_space<vmem>> -> memref<128xi32, #tpu.memory_space<vmem>>
      %dma_start3A_158 = arith.constant 0 : i32
      %dma_start3A_159 = arith.constant 0 : i32
      %dma_start3A_160 = tpu.memref_slice %arg17[%dma_start3A_158, %dma_start3A_159] : memref<10240x64xf32, #tpu.memory_space<vmem_shared>> -> memref<10240x64xf32, #tpu.memory_space<vmem_shared>>
      tpu.enqueue_indirect_dma source(%arg10 : memref<128x64xf32, #tpu.memory_space<vmem>>) target(%dma_start3A_160 : memref<10240x64xf32, #tpu.memory_space<vmem_shared>>) offsets(%dma_start3A_157 : memref<128xi32, #tpu.memory_space<vmem>>) semaphore(%arg27 : memref<!tpu.dma_semaphore, #tpu.memory_space<semaphore_mem>>) {add = true}
      %add3A_161 = arith.constant 2 : i32
      %add3A_162 = arith.addi %add3A_128, %add3A_161 : i32
      %dma_wait3A_163 = arith.constant 0 : i32
      %dma_wait3A_164 = tpu.memref_slice %arg7[%add3A_162, %dma_wait3A_163] : memref<80x128xi32, #tpu.memory_space<vmem>> -> memref<1x128xi32, #tpu.memory_space<vmem>>
      %dma_wait3A_165 = tpu.memref_squeeze %dma_wait3A_164 : memref<1x128xi32, #tpu.memory_space<vmem>> -> memref<128xi32, #tpu.memory_space<vmem>>
      %dma_wait3A_166 = arith.constant 0 : i32
      %dma_wait3A_167 = arith.constant 0 : i32
      %dma_wait3A_168 = tpu.memref_slice %arg4[%dma_wait3A_166, %dma_wait3A_167] : memref<10240x64xf32, #tpu.memory_space<hbm>> -> memref<10240x64xf32, #tpu.memory_space<hbm>>
      tpu.wait_indirect_dma semaphore(%arg20 : memref<!tpu.dma_semaphore, #tpu.memory_space<semaphore_mem>>) src(%dma_wait3A_168 : memref<10240x64xf32, #tpu.memory_space<hbm>>) dst(%arg11 : memref<128x64xf32, #tpu.memory_space<vmem>>)
      %add3A_169 = arith.constant 2 : i32
      %add3A_170 = arith.addi %add3A_128, %add3A_169 : i32
      %dma_start3A_171 = arith.constant 0 : i32
      %dma_start3A_172 = tpu.memref_slice %arg8[%add3A_170, %dma_start3A_171] : memref<80x128xi32, #tpu.memory_space<vmem>> -> memref<1x128xi32, #tpu.memory_space<vmem>>
      %dma_start3A_173 = tpu.memref_squeeze %dma_start3A_172 : memref<1x128xi32, #tpu.memory_space<vmem>> -> memref<128xi32, #tpu.memory_space<vmem>>
      %dma_start3A_174 = arith.constant 0 : i32
      %dma_start3A_175 = arith.constant 0 : i32
      %dma_start3A_176 = tpu.memref_slice %arg17[%dma_start3A_174, %dma_start3A_175] : memref<10240x64xf32, #tpu.memory_space<vmem_shared>> -> memref<10240x64xf32, #tpu.memory_space<vmem_shared>>
      tpu.enqueue_indirect_dma source(%arg11 : memref<128x64xf32, #tpu.memory_space<vmem>>) target(%dma_start3A_176 : memref<10240x64xf32, #tpu.memory_space<vmem_shared>>) offsets(%dma_start3A_173 : memref<128xi32, #tpu.memory_space<vmem>>) semaphore(%arg28 : memref<!tpu.dma_semaphore, #tpu.memory_space<semaphore_mem>>) {add = true}
      %add3A_177 = arith.constant 3 : i32
      %add3A_178 = arith.addi %add3A_128, %add3A_177 : i32
      %dma_wait3A_179 = arith.constant 0 : i32
      %dma_wait3A_180 = tpu.memref_slice %arg7[%add3A_178, %dma_wait3A_179] : memref<80x128xi32, #tpu.memory_space<vmem>> -> memref<1x128xi32, #tpu.memory_space<vmem>>
      %dma_wait3A_181 = tpu.memref_squeeze %dma_wait3A_180 : memref<1x128xi32, #tpu.memory_space<vmem>> -> memref<128xi32, #tpu.memory_space<vmem>>
      %dma_wait3A_182 = arith.constant 0 : i32
      %dma_wait3A_183 = arith.constant 0 : i32
      %dma_wait3A_184 = tpu.memref_slice %arg4[%dma_wait3A_182, %dma_wait3A_183] : memref<10240x64xf32, #tpu.memory_space<hbm>> -> memref<10240x64xf32, #tpu.memory_space<hbm>>
      tpu.wait_indirect_dma semaphore(%arg21 : memref<!tpu.dma_semaphore, #tpu.memory_space<semaphore_mem>>) src(%dma_wait3A_184 : memref<10240x64xf32, #tpu.memory_space<hbm>>) dst(%arg12 : memref<128x64xf32, #tpu.memory_space<vmem>>)
      %add3A_185 = arith.constant 3 : i32
      %add3A_186 = arith.addi %add3A_128, %add3A_185 : i32
      %dma_start3A_187 = arith.constant 0 : i32
      %dma_start3A_188 = tpu.memref_slice %arg8[%add3A_186, %dma_start3A_187] : memref<80x128xi32, #tpu.memory_space<vmem>> -> memref<1x128xi32, #tpu.memory_space<vmem>>
      %dma_start3A_189 = tpu.memref_squeeze %dma_start3A_188 : memref<1x128xi32, #tpu.memory_space<vmem>> -> memref<128xi32, #tpu.memory_space<vmem>>
      %dma_start3A_190 = arith.constant 0 : i32
      %dma_start3A_191 = arith.constant 0 : i32
      %dma_start3A_192 = tpu.memref_slice %arg17[%dma_start3A_190, %dma_start3A_191] : memref<10240x64xf32, #tpu.memory_space<vmem_shared>> -> memref<10240x64xf32, #tpu.memory_space<vmem_shared>>
      tpu.enqueue_indirect_dma source(%arg12 : memref<128x64xf32, #tpu.memory_space<vmem>>) target(%dma_start3A_192 : memref<10240x64xf32, #tpu.memory_space<vmem_shared>>) offsets(%dma_start3A_189 : memref<128xi32, #tpu.memory_space<vmem>>) semaphore(%arg29 : memref<!tpu.dma_semaphore, #tpu.memory_space<semaphore_mem>>) {add = true}
      %add3A_193 = arith.constant 4 : i32
      %add3A_194 = arith.addi %add3A_128, %add3A_193 : i32
      %dma_wait3A_195 = arith.constant 0 : i32
      %dma_wait3A_196 = tpu.memref_slice %arg7[%add3A_194, %dma_wait3A_195] : memref<80x128xi32, #tpu.memory_space<vmem>> -> memref<1x128xi32, #tpu.memory_space<vmem>>
      %dma_wait3A_197 = tpu.memref_squeeze %dma_wait3A_196 : memref<1x128xi32, #tpu.memory_space<vmem>> -> memref<128xi32, #tpu.memory_space<vmem>>
      %dma_wait3A_198 = arith.constant 0 : i32
      %dma_wait3A_199 = arith.constant 0 : i32
      %dma_wait3A_200 = tpu.memref_slice %arg4[%dma_wait3A_198, %dma_wait3A_199] : memref<10240x64xf32, #tpu.memory_space<hbm>> -> memref<10240x64xf32, #tpu.memory_space<hbm>>
      tpu.wait_indirect_dma semaphore(%arg22 : memref<!tpu.dma_semaphore, #tpu.memory_space<semaphore_mem>>) src(%dma_wait3A_200 : memref<10240x64xf32, #tpu.memory_space<hbm>>) dst(%arg13 : memref<128x64xf32, #tpu.memory_space<vmem>>)
      %add3A_201 = arith.constant 4 : i32
      %add3A_202 = arith.addi %add3A_128, %add3A_201 : i32
      %dma_start3A_203 = arith.constant 0 : i32
      %dma_start3A_204 = tpu.memref_slice %arg8[%add3A_202, %dma_start3A_203] : memref<80x128xi32, #tpu.memory_space<vmem>> -> memref<1x128xi32, #tpu.memory_space<vmem>>
      %dma_start3A_205 = tpu.memref_squeeze %dma_start3A_204 : memref<1x128xi32, #tpu.memory_space<vmem>> -> memref<128xi32, #tpu.memory_space<vmem>>
      %dma_start3A_206 = arith.constant 0 : i32
      %dma_start3A_207 = arith.constant 0 : i32
      %dma_start3A_208 = tpu.memref_slice %arg17[%dma_start3A_206, %dma_start3A_207] : memref<10240x64xf32, #tpu.memory_space<vmem_shared>> -> memref<10240x64xf32, #tpu.memory_space<vmem_shared>>
      tpu.enqueue_indirect_dma source(%arg13 : memref<128x64xf32, #tpu.memory_space<vmem>>) target(%dma_start3A_208 : memref<10240x64xf32, #tpu.memory_space<vmem_shared>>) offsets(%dma_start3A_205 : memref<128xi32, #tpu.memory_space<vmem>>) semaphore(%arg30 : memref<!tpu.dma_semaphore, #tpu.memory_space<semaphore_mem>>) {add = true}
      %add3A_209 = arith.constant 5 : i32
      %add3A_210 = arith.addi %add3A_128, %add3A_209 : i32
      %dma_wait3A_211 = arith.constant 0 : i32
      %dma_wait3A_212 = tpu.memref_slice %arg7[%add3A_210, %dma_wait3A_211] : memref<80x128xi32, #tpu.memory_space<vmem>> -> memref<1x128xi32, #tpu.memory_space<vmem>>
      %dma_wait3A_213 = tpu.memref_squeeze %dma_wait3A_212 : memref<1x128xi32, #tpu.memory_space<vmem>> -> memref<128xi32, #tpu.memory_space<vmem>>
      %dma_wait3A_214 = arith.constant 0 : i32
      %dma_wait3A_215 = arith.constant 0 : i32
      %dma_wait3A_216 = tpu.memref_slice %arg4[%dma_wait3A_214, %dma_wait3A_215] : memref<10240x64xf32, #tpu.memory_space<hbm>> -> memref<10240x64xf32, #tpu.memory_space<hbm>>
      tpu.wait_indirect_dma semaphore(%arg23 : memref<!tpu.dma_semaphore, #tpu.memory_space<semaphore_mem>>) src(%dma_wait3A_216 : memref<10240x64xf32, #tpu.memory_space<hbm>>) dst(%arg14 : memref<128x64xf32, #tpu.memory_space<vmem>>)
      %add3A_217 = arith.constant 5 : i32
      %add3A_218 = arith.addi %add3A_128, %add3A_217 : i32
      %dma_start3A_219 = arith.constant 0 : i32
      %dma_start3A_220 = tpu.memref_slice %arg8[%add3A_218, %dma_start3A_219] : memref<80x128xi32, #tpu.memory_space<vmem>> -> memref<1x128xi32, #tpu.memory_space<vmem>>
      %dma_start3A_221 = tpu.memref_squeeze %dma_start3A_220 : memref<1x128xi32, #tpu.memory_space<vmem>> -> memref<128xi32, #tpu.memory_space<vmem>>
      %dma_start3A_222 = arith.constant 0 : i32
      %dma_start3A_223 = arith.constant 0 : i32
      %dma_start3A_224 = tpu.memref_slice %arg17[%dma_start3A_222, %dma_start3A_223] : memref<10240x64xf32, #tpu.memory_space<vmem_shared>> -> memref<10240x64xf32, #tpu.memory_space<vmem_shared>>
      tpu.enqueue_indirect_dma source(%arg14 : memref<128x64xf32, #tpu.memory_space<vmem>>) target(%dma_start3A_224 : memref<10240x64xf32, #tpu.memory_space<vmem_shared>>) offsets(%dma_start3A_221 : memref<128xi32, #tpu.memory_space<vmem>>) semaphore(%arg31 : memref<!tpu.dma_semaphore, #tpu.memory_space<semaphore_mem>>) {add = true}
      %add3A_225 = arith.constant 6 : i32
      %add3A_226 = arith.addi %add3A_128, %add3A_225 : i32
      %dma_wait3A_227 = arith.constant 0 : i32
      %dma_wait3A_228 = tpu.memref_slice %arg7[%add3A_226, %dma_wait3A_227] : memref<80x128xi32, #tpu.memory_space<vmem>> -> memref<1x128xi32, #tpu.memory_space<vmem>>
      %dma_wait3A_229 = tpu.memref_squeeze %dma_wait3A_228 : memref<1x128xi32, #tpu.memory_space<vmem>> -> memref<128xi32, #tpu.memory_space<vmem>>
      %dma_wait3A_230 = arith.constant 0 : i32
      %dma_wait3A_231 = arith.constant 0 : i32
      %dma_wait3A_232 = tpu.memref_slice %arg4[%dma_wait3A_230, %dma_wait3A_231] : memref<10240x64xf32, #tpu.memory_space<hbm>> -> memref<10240x64xf32, #tpu.memory_space<hbm>>
      tpu.wait_indirect_dma semaphore(%arg24 : memref<!tpu.dma_semaphore, #tpu.memory_space<semaphore_mem>>) src(%dma_wait3A_232 : memref<10240x64xf32, #tpu.memory_space<hbm>>) dst(%arg15 : memref<128x64xf32, #tpu.memory_space<vmem>>)
      %add3A_233 = arith.constant 6 : i32
      %add3A_234 = arith.addi %add3A_128, %add3A_233 : i32
      %dma_start3A_235 = arith.constant 0 : i32
      %dma_start3A_236 = tpu.memref_slice %arg8[%add3A_234, %dma_start3A_235] : memref<80x128xi32, #tpu.memory_space<vmem>> -> memref<1x128xi32, #tpu.memory_space<vmem>>
      %dma_start3A_237 = tpu.memref_squeeze %dma_start3A_236 : memref<1x128xi32, #tpu.memory_space<vmem>> -> memref<128xi32, #tpu.memory_space<vmem>>
      %dma_start3A_238 = arith.constant 0 : i32
      %dma_start3A_239 = arith.constant 0 : i32
      %dma_start3A_240 = tpu.memref_slice %arg17[%dma_start3A_238, %dma_start3A_239] : memref<10240x64xf32, #tpu.memory_space<vmem_shared>> -> memref<10240x64xf32, #tpu.memory_space<vmem_shared>>
      tpu.enqueue_indirect_dma source(%arg15 : memref<128x64xf32, #tpu.memory_space<vmem>>) target(%dma_start3A_240 : memref<10240x64xf32, #tpu.memory_space<vmem_shared>>) offsets(%dma_start3A_237 : memref<128xi32, #tpu.memory_space<vmem>>) semaphore(%arg32 : memref<!tpu.dma_semaphore, #tpu.memory_space<semaphore_mem>>) {add = true}
      %add3A_241 = arith.constant 7 : i32
      %add3A_242 = arith.addi %add3A_128, %add3A_241 : i32
      %dma_wait3A_243 = arith.constant 0 : i32
      %dma_wait3A_244 = tpu.memref_slice %arg7[%add3A_242, %dma_wait3A_243] : memref<80x128xi32, #tpu.memory_space<vmem>> -> memref<1x128xi32, #tpu.memory_space<vmem>>
      %dma_wait3A_245 = tpu.memref_squeeze %dma_wait3A_244 : memref<1x128xi32, #tpu.memory_space<vmem>> -> memref<128xi32, #tpu.memory_space<vmem>>
      %dma_wait3A_246 = arith.constant 0 : i32
      %dma_wait3A_247 = arith.constant 0 : i32
      %dma_wait3A_248 = tpu.memref_slice %arg4[%dma_wait3A_246, %dma_wait3A_247] : memref<10240x64xf32, #tpu.memory_space<hbm>> -> memref<10240x64xf32, #tpu.memory_space<hbm>>
      tpu.wait_indirect_dma semaphore(%arg25 : memref<!tpu.dma_semaphore, #tpu.memory_space<semaphore_mem>>) src(%dma_wait3A_248 : memref<10240x64xf32, #tpu.memory_space<hbm>>) dst(%arg16 : memref<128x64xf32, #tpu.memory_space<vmem>>)
      %add3A_249 = arith.constant 7 : i32
      %add3A_250 = arith.addi %add3A_128, %add3A_249 : i32
      %dma_start3A_251 = arith.constant 0 : i32
      %dma_start3A_252 = tpu.memref_slice %arg8[%add3A_250, %dma_start3A_251] : memref<80x128xi32, #tpu.memory_space<vmem>> -> memref<1x128xi32, #tpu.memory_space<vmem>>
      %dma_start3A_253 = tpu.memref_squeeze %dma_start3A_252 : memref<1x128xi32, #tpu.memory_space<vmem>> -> memref<128xi32, #tpu.memory_space<vmem>>
      %dma_start3A_254 = arith.constant 0 : i32
      %dma_start3A_255 = arith.constant 0 : i32
      %dma_start3A_256 = tpu.memref_slice %arg17[%dma_start3A_254, %dma_start3A_255] : memref<10240x64xf32, #tpu.memory_space<vmem_shared>> -> memref<10240x64xf32, #tpu.memory_space<vmem_shared>>
      tpu.enqueue_indirect_dma source(%arg16 : memref<128x64xf32, #tpu.memory_space<vmem>>) target(%dma_start3A_256 : memref<10240x64xf32, #tpu.memory_space<vmem_shared>>) offsets(%dma_start3A_253 : memref<128xi32, #tpu.memory_space<vmem>>) semaphore(%arg33 : memref<!tpu.dma_semaphore, #tpu.memory_space<semaphore_mem>>) {add = true}
      %add3A_257 = arith.constant 0 : i32
      %add3A_258 = arith.addi %add3A_128, %add3A_257 : i32
      %add3A_259 = arith.constant 8 : i32
      %add3A_260 = arith.addi %add3A_258, %add3A_259 : i32
      %lt3A = arith.constant 80 : i32
      %lt3A_261 = arith.cmpi slt, %add3A_260, %lt3A : i32
      %convert_element_type3A = arith.extui %lt3A_261 : i1 to i32
      %cond3A = arith.constant 0 : i32
      %cond3A_262 = arith.cmpi ne, %convert_element_type3A, %cond3A : i32
      scf.if %cond3A_262 {
        %dma_wait3A_326 = arith.constant 0 : i32
        %dma_wait3A_327 = tpu.memref_slice %arg8[%add3A_138, %dma_wait3A_326] : memref<80x128xi32, #tpu.memory_space<vmem>> -> memref<1x128xi32, #tpu.memory_space<vmem>>
        %dma_wait3A_328 = tpu.memref_squeeze %dma_wait3A_327 : memref<1x128xi32, #tpu.memory_space<vmem>> -> memref<128xi32, #tpu.memory_space<vmem>>
        %dma_wait3A_329 = arith.constant 0 : i32
        %dma_wait3A_330 = arith.constant 0 : i32
        %dma_wait3A_331 = tpu.memref_slice %arg17[%dma_wait3A_329, %dma_wait3A_330] : memref<10240x64xf32, #tpu.memory_space<vmem_shared>> -> memref<10240x64xf32, #tpu.memory_space<vmem_shared>>
        tpu.wait_indirect_dma semaphore(%arg26 : memref<!tpu.dma_semaphore, #tpu.memory_space<semaphore_mem>>) src(%arg9 : memref<128x64xf32, #tpu.memory_space<vmem>>) dst(%dma_wait3A_331 : memref<10240x64xf32, #tpu.memory_space<vmem_shared>>)
        %add3A_332 = arith.constant 0 : i32
        %add3A_333 = arith.addi %add3A_128, %add3A_332 : i32
        %add3A_334 = arith.constant 8 : i32
        %add3A_335 = arith.addi %add3A_333, %add3A_334 : i32
        %dma_start3A_336 = arith.constant 0 : i32
        %dma_start3A_337 = tpu.memref_slice %arg7[%add3A_335, %dma_start3A_336] : memref<80x128xi32, #tpu.memory_space<vmem>> -> memref<1x128xi32, #tpu.memory_space<vmem>>
        %dma_start3A_338 = tpu.memref_squeeze %dma_start3A_337 : memref<1x128xi32, #tpu.memory_space<vmem>> -> memref<128xi32, #tpu.memory_space<vmem>>
        %dma_start3A_339 = arith.constant 0 : i32
        %dma_start3A_340 = arith.constant 0 : i32
        %dma_start3A_341 = tpu.memref_slice %arg4[%dma_start3A_339, %dma_start3A_340] : memref<10240x64xf32, #tpu.memory_space<hbm>> -> memref<10240x64xf32, #tpu.memory_space<hbm>>
        tpu.enqueue_indirect_dma source(%dma_start3A_341 : memref<10240x64xf32, #tpu.memory_space<hbm>>) target(%arg9 : memref<128x64xf32, #tpu.memory_space<vmem>>) offsets(%dma_start3A_338 : memref<128xi32, #tpu.memory_space<vmem>>) semaphore(%arg18 : memref<!tpu.dma_semaphore, #tpu.memory_space<semaphore_mem>>)
      } else {
      }
      %add3A_263 = arith.constant 1 : i32
      %add3A_264 = arith.addi %add3A_128, %add3A_263 : i32
      %add3A_265 = arith.constant 8 : i32
      %add3A_266 = arith.addi %add3A_264, %add3A_265 : i32
      %lt3A_267 = arith.constant 80 : i32
      %lt3A_268 = arith.cmpi slt, %add3A_266, %lt3A_267 : i32
      %convert_element_type3A_269 = arith.extui %lt3A_268 : i1 to i32
      %cond3A_270 = arith.constant 0 : i32
      %cond3A_271 = arith.cmpi ne, %convert_element_type3A_269, %cond3A_270 : i32
      scf.if %cond3A_271 {
        %dma_wait3A_326 = arith.constant 0 : i32
        %dma_wait3A_327 = tpu.memref_slice %arg8[%add3A_154, %dma_wait3A_326] : memref<80x128xi32, #tpu.memory_space<vmem>> -> memref<1x128xi32, #tpu.memory_space<vmem>>
        %dma_wait3A_328 = tpu.memref_squeeze %dma_wait3A_327 : memref<1x128xi32, #tpu.memory_space<vmem>> -> memref<128xi32, #tpu.memory_space<vmem>>
        %dma_wait3A_329 = arith.constant 0 : i32
        %dma_wait3A_330 = arith.constant 0 : i32
        %dma_wait3A_331 = tpu.memref_slice %arg17[%dma_wait3A_329, %dma_wait3A_330] : memref<10240x64xf32, #tpu.memory_space<vmem_shared>> -> memref<10240x64xf32, #tpu.memory_space<vmem_shared>>
        tpu.wait_indirect_dma semaphore(%arg27 : memref<!tpu.dma_semaphore, #tpu.memory_space<semaphore_mem>>) src(%arg10 : memref<128x64xf32, #tpu.memory_space<vmem>>) dst(%dma_wait3A_331 : memref<10240x64xf32, #tpu.memory_space<vmem_shared>>)
        %add3A_332 = arith.constant 1 : i32
        %add3A_333 = arith.addi %add3A_128, %add3A_332 : i32
        %add3A_334 = arith.constant 8 : i32
        %add3A_335 = arith.addi %add3A_333, %add3A_334 : i32
        %dma_start3A_336 = arith.constant 0 : i32
        %dma_start3A_337 = tpu.memref_slice %arg7[%add3A_335, %dma_start3A_336] : memref<80x128xi32, #tpu.memory_space<vmem>> -> memref<1x128xi32, #tpu.memory_space<vmem>>
        %dma_start3A_338 = tpu.memref_squeeze %dma_start3A_337 : memref<1x128xi32, #tpu.memory_space<vmem>> -> memref<128xi32, #tpu.memory_space<vmem>>
        %dma_start3A_339 = arith.constant 0 : i32
        %dma_start3A_340 = arith.constant 0 : i32
        %dma_start3A_341 = tpu.memref_slice %arg4[%dma_start3A_339, %dma_start3A_340] : memref<10240x64xf32, #tpu.memory_space<hbm>> -> memref<10240x64xf32, #tpu.memory_space<hbm>>
        tpu.enqueue_indirect_dma source(%dma_start3A_341 : memref<10240x64xf32, #tpu.memory_space<hbm>>) target(%arg10 : memref<128x64xf32, #tpu.memory_space<vmem>>) offsets(%dma_start3A_338 : memref<128xi32, #tpu.memory_space<vmem>>) semaphore(%arg19 : memref<!tpu.dma_semaphore, #tpu.memory_space<semaphore_mem>>)
      } else {
      }
      %add3A_272 = arith.constant 2 : i32
      %add3A_273 = arith.addi %add3A_128, %add3A_272 : i32
      %add3A_274 = arith.constant 8 : i32
      %add3A_275 = arith.addi %add3A_273, %add3A_274 : i32
      %lt3A_276 = arith.constant 80 : i32
      %lt3A_277 = arith.cmpi slt, %add3A_275, %lt3A_276 : i32
      %convert_element_type3A_278 = arith.extui %lt3A_277 : i1 to i32
      %cond3A_279 = arith.constant 0 : i32
      %cond3A_280 = arith.cmpi ne, %convert_element_type3A_278, %cond3A_279 : i32
      scf.if %cond3A_280 {
        %dma_wait3A_326 = arith.constant 0 : i32
        %dma_wait3A_327 = tpu.memref_slice %arg8[%add3A_170, %dma_wait3A_326] : memref<80x128xi32, #tpu.memory_space<vmem>> -> memref<1x128xi32, #tpu.memory_space<vmem>>
        %dma_wait3A_328 = tpu.memref_squeeze %dma_wait3A_327 : memref<1x128xi32, #tpu.memory_space<vmem>> -> memref<128xi32, #tpu.memory_space<vmem>>
        %dma_wait3A_329 = arith.constant 0 : i32
        %dma_wait3A_330 = arith.constant 0 : i32
        %dma_wait3A_331 = tpu.memref_slice %arg17[%dma_wait3A_329, %dma_wait3A_330] : memref<10240x64xf32, #tpu.memory_space<vmem_shared>> -> memref<10240x64xf32, #tpu.memory_space<vmem_shared>>
        tpu.wait_indirect_dma semaphore(%arg28 : memref<!tpu.dma_semaphore, #tpu.memory_space<semaphore_mem>>) src(%arg11 : memref<128x64xf32, #tpu.memory_space<vmem>>) dst(%dma_wait3A_331 : memref<10240x64xf32, #tpu.memory_space<vmem_shared>>)
        %add3A_332 = arith.constant 2 : i32
        %add3A_333 = arith.addi %add3A_128, %add3A_332 : i32
        %add3A_334 = arith.constant 8 : i32
        %add3A_335 = arith.addi %add3A_333, %add3A_334 : i32
        %dma_start3A_336 = arith.constant 0 : i32
        %dma_start3A_337 = tpu.memref_slice %arg7[%add3A_335, %dma_start3A_336] : memref<80x128xi32, #tpu.memory_space<vmem>> -> memref<1x128xi32, #tpu.memory_space<vmem>>
        %dma_start3A_338 = tpu.memref_squeeze %dma_start3A_337 : memref<1x128xi32, #tpu.memory_space<vmem>> -> memref<128xi32, #tpu.memory_space<vmem>>
        %dma_start3A_339 = arith.constant 0 : i32
        %dma_start3A_340 = arith.constant 0 : i32
        %dma_start3A_341 = tpu.memref_slice %arg4[%dma_start3A_339, %dma_start3A_340] : memref<10240x64xf32, #tpu.memory_space<hbm>> -> memref<10240x64xf32, #tpu.memory_space<hbm>>
        tpu.enqueue_indirect_dma source(%dma_start3A_341 : memref<10240x64xf32, #tpu.memory_space<hbm>>) target(%arg11 : memref<128x64xf32, #tpu.memory_space<vmem>>) offsets(%dma_start3A_338 : memref<128xi32, #tpu.memory_space<vmem>>) semaphore(%arg20 : memref<!tpu.dma_semaphore, #tpu.memory_space<semaphore_mem>>)
      } else {
      }
      %add3A_281 = arith.constant 3 : i32
      %add3A_282 = arith.addi %add3A_128, %add3A_281 : i32
      %add3A_283 = arith.constant 8 : i32
      %add3A_284 = arith.addi %add3A_282, %add3A_283 : i32
      %lt3A_285 = arith.constant 80 : i32
      %lt3A_286 = arith.cmpi slt, %add3A_284, %lt3A_285 : i32
      %convert_element_type3A_287 = arith.extui %lt3A_286 : i1 to i32
      %cond3A_288 = arith.constant 0 : i32
      %cond3A_289 = arith.cmpi ne, %convert_element_type3A_287, %cond3A_288 : i32
      scf.if %cond3A_289 {
        %dma_wait3A_326 = arith.constant 0 : i32
        %dma_wait3A_327 = tpu.memref_slice %arg8[%add3A_186, %dma_wait3A_326] : memref<80x128xi32, #tpu.memory_space<vmem>> -> memref<1x128xi32, #tpu.memory_space<vmem>>
        %dma_wait3A_328 = tpu.memref_squeeze %dma_wait3A_327 : memref<1x128xi32, #tpu.memory_space<vmem>> -> memref<128xi32, #tpu.memory_space<vmem>>
        %dma_wait3A_329 = arith.constant 0 : i32
        %dma_wait3A_330 = arith.constant 0 : i32
        %dma_wait3A_331 = tpu.memref_slice %arg17[%dma_wait3A_329, %dma_wait3A_330] : memref<10240x64xf32, #tpu.memory_space<vmem_shared>> -> memref<10240x64xf32, #tpu.memory_space<vmem_shared>>
        tpu.wait_indirect_dma semaphore(%arg29 : memref<!tpu.dma_semaphore, #tpu.memory_space<semaphore_mem>>) src(%arg12 : memref<128x64xf32, #tpu.memory_space<vmem>>) dst(%dma_wait3A_331 : memref<10240x64xf32, #tpu.memory_space<vmem_shared>>)
        %add3A_332 = arith.constant 3 : i32
        %add3A_333 = arith.addi %add3A_128, %add3A_332 : i32
        %add3A_334 = arith.constant 8 : i32
        %add3A_335 = arith.addi %add3A_333, %add3A_334 : i32
        %dma_start3A_336 = arith.constant 0 : i32
        %dma_start3A_337 = tpu.memref_slice %arg7[%add3A_335, %dma_start3A_336] : memref<80x128xi32, #tpu.memory_space<vmem>> -> memref<1x128xi32, #tpu.memory_space<vmem>>
        %dma_start3A_338 = tpu.memref_squeeze %dma_start3A_337 : memref<1x128xi32, #tpu.memory_space<vmem>> -> memref<128xi32, #tpu.memory_space<vmem>>
        %dma_start3A_339 = arith.constant 0 : i32
        %dma_start3A_340 = arith.constant 0 : i32
        %dma_start3A_341 = tpu.memref_slice %arg4[%dma_start3A_339, %dma_start3A_340] : memref<10240x64xf32, #tpu.memory_space<hbm>> -> memref<10240x64xf32, #tpu.memory_space<hbm>>
        tpu.enqueue_indirect_dma source(%dma_start3A_341 : memref<10240x64xf32, #tpu.memory_space<hbm>>) target(%arg12 : memref<128x64xf32, #tpu.memory_space<vmem>>) offsets(%dma_start3A_338 : memref<128xi32, #tpu.memory_space<vmem>>) semaphore(%arg21 : memref<!tpu.dma_semaphore, #tpu.memory_space<semaphore_mem>>)
      } else {
      }
      %add3A_290 = arith.constant 4 : i32
      %add3A_291 = arith.addi %add3A_128, %add3A_290 : i32
      %add3A_292 = arith.constant 8 : i32
      %add3A_293 = arith.addi %add3A_291, %add3A_292 : i32
      %lt3A_294 = arith.constant 80 : i32
      %lt3A_295 = arith.cmpi slt, %add3A_293, %lt3A_294 : i32
      %convert_element_type3A_296 = arith.extui %lt3A_295 : i1 to i32
      %cond3A_297 = arith.constant 0 : i32
      %cond3A_298 = arith.cmpi ne, %convert_element_type3A_296, %cond3A_297 : i32
      scf.if %cond3A_298 {
        %dma_wait3A_326 = arith.constant 0 : i32
        %dma_wait3A_327 = tpu.memref_slice %arg8[%add3A_202, %dma_wait3A_326] : memref<80x128xi32, #tpu.memory_space<vmem>> -> memref<1x128xi32, #tpu.memory_space<vmem>>
        %dma_wait3A_328 = tpu.memref_squeeze %dma_wait3A_327 : memref<1x128xi32, #tpu.memory_space<vmem>> -> memref<128xi32, #tpu.memory_space<vmem>>
        %dma_wait3A_329 = arith.constant 0 : i32
        %dma_wait3A_330 = arith.constant 0 : i32
        %dma_wait3A_331 = tpu.memref_slice %arg17[%dma_wait3A_329, %dma_wait3A_330] : memref<10240x64xf32, #tpu.memory_space<vmem_shared>> -> memref<10240x64xf32, #tpu.memory_space<vmem_shared>>
        tpu.wait_indirect_dma semaphore(%arg30 : memref<!tpu.dma_semaphore, #tpu.memory_space<semaphore_mem>>) src(%arg13 : memref<128x64xf32, #tpu.memory_space<vmem>>) dst(%dma_wait3A_331 : memref<10240x64xf32, #tpu.memory_space<vmem_shared>>)
        %add3A_332 = arith.constant 4 : i32
        %add3A_333 = arith.addi %add3A_128, %add3A_332 : i32
        %add3A_334 = arith.constant 8 : i32
        %add3A_335 = arith.addi %add3A_333, %add3A_334 : i32
        %dma_start3A_336 = arith.constant 0 : i32
        %dma_start3A_337 = tpu.memref_slice %arg7[%add3A_335, %dma_start3A_336] : memref<80x128xi32, #tpu.memory_space<vmem>> -> memref<1x128xi32, #tpu.memory_space<vmem>>
        %dma_start3A_338 = tpu.memref_squeeze %dma_start3A_337 : memref<1x128xi32, #tpu.memory_space<vmem>> -> memref<128xi32, #tpu.memory_space<vmem>>
        %dma_start3A_339 = arith.constant 0 : i32
        %dma_start3A_340 = arith.constant 0 : i32
        %dma_start3A_341 = tpu.memref_slice %arg4[%dma_start3A_339, %dma_start3A_340] : memref<10240x64xf32, #tpu.memory_space<hbm>> -> memref<10240x64xf32, #tpu.memory_space<hbm>>
        tpu.enqueue_indirect_dma source(%dma_start3A_341 : memref<10240x64xf32, #tpu.memory_space<hbm>>) target(%arg13 : memref<128x64xf32, #tpu.memory_space<vmem>>) offsets(%dma_start3A_338 : memref<128xi32, #tpu.memory_space<vmem>>) semaphore(%arg22 : memref<!tpu.dma_semaphore, #tpu.memory_space<semaphore_mem>>)
      } else {
      }
      %add3A_299 = arith.constant 5 : i32
      %add3A_300 = arith.addi %add3A_128, %add3A_299 : i32
      %add3A_301 = arith.constant 8 : i32
      %add3A_302 = arith.addi %add3A_300, %add3A_301 : i32
      %lt3A_303 = arith.constant 80 : i32
      %lt3A_304 = arith.cmpi slt, %add3A_302, %lt3A_303 : i32
      %convert_element_type3A_305 = arith.extui %lt3A_304 : i1 to i32
      %cond3A_306 = arith.constant 0 : i32
      %cond3A_307 = arith.cmpi ne, %convert_element_type3A_305, %cond3A_306 : i32
      scf.if %cond3A_307 {
        %dma_wait3A_326 = arith.constant 0 : i32
        %dma_wait3A_327 = tpu.memref_slice %arg8[%add3A_218, %dma_wait3A_326] : memref<80x128xi32, #tpu.memory_space<vmem>> -> memref<1x128xi32, #tpu.memory_space<vmem>>
        %dma_wait3A_328 = tpu.memref_squeeze %dma_wait3A_327 : memref<1x128xi32, #tpu.memory_space<vmem>> -> memref<128xi32, #tpu.memory_space<vmem>>
        %dma_wait3A_329 = arith.constant 0 : i32
        %dma_wait3A_330 = arith.constant 0 : i32
        %dma_wait3A_331 = tpu.memref_slice %arg17[%dma_wait3A_329, %dma_wait3A_330] : memref<10240x64xf32, #tpu.memory_space<vmem_shared>> -> memref<10240x64xf32, #tpu.memory_space<vmem_shared>>
        tpu.wait_indirect_dma semaphore(%arg31 : memref<!tpu.dma_semaphore, #tpu.memory_space<semaphore_mem>>) src(%arg14 : memref<128x64xf32, #tpu.memory_space<vmem>>) dst(%dma_wait3A_331 : memref<10240x64xf32, #tpu.memory_space<vmem_shared>>)
        %add3A_332 = arith.constant 5 : i32
        %add3A_333 = arith.addi %add3A_128, %add3A_332 : i32
        %add3A_334 = arith.constant 8 : i32
        %add3A_335 = arith.addi %add3A_333, %add3A_334 : i32
        %dma_start3A_336 = arith.constant 0 : i32
        %dma_start3A_337 = tpu.memref_slice %arg7[%add3A_335, %dma_start3A_336] : memref<80x128xi32, #tpu.memory_space<vmem>> -> memref<1x128xi32, #tpu.memory_space<vmem>>
        %dma_start3A_338 = tpu.memref_squeeze %dma_start3A_337 : memref<1x128xi32, #tpu.memory_space<vmem>> -> memref<128xi32, #tpu.memory_space<vmem>>
        %dma_start3A_339 = arith.constant 0 : i32
        %dma_start3A_340 = arith.constant 0 : i32
        %dma_start3A_341 = tpu.memref_slice %arg4[%dma_start3A_339, %dma_start3A_340] : memref<10240x64xf32, #tpu.memory_space<hbm>> -> memref<10240x64xf32, #tpu.memory_space<hbm>>
        tpu.enqueue_indirect_dma source(%dma_start3A_341 : memref<10240x64xf32, #tpu.memory_space<hbm>>) target(%arg14 : memref<128x64xf32, #tpu.memory_space<vmem>>) offsets(%dma_start3A_338 : memref<128xi32, #tpu.memory_space<vmem>>) semaphore(%arg23 : memref<!tpu.dma_semaphore, #tpu.memory_space<semaphore_mem>>)
      } else {
      }
      %add3A_308 = arith.constant 6 : i32
      %add3A_309 = arith.addi %add3A_128, %add3A_308 : i32
      %add3A_310 = arith.constant 8 : i32
      %add3A_311 = arith.addi %add3A_309, %add3A_310 : i32
      %lt3A_312 = arith.constant 80 : i32
      %lt3A_313 = arith.cmpi slt, %add3A_311, %lt3A_312 : i32
      %convert_element_type3A_314 = arith.extui %lt3A_313 : i1 to i32
      %cond3A_315 = arith.constant 0 : i32
      %cond3A_316 = arith.cmpi ne, %convert_element_type3A_314, %cond3A_315 : i32
      scf.if %cond3A_316 {
        %dma_wait3A_326 = arith.constant 0 : i32
        %dma_wait3A_327 = tpu.memref_slice %arg8[%add3A_234, %dma_wait3A_326] : memref<80x128xi32, #tpu.memory_space<vmem>> -> memref<1x128xi32, #tpu.memory_space<vmem>>
        %dma_wait3A_328 = tpu.memref_squeeze %dma_wait3A_327 : memref<1x128xi32, #tpu.memory_space<vmem>> -> memref<128xi32, #tpu.memory_space<vmem>>
        %dma_wait3A_329 = arith.constant 0 : i32
        %dma_wait3A_330 = arith.constant 0 : i32
        %dma_wait3A_331 = tpu.memref_slice %arg17[%dma_wait3A_329, %dma_wait3A_330] : memref<10240x64xf32, #tpu.memory_space<vmem_shared>> -> memref<10240x64xf32, #tpu.memory_space<vmem_shared>>
        tpu.wait_indirect_dma semaphore(%arg32 : memref<!tpu.dma_semaphore, #tpu.memory_space<semaphore_mem>>) src(%arg15 : memref<128x64xf32, #tpu.memory_space<vmem>>) dst(%dma_wait3A_331 : memref<10240x64xf32, #tpu.memory_space<vmem_shared>>)
        %add3A_332 = arith.constant 6 : i32
        %add3A_333 = arith.addi %add3A_128, %add3A_332 : i32
        %add3A_334 = arith.constant 8 : i32
        %add3A_335 = arith.addi %add3A_333, %add3A_334 : i32
        %dma_start3A_336 = arith.constant 0 : i32
        %dma_start3A_337 = tpu.memref_slice %arg7[%add3A_335, %dma_start3A_336] : memref<80x128xi32, #tpu.memory_space<vmem>> -> memref<1x128xi32, #tpu.memory_space<vmem>>
        %dma_start3A_338 = tpu.memref_squeeze %dma_start3A_337 : memref<1x128xi32, #tpu.memory_space<vmem>> -> memref<128xi32, #tpu.memory_space<vmem>>
        %dma_start3A_339 = arith.constant 0 : i32
        %dma_start3A_340 = arith.constant 0 : i32
        %dma_start3A_341 = tpu.memref_slice %arg4[%dma_start3A_339, %dma_start3A_340] : memref<10240x64xf32, #tpu.memory_space<hbm>> -> memref<10240x64xf32, #tpu.memory_space<hbm>>
        tpu.enqueue_indirect_dma source(%dma_start3A_341 : memref<10240x64xf32, #tpu.memory_space<hbm>>) target(%arg15 : memref<128x64xf32, #tpu.memory_space<vmem>>) offsets(%dma_start3A_338 : memref<128xi32, #tpu.memory_space<vmem>>) semaphore(%arg24 : memref<!tpu.dma_semaphore, #tpu.memory_space<semaphore_mem>>)
      } else {
      }
      %add3A_317 = arith.constant 7 : i32
      %add3A_318 = arith.addi %add3A_128, %add3A_317 : i32
      %add3A_319 = arith.constant 8 : i32
      %add3A_320 = arith.addi %add3A_318, %add3A_319 : i32
      %lt3A_321 = arith.constant 80 : i32
      %lt3A_322 = arith.cmpi slt, %add3A_320, %lt3A_321 : i32
      %convert_element_type3A_323 = arith.extui %lt3A_322 : i1 to i32
      %cond3A_324 = arith.constant 0 : i32
      %cond3A_325 = arith.cmpi ne, %convert_element_type3A_323, %cond3A_324 : i32
      scf.if %cond3A_325 {
        %dma_wait3A_326 = arith.constant 0 : i32
        %dma_wait3A_327 = tpu.memref_slice %arg8[%add3A_250, %dma_wait3A_326] : memref<80x128xi32, #tpu.memory_space<vmem>> -> memref<1x128xi32, #tpu.memory_space<vmem>>
        %dma_wait3A_328 = tpu.memref_squeeze %dma_wait3A_327 : memref<1x128xi32, #tpu.memory_space<vmem>> -> memref<128xi32, #tpu.memory_space<vmem>>
        %dma_wait3A_329 = arith.constant 0 : i32
        %dma_wait3A_330 = arith.constant 0 : i32
        %dma_wait3A_331 = tpu.memref_slice %arg17[%dma_wait3A_329, %dma_wait3A_330] : memref<10240x64xf32, #tpu.memory_space<vmem_shared>> -> memref<10240x64xf32, #tpu.memory_space<vmem_shared>>
        tpu.wait_indirect_dma semaphore(%arg33 : memref<!tpu.dma_semaphore, #tpu.memory_space<semaphore_mem>>) src(%arg16 : memref<128x64xf32, #tpu.memory_space<vmem>>) dst(%dma_wait3A_331 : memref<10240x64xf32, #tpu.memory_space<vmem_shared>>)
        %add3A_332 = arith.constant 7 : i32
        %add3A_333 = arith.addi %add3A_128, %add3A_332 : i32
        %add3A_334 = arith.constant 8 : i32
        %add3A_335 = arith.addi %add3A_333, %add3A_334 : i32
        %dma_start3A_336 = arith.constant 0 : i32
        %dma_start3A_337 = tpu.memref_slice %arg7[%add3A_335, %dma_start3A_336] : memref<80x128xi32, #tpu.memory_space<vmem>> -> memref<1x128xi32, #tpu.memory_space<vmem>>
        %dma_start3A_338 = tpu.memref_squeeze %dma_start3A_337 : memref<1x128xi32, #tpu.memory_space<vmem>> -> memref<128xi32, #tpu.memory_space<vmem>>
        %dma_start3A_339 = arith.constant 0 : i32
        %dma_start3A_340 = arith.constant 0 : i32
        %dma_start3A_341 = tpu.memref_slice %arg4[%dma_start3A_339, %dma_start3A_340] : memref<10240x64xf32, #tpu.memory_space<hbm>> -> memref<10240x64xf32, #tpu.memory_space<hbm>>
        tpu.enqueue_indirect_dma source(%dma_start3A_341 : memref<10240x64xf32, #tpu.memory_space<hbm>>) target(%arg16 : memref<128x64xf32, #tpu.memory_space<vmem>>) offsets(%dma_start3A_338 : memref<128xi32, #tpu.memory_space<vmem>>) semaphore(%arg25 : memref<!tpu.dma_semaphore, #tpu.memory_space<semaphore_mem>>)
      } else {
      }
    }
    %scan3A_65 = arith.constant 10 : i32
    %dma_wait3A = arith.constant 72 : i32
    %dma_wait3A_66 = arith.constant 0 : i32
    %dma_wait3A_67 = tpu.memref_slice %arg8[%dma_wait3A, %dma_wait3A_66] : memref<80x128xi32, #tpu.memory_space<vmem>> -> memref<1x128xi32, #tpu.memory_space<vmem>>
    %dma_wait3A_68 = tpu.memref_squeeze %dma_wait3A_67 : memref<1x128xi32, #tpu.memory_space<vmem>> -> memref<128xi32, #tpu.memory_space<vmem>>
    %dma_wait3A_69 = arith.constant 0 : i32
    %dma_wait3A_70 = arith.constant 0 : i32
    %dma_wait3A_71 = tpu.memref_slice %arg17[%dma_wait3A_69, %dma_wait3A_70] : memref<10240x64xf32, #tpu.memory_space<vmem_shared>> -> memref<10240x64xf32, #tpu.memory_space<vmem_shared>>
    tpu.wait_indirect_dma semaphore(%arg26 : memref<!tpu.dma_semaphore, #tpu.memory_space<semaphore_mem>>) src(%arg9 : memref<128x64xf32, #tpu.memory_space<vmem>>) dst(%dma_wait3A_71 : memref<10240x64xf32, #tpu.memory_space<vmem_shared>>)
    %dma_wait3A_72 = arith.constant 73 : i32
    %dma_wait3A_73 = arith.constant 0 : i32
    %dma_wait3A_74 = tpu.memref_slice %arg8[%dma_wait3A_72, %dma_wait3A_73] : memref<80x128xi32, #tpu.memory_space<vmem>> -> memref<1x128xi32, #tpu.memory_space<vmem>>
    %dma_wait3A_75 = tpu.memref_squeeze %dma_wait3A_74 : memref<1x128xi32, #tpu.memory_space<vmem>> -> memref<128xi32, #tpu.memory_space<vmem>>
    %dma_wait3A_76 = arith.constant 0 : i32
    %dma_wait3A_77 = arith.constant 0 : i32
    %dma_wait3A_78 = tpu.memref_slice %arg17[%dma_wait3A_76, %dma_wait3A_77] : memref<10240x64xf32, #tpu.memory_space<vmem_shared>> -> memref<10240x64xf32, #tpu.memory_space<vmem_shared>>
    tpu.wait_indirect_dma semaphore(%arg27 : memref<!tpu.dma_semaphore, #tpu.memory_space<semaphore_mem>>) src(%arg10 : memref<128x64xf32, #tpu.memory_space<vmem>>) dst(%dma_wait3A_78 : memref<10240x64xf32, #tpu.memory_space<vmem_shared>>)
    %dma_wait3A_79 = arith.constant 74 : i32
    %dma_wait3A_80 = arith.constant 0 : i32
    %dma_wait3A_81 = tpu.memref_slice %arg8[%dma_wait3A_79, %dma_wait3A_80] : memref<80x128xi32, #tpu.memory_space<vmem>> -> memref<1x128xi32, #tpu.memory_space<vmem>>
    %dma_wait3A_82 = tpu.memref_squeeze %dma_wait3A_81 : memref<1x128xi32, #tpu.memory_space<vmem>> -> memref<128xi32, #tpu.memory_space<vmem>>
    %dma_wait3A_83 = arith.constant 0 : i32
    %dma_wait3A_84 = arith.constant 0 : i32
    %dma_wait3A_85 = tpu.memref_slice %arg17[%dma_wait3A_83, %dma_wait3A_84] : memref<10240x64xf32, #tpu.memory_space<vmem_shared>> -> memref<10240x64xf32, #tpu.memory_space<vmem_shared>>
    tpu.wait_indirect_dma semaphore(%arg28 : memref<!tpu.dma_semaphore, #tpu.memory_space<semaphore_mem>>) src(%arg11 : memref<128x64xf32, #tpu.memory_space<vmem>>) dst(%dma_wait3A_85 : memref<10240x64xf32, #tpu.memory_space<vmem_shared>>)
    %dma_wait3A_86 = arith.constant 75 : i32
    %dma_wait3A_87 = arith.constant 0 : i32
    %dma_wait3A_88 = tpu.memref_slice %arg8[%dma_wait3A_86, %dma_wait3A_87] : memref<80x128xi32, #tpu.memory_space<vmem>> -> memref<1x128xi32, #tpu.memory_space<vmem>>
    %dma_wait3A_89 = tpu.memref_squeeze %dma_wait3A_88 : memref<1x128xi32, #tpu.memory_space<vmem>> -> memref<128xi32, #tpu.memory_space<vmem>>
    %dma_wait3A_90 = arith.constant 0 : i32
    %dma_wait3A_91 = arith.constant 0 : i32
    %dma_wait3A_92 = tpu.memref_slice %arg17[%dma_wait3A_90, %dma_wait3A_91] : memref<10240x64xf32, #tpu.memory_space<vmem_shared>> -> memref<10240x64xf32, #tpu.memory_space<vmem_shared>>
    tpu.wait_indirect_dma semaphore(%arg29 : memref<!tpu.dma_semaphore, #tpu.memory_space<semaphore_mem>>) src(%arg12 : memref<128x64xf32, #tpu.memory_space<vmem>>) dst(%dma_wait3A_92 : memref<10240x64xf32, #tpu.memory_space<vmem_shared>>)
    %dma_wait3A_93 = arith.constant 76 : i32
    %dma_wait3A_94 = arith.constant 0 : i32
    %dma_wait3A_95 = tpu.memref_slice %arg8[%dma_wait3A_93, %dma_wait3A_94] : memref<80x128xi32, #tpu.memory_space<vmem>> -> memref<1x128xi32, #tpu.memory_space<vmem>>
    %dma_wait3A_96 = tpu.memref_squeeze %dma_wait3A_95 : memref<1x128xi32, #tpu.memory_space<vmem>> -> memref<128xi32, #tpu.memory_space<vmem>>
    %dma_wait3A_97 = arith.constant 0 : i32
    %dma_wait3A_98 = arith.constant 0 : i32
    %dma_wait3A_99 = tpu.memref_slice %arg17[%dma_wait3A_97, %dma_wait3A_98] : memref<10240x64xf32, #tpu.memory_space<vmem_shared>> -> memref<10240x64xf32, #tpu.memory_space<vmem_shared>>
    tpu.wait_indirect_dma semaphore(%arg30 : memref<!tpu.dma_semaphore, #tpu.memory_space<semaphore_mem>>) src(%arg13 : memref<128x64xf32, #tpu.memory_space<vmem>>) dst(%dma_wait3A_99 : memref<10240x64xf32, #tpu.memory_space<vmem_shared>>)
    %dma_wait3A_100 = arith.constant 77 : i32
    %dma_wait3A_101 = arith.constant 0 : i32
    %dma_wait3A_102 = tpu.memref_slice %arg8[%dma_wait3A_100, %dma_wait3A_101] : memref<80x128xi32, #tpu.memory_space<vmem>> -> memref<1x128xi32, #tpu.memory_space<vmem>>
    %dma_wait3A_103 = tpu.memref_squeeze %dma_wait3A_102 : memref<1x128xi32, #tpu.memory_space<vmem>> -> memref<128xi32, #tpu.memory_space<vmem>>
    %dma_wait3A_104 = arith.constant 0 : i32
    %dma_wait3A_105 = arith.constant 0 : i32
    %dma_wait3A_106 = tpu.memref_slice %arg17[%dma_wait3A_104, %dma_wait3A_105] : memref<10240x64xf32, #tpu.memory_space<vmem_shared>> -> memref<10240x64xf32, #tpu.memory_space<vmem_shared>>
    tpu.wait_indirect_dma semaphore(%arg31 : memref<!tpu.dma_semaphore, #tpu.memory_space<semaphore_mem>>) src(%arg14 : memref<128x64xf32, #tpu.memory_space<vmem>>) dst(%dma_wait3A_106 : memref<10240x64xf32, #tpu.memory_space<vmem_shared>>)
    %dma_wait3A_107 = arith.constant 78 : i32
    %dma_wait3A_108 = arith.constant 0 : i32
    %dma_wait3A_109 = tpu.memref_slice %arg8[%dma_wait3A_107, %dma_wait3A_108] : memref<80x128xi32, #tpu.memory_space<vmem>> -> memref<1x128xi32, #tpu.memory_space<vmem>>
    %dma_wait3A_110 = tpu.memref_squeeze %dma_wait3A_109 : memref<1x128xi32, #tpu.memory_space<vmem>> -> memref<128xi32, #tpu.memory_space<vmem>>
    %dma_wait3A_111 = arith.constant 0 : i32
    %dma_wait3A_112 = arith.constant 0 : i32
    %dma_wait3A_113 = tpu.memref_slice %arg17[%dma_wait3A_111, %dma_wait3A_112] : memref<10240x64xf32, #tpu.memory_space<vmem_shared>> -> memref<10240x64xf32, #tpu.memory_space<vmem_shared>>
    tpu.wait_indirect_dma semaphore(%arg32 : memref<!tpu.dma_semaphore, #tpu.memory_space<semaphore_mem>>) src(%arg15 : memref<128x64xf32, #tpu.memory_space<vmem>>) dst(%dma_wait3A_113 : memref<10240x64xf32, #tpu.memory_space<vmem_shared>>)
    %dma_wait3A_114 = arith.constant 79 : i32
    %dma_wait3A_115 = arith.constant 0 : i32
    %dma_wait3A_116 = tpu.memref_slice %arg8[%dma_wait3A_114, %dma_wait3A_115] : memref<80x128xi32, #tpu.memory_space<vmem>> -> memref<1x128xi32, #tpu.memory_space<vmem>>
    %dma_wait3A_117 = tpu.memref_squeeze %dma_wait3A_116 : memref<1x128xi32, #tpu.memory_space<vmem>> -> memref<128xi32, #tpu.memory_space<vmem>>
    %dma_wait3A_118 = arith.constant 0 : i32
    %dma_wait3A_119 = arith.constant 0 : i32
    %dma_wait3A_120 = tpu.memref_slice %arg17[%dma_wait3A_118, %dma_wait3A_119] : memref<10240x64xf32, #tpu.memory_space<vmem_shared>> -> memref<10240x64xf32, #tpu.memory_space<vmem_shared>>
    tpu.wait_indirect_dma semaphore(%arg33 : memref<!tpu.dma_semaphore, #tpu.memory_space<semaphore_mem>>) src(%arg16 : memref<128x64xf32, #tpu.memory_space<vmem>>) dst(%dma_wait3A_120 : memref<10240x64xf32, #tpu.memory_space<vmem_shared>>)
    %barrier3A_121 = arith.constant 0 : index
    tpu.barrier barrier_id(%barrier3A_121)
    %mul3A_122 = arith.constant 640 : i32
    %mul3A_123 = arith.muli %arg1, %mul3A_122 : i32
    "tpu.region"() ({
      %run_scoped3A = tpu.sem_alloc : memref<!tpu.dma_semaphore, #tpu.memory_space<semaphore_mem>>
      %dma_start3A_124 = arith.constant 0 : i32
      %dma_start3A_125 = tpu.memref_slice %arg6[%arg0, %mul3A_123, %dma_start3A_124] : memref<2x10240x64xf32, #tpu.memory_space<hbm>> -> memref<1x640x64xf32, #tpu.memory_space<hbm>>
      %dma_start3A_126 = tpu.memref_squeeze %dma_start3A_125 : memref<1x640x64xf32, #tpu.memory_space<hbm>> -> memref<640x64xf32, #tpu.memory_space<hbm>>
      %dma_start3A_127 = arith.constant 0 : i32
      %dma_start3A_128 = tpu.memref_slice %arg17[%mul3A_123, %dma_start3A_127] : memref<10240x64xf32, #tpu.memory_space<vmem_shared>> -> memref<640x64xf32, #tpu.memory_space<vmem_shared>>
      tpu.enqueue_dma source(%dma_start3A_128 : memref<640x64xf32, #tpu.memory_space<vmem_shared>>) target(%dma_start3A_126 : memref<640x64xf32, #tpu.memory_space<hbm>>) target_semaphore(%run_scoped3A : memref<!tpu.dma_semaphore, #tpu.memory_space<semaphore_mem>>)
      %dma_wait3A_129 = arith.constant 0 : i32
      %dma_wait3A_130 = tpu.memref_slice %arg6[%arg0, %mul3A_123, %dma_wait3A_129] : memref<2x10240x64xf32, #tpu.memory_space<hbm>> -> memref<1x640x64xf32, #tpu.memory_space<hbm>>
      %dma_wait3A_131 = tpu.memref_squeeze %dma_wait3A_130 : memref<1x640x64xf32, #tpu.memory_space<hbm>> -> memref<640x64xf32, #tpu.memory_space<hbm>>
      %dma_wait3A_132 = arith.constant 0 : i32
      %dma_wait3A_133 = tpu.memref_slice %arg17[%mul3A_123, %dma_wait3A_132] : memref<10240x64xf32, #tpu.memory_space<vmem_shared>> -> memref<640x64xf32, #tpu.memory_space<vmem_shared>>
      tpu.wait_dma2 semaphore(%run_scoped3A : memref<!tpu.dma_semaphore, #tpu.memory_space<semaphore_mem>>) src(%dma_wait3A_133 : memref<640x64xf32, #tpu.memory_space<vmem_shared>>) dst(%dma_wait3A_131 : memref<640x64xf32, #tpu.memory_space<hbm>>)
      tpu.yield
    }) : () -> ()
    return
  }
}

#map = affine_map<(d0, d1) -> (0, 0)>
#map1 = affine_map<(d0, d1) -> (0, 0, 0)>
module attributes {stable_mosaic.version = 14 : i64} {
  func.func @_sc_deg(%arg0: i32, %arg1: i32, %arg2: memref<2560x128xi32, #tpu.memory_space<hbm>>, %arg3: memref<128x16xf32, #tpu.memory_space<hbm>>, %arg4: memref<640x16xf32, #tpu.memory_space<hbm>>, %arg5: memref<2x10240x16xf32, #tpu.memory_space<hbm>>, %arg6: memref<80x128xi32, #tpu.memory_space<vmem>>, %arg7: memref<128x16xf32, #tpu.memory_space<vmem>>, %arg8: memref<10240x16xf32, #tpu.memory_space<vmem_shared>>, %arg9: memref<!tpu.dma_semaphore, #tpu.memory_space<semaphore_mem>>) attributes {dimension_semantics = [#tpu.dimension_semantics<core_parallel>, #tpu.dimension_semantics<subcore_parallel>], iteration_bounds = array<i64: 2, 16>, scalar_prefetch = 0 : i64, scratch_operands = 4 : i64, tpu.core_type = #tpu.core_type<sc_vector_subcore>, window_params = [{transform_indices = #map}, {transform_indices = #map}, {transform_indices = #map}, {transform_indices = #map1}]} {
    %mul3A = arith.constant 2 : i32
    %mul3A_0 = arith.muli %arg1, %mul3A : i32
    %add3A = arith.addi %mul3A_0, %arg0 : i32
    "tpu.region"() ({
      %run_scoped3A = tpu.sem_alloc : memref<!tpu.dma_semaphore, #tpu.memory_space<semaphore_mem>>
      tpu.enqueue_dma source(%arg3 : memref<128x16xf32, #tpu.memory_space<hbm>>) target(%arg7 : memref<128x16xf32, #tpu.memory_space<vmem>>) target_semaphore(%run_scoped3A : memref<!tpu.dma_semaphore, #tpu.memory_space<semaphore_mem>>)
      tpu.wait_dma2 semaphore(%run_scoped3A : memref<!tpu.dma_semaphore, #tpu.memory_space<semaphore_mem>>) src(%arg3 : memref<128x16xf32, #tpu.memory_space<hbm>>) dst(%arg7 : memref<128x16xf32, #tpu.memory_space<vmem>>)
      tpu.yield
    }) : () -> ()
    %mul3A_1 = arith.constant 80 : i32
    %mul3A_2 = arith.muli %add3A, %mul3A_1 : i32
    "tpu.region"() ({
      %run_scoped3A = tpu.sem_alloc : memref<!tpu.dma_semaphore, #tpu.memory_space<semaphore_mem>>
      %dma_start3A = arith.constant 0 : i32
      %dma_start3A_17 = tpu.memref_slice %arg2[%mul3A_2, %dma_start3A] : memref<2560x128xi32, #tpu.memory_space<hbm>> -> memref<80x128xi32, #tpu.memory_space<hbm>>
      %dma_start3A_18 = arith.constant 0 : i32
      %dma_start3A_19 = tpu.memref_slice %arg2[%mul3A_2, %dma_start3A_18] : memref<2560x128xi32, #tpu.memory_space<hbm>> -> memref<80x128xi32, #tpu.memory_space<hbm>>
      tpu.enqueue_dma source(%dma_start3A_19 : memref<80x128xi32, #tpu.memory_space<hbm>>) target(%arg6 : memref<80x128xi32, #tpu.memory_space<vmem>>) target_semaphore(%run_scoped3A : memref<!tpu.dma_semaphore, #tpu.memory_space<semaphore_mem>>)
      %dma_wait3A = arith.constant 0 : i32
      %dma_wait3A_20 = tpu.memref_slice %arg2[%mul3A_2, %dma_wait3A] : memref<2560x128xi32, #tpu.memory_space<hbm>> -> memref<80x128xi32, #tpu.memory_space<hbm>>
      %dma_wait3A_21 = arith.constant 0 : i32
      %dma_wait3A_22 = tpu.memref_slice %arg2[%mul3A_2, %dma_wait3A_21] : memref<2560x128xi32, #tpu.memory_space<hbm>> -> memref<80x128xi32, #tpu.memory_space<hbm>>
      tpu.wait_dma2 semaphore(%run_scoped3A : memref<!tpu.dma_semaphore, #tpu.memory_space<semaphore_mem>>) src(%dma_wait3A_22 : memref<80x128xi32, #tpu.memory_space<hbm>>) dst(%arg6 : memref<80x128xi32, #tpu.memory_space<vmem>>)
      tpu.yield
    }) : () -> ()
    %mul3A_3 = arith.constant 640 : i32
    %mul3A_4 = arith.muli %arg1, %mul3A_3 : i32
    "tpu.region"() ({
      %run_scoped3A = tpu.sem_alloc : memref<!tpu.dma_semaphore, #tpu.memory_space<semaphore_mem>>
      %dma_start3A = arith.constant 0 : i32
      %dma_start3A_17 = tpu.memref_slice %arg8[%mul3A_4, %dma_start3A] : memref<10240x16xf32, #tpu.memory_space<vmem_shared>> -> memref<640x16xf32, #tpu.memory_space<vmem_shared>>
      tpu.enqueue_dma source(%arg4 : memref<640x16xf32, #tpu.memory_space<hbm>>) target(%dma_start3A_17 : memref<640x16xf32, #tpu.memory_space<vmem_shared>>) target_semaphore(%run_scoped3A : memref<!tpu.dma_semaphore, #tpu.memory_space<semaphore_mem>>)
      %dma_wait3A = arith.constant 0 : i32
      %dma_wait3A_18 = tpu.memref_slice %arg8[%mul3A_4, %dma_wait3A] : memref<10240x16xf32, #tpu.memory_space<vmem_shared>> -> memref<640x16xf32, #tpu.memory_space<vmem_shared>>
      tpu.wait_dma2 semaphore(%run_scoped3A : memref<!tpu.dma_semaphore, #tpu.memory_space<semaphore_mem>>) src(%arg4 : memref<640x16xf32, #tpu.memory_space<hbm>>) dst(%dma_wait3A_18 : memref<640x16xf32, #tpu.memory_space<vmem_shared>>)
      tpu.yield
    }) : () -> ()
    %barrier3A = arith.constant 0 : index
    tpu.barrier barrier_id(%barrier3A)
    %scan3A = arith.constant 0 : i32
    %scan3A_5 = arith.constant 80 : i32
    %scan3A_6 = arith.addi %scan3A, %scan3A_5 : i32
    %scan3A_7 = arith.constant 1 : i32
    scf.for %scan3A_17 = %scan3A to %scan3A_6 step %scan3A_7  : i32 {
      %mul3A_18 = arith.constant 1 : i32
      %mul3A_19 = arith.muli %scan3A_17, %mul3A_18 : i32
      %add3A_20 = arith.constant 0 : i32
      %add3A_21 = arith.addi %add3A_20, %mul3A_19 : i32
      %dma_start3A = arith.constant 0 : i32
      %dma_start3A_22 = tpu.memref_slice %arg6[%add3A_21, %dma_start3A] : memref<80x128xi32, #tpu.memory_space<vmem>> -> memref<1x128xi32, #tpu.memory_space<vmem>>
      %dma_start3A_23 = tpu.memref_squeeze %dma_start3A_22 : memref<1x128xi32, #tpu.memory_space<vmem>> -> memref<128xi32, #tpu.memory_space<vmem>>
      %dma_start3A_24 = arith.constant 0 : i32
      %dma_start3A_25 = arith.constant 0 : i32
      %dma_start3A_26 = tpu.memref_slice %arg8[%dma_start3A_24, %dma_start3A_25] : memref<10240x16xf32, #tpu.memory_space<vmem_shared>> -> memref<10240x16xf32, #tpu.memory_space<vmem_shared>>
      tpu.enqueue_indirect_dma source(%arg7 : memref<128x16xf32, #tpu.memory_space<vmem>>) target(%dma_start3A_26 : memref<10240x16xf32, #tpu.memory_space<vmem_shared>>) offsets(%dma_start3A_23 : memref<128xi32, #tpu.memory_space<vmem>>) semaphore(%arg9 : memref<!tpu.dma_semaphore, #tpu.memory_space<semaphore_mem>>) {add = true}
    }
    %scan3A_8 = arith.constant 80 : i32
    %scan3A_9 = arith.constant 0 : i32
    %scan3A_10 = arith.constant 80 : i32
    %scan3A_11 = arith.addi %scan3A_9, %scan3A_10 : i32
    %scan3A_12 = arith.constant 1 : i32
    scf.for %scan3A_17 = %scan3A_9 to %scan3A_11 step %scan3A_12  : i32 {
      %mul3A_18 = arith.constant 1 : i32
      %mul3A_19 = arith.muli %scan3A_17, %mul3A_18 : i32
      %add3A_20 = arith.constant 0 : i32
      %add3A_21 = arith.addi %add3A_20, %mul3A_19 : i32
      %dma_wait3A = arith.constant 0 : i32
      %dma_wait3A_22 = tpu.memref_slice %arg6[%add3A_21, %dma_wait3A] : memref<80x128xi32, #tpu.memory_space<vmem>> -> memref<1x128xi32, #tpu.memory_space<vmem>>
      %dma_wait3A_23 = tpu.memref_squeeze %dma_wait3A_22 : memref<1x128xi32, #tpu.memory_space<vmem>> -> memref<128xi32, #tpu.memory_space<vmem>>
      %dma_wait3A_24 = arith.constant 0 : i32
      %dma_wait3A_25 = arith.constant 0 : i32
      %dma_wait3A_26 = tpu.memref_slice %arg8[%dma_wait3A_24, %dma_wait3A_25] : memref<10240x16xf32, #tpu.memory_space<vmem_shared>> -> memref<10240x16xf32, #tpu.memory_space<vmem_shared>>
      tpu.wait_indirect_dma semaphore(%arg9 : memref<!tpu.dma_semaphore, #tpu.memory_space<semaphore_mem>>) src(%arg7 : memref<128x16xf32, #tpu.memory_space<vmem>>) dst(%dma_wait3A_26 : memref<10240x16xf32, #tpu.memory_space<vmem_shared>>)
    }
    %scan3A_13 = arith.constant 80 : i32
    %barrier3A_14 = arith.constant 0 : index
    tpu.barrier barrier_id(%barrier3A_14)
    %mul3A_15 = arith.constant 640 : i32
    %mul3A_16 = arith.muli %arg1, %mul3A_15 : i32
    "tpu.region"() ({
      %run_scoped3A = tpu.sem_alloc : memref<!tpu.dma_semaphore, #tpu.memory_space<semaphore_mem>>
      %dma_start3A = arith.constant 0 : i32
      %dma_start3A_17 = tpu.memref_slice %arg5[%arg0, %mul3A_16, %dma_start3A] : memref<2x10240x16xf32, #tpu.memory_space<hbm>> -> memref<1x640x16xf32, #tpu.memory_space<hbm>>
      %dma_start3A_18 = tpu.memref_squeeze %dma_start3A_17 : memref<1x640x16xf32, #tpu.memory_space<hbm>> -> memref<640x16xf32, #tpu.memory_space<hbm>>
      %dma_start3A_19 = arith.constant 0 : i32
      %dma_start3A_20 = tpu.memref_slice %arg8[%mul3A_16, %dma_start3A_19] : memref<10240x16xf32, #tpu.memory_space<vmem_shared>> -> memref<640x16xf32, #tpu.memory_space<vmem_shared>>
      tpu.enqueue_dma source(%dma_start3A_20 : memref<640x16xf32, #tpu.memory_space<vmem_shared>>) target(%dma_start3A_18 : memref<640x16xf32, #tpu.memory_space<hbm>>) target_semaphore(%run_scoped3A : memref<!tpu.dma_semaphore, #tpu.memory_space<semaphore_mem>>)
      %dma_wait3A = arith.constant 0 : i32
      %dma_wait3A_21 = tpu.memref_slice %arg5[%arg0, %mul3A_16, %dma_wait3A] : memref<2x10240x16xf32, #tpu.memory_space<hbm>> -> memref<1x640x16xf32, #tpu.memory_space<hbm>>
      %dma_wait3A_22 = tpu.memref_squeeze %dma_wait3A_21 : memref<1x640x16xf32, #tpu.memory_space<hbm>> -> memref<640x16xf32, #tpu.memory_space<hbm>>
      %dma_wait3A_23 = arith.constant 0 : i32
      %dma_wait3A_24 = tpu.memref_slice %arg8[%mul3A_16, %dma_wait3A_23] : memref<10240x16xf32, #tpu.memory_space<vmem_shared>> -> memref<640x16xf32, #tpu.memory_space<vmem_shared>>
      tpu.wait_dma2 semaphore(%run_scoped3A : memref<!tpu.dma_semaphore, #tpu.memory_space<semaphore_mem>>) src(%dma_wait3A_24 : memref<640x16xf32, #tpu.memory_space<vmem_shared>>) dst(%dma_wait3A_22 : memref<640x16xf32, #tpu.memory_space<hbm>>)
      tpu.yield
    }) : () -> ()
    return
  }
}

#map = affine_map<(d0, d1) -> (0, 0)>
#map1 = affine_map<(d0, d1) -> (0, 0, 0)>
module attributes {stable_mosaic.version = 14 : i64} {
  func.func @_sc_prop128(%arg0: i32, %arg1: i32, %arg2: memref<2560x128xi32, #tpu.memory_space<hbm>>, %arg3: memref<2560x128xi32, #tpu.memory_space<hbm>>, %arg4: memref<10240x64xf32, #tpu.memory_space<hbm>>, %arg5: memref<10240x64xf32, #tpu.memory_space<hbm>>, %arg6: memref<640x64xf32, #tpu.memory_space<hbm>>, %arg7: memref<2x10240x64xf32, #tpu.memory_space<hbm>>, %arg8: memref<160x128xi32, #tpu.memory_space<vmem>>, %arg9: memref<160x128xi32, #tpu.memory_space<vmem>>, %arg10: memref<128x64xf32, #tpu.memory_space<vmem>>, %arg11: memref<128x64xf32, #tpu.memory_space<vmem>>, %arg12: memref<128x64xf32, #tpu.memory_space<vmem>>, %arg13: memref<128x64xf32, #tpu.memory_space<vmem>>, %arg14: memref<128x64xf32, #tpu.memory_space<vmem>>, %arg15: memref<10240x64xf32, #tpu.memory_space<vmem_shared>>, %arg16: memref<!tpu.dma_semaphore, #tpu.memory_space<semaphore_mem>>, %arg17: memref<!tpu.dma_semaphore, #tpu.memory_space<semaphore_mem>>, %arg18: memref<!tpu.dma_semaphore, #tpu.memory_space<semaphore_mem>>, %arg19: memref<!tpu.dma_semaphore, #tpu.memory_space<semaphore_mem>>, %arg20: memref<!tpu.dma_semaphore, #tpu.memory_space<semaphore_mem>>, %arg21: memref<!tpu.dma_semaphore, #tpu.memory_space<semaphore_mem>>, %arg22: memref<!tpu.dma_semaphore, #tpu.memory_space<semaphore_mem>>, %arg23: memref<!tpu.dma_semaphore, #tpu.memory_space<semaphore_mem>>, %arg24: memref<!tpu.dma_semaphore, #tpu.memory_space<semaphore_mem>>, %arg25: memref<!tpu.dma_semaphore, #tpu.memory_space<semaphore_mem>>) attributes {dimension_semantics = [#tpu.dimension_semantics<core_parallel>, #tpu.dimension_semantics<subcore_parallel>], iteration_bounds = array<i64: 2, 16>, scalar_prefetch = 0 : i64, scratch_operands = 18 : i64, tpu.core_type = #tpu.core_type<sc_vector_subcore>, window_params = [{transform_indices = #map}, {transform_indices = #map}, {transform_indices = #map}, {transform_indices = #map}, {transform_indices = #map}, {transform_indices = #map1}]} {
    %mul3A = arith.constant 160 : i32
    %mul3A_0 = arith.muli %arg1, %mul3A : i32
    "tpu.region"() ({
      %run_scoped3A = tpu.sem_alloc : memref<!tpu.dma_semaphore, #tpu.memory_space<semaphore_mem>>
      %dma_start3A = arith.constant 0 : i32
      %dma_start3A_15 = tpu.memref_slice %arg2[%mul3A_0, %dma_start3A] : memref<2560x128xi32, #tpu.memory_space<hbm>> -> memref<160x128xi32, #tpu.memory_space<hbm>>
      %dma_start3A_16 = arith.constant 0 : i32
      %dma_start3A_17 = tpu.memref_slice %arg2[%mul3A_0, %dma_start3A_16] : memref<2560x128xi32, #tpu.memory_space<hbm>> -> memref<160x128xi32, #tpu.memory_space<hbm>>
      tpu.enqueue_dma source(%dma_start3A_17 : memref<160x128xi32, #tpu.memory_space<hbm>>) target(%arg8 : memref<160x128xi32, #tpu.memory_space<vmem>>) target_semaphore(%run_scoped3A : memref<!tpu.dma_semaphore, #tpu.memory_space<semaphore_mem>>)
      %dma_wait3A = arith.constant 0 : i32
      %dma_wait3A_18 = tpu.memref_slice %arg2[%mul3A_0, %dma_wait3A] : memref<2560x128xi32, #tpu.memory_space<hbm>> -> memref<160x128xi32, #tpu.memory_space<hbm>>
      %dma_wait3A_19 = arith.constant 0 : i32
      %dma_wait3A_20 = tpu.memref_slice %arg2[%mul3A_0, %dma_wait3A_19] : memref<2560x128xi32, #tpu.memory_space<hbm>> -> memref<160x128xi32, #tpu.memory_space<hbm>>
      tpu.wait_dma2 semaphore(%run_scoped3A : memref<!tpu.dma_semaphore, #tpu.memory_space<semaphore_mem>>) src(%dma_wait3A_20 : memref<160x128xi32, #tpu.memory_space<hbm>>) dst(%arg8 : memref<160x128xi32, #tpu.memory_space<vmem>>)
      tpu.yield
    }) : () -> ()
    %mul3A_1 = arith.constant 160 : i32
    %mul3A_2 = arith.muli %arg1, %mul3A_1 : i32
    "tpu.region"() ({
      %run_scoped3A = tpu.sem_alloc : memref<!tpu.dma_semaphore, #tpu.memory_space<semaphore_mem>>
      %dma_start3A = arith.constant 0 : i32
      %dma_start3A_15 = tpu.memref_slice %arg3[%mul3A_2, %dma_start3A] : memref<2560x128xi32, #tpu.memory_space<hbm>> -> memref<160x128xi32, #tpu.memory_space<hbm>>
      %dma_start3A_16 = arith.constant 0 : i32
      %dma_start3A_17 = tpu.memref_slice %arg3[%mul3A_2, %dma_start3A_16] : memref<2560x128xi32, #tpu.memory_space<hbm>> -> memref<160x128xi32, #tpu.memory_space<hbm>>
      tpu.enqueue_dma source(%dma_start3A_17 : memref<160x128xi32, #tpu.memory_space<hbm>>) target(%arg9 : memref<160x128xi32, #tpu.memory_space<vmem>>) target_semaphore(%run_scoped3A : memref<!tpu.dma_semaphore, #tpu.memory_space<semaphore_mem>>)
      %dma_wait3A = arith.constant 0 : i32
      %dma_wait3A_18 = tpu.memref_slice %arg3[%mul3A_2, %dma_wait3A] : memref<2560x128xi32, #tpu.memory_space<hbm>> -> memref<160x128xi32, #tpu.memory_space<hbm>>
      %dma_wait3A_19 = arith.constant 0 : i32
      %dma_wait3A_20 = tpu.memref_slice %arg3[%mul3A_2, %dma_wait3A_19] : memref<2560x128xi32, #tpu.memory_space<hbm>> -> memref<160x128xi32, #tpu.memory_space<hbm>>
      tpu.wait_dma2 semaphore(%run_scoped3A : memref<!tpu.dma_semaphore, #tpu.memory_space<semaphore_mem>>) src(%dma_wait3A_20 : memref<160x128xi32, #tpu.memory_space<hbm>>) dst(%arg9 : memref<160x128xi32, #tpu.memory_space<vmem>>)
      tpu.yield
    }) : () -> ()
    %mul3A_3 = arith.constant 640 : i32
    %mul3A_4 = arith.muli %arg1, %mul3A_3 : i32
    "tpu.region"() ({
      %run_scoped3A = tpu.sem_alloc : memref<!tpu.dma_semaphore, #tpu.memory_space<semaphore_mem>>
      %dma_start3A = arith.constant 0 : i32
      %dma_start3A_15 = tpu.memref_slice %arg15[%mul3A_4, %dma_start3A] : memref<10240x64xf32, #tpu.memory_space<vmem_shared>> -> memref<640x64xf32, #tpu.memory_space<vmem_shared>>
      tpu.enqueue_dma source(%arg6 : memref<640x64xf32, #tpu.memory_space<hbm>>) target(%dma_start3A_15 : memref<640x64xf32, #tpu.memory_space<vmem_shared>>) target_semaphore(%run_scoped3A : memref<!tpu.dma_semaphore, #tpu.memory_space<semaphore_mem>>)
      %dma_wait3A = arith.constant 0 : i32
      %dma_wait3A_16 = tpu.memref_slice %arg15[%mul3A_4, %dma_wait3A] : memref<10240x64xf32, #tpu.memory_space<vmem_shared>> -> memref<640x64xf32, #tpu.memory_space<vmem_shared>>
      tpu.wait_dma2 semaphore(%run_scoped3A : memref<!tpu.dma_semaphore, #tpu.memory_space<semaphore_mem>>) src(%arg6 : memref<640x64xf32, #tpu.memory_space<hbm>>) dst(%dma_wait3A_16 : memref<640x64xf32, #tpu.memory_space<vmem_shared>>)
      tpu.yield
    }) : () -> ()
    %barrier3A = arith.constant 0 : index
    tpu.barrier barrier_id(%barrier3A)
    %eq3A = arith.constant 0 : i32
    %eq3A_5 = arith.cmpi eq, %arg0, %eq3A : i32
    %convert_element_type3A = arith.extui %eq3A_5 : i1 to i32
    %cond3A = arith.constant 0 : i32
    %cond3A_6 = arith.cmpi ne, %convert_element_type3A, %cond3A : i32
    scf.if %cond3A_6 {
      %dma_start3A = arith.constant 0 : i32
      %dma_start3A_15 = arith.constant 0 : i32
      %dma_start3A_16 = tpu.memref_slice %arg8[%dma_start3A, %dma_start3A_15] : memref<160x128xi32, #tpu.memory_space<vmem>> -> memref<1x128xi32, #tpu.memory_space<vmem>>
      %dma_start3A_17 = tpu.memref_squeeze %dma_start3A_16 : memref<1x128xi32, #tpu.memory_space<vmem>> -> memref<128xi32, #tpu.memory_space<vmem>>
      %dma_start3A_18 = arith.constant 0 : i32
      %dma_start3A_19 = arith.constant 0 : i32
      %dma_start3A_20 = tpu.memref_slice %arg4[%dma_start3A_18, %dma_start3A_19] : memref<10240x64xf32, #tpu.memory_space<hbm>> -> memref<10240x64xf32, #tpu.memory_space<hbm>>
      tpu.enqueue_indirect_dma source(%dma_start3A_20 : memref<10240x64xf32, #tpu.memory_space<hbm>>) target(%arg10 : memref<128x64xf32, #tpu.memory_space<vmem>>) offsets(%dma_start3A_17 : memref<128xi32, #tpu.memory_space<vmem>>) semaphore(%arg16 : memref<!tpu.dma_semaphore, #tpu.memory_space<semaphore_mem>>)
      %dma_start3A_21 = arith.constant 1 : i32
      %dma_start3A_22 = arith.constant 0 : i32
      %dma_start3A_23 = tpu.memref_slice %arg8[%dma_start3A_21, %dma_start3A_22] : memref<160x128xi32, #tpu.memory_space<vmem>> -> memref<1x128xi32, #tpu.memory_space<vmem>>
      %dma_start3A_24 = tpu.memref_squeeze %dma_start3A_23 : memref<1x128xi32, #tpu.memory_space<vmem>> -> memref<128xi32, #tpu.memory_space<vmem>>
      %dma_start3A_25 = arith.constant 0 : i32
      %dma_start3A_26 = arith.constant 0 : i32
      %dma_start3A_27 = tpu.memref_slice %arg4[%dma_start3A_25, %dma_start3A_26] : memref<10240x64xf32, #tpu.memory_space<hbm>> -> memref<10240x64xf32, #tpu.memory_space<hbm>>
      tpu.enqueue_indirect_dma source(%dma_start3A_27 : memref<10240x64xf32, #tpu.memory_space<hbm>>) target(%arg11 : memref<128x64xf32, #tpu.memory_space<vmem>>) offsets(%dma_start3A_24 : memref<128xi32, #tpu.memory_space<vmem>>) semaphore(%arg17 : memref<!tpu.dma_semaphore, #tpu.memory_space<semaphore_mem>>)
      %dma_start3A_28 = arith.constant 2 : i32
      %dma_start3A_29 = arith.constant 0 : i32
      %dma_start3A_30 = tpu.memref_slice %arg8[%dma_start3A_28, %dma_start3A_29] : memref<160x128xi32, #tpu.memory_space<vmem>> -> memref<1x128xi32, #tpu.memory_space<vmem>>
      %dma_start3A_31 = tpu.memref_squeeze %dma_start3A_30 : memref<1x128xi32, #tpu.memory_space<vmem>> -> memref<128xi32, #tpu.memory_space<vmem>>
      %dma_start3A_32 = arith.constant 0 : i32
      %dma_start3A_33 = arith.constant 0 : i32
      %dma_start3A_34 = tpu.memref_slice %arg4[%dma_start3A_32, %dma_start3A_33] : memref<10240x64xf32, #tpu.memory_space<hbm>> -> memref<10240x64xf32, #tpu.memory_space<hbm>>
      tpu.enqueue_indirect_dma source(%dma_start3A_34 : memref<10240x64xf32, #tpu.memory_space<hbm>>) target(%arg12 : memref<128x64xf32, #tpu.memory_space<vmem>>) offsets(%dma_start3A_31 : memref<128xi32, #tpu.memory_space<vmem>>) semaphore(%arg18 : memref<!tpu.dma_semaphore, #tpu.memory_space<semaphore_mem>>)
      %dma_start3A_35 = arith.constant 3 : i32
      %dma_start3A_36 = arith.constant 0 : i32
      %dma_start3A_37 = tpu.memref_slice %arg8[%dma_start3A_35, %dma_start3A_36] : memref<160x128xi32, #tpu.memory_space<vmem>> -> memref<1x128xi32, #tpu.memory_space<vmem>>
      %dma_start3A_38 = tpu.memref_squeeze %dma_start3A_37 : memref<1x128xi32, #tpu.memory_space<vmem>> -> memref<128xi32, #tpu.memory_space<vmem>>
      %dma_start3A_39 = arith.constant 0 : i32
      %dma_start3A_40 = arith.constant 0 : i32
      %dma_start3A_41 = tpu.memref_slice %arg4[%dma_start3A_39, %dma_start3A_40] : memref<10240x64xf32, #tpu.memory_space<hbm>> -> memref<10240x64xf32, #tpu.memory_space<hbm>>
      tpu.enqueue_indirect_dma source(%dma_start3A_41 : memref<10240x64xf32, #tpu.memory_space<hbm>>) target(%arg13 : memref<128x64xf32, #tpu.memory_space<vmem>>) offsets(%dma_start3A_38 : memref<128xi32, #tpu.memory_space<vmem>>) semaphore(%arg19 : memref<!tpu.dma_semaphore, #tpu.memory_space<semaphore_mem>>)
      %dma_start3A_42 = arith.constant 4 : i32
      %dma_start3A_43 = arith.constant 0 : i32
      %dma_start3A_44 = tpu.memref_slice %arg8[%dma_start3A_42, %dma_start3A_43] : memref<160x128xi32, #tpu.memory_space<vmem>> -> memref<1x128xi32, #tpu.memory_space<vmem>>
      %dma_start3A_45 = tpu.memref_squeeze %dma_start3A_44 : memref<1x128xi32, #tpu.memory_space<vmem>> -> memref<128xi32, #tpu.memory_space<vmem>>
      %dma_start3A_46 = arith.constant 0 : i32
      %dma_start3A_47 = arith.constant 0 : i32
      %dma_start3A_48 = tpu.memref_slice %arg4[%dma_start3A_46, %dma_start3A_47] : memref<10240x64xf32, #tpu.memory_space<hbm>> -> memref<10240x64xf32, #tpu.memory_space<hbm>>
      tpu.enqueue_indirect_dma source(%dma_start3A_48 : memref<10240x64xf32, #tpu.memory_space<hbm>>) target(%arg14 : memref<128x64xf32, #tpu.memory_space<vmem>>) offsets(%dma_start3A_45 : memref<128xi32, #tpu.memory_space<vmem>>) semaphore(%arg20 : memref<!tpu.dma_semaphore, #tpu.memory_space<semaphore_mem>>)
      %scan3A = arith.constant 0 : i32
      %scan3A_49 = arith.constant 32 : i32
      %scan3A_50 = arith.addi %scan3A, %scan3A_49 : i32
      %scan3A_51 = arith.constant 1 : i32
      scf.for %scan3A_87 = %scan3A to %scan3A_50 step %scan3A_51  : i32 {
        %mul3A_88 = arith.constant 5 : i32
        %mul3A_89 = arith.muli %scan3A_87, %mul3A_88 : i32
        %add3A = arith.constant 0 : i32
        %add3A_90 = arith.addi %add3A, %mul3A_89 : i32
        %add3A_91 = arith.constant 0 : i32
        %add3A_92 = arith.addi %add3A_90, %add3A_91 : i32
        %dma_wait3A_93 = arith.constant 0 : i32
        %dma_wait3A_94 = tpu.memref_slice %arg8[%add3A_92, %dma_wait3A_93] : memref<160x128xi32, #tpu.memory_space<vmem>> -> memref<1x128xi32, #tpu.memory_space<vmem>>
        %dma_wait3A_95 = tpu.memref_squeeze %dma_wait3A_94 : memref<1x128xi32, #tpu.memory_space<vmem>> -> memref<128xi32, #tpu.memory_space<vmem>>
        %dma_wait3A_96 = arith.constant 0 : i32
        %dma_wait3A_97 = arith.constant 0 : i32
        %dma_wait3A_98 = tpu.memref_slice %arg4[%dma_wait3A_96, %dma_wait3A_97] : memref<10240x64xf32, #tpu.memory_space<hbm>> -> memref<10240x64xf32, #tpu.memory_space<hbm>>
        tpu.wait_indirect_dma semaphore(%arg16 : memref<!tpu.dma_semaphore, #tpu.memory_space<semaphore_mem>>) src(%dma_wait3A_98 : memref<10240x64xf32, #tpu.memory_space<hbm>>) dst(%arg10 : memref<128x64xf32, #tpu.memory_space<vmem>>)
        %add3A_99 = arith.constant 0 : i32
        %add3A_100 = arith.addi %add3A_90, %add3A_99 : i32
        %dma_start3A_101 = arith.constant 0 : i32
        %dma_start3A_102 = tpu.memref_slice %arg9[%add3A_100, %dma_start3A_101] : memref<160x128xi32, #tpu.memory_space<vmem>> -> memref<1x128xi32, #tpu.memory_space<vmem>>
        %dma_start3A_103 = tpu.memref_squeeze %dma_start3A_102 : memref<1x128xi32, #tpu.memory_space<vmem>> -> memref<128xi32, #tpu.memory_space<vmem>>
        %dma_start3A_104 = arith.constant 0 : i32
        %dma_start3A_105 = arith.constant 0 : i32
        %dma_start3A_106 = tpu.memref_slice %arg15[%dma_start3A_104, %dma_start3A_105] : memref<10240x64xf32, #tpu.memory_space<vmem_shared>> -> memref<10240x64xf32, #tpu.memory_space<vmem_shared>>
        tpu.enqueue_indirect_dma source(%arg10 : memref<128x64xf32, #tpu.memory_space<vmem>>) target(%dma_start3A_106 : memref<10240x64xf32, #tpu.memory_space<vmem_shared>>) offsets(%dma_start3A_103 : memref<128xi32, #tpu.memory_space<vmem>>) semaphore(%arg21 : memref<!tpu.dma_semaphore, #tpu.memory_space<semaphore_mem>>) {add = true}
        %add3A_107 = arith.constant 1 : i32
        %add3A_108 = arith.addi %add3A_90, %add3A_107 : i32
        %dma_wait3A_109 = arith.constant 0 : i32
        %dma_wait3A_110 = tpu.memref_slice %arg8[%add3A_108, %dma_wait3A_109] : memref<160x128xi32, #tpu.memory_space<vmem>> -> memref<1x128xi32, #tpu.memory_space<vmem>>
        %dma_wait3A_111 = tpu.memref_squeeze %dma_wait3A_110 : memref<1x128xi32, #tpu.memory_space<vmem>> -> memref<128xi32, #tpu.memory_space<vmem>>
        %dma_wait3A_112 = arith.constant 0 : i32
        %dma_wait3A_113 = arith.constant 0 : i32
        %dma_wait3A_114 = tpu.memref_slice %arg4[%dma_wait3A_112, %dma_wait3A_113] : memref<10240x64xf32, #tpu.memory_space<hbm>> -> memref<10240x64xf32, #tpu.memory_space<hbm>>
        tpu.wait_indirect_dma semaphore(%arg17 : memref<!tpu.dma_semaphore, #tpu.memory_space<semaphore_mem>>) src(%dma_wait3A_114 : memref<10240x64xf32, #tpu.memory_space<hbm>>) dst(%arg11 : memref<128x64xf32, #tpu.memory_space<vmem>>)
        %add3A_115 = arith.constant 1 : i32
        %add3A_116 = arith.addi %add3A_90, %add3A_115 : i32
        %dma_start3A_117 = arith.constant 0 : i32
        %dma_start3A_118 = tpu.memref_slice %arg9[%add3A_116, %dma_start3A_117] : memref<160x128xi32, #tpu.memory_space<vmem>> -> memref<1x128xi32, #tpu.memory_space<vmem>>
        %dma_start3A_119 = tpu.memref_squeeze %dma_start3A_118 : memref<1x128xi32, #tpu.memory_space<vmem>> -> memref<128xi32, #tpu.memory_space<vmem>>
        %dma_start3A_120 = arith.constant 0 : i32
        %dma_start3A_121 = arith.constant 0 : i32
        %dma_start3A_122 = tpu.memref_slice %arg15[%dma_start3A_120, %dma_start3A_121] : memref<10240x64xf32, #tpu.memory_space<vmem_shared>> -> memref<10240x64xf32, #tpu.memory_space<vmem_shared>>
        tpu.enqueue_indirect_dma source(%arg11 : memref<128x64xf32, #tpu.memory_space<vmem>>) target(%dma_start3A_122 : memref<10240x64xf32, #tpu.memory_space<vmem_shared>>) offsets(%dma_start3A_119 : memref<128xi32, #tpu.memory_space<vmem>>) semaphore(%arg22 : memref<!tpu.dma_semaphore, #tpu.memory_space<semaphore_mem>>) {add = true}
        %add3A_123 = arith.constant 2 : i32
        %add3A_124 = arith.addi %add3A_90, %add3A_123 : i32
        %dma_wait3A_125 = arith.constant 0 : i32
        %dma_wait3A_126 = tpu.memref_slice %arg8[%add3A_124, %dma_wait3A_125] : memref<160x128xi32, #tpu.memory_space<vmem>> -> memref<1x128xi32, #tpu.memory_space<vmem>>
        %dma_wait3A_127 = tpu.memref_squeeze %dma_wait3A_126 : memref<1x128xi32, #tpu.memory_space<vmem>> -> memref<128xi32, #tpu.memory_space<vmem>>
        %dma_wait3A_128 = arith.constant 0 : i32
        %dma_wait3A_129 = arith.constant 0 : i32
        %dma_wait3A_130 = tpu.memref_slice %arg4[%dma_wait3A_128, %dma_wait3A_129] : memref<10240x64xf32, #tpu.memory_space<hbm>> -> memref<10240x64xf32, #tpu.memory_space<hbm>>
        tpu.wait_indirect_dma semaphore(%arg18 : memref<!tpu.dma_semaphore, #tpu.memory_space<semaphore_mem>>) src(%dma_wait3A_130 : memref<10240x64xf32, #tpu.memory_space<hbm>>) dst(%arg12 : memref<128x64xf32, #tpu.memory_space<vmem>>)
        %add3A_131 = arith.constant 2 : i32
        %add3A_132 = arith.addi %add3A_90, %add3A_131 : i32
        %dma_start3A_133 = arith.constant 0 : i32
        %dma_start3A_134 = tpu.memref_slice %arg9[%add3A_132, %dma_start3A_133] : memref<160x128xi32, #tpu.memory_space<vmem>> -> memref<1x128xi32, #tpu.memory_space<vmem>>
        %dma_start3A_135 = tpu.memref_squeeze %dma_start3A_134 : memref<1x128xi32, #tpu.memory_space<vmem>> -> memref<128xi32, #tpu.memory_space<vmem>>
        %dma_start3A_136 = arith.constant 0 : i32
        %dma_start3A_137 = arith.constant 0 : i32
        %dma_start3A_138 = tpu.memref_slice %arg15[%dma_start3A_136, %dma_start3A_137] : memref<10240x64xf32, #tpu.memory_space<vmem_shared>> -> memref<10240x64xf32, #tpu.memory_space<vmem_shared>>
        tpu.enqueue_indirect_dma source(%arg12 : memref<128x64xf32, #tpu.memory_space<vmem>>) target(%dma_start3A_138 : memref<10240x64xf32, #tpu.memory_space<vmem_shared>>) offsets(%dma_start3A_135 : memref<128xi32, #tpu.memory_space<vmem>>) semaphore(%arg23 : memref<!tpu.dma_semaphore, #tpu.memory_space<semaphore_mem>>) {add = true}
        %add3A_139 = arith.constant 3 : i32
        %add3A_140 = arith.addi %add3A_90, %add3A_139 : i32
        %dma_wait3A_141 = arith.constant 0 : i32
        %dma_wait3A_142 = tpu.memref_slice %arg8[%add3A_140, %dma_wait3A_141] : memref<160x128xi32, #tpu.memory_space<vmem>> -> memref<1x128xi32, #tpu.memory_space<vmem>>
        %dma_wait3A_143 = tpu.memref_squeeze %dma_wait3A_142 : memref<1x128xi32, #tpu.memory_space<vmem>> -> memref<128xi32, #tpu.memory_space<vmem>>
        %dma_wait3A_144 = arith.constant 0 : i32
        %dma_wait3A_145 = arith.constant 0 : i32
        %dma_wait3A_146 = tpu.memref_slice %arg4[%dma_wait3A_144, %dma_wait3A_145] : memref<10240x64xf32, #tpu.memory_space<hbm>> -> memref<10240x64xf32, #tpu.memory_space<hbm>>
        tpu.wait_indirect_dma semaphore(%arg19 : memref<!tpu.dma_semaphore, #tpu.memory_space<semaphore_mem>>) src(%dma_wait3A_146 : memref<10240x64xf32, #tpu.memory_space<hbm>>) dst(%arg13 : memref<128x64xf32, #tpu.memory_space<vmem>>)
        %add3A_147 = arith.constant 3 : i32
        %add3A_148 = arith.addi %add3A_90, %add3A_147 : i32
        %dma_start3A_149 = arith.constant 0 : i32
        %dma_start3A_150 = tpu.memref_slice %arg9[%add3A_148, %dma_start3A_149] : memref<160x128xi32, #tpu.memory_space<vmem>> -> memref<1x128xi32, #tpu.memory_space<vmem>>
        %dma_start3A_151 = tpu.memref_squeeze %dma_start3A_150 : memref<1x128xi32, #tpu.memory_space<vmem>> -> memref<128xi32, #tpu.memory_space<vmem>>
        %dma_start3A_152 = arith.constant 0 : i32
        %dma_start3A_153 = arith.constant 0 : i32
        %dma_start3A_154 = tpu.memref_slice %arg15[%dma_start3A_152, %dma_start3A_153] : memref<10240x64xf32, #tpu.memory_space<vmem_shared>> -> memref<10240x64xf32, #tpu.memory_space<vmem_shared>>
        tpu.enqueue_indirect_dma source(%arg13 : memref<128x64xf32, #tpu.memory_space<vmem>>) target(%dma_start3A_154 : memref<10240x64xf32, #tpu.memory_space<vmem_shared>>) offsets(%dma_start3A_151 : memref<128xi32, #tpu.memory_space<vmem>>) semaphore(%arg24 : memref<!tpu.dma_semaphore, #tpu.memory_space<semaphore_mem>>) {add = true}
        %add3A_155 = arith.constant 4 : i32
        %add3A_156 = arith.addi %add3A_90, %add3A_155 : i32
        %dma_wait3A_157 = arith.constant 0 : i32
        %dma_wait3A_158 = tpu.memref_slice %arg8[%add3A_156, %dma_wait3A_157] : memref<160x128xi32, #tpu.memory_space<vmem>> -> memref<1x128xi32, #tpu.memory_space<vmem>>
        %dma_wait3A_159 = tpu.memref_squeeze %dma_wait3A_158 : memref<1x128xi32, #tpu.memory_space<vmem>> -> memref<128xi32, #tpu.memory_space<vmem>>
        %dma_wait3A_160 = arith.constant 0 : i32
        %dma_wait3A_161 = arith.constant 0 : i32
        %dma_wait3A_162 = tpu.memref_slice %arg4[%dma_wait3A_160, %dma_wait3A_161] : memref<10240x64xf32, #tpu.memory_space<hbm>> -> memref<10240x64xf32, #tpu.memory_space<hbm>>
        tpu.wait_indirect_dma semaphore(%arg20 : memref<!tpu.dma_semaphore, #tpu.memory_space<semaphore_mem>>) src(%dma_wait3A_162 : memref<10240x64xf32, #tpu.memory_space<hbm>>) dst(%arg14 : memref<128x64xf32, #tpu.memory_space<vmem>>)
        %add3A_163 = arith.constant 4 : i32
        %add3A_164 = arith.addi %add3A_90, %add3A_163 : i32
        %dma_start3A_165 = arith.constant 0 : i32
        %dma_start3A_166 = tpu.memref_slice %arg9[%add3A_164, %dma_start3A_165] : memref<160x128xi32, #tpu.memory_space<vmem>> -> memref<1x128xi32, #tpu.memory_space<vmem>>
        %dma_start3A_167 = tpu.memref_squeeze %dma_start3A_166 : memref<1x128xi32, #tpu.memory_space<vmem>> -> memref<128xi32, #tpu.memory_space<vmem>>
        %dma_start3A_168 = arith.constant 0 : i32
        %dma_start3A_169 = arith.constant 0 : i32
        %dma_start3A_170 = tpu.memref_slice %arg15[%dma_start3A_168, %dma_start3A_169] : memref<10240x64xf32, #tpu.memory_space<vmem_shared>> -> memref<10240x64xf32, #tpu.memory_space<vmem_shared>>
        tpu.enqueue_indirect_dma source(%arg14 : memref<128x64xf32, #tpu.memory_space<vmem>>) target(%dma_start3A_170 : memref<10240x64xf32, #tpu.memory_space<vmem_shared>>) offsets(%dma_start3A_167 : memref<128xi32, #tpu.memory_space<vmem>>) semaphore(%arg25 : memref<!tpu.dma_semaphore, #tpu.memory_space<semaphore_mem>>) {add = true}
        %add3A_171 = arith.constant 0 : i32
        %add3A_172 = arith.addi %add3A_90, %add3A_171 : i32
        %add3A_173 = arith.constant 5 : i32
        %add3A_174 = arith.addi %add3A_172, %add3A_173 : i32
        %lt3A = arith.constant 160 : i32
        %lt3A_175 = arith.cmpi slt, %add3A_174, %lt3A : i32
        %convert_element_type3A_176 = arith.extui %lt3A_175 : i1 to i32
        %cond3A_177 = arith.constant 0 : i32
        %cond3A_178 = arith.cmpi ne, %convert_element_type3A_176, %cond3A_177 : i32
        scf.if %cond3A_178 {
          %dma_wait3A_215 = arith.constant 0 : i32
          %dma_wait3A_216 = tpu.memref_slice %arg9[%add3A_100, %dma_wait3A_215] : memref<160x128xi32, #tpu.memory_space<vmem>> -> memref<1x128xi32, #tpu.memory_space<vmem>>
          %dma_wait3A_217 = tpu.memref_squeeze %dma_wait3A_216 : memref<1x128xi32, #tpu.memory_space<vmem>> -> memref<128xi32, #tpu.memory_space<vmem>>
          %dma_wait3A_218 = arith.constant 0 : i32
          %dma_wait3A_219 = arith.constant 0 : i32
          %dma_wait3A_220 = tpu.memref_slice %arg15[%dma_wait3A_218, %dma_wait3A_219] : memref<10240x64xf32, #tpu.memory_space<vmem_shared>> -> memref<10240x64xf32, #tpu.memory_space<vmem_shared>>
          tpu.wait_indirect_dma semaphore(%arg21 : memref<!tpu.dma_semaphore, #tpu.memory_space<semaphore_mem>>) src(%arg10 : memref<128x64xf32, #tpu.memory_space<vmem>>) dst(%dma_wait3A_220 : memref<10240x64xf32, #tpu.memory_space<vmem_shared>>)
          %add3A_221 = arith.constant 0 : i32
          %add3A_222 = arith.addi %add3A_90, %add3A_221 : i32
          %add3A_223 = arith.constant 5 : i32
          %add3A_224 = arith.addi %add3A_222, %add3A_223 : i32
          %dma_start3A_225 = arith.constant 0 : i32
          %dma_start3A_226 = tpu.memref_slice %arg8[%add3A_224, %dma_start3A_225] : memref<160x128xi32, #tpu.memory_space<vmem>> -> memref<1x128xi32, #tpu.memory_space<vmem>>
          %dma_start3A_227 = tpu.memref_squeeze %dma_start3A_226 : memref<1x128xi32, #tpu.memory_space<vmem>> -> memref<128xi32, #tpu.memory_space<vmem>>
          %dma_start3A_228 = arith.constant 0 : i32
          %dma_start3A_229 = arith.constant 0 : i32
          %dma_start3A_230 = tpu.memref_slice %arg4[%dma_start3A_228, %dma_start3A_229] : memref<10240x64xf32, #tpu.memory_space<hbm>> -> memref<10240x64xf32, #tpu.memory_space<hbm>>
          tpu.enqueue_indirect_dma source(%dma_start3A_230 : memref<10240x64xf32, #tpu.memory_space<hbm>>) target(%arg10 : memref<128x64xf32, #tpu.memory_space<vmem>>) offsets(%dma_start3A_227 : memref<128xi32, #tpu.memory_space<vmem>>) semaphore(%arg16 : memref<!tpu.dma_semaphore, #tpu.memory_space<semaphore_mem>>)
        } else {
        }
        %add3A_179 = arith.constant 1 : i32
        %add3A_180 = arith.addi %add3A_90, %add3A_179 : i32
        %add3A_181 = arith.constant 5 : i32
        %add3A_182 = arith.addi %add3A_180, %add3A_181 : i32
        %lt3A_183 = arith.constant 160 : i32
        %lt3A_184 = arith.cmpi slt, %add3A_182, %lt3A_183 : i32
        %convert_element_type3A_185 = arith.extui %lt3A_184 : i1 to i32
        %cond3A_186 = arith.constant 0 : i32
        %cond3A_187 = arith.cmpi ne, %convert_element_type3A_185, %cond3A_186 : i32
        scf.if %cond3A_187 {
          %dma_wait3A_215 = arith.constant 0 : i32
          %dma_wait3A_216 = tpu.memref_slice %arg9[%add3A_116, %dma_wait3A_215] : memref<160x128xi32, #tpu.memory_space<vmem>> -> memref<1x128xi32, #tpu.memory_space<vmem>>
          %dma_wait3A_217 = tpu.memref_squeeze %dma_wait3A_216 : memref<1x128xi32, #tpu.memory_space<vmem>> -> memref<128xi32, #tpu.memory_space<vmem>>
          %dma_wait3A_218 = arith.constant 0 : i32
          %dma_wait3A_219 = arith.constant 0 : i32
          %dma_wait3A_220 = tpu.memref_slice %arg15[%dma_wait3A_218, %dma_wait3A_219] : memref<10240x64xf32, #tpu.memory_space<vmem_shared>> -> memref<10240x64xf32, #tpu.memory_space<vmem_shared>>
          tpu.wait_indirect_dma semaphore(%arg22 : memref<!tpu.dma_semaphore, #tpu.memory_space<semaphore_mem>>) src(%arg11 : memref<128x64xf32, #tpu.memory_space<vmem>>) dst(%dma_wait3A_220 : memref<10240x64xf32, #tpu.memory_space<vmem_shared>>)
          %add3A_221 = arith.constant 1 : i32
          %add3A_222 = arith.addi %add3A_90, %add3A_221 : i32
          %add3A_223 = arith.constant 5 : i32
          %add3A_224 = arith.addi %add3A_222, %add3A_223 : i32
          %dma_start3A_225 = arith.constant 0 : i32
          %dma_start3A_226 = tpu.memref_slice %arg8[%add3A_224, %dma_start3A_225] : memref<160x128xi32, #tpu.memory_space<vmem>> -> memref<1x128xi32, #tpu.memory_space<vmem>>
          %dma_start3A_227 = tpu.memref_squeeze %dma_start3A_226 : memref<1x128xi32, #tpu.memory_space<vmem>> -> memref<128xi32, #tpu.memory_space<vmem>>
          %dma_start3A_228 = arith.constant 0 : i32
          %dma_start3A_229 = arith.constant 0 : i32
          %dma_start3A_230 = tpu.memref_slice %arg4[%dma_start3A_228, %dma_start3A_229] : memref<10240x64xf32, #tpu.memory_space<hbm>> -> memref<10240x64xf32, #tpu.memory_space<hbm>>
          tpu.enqueue_indirect_dma source(%dma_start3A_230 : memref<10240x64xf32, #tpu.memory_space<hbm>>) target(%arg11 : memref<128x64xf32, #tpu.memory_space<vmem>>) offsets(%dma_start3A_227 : memref<128xi32, #tpu.memory_space<vmem>>) semaphore(%arg17 : memref<!tpu.dma_semaphore, #tpu.memory_space<semaphore_mem>>)
        } else {
        }
        %add3A_188 = arith.constant 2 : i32
        %add3A_189 = arith.addi %add3A_90, %add3A_188 : i32
        %add3A_190 = arith.constant 5 : i32
        %add3A_191 = arith.addi %add3A_189, %add3A_190 : i32
        %lt3A_192 = arith.constant 160 : i32
        %lt3A_193 = arith.cmpi slt, %add3A_191, %lt3A_192 : i32
        %convert_element_type3A_194 = arith.extui %lt3A_193 : i1 to i32
        %cond3A_195 = arith.constant 0 : i32
        %cond3A_196 = arith.cmpi ne, %convert_element_type3A_194, %cond3A_195 : i32
        scf.if %cond3A_196 {
          %dma_wait3A_215 = arith.constant 0 : i32
          %dma_wait3A_216 = tpu.memref_slice %arg9[%add3A_132, %dma_wait3A_215] : memref<160x128xi32, #tpu.memory_space<vmem>> -> memref<1x128xi32, #tpu.memory_space<vmem>>
          %dma_wait3A_217 = tpu.memref_squeeze %dma_wait3A_216 : memref<1x128xi32, #tpu.memory_space<vmem>> -> memref<128xi32, #tpu.memory_space<vmem>>
          %dma_wait3A_218 = arith.constant 0 : i32
          %dma_wait3A_219 = arith.constant 0 : i32
          %dma_wait3A_220 = tpu.memref_slice %arg15[%dma_wait3A_218, %dma_wait3A_219] : memref<10240x64xf32, #tpu.memory_space<vmem_shared>> -> memref<10240x64xf32, #tpu.memory_space<vmem_shared>>
          tpu.wait_indirect_dma semaphore(%arg23 : memref<!tpu.dma_semaphore, #tpu.memory_space<semaphore_mem>>) src(%arg12 : memref<128x64xf32, #tpu.memory_space<vmem>>) dst(%dma_wait3A_220 : memref<10240x64xf32, #tpu.memory_space<vmem_shared>>)
          %add3A_221 = arith.constant 2 : i32
          %add3A_222 = arith.addi %add3A_90, %add3A_221 : i32
          %add3A_223 = arith.constant 5 : i32
          %add3A_224 = arith.addi %add3A_222, %add3A_223 : i32
          %dma_start3A_225 = arith.constant 0 : i32
          %dma_start3A_226 = tpu.memref_slice %arg8[%add3A_224, %dma_start3A_225] : memref<160x128xi32, #tpu.memory_space<vmem>> -> memref<1x128xi32, #tpu.memory_space<vmem>>
          %dma_start3A_227 = tpu.memref_squeeze %dma_start3A_226 : memref<1x128xi32, #tpu.memory_space<vmem>> -> memref<128xi32, #tpu.memory_space<vmem>>
          %dma_start3A_228 = arith.constant 0 : i32
          %dma_start3A_229 = arith.constant 0 : i32
          %dma_start3A_230 = tpu.memref_slice %arg4[%dma_start3A_228, %dma_start3A_229] : memref<10240x64xf32, #tpu.memory_space<hbm>> -> memref<10240x64xf32, #tpu.memory_space<hbm>>
          tpu.enqueue_indirect_dma source(%dma_start3A_230 : memref<10240x64xf32, #tpu.memory_space<hbm>>) target(%arg12 : memref<128x64xf32, #tpu.memory_space<vmem>>) offsets(%dma_start3A_227 : memref<128xi32, #tpu.memory_space<vmem>>) semaphore(%arg18 : memref<!tpu.dma_semaphore, #tpu.memory_space<semaphore_mem>>)
        } else {
        }
        %add3A_197 = arith.constant 3 : i32
        %add3A_198 = arith.addi %add3A_90, %add3A_197 : i32
        %add3A_199 = arith.constant 5 : i32
        %add3A_200 = arith.addi %add3A_198, %add3A_199 : i32
        %lt3A_201 = arith.constant 160 : i32
        %lt3A_202 = arith.cmpi slt, %add3A_200, %lt3A_201 : i32
        %convert_element_type3A_203 = arith.extui %lt3A_202 : i1 to i32
        %cond3A_204 = arith.constant 0 : i32
        %cond3A_205 = arith.cmpi ne, %convert_element_type3A_203, %cond3A_204 : i32
        scf.if %cond3A_205 {
          %dma_wait3A_215 = arith.constant 0 : i32
          %dma_wait3A_216 = tpu.memref_slice %arg9[%add3A_148, %dma_wait3A_215] : memref<160x128xi32, #tpu.memory_space<vmem>> -> memref<1x128xi32, #tpu.memory_space<vmem>>
          %dma_wait3A_217 = tpu.memref_squeeze %dma_wait3A_216 : memref<1x128xi32, #tpu.memory_space<vmem>> -> memref<128xi32, #tpu.memory_space<vmem>>
          %dma_wait3A_218 = arith.constant 0 : i32
          %dma_wait3A_219 = arith.constant 0 : i32
          %dma_wait3A_220 = tpu.memref_slice %arg15[%dma_wait3A_218, %dma_wait3A_219] : memref<10240x64xf32, #tpu.memory_space<vmem_shared>> -> memref<10240x64xf32, #tpu.memory_space<vmem_shared>>
          tpu.wait_indirect_dma semaphore(%arg24 : memref<!tpu.dma_semaphore, #tpu.memory_space<semaphore_mem>>) src(%arg13 : memref<128x64xf32, #tpu.memory_space<vmem>>) dst(%dma_wait3A_220 : memref<10240x64xf32, #tpu.memory_space<vmem_shared>>)
          %add3A_221 = arith.constant 3 : i32
          %add3A_222 = arith.addi %add3A_90, %add3A_221 : i32
          %add3A_223 = arith.constant 5 : i32
          %add3A_224 = arith.addi %add3A_222, %add3A_223 : i32
          %dma_start3A_225 = arith.constant 0 : i32
          %dma_start3A_226 = tpu.memref_slice %arg8[%add3A_224, %dma_start3A_225] : memref<160x128xi32, #tpu.memory_space<vmem>> -> memref<1x128xi32, #tpu.memory_space<vmem>>
          %dma_start3A_227 = tpu.memref_squeeze %dma_start3A_226 : memref<1x128xi32, #tpu.memory_space<vmem>> -> memref<128xi32, #tpu.memory_space<vmem>>
          %dma_start3A_228 = arith.constant 0 : i32
          %dma_start3A_229 = arith.constant 0 : i32
          %dma_start3A_230 = tpu.memref_slice %arg4[%dma_start3A_228, %dma_start3A_229] : memref<10240x64xf32, #tpu.memory_space<hbm>> -> memref<10240x64xf32, #tpu.memory_space<hbm>>
          tpu.enqueue_indirect_dma source(%dma_start3A_230 : memref<10240x64xf32, #tpu.memory_space<hbm>>) target(%arg13 : memref<128x64xf32, #tpu.memory_space<vmem>>) offsets(%dma_start3A_227 : memref<128xi32, #tpu.memory_space<vmem>>) semaphore(%arg19 : memref<!tpu.dma_semaphore, #tpu.memory_space<semaphore_mem>>)
        } else {
        }
        %add3A_206 = arith.constant 4 : i32
        %add3A_207 = arith.addi %add3A_90, %add3A_206 : i32
        %add3A_208 = arith.constant 5 : i32
        %add3A_209 = arith.addi %add3A_207, %add3A_208 : i32
        %lt3A_210 = arith.constant 160 : i32
        %lt3A_211 = arith.cmpi slt, %add3A_209, %lt3A_210 : i32
        %convert_element_type3A_212 = arith.extui %lt3A_211 : i1 to i32
        %cond3A_213 = arith.constant 0 : i32
        %cond3A_214 = arith.cmpi ne, %convert_element_type3A_212, %cond3A_213 : i32
        scf.if %cond3A_214 {
          %dma_wait3A_215 = arith.constant 0 : i32
          %dma_wait3A_216 = tpu.memref_slice %arg9[%add3A_164, %dma_wait3A_215] : memref<160x128xi32, #tpu.memory_space<vmem>> -> memref<1x128xi32, #tpu.memory_space<vmem>>
          %dma_wait3A_217 = tpu.memref_squeeze %dma_wait3A_216 : memref<1x128xi32, #tpu.memory_space<vmem>> -> memref<128xi32, #tpu.memory_space<vmem>>
          %dma_wait3A_218 = arith.constant 0 : i32
          %dma_wait3A_219 = arith.constant 0 : i32
          %dma_wait3A_220 = tpu.memref_slice %arg15[%dma_wait3A_218, %dma_wait3A_219] : memref<10240x64xf32, #tpu.memory_space<vmem_shared>> -> memref<10240x64xf32, #tpu.memory_space<vmem_shared>>
          tpu.wait_indirect_dma semaphore(%arg25 : memref<!tpu.dma_semaphore, #tpu.memory_space<semaphore_mem>>) src(%arg14 : memref<128x64xf32, #tpu.memory_space<vmem>>) dst(%dma_wait3A_220 : memref<10240x64xf32, #tpu.memory_space<vmem_shared>>)
          %add3A_221 = arith.constant 4 : i32
          %add3A_222 = arith.addi %add3A_90, %add3A_221 : i32
          %add3A_223 = arith.constant 5 : i32
          %add3A_224 = arith.addi %add3A_222, %add3A_223 : i32
          %dma_start3A_225 = arith.constant 0 : i32
          %dma_start3A_226 = tpu.memref_slice %arg8[%add3A_224, %dma_start3A_225] : memref<160x128xi32, #tpu.memory_space<vmem>> -> memref<1x128xi32, #tpu.memory_space<vmem>>
          %dma_start3A_227 = tpu.memref_squeeze %dma_start3A_226 : memref<1x128xi32, #tpu.memory_space<vmem>> -> memref<128xi32, #tpu.memory_space<vmem>>
          %dma_start3A_228 = arith.constant 0 : i32
          %dma_start3A_229 = arith.constant 0 : i32
          %dma_start3A_230 = tpu.memref_slice %arg4[%dma_start3A_228, %dma_start3A_229] : memref<10240x64xf32, #tpu.memory_space<hbm>> -> memref<10240x64xf32, #tpu.memory_space<hbm>>
          tpu.enqueue_indirect_dma source(%dma_start3A_230 : memref<10240x64xf32, #tpu.memory_space<hbm>>) target(%arg14 : memref<128x64xf32, #tpu.memory_space<vmem>>) offsets(%dma_start3A_227 : memref<128xi32, #tpu.memory_space<vmem>>) semaphore(%arg20 : memref<!tpu.dma_semaphore, #tpu.memory_space<semaphore_mem>>)
        } else {
        }
      }
      %scan3A_52 = arith.constant 32 : i32
      %dma_wait3A = arith.constant 155 : i32
      %dma_wait3A_53 = arith.constant 0 : i32
      %dma_wait3A_54 = tpu.memref_slice %arg9[%dma_wait3A, %dma_wait3A_53] : memref<160x128xi32, #tpu.memory_space<vmem>> -> memref<1x128xi32, #tpu.memory_space<vmem>>
      %dma_wait3A_55 = tpu.memref_squeeze %dma_wait3A_54 : memref<1x128xi32, #tpu.memory_space<vmem>> -> memref<128xi32, #tpu.memory_space<vmem>>
      %dma_wait3A_56 = arith.constant 0 : i32
      %dma_wait3A_57 = arith.constant 0 : i32
      %dma_wait3A_58 = tpu.memref_slice %arg15[%dma_wait3A_56, %dma_wait3A_57] : memref<10240x64xf32, #tpu.memory_space<vmem_shared>> -> memref<10240x64xf32, #tpu.memory_space<vmem_shared>>
      tpu.wait_indirect_dma semaphore(%arg21 : memref<!tpu.dma_semaphore, #tpu.memory_space<semaphore_mem>>) src(%arg10 : memref<128x64xf32, #tpu.memory_space<vmem>>) dst(%dma_wait3A_58 : memref<10240x64xf32, #tpu.memory_space<vmem_shared>>)
      %dma_wait3A_59 = arith.constant 156 : i32
      %dma_wait3A_60 = arith.constant 0 : i32
      %dma_wait3A_61 = tpu.memref_slice %arg9[%dma_wait3A_59, %dma_wait3A_60] : memref<160x128xi32, #tpu.memory_space<vmem>> -> memref<1x128xi32, #tpu.memory_space<vmem>>
      %dma_wait3A_62 = tpu.memref_squeeze %dma_wait3A_61 : memref<1x128xi32, #tpu.memory_space<vmem>> -> memref<128xi32, #tpu.memory_space<vmem>>
      %dma_wait3A_63 = arith.constant 0 : i32
      %dma_wait3A_64 = arith.constant 0 : i32
      %dma_wait3A_65 = tpu.memref_slice %arg15[%dma_wait3A_63, %dma_wait3A_64] : memref<10240x64xf32, #tpu.memory_space<vmem_shared>> -> memref<10240x64xf32, #tpu.memory_space<vmem_shared>>
      tpu.wait_indirect_dma semaphore(%arg22 : memref<!tpu.dma_semaphore, #tpu.memory_space<semaphore_mem>>) src(%arg11 : memref<128x64xf32, #tpu.memory_space<vmem>>) dst(%dma_wait3A_65 : memref<10240x64xf32, #tpu.memory_space<vmem_shared>>)
      %dma_wait3A_66 = arith.constant 157 : i32
      %dma_wait3A_67 = arith.constant 0 : i32
      %dma_wait3A_68 = tpu.memref_slice %arg9[%dma_wait3A_66, %dma_wait3A_67] : memref<160x128xi32, #tpu.memory_space<vmem>> -> memref<1x128xi32, #tpu.memory_space<vmem>>
      %dma_wait3A_69 = tpu.memref_squeeze %dma_wait3A_68 : memref<1x128xi32, #tpu.memory_space<vmem>> -> memref<128xi32, #tpu.memory_space<vmem>>
      %dma_wait3A_70 = arith.constant 0 : i32
      %dma_wait3A_71 = arith.constant 0 : i32
      %dma_wait3A_72 = tpu.memref_slice %arg15[%dma_wait3A_70, %dma_wait3A_71] : memref<10240x64xf32, #tpu.memory_space<vmem_shared>> -> memref<10240x64xf32, #tpu.memory_space<vmem_shared>>
      tpu.wait_indirect_dma semaphore(%arg23 : memref<!tpu.dma_semaphore, #tpu.memory_space<semaphore_mem>>) src(%arg12 : memref<128x64xf32, #tpu.memory_space<vmem>>) dst(%dma_wait3A_72 : memref<10240x64xf32, #tpu.memory_space<vmem_shared>>)
      %dma_wait3A_73 = arith.constant 158 : i32
      %dma_wait3A_74 = arith.constant 0 : i32
      %dma_wait3A_75 = tpu.memref_slice %arg9[%dma_wait3A_73, %dma_wait3A_74] : memref<160x128xi32, #tpu.memory_space<vmem>> -> memref<1x128xi32, #tpu.memory_space<vmem>>
      %dma_wait3A_76 = tpu.memref_squeeze %dma_wait3A_75 : memref<1x128xi32, #tpu.memory_space<vmem>> -> memref<128xi32, #tpu.memory_space<vmem>>
      %dma_wait3A_77 = arith.constant 0 : i32
      %dma_wait3A_78 = arith.constant 0 : i32
      %dma_wait3A_79 = tpu.memref_slice %arg15[%dma_wait3A_77, %dma_wait3A_78] : memref<10240x64xf32, #tpu.memory_space<vmem_shared>> -> memref<10240x64xf32, #tpu.memory_space<vmem_shared>>
      tpu.wait_indirect_dma semaphore(%arg24 : memref<!tpu.dma_semaphore, #tpu.memory_space<semaphore_mem>>) src(%arg13 : memref<128x64xf32, #tpu.memory_space<vmem>>) dst(%dma_wait3A_79 : memref<10240x64xf32, #tpu.memory_space<vmem_shared>>)
      %dma_wait3A_80 = arith.constant 159 : i32
      %dma_wait3A_81 = arith.constant 0 : i32
      %dma_wait3A_82 = tpu.memref_slice %arg9[%dma_wait3A_80, %dma_wait3A_81] : memref<160x128xi32, #tpu.memory_space<vmem>> -> memref<1x128xi32, #tpu.memory_space<vmem>>
      %dma_wait3A_83 = tpu.memref_squeeze %dma_wait3A_82 : memref<1x128xi32, #tpu.memory_space<vmem>> -> memref<128xi32, #tpu.memory_space<vmem>>
      %dma_wait3A_84 = arith.constant 0 : i32
      %dma_wait3A_85 = arith.constant 0 : i32
      %dma_wait3A_86 = tpu.memref_slice %arg15[%dma_wait3A_84, %dma_wait3A_85] : memref<10240x64xf32, #tpu.memory_space<vmem_shared>> -> memref<10240x64xf32, #tpu.memory_space<vmem_shared>>
      tpu.wait_indirect_dma semaphore(%arg25 : memref<!tpu.dma_semaphore, #tpu.memory_space<semaphore_mem>>) src(%arg14 : memref<128x64xf32, #tpu.memory_space<vmem>>) dst(%dma_wait3A_86 : memref<10240x64xf32, #tpu.memory_space<vmem_shared>>)
    } else {
    }
    %eq3A_7 = arith.constant 1 : i32
    %eq3A_8 = arith.cmpi eq, %arg0, %eq3A_7 : i32
    %convert_element_type3A_9 = arith.extui %eq3A_8 : i1 to i32
    %cond3A_10 = arith.constant 0 : i32
    %cond3A_11 = arith.cmpi ne, %convert_element_type3A_9, %cond3A_10 : i32
    scf.if %cond3A_11 {
      %dma_start3A = arith.constant 0 : i32
      %dma_start3A_15 = arith.constant 0 : i32
      %dma_start3A_16 = tpu.memref_slice %arg8[%dma_start3A, %dma_start3A_15] : memref<160x128xi32, #tpu.memory_space<vmem>> -> memref<1x128xi32, #tpu.memory_space<vmem>>
      %dma_start3A_17 = tpu.memref_squeeze %dma_start3A_16 : memref<1x128xi32, #tpu.memory_space<vmem>> -> memref<128xi32, #tpu.memory_space<vmem>>
      %dma_start3A_18 = arith.constant 0 : i32
      %dma_start3A_19 = arith.constant 0 : i32
      %dma_start3A_20 = tpu.memref_slice %arg5[%dma_start3A_18, %dma_start3A_19] : memref<10240x64xf32, #tpu.memory_space<hbm>> -> memref<10240x64xf32, #tpu.memory_space<hbm>>
      tpu.enqueue_indirect_dma source(%dma_start3A_20 : memref<10240x64xf32, #tpu.memory_space<hbm>>) target(%arg10 : memref<128x64xf32, #tpu.memory_space<vmem>>) offsets(%dma_start3A_17 : memref<128xi32, #tpu.memory_space<vmem>>) semaphore(%arg16 : memref<!tpu.dma_semaphore, #tpu.memory_space<semaphore_mem>>)
      %dma_start3A_21 = arith.constant 1 : i32
      %dma_start3A_22 = arith.constant 0 : i32
      %dma_start3A_23 = tpu.memref_slice %arg8[%dma_start3A_21, %dma_start3A_22] : memref<160x128xi32, #tpu.memory_space<vmem>> -> memref<1x128xi32, #tpu.memory_space<vmem>>
      %dma_start3A_24 = tpu.memref_squeeze %dma_start3A_23 : memref<1x128xi32, #tpu.memory_space<vmem>> -> memref<128xi32, #tpu.memory_space<vmem>>
      %dma_start3A_25 = arith.constant 0 : i32
      %dma_start3A_26 = arith.constant 0 : i32
      %dma_start3A_27 = tpu.memref_slice %arg5[%dma_start3A_25, %dma_start3A_26] : memref<10240x64xf32, #tpu.memory_space<hbm>> -> memref<10240x64xf32, #tpu.memory_space<hbm>>
      tpu.enqueue_indirect_dma source(%dma_start3A_27 : memref<10240x64xf32, #tpu.memory_space<hbm>>) target(%arg11 : memref<128x64xf32, #tpu.memory_space<vmem>>) offsets(%dma_start3A_24 : memref<128xi32, #tpu.memory_space<vmem>>) semaphore(%arg17 : memref<!tpu.dma_semaphore, #tpu.memory_space<semaphore_mem>>)
      %dma_start3A_28 = arith.constant 2 : i32
      %dma_start3A_29 = arith.constant 0 : i32
      %dma_start3A_30 = tpu.memref_slice %arg8[%dma_start3A_28, %dma_start3A_29] : memref<160x128xi32, #tpu.memory_space<vmem>> -> memref<1x128xi32, #tpu.memory_space<vmem>>
      %dma_start3A_31 = tpu.memref_squeeze %dma_start3A_30 : memref<1x128xi32, #tpu.memory_space<vmem>> -> memref<128xi32, #tpu.memory_space<vmem>>
      %dma_start3A_32 = arith.constant 0 : i32
      %dma_start3A_33 = arith.constant 0 : i32
      %dma_start3A_34 = tpu.memref_slice %arg5[%dma_start3A_32, %dma_start3A_33] : memref<10240x64xf32, #tpu.memory_space<hbm>> -> memref<10240x64xf32, #tpu.memory_space<hbm>>
      tpu.enqueue_indirect_dma source(%dma_start3A_34 : memref<10240x64xf32, #tpu.memory_space<hbm>>) target(%arg12 : memref<128x64xf32, #tpu.memory_space<vmem>>) offsets(%dma_start3A_31 : memref<128xi32, #tpu.memory_space<vmem>>) semaphore(%arg18 : memref<!tpu.dma_semaphore, #tpu.memory_space<semaphore_mem>>)
      %dma_start3A_35 = arith.constant 3 : i32
      %dma_start3A_36 = arith.constant 0 : i32
      %dma_start3A_37 = tpu.memref_slice %arg8[%dma_start3A_35, %dma_start3A_36] : memref<160x128xi32, #tpu.memory_space<vmem>> -> memref<1x128xi32, #tpu.memory_space<vmem>>
      %dma_start3A_38 = tpu.memref_squeeze %dma_start3A_37 : memref<1x128xi32, #tpu.memory_space<vmem>> -> memref<128xi32, #tpu.memory_space<vmem>>
      %dma_start3A_39 = arith.constant 0 : i32
      %dma_start3A_40 = arith.constant 0 : i32
      %dma_start3A_41 = tpu.memref_slice %arg5[%dma_start3A_39, %dma_start3A_40] : memref<10240x64xf32, #tpu.memory_space<hbm>> -> memref<10240x64xf32, #tpu.memory_space<hbm>>
      tpu.enqueue_indirect_dma source(%dma_start3A_41 : memref<10240x64xf32, #tpu.memory_space<hbm>>) target(%arg13 : memref<128x64xf32, #tpu.memory_space<vmem>>) offsets(%dma_start3A_38 : memref<128xi32, #tpu.memory_space<vmem>>) semaphore(%arg19 : memref<!tpu.dma_semaphore, #tpu.memory_space<semaphore_mem>>)
      %dma_start3A_42 = arith.constant 4 : i32
      %dma_start3A_43 = arith.constant 0 : i32
      %dma_start3A_44 = tpu.memref_slice %arg8[%dma_start3A_42, %dma_start3A_43] : memref<160x128xi32, #tpu.memory_space<vmem>> -> memref<1x128xi32, #tpu.memory_space<vmem>>
      %dma_start3A_45 = tpu.memref_squeeze %dma_start3A_44 : memref<1x128xi32, #tpu.memory_space<vmem>> -> memref<128xi32, #tpu.memory_space<vmem>>
      %dma_start3A_46 = arith.constant 0 : i32
      %dma_start3A_47 = arith.constant 0 : i32
      %dma_start3A_48 = tpu.memref_slice %arg5[%dma_start3A_46, %dma_start3A_47] : memref<10240x64xf32, #tpu.memory_space<hbm>> -> memref<10240x64xf32, #tpu.memory_space<hbm>>
      tpu.enqueue_indirect_dma source(%dma_start3A_48 : memref<10240x64xf32, #tpu.memory_space<hbm>>) target(%arg14 : memref<128x64xf32, #tpu.memory_space<vmem>>) offsets(%dma_start3A_45 : memref<128xi32, #tpu.memory_space<vmem>>) semaphore(%arg20 : memref<!tpu.dma_semaphore, #tpu.memory_space<semaphore_mem>>)
      %scan3A = arith.constant 0 : i32
      %scan3A_49 = arith.constant 32 : i32
      %scan3A_50 = arith.addi %scan3A, %scan3A_49 : i32
      %scan3A_51 = arith.constant 1 : i32
      scf.for %scan3A_87 = %scan3A to %scan3A_50 step %scan3A_51  : i32 {
        %mul3A_88 = arith.constant 5 : i32
        %mul3A_89 = arith.muli %scan3A_87, %mul3A_88 : i32
        %add3A = arith.constant 0 : i32
        %add3A_90 = arith.addi %add3A, %mul3A_89 : i32
        %add3A_91 = arith.constant 0 : i32
        %add3A_92 = arith.addi %add3A_90, %add3A_91 : i32
        %dma_wait3A_93 = arith.constant 0 : i32
        %dma_wait3A_94 = tpu.memref_slice %arg8[%add3A_92, %dma_wait3A_93] : memref<160x128xi32, #tpu.memory_space<vmem>> -> memref<1x128xi32, #tpu.memory_space<vmem>>
        %dma_wait3A_95 = tpu.memref_squeeze %dma_wait3A_94 : memref<1x128xi32, #tpu.memory_space<vmem>> -> memref<128xi32, #tpu.memory_space<vmem>>
        %dma_wait3A_96 = arith.constant 0 : i32
        %dma_wait3A_97 = arith.constant 0 : i32
        %dma_wait3A_98 = tpu.memref_slice %arg5[%dma_wait3A_96, %dma_wait3A_97] : memref<10240x64xf32, #tpu.memory_space<hbm>> -> memref<10240x64xf32, #tpu.memory_space<hbm>>
        tpu.wait_indirect_dma semaphore(%arg16 : memref<!tpu.dma_semaphore, #tpu.memory_space<semaphore_mem>>) src(%dma_wait3A_98 : memref<10240x64xf32, #tpu.memory_space<hbm>>) dst(%arg10 : memref<128x64xf32, #tpu.memory_space<vmem>>)
        %add3A_99 = arith.constant 0 : i32
        %add3A_100 = arith.addi %add3A_90, %add3A_99 : i32
        %dma_start3A_101 = arith.constant 0 : i32
        %dma_start3A_102 = tpu.memref_slice %arg9[%add3A_100, %dma_start3A_101] : memref<160x128xi32, #tpu.memory_space<vmem>> -> memref<1x128xi32, #tpu.memory_space<vmem>>
        %dma_start3A_103 = tpu.memref_squeeze %dma_start3A_102 : memref<1x128xi32, #tpu.memory_space<vmem>> -> memref<128xi32, #tpu.memory_space<vmem>>
        %dma_start3A_104 = arith.constant 0 : i32
        %dma_start3A_105 = arith.constant 0 : i32
        %dma_start3A_106 = tpu.memref_slice %arg15[%dma_start3A_104, %dma_start3A_105] : memref<10240x64xf32, #tpu.memory_space<vmem_shared>> -> memref<10240x64xf32, #tpu.memory_space<vmem_shared>>
        tpu.enqueue_indirect_dma source(%arg10 : memref<128x64xf32, #tpu.memory_space<vmem>>) target(%dma_start3A_106 : memref<10240x64xf32, #tpu.memory_space<vmem_shared>>) offsets(%dma_start3A_103 : memref<128xi32, #tpu.memory_space<vmem>>) semaphore(%arg21 : memref<!tpu.dma_semaphore, #tpu.memory_space<semaphore_mem>>) {add = true}
        %add3A_107 = arith.constant 1 : i32
        %add3A_108 = arith.addi %add3A_90, %add3A_107 : i32
        %dma_wait3A_109 = arith.constant 0 : i32
        %dma_wait3A_110 = tpu.memref_slice %arg8[%add3A_108, %dma_wait3A_109] : memref<160x128xi32, #tpu.memory_space<vmem>> -> memref<1x128xi32, #tpu.memory_space<vmem>>
        %dma_wait3A_111 = tpu.memref_squeeze %dma_wait3A_110 : memref<1x128xi32, #tpu.memory_space<vmem>> -> memref<128xi32, #tpu.memory_space<vmem>>
        %dma_wait3A_112 = arith.constant 0 : i32
        %dma_wait3A_113 = arith.constant 0 : i32
        %dma_wait3A_114 = tpu.memref_slice %arg5[%dma_wait3A_112, %dma_wait3A_113] : memref<10240x64xf32, #tpu.memory_space<hbm>> -> memref<10240x64xf32, #tpu.memory_space<hbm>>
        tpu.wait_indirect_dma semaphore(%arg17 : memref<!tpu.dma_semaphore, #tpu.memory_space<semaphore_mem>>) src(%dma_wait3A_114 : memref<10240x64xf32, #tpu.memory_space<hbm>>) dst(%arg11 : memref<128x64xf32, #tpu.memory_space<vmem>>)
        %add3A_115 = arith.constant 1 : i32
        %add3A_116 = arith.addi %add3A_90, %add3A_115 : i32
        %dma_start3A_117 = arith.constant 0 : i32
        %dma_start3A_118 = tpu.memref_slice %arg9[%add3A_116, %dma_start3A_117] : memref<160x128xi32, #tpu.memory_space<vmem>> -> memref<1x128xi32, #tpu.memory_space<vmem>>
        %dma_start3A_119 = tpu.memref_squeeze %dma_start3A_118 : memref<1x128xi32, #tpu.memory_space<vmem>> -> memref<128xi32, #tpu.memory_space<vmem>>
        %dma_start3A_120 = arith.constant 0 : i32
        %dma_start3A_121 = arith.constant 0 : i32
        %dma_start3A_122 = tpu.memref_slice %arg15[%dma_start3A_120, %dma_start3A_121] : memref<10240x64xf32, #tpu.memory_space<vmem_shared>> -> memref<10240x64xf32, #tpu.memory_space<vmem_shared>>
        tpu.enqueue_indirect_dma source(%arg11 : memref<128x64xf32, #tpu.memory_space<vmem>>) target(%dma_start3A_122 : memref<10240x64xf32, #tpu.memory_space<vmem_shared>>) offsets(%dma_start3A_119 : memref<128xi32, #tpu.memory_space<vmem>>) semaphore(%arg22 : memref<!tpu.dma_semaphore, #tpu.memory_space<semaphore_mem>>) {add = true}
        %add3A_123 = arith.constant 2 : i32
        %add3A_124 = arith.addi %add3A_90, %add3A_123 : i32
        %dma_wait3A_125 = arith.constant 0 : i32
        %dma_wait3A_126 = tpu.memref_slice %arg8[%add3A_124, %dma_wait3A_125] : memref<160x128xi32, #tpu.memory_space<vmem>> -> memref<1x128xi32, #tpu.memory_space<vmem>>
        %dma_wait3A_127 = tpu.memref_squeeze %dma_wait3A_126 : memref<1x128xi32, #tpu.memory_space<vmem>> -> memref<128xi32, #tpu.memory_space<vmem>>
        %dma_wait3A_128 = arith.constant 0 : i32
        %dma_wait3A_129 = arith.constant 0 : i32
        %dma_wait3A_130 = tpu.memref_slice %arg5[%dma_wait3A_128, %dma_wait3A_129] : memref<10240x64xf32, #tpu.memory_space<hbm>> -> memref<10240x64xf32, #tpu.memory_space<hbm>>
        tpu.wait_indirect_dma semaphore(%arg18 : memref<!tpu.dma_semaphore, #tpu.memory_space<semaphore_mem>>) src(%dma_wait3A_130 : memref<10240x64xf32, #tpu.memory_space<hbm>>) dst(%arg12 : memref<128x64xf32, #tpu.memory_space<vmem>>)
        %add3A_131 = arith.constant 2 : i32
        %add3A_132 = arith.addi %add3A_90, %add3A_131 : i32
        %dma_start3A_133 = arith.constant 0 : i32
        %dma_start3A_134 = tpu.memref_slice %arg9[%add3A_132, %dma_start3A_133] : memref<160x128xi32, #tpu.memory_space<vmem>> -> memref<1x128xi32, #tpu.memory_space<vmem>>
        %dma_start3A_135 = tpu.memref_squeeze %dma_start3A_134 : memref<1x128xi32, #tpu.memory_space<vmem>> -> memref<128xi32, #tpu.memory_space<vmem>>
        %dma_start3A_136 = arith.constant 0 : i32
        %dma_start3A_137 = arith.constant 0 : i32
        %dma_start3A_138 = tpu.memref_slice %arg15[%dma_start3A_136, %dma_start3A_137] : memref<10240x64xf32, #tpu.memory_space<vmem_shared>> -> memref<10240x64xf32, #tpu.memory_space<vmem_shared>>
        tpu.enqueue_indirect_dma source(%arg12 : memref<128x64xf32, #tpu.memory_space<vmem>>) target(%dma_start3A_138 : memref<10240x64xf32, #tpu.memory_space<vmem_shared>>) offsets(%dma_start3A_135 : memref<128xi32, #tpu.memory_space<vmem>>) semaphore(%arg23 : memref<!tpu.dma_semaphore, #tpu.memory_space<semaphore_mem>>) {add = true}
        %add3A_139 = arith.constant 3 : i32
        %add3A_140 = arith.addi %add3A_90, %add3A_139 : i32
        %dma_wait3A_141 = arith.constant 0 : i32
        %dma_wait3A_142 = tpu.memref_slice %arg8[%add3A_140, %dma_wait3A_141] : memref<160x128xi32, #tpu.memory_space<vmem>> -> memref<1x128xi32, #tpu.memory_space<vmem>>
        %dma_wait3A_143 = tpu.memref_squeeze %dma_wait3A_142 : memref<1x128xi32, #tpu.memory_space<vmem>> -> memref<128xi32, #tpu.memory_space<vmem>>
        %dma_wait3A_144 = arith.constant 0 : i32
        %dma_wait3A_145 = arith.constant 0 : i32
        %dma_wait3A_146 = tpu.memref_slice %arg5[%dma_wait3A_144, %dma_wait3A_145] : memref<10240x64xf32, #tpu.memory_space<hbm>> -> memref<10240x64xf32, #tpu.memory_space<hbm>>
        tpu.wait_indirect_dma semaphore(%arg19 : memref<!tpu.dma_semaphore, #tpu.memory_space<semaphore_mem>>) src(%dma_wait3A_146 : memref<10240x64xf32, #tpu.memory_space<hbm>>) dst(%arg13 : memref<128x64xf32, #tpu.memory_space<vmem>>)
        %add3A_147 = arith.constant 3 : i32
        %add3A_148 = arith.addi %add3A_90, %add3A_147 : i32
        %dma_start3A_149 = arith.constant 0 : i32
        %dma_start3A_150 = tpu.memref_slice %arg9[%add3A_148, %dma_start3A_149] : memref<160x128xi32, #tpu.memory_space<vmem>> -> memref<1x128xi32, #tpu.memory_space<vmem>>
        %dma_start3A_151 = tpu.memref_squeeze %dma_start3A_150 : memref<1x128xi32, #tpu.memory_space<vmem>> -> memref<128xi32, #tpu.memory_space<vmem>>
        %dma_start3A_152 = arith.constant 0 : i32
        %dma_start3A_153 = arith.constant 0 : i32
        %dma_start3A_154 = tpu.memref_slice %arg15[%dma_start3A_152, %dma_start3A_153] : memref<10240x64xf32, #tpu.memory_space<vmem_shared>> -> memref<10240x64xf32, #tpu.memory_space<vmem_shared>>
        tpu.enqueue_indirect_dma source(%arg13 : memref<128x64xf32, #tpu.memory_space<vmem>>) target(%dma_start3A_154 : memref<10240x64xf32, #tpu.memory_space<vmem_shared>>) offsets(%dma_start3A_151 : memref<128xi32, #tpu.memory_space<vmem>>) semaphore(%arg24 : memref<!tpu.dma_semaphore, #tpu.memory_space<semaphore_mem>>) {add = true}
        %add3A_155 = arith.constant 4 : i32
        %add3A_156 = arith.addi %add3A_90, %add3A_155 : i32
        %dma_wait3A_157 = arith.constant 0 : i32
        %dma_wait3A_158 = tpu.memref_slice %arg8[%add3A_156, %dma_wait3A_157] : memref<160x128xi32, #tpu.memory_space<vmem>> -> memref<1x128xi32, #tpu.memory_space<vmem>>
        %dma_wait3A_159 = tpu.memref_squeeze %dma_wait3A_158 : memref<1x128xi32, #tpu.memory_space<vmem>> -> memref<128xi32, #tpu.memory_space<vmem>>
        %dma_wait3A_160 = arith.constant 0 : i32
        %dma_wait3A_161 = arith.constant 0 : i32
        %dma_wait3A_162 = tpu.memref_slice %arg5[%dma_wait3A_160, %dma_wait3A_161] : memref<10240x64xf32, #tpu.memory_space<hbm>> -> memref<10240x64xf32, #tpu.memory_space<hbm>>
        tpu.wait_indirect_dma semaphore(%arg20 : memref<!tpu.dma_semaphore, #tpu.memory_space<semaphore_mem>>) src(%dma_wait3A_162 : memref<10240x64xf32, #tpu.memory_space<hbm>>) dst(%arg14 : memref<128x64xf32, #tpu.memory_space<vmem>>)
        %add3A_163 = arith.constant 4 : i32
        %add3A_164 = arith.addi %add3A_90, %add3A_163 : i32
        %dma_start3A_165 = arith.constant 0 : i32
        %dma_start3A_166 = tpu.memref_slice %arg9[%add3A_164, %dma_start3A_165] : memref<160x128xi32, #tpu.memory_space<vmem>> -> memref<1x128xi32, #tpu.memory_space<vmem>>
        %dma_start3A_167 = tpu.memref_squeeze %dma_start3A_166 : memref<1x128xi32, #tpu.memory_space<vmem>> -> memref<128xi32, #tpu.memory_space<vmem>>
        %dma_start3A_168 = arith.constant 0 : i32
        %dma_start3A_169 = arith.constant 0 : i32
        %dma_start3A_170 = tpu.memref_slice %arg15[%dma_start3A_168, %dma_start3A_169] : memref<10240x64xf32, #tpu.memory_space<vmem_shared>> -> memref<10240x64xf32, #tpu.memory_space<vmem_shared>>
        tpu.enqueue_indirect_dma source(%arg14 : memref<128x64xf32, #tpu.memory_space<vmem>>) target(%dma_start3A_170 : memref<10240x64xf32, #tpu.memory_space<vmem_shared>>) offsets(%dma_start3A_167 : memref<128xi32, #tpu.memory_space<vmem>>) semaphore(%arg25 : memref<!tpu.dma_semaphore, #tpu.memory_space<semaphore_mem>>) {add = true}
        %add3A_171 = arith.constant 0 : i32
        %add3A_172 = arith.addi %add3A_90, %add3A_171 : i32
        %add3A_173 = arith.constant 5 : i32
        %add3A_174 = arith.addi %add3A_172, %add3A_173 : i32
        %lt3A = arith.constant 160 : i32
        %lt3A_175 = arith.cmpi slt, %add3A_174, %lt3A : i32
        %convert_element_type3A_176 = arith.extui %lt3A_175 : i1 to i32
        %cond3A_177 = arith.constant 0 : i32
        %cond3A_178 = arith.cmpi ne, %convert_element_type3A_176, %cond3A_177 : i32
        scf.if %cond3A_178 {
          %dma_wait3A_215 = arith.constant 0 : i32
          %dma_wait3A_216 = tpu.memref_slice %arg9[%add3A_100, %dma_wait3A_215] : memref<160x128xi32, #tpu.memory_space<vmem>> -> memref<1x128xi32, #tpu.memory_space<vmem>>
          %dma_wait3A_217 = tpu.memref_squeeze %dma_wait3A_216 : memref<1x128xi32, #tpu.memory_space<vmem>> -> memref<128xi32, #tpu.memory_space<vmem>>
          %dma_wait3A_218 = arith.constant 0 : i32
          %dma_wait3A_219 = arith.constant 0 : i32
          %dma_wait3A_220 = tpu.memref_slice %arg15[%dma_wait3A_218, %dma_wait3A_219] : memref<10240x64xf32, #tpu.memory_space<vmem_shared>> -> memref<10240x64xf32, #tpu.memory_space<vmem_shared>>
          tpu.wait_indirect_dma semaphore(%arg21 : memref<!tpu.dma_semaphore, #tpu.memory_space<semaphore_mem>>) src(%arg10 : memref<128x64xf32, #tpu.memory_space<vmem>>) dst(%dma_wait3A_220 : memref<10240x64xf32, #tpu.memory_space<vmem_shared>>)
          %add3A_221 = arith.constant 0 : i32
          %add3A_222 = arith.addi %add3A_90, %add3A_221 : i32
          %add3A_223 = arith.constant 5 : i32
          %add3A_224 = arith.addi %add3A_222, %add3A_223 : i32
          %dma_start3A_225 = arith.constant 0 : i32
          %dma_start3A_226 = tpu.memref_slice %arg8[%add3A_224, %dma_start3A_225] : memref<160x128xi32, #tpu.memory_space<vmem>> -> memref<1x128xi32, #tpu.memory_space<vmem>>
          %dma_start3A_227 = tpu.memref_squeeze %dma_start3A_226 : memref<1x128xi32, #tpu.memory_space<vmem>> -> memref<128xi32, #tpu.memory_space<vmem>>
          %dma_start3A_228 = arith.constant 0 : i32
          %dma_start3A_229 = arith.constant 0 : i32
          %dma_start3A_230 = tpu.memref_slice %arg5[%dma_start3A_228, %dma_start3A_229] : memref<10240x64xf32, #tpu.memory_space<hbm>> -> memref<10240x64xf32, #tpu.memory_space<hbm>>
          tpu.enqueue_indirect_dma source(%dma_start3A_230 : memref<10240x64xf32, #tpu.memory_space<hbm>>) target(%arg10 : memref<128x64xf32, #tpu.memory_space<vmem>>) offsets(%dma_start3A_227 : memref<128xi32, #tpu.memory_space<vmem>>) semaphore(%arg16 : memref<!tpu.dma_semaphore, #tpu.memory_space<semaphore_mem>>)
        } else {
        }
        %add3A_179 = arith.constant 1 : i32
        %add3A_180 = arith.addi %add3A_90, %add3A_179 : i32
        %add3A_181 = arith.constant 5 : i32
        %add3A_182 = arith.addi %add3A_180, %add3A_181 : i32
        %lt3A_183 = arith.constant 160 : i32
        %lt3A_184 = arith.cmpi slt, %add3A_182, %lt3A_183 : i32
        %convert_element_type3A_185 = arith.extui %lt3A_184 : i1 to i32
        %cond3A_186 = arith.constant 0 : i32
        %cond3A_187 = arith.cmpi ne, %convert_element_type3A_185, %cond3A_186 : i32
        scf.if %cond3A_187 {
          %dma_wait3A_215 = arith.constant 0 : i32
          %dma_wait3A_216 = tpu.memref_slice %arg9[%add3A_116, %dma_wait3A_215] : memref<160x128xi32, #tpu.memory_space<vmem>> -> memref<1x128xi32, #tpu.memory_space<vmem>>
          %dma_wait3A_217 = tpu.memref_squeeze %dma_wait3A_216 : memref<1x128xi32, #tpu.memory_space<vmem>> -> memref<128xi32, #tpu.memory_space<vmem>>
          %dma_wait3A_218 = arith.constant 0 : i32
          %dma_wait3A_219 = arith.constant 0 : i32
          %dma_wait3A_220 = tpu.memref_slice %arg15[%dma_wait3A_218, %dma_wait3A_219] : memref<10240x64xf32, #tpu.memory_space<vmem_shared>> -> memref<10240x64xf32, #tpu.memory_space<vmem_shared>>
          tpu.wait_indirect_dma semaphore(%arg22 : memref<!tpu.dma_semaphore, #tpu.memory_space<semaphore_mem>>) src(%arg11 : memref<128x64xf32, #tpu.memory_space<vmem>>) dst(%dma_wait3A_220 : memref<10240x64xf32, #tpu.memory_space<vmem_shared>>)
          %add3A_221 = arith.constant 1 : i32
          %add3A_222 = arith.addi %add3A_90, %add3A_221 : i32
          %add3A_223 = arith.constant 5 : i32
          %add3A_224 = arith.addi %add3A_222, %add3A_223 : i32
          %dma_start3A_225 = arith.constant 0 : i32
          %dma_start3A_226 = tpu.memref_slice %arg8[%add3A_224, %dma_start3A_225] : memref<160x128xi32, #tpu.memory_space<vmem>> -> memref<1x128xi32, #tpu.memory_space<vmem>>
          %dma_start3A_227 = tpu.memref_squeeze %dma_start3A_226 : memref<1x128xi32, #tpu.memory_space<vmem>> -> memref<128xi32, #tpu.memory_space<vmem>>
          %dma_start3A_228 = arith.constant 0 : i32
          %dma_start3A_229 = arith.constant 0 : i32
          %dma_start3A_230 = tpu.memref_slice %arg5[%dma_start3A_228, %dma_start3A_229] : memref<10240x64xf32, #tpu.memory_space<hbm>> -> memref<10240x64xf32, #tpu.memory_space<hbm>>
          tpu.enqueue_indirect_dma source(%dma_start3A_230 : memref<10240x64xf32, #tpu.memory_space<hbm>>) target(%arg11 : memref<128x64xf32, #tpu.memory_space<vmem>>) offsets(%dma_start3A_227 : memref<128xi32, #tpu.memory_space<vmem>>) semaphore(%arg17 : memref<!tpu.dma_semaphore, #tpu.memory_space<semaphore_mem>>)
        } else {
        }
        %add3A_188 = arith.constant 2 : i32
        %add3A_189 = arith.addi %add3A_90, %add3A_188 : i32
        %add3A_190 = arith.constant 5 : i32
        %add3A_191 = arith.addi %add3A_189, %add3A_190 : i32
        %lt3A_192 = arith.constant 160 : i32
        %lt3A_193 = arith.cmpi slt, %add3A_191, %lt3A_192 : i32
        %convert_element_type3A_194 = arith.extui %lt3A_193 : i1 to i32
        %cond3A_195 = arith.constant 0 : i32
        %cond3A_196 = arith.cmpi ne, %convert_element_type3A_194, %cond3A_195 : i32
        scf.if %cond3A_196 {
          %dma_wait3A_215 = arith.constant 0 : i32
          %dma_wait3A_216 = tpu.memref_slice %arg9[%add3A_132, %dma_wait3A_215] : memref<160x128xi32, #tpu.memory_space<vmem>> -> memref<1x128xi32, #tpu.memory_space<vmem>>
          %dma_wait3A_217 = tpu.memref_squeeze %dma_wait3A_216 : memref<1x128xi32, #tpu.memory_space<vmem>> -> memref<128xi32, #tpu.memory_space<vmem>>
          %dma_wait3A_218 = arith.constant 0 : i32
          %dma_wait3A_219 = arith.constant 0 : i32
          %dma_wait3A_220 = tpu.memref_slice %arg15[%dma_wait3A_218, %dma_wait3A_219] : memref<10240x64xf32, #tpu.memory_space<vmem_shared>> -> memref<10240x64xf32, #tpu.memory_space<vmem_shared>>
          tpu.wait_indirect_dma semaphore(%arg23 : memref<!tpu.dma_semaphore, #tpu.memory_space<semaphore_mem>>) src(%arg12 : memref<128x64xf32, #tpu.memory_space<vmem>>) dst(%dma_wait3A_220 : memref<10240x64xf32, #tpu.memory_space<vmem_shared>>)
          %add3A_221 = arith.constant 2 : i32
          %add3A_222 = arith.addi %add3A_90, %add3A_221 : i32
          %add3A_223 = arith.constant 5 : i32
          %add3A_224 = arith.addi %add3A_222, %add3A_223 : i32
          %dma_start3A_225 = arith.constant 0 : i32
          %dma_start3A_226 = tpu.memref_slice %arg8[%add3A_224, %dma_start3A_225] : memref<160x128xi32, #tpu.memory_space<vmem>> -> memref<1x128xi32, #tpu.memory_space<vmem>>
          %dma_start3A_227 = tpu.memref_squeeze %dma_start3A_226 : memref<1x128xi32, #tpu.memory_space<vmem>> -> memref<128xi32, #tpu.memory_space<vmem>>
          %dma_start3A_228 = arith.constant 0 : i32
          %dma_start3A_229 = arith.constant 0 : i32
          %dma_start3A_230 = tpu.memref_slice %arg5[%dma_start3A_228, %dma_start3A_229] : memref<10240x64xf32, #tpu.memory_space<hbm>> -> memref<10240x64xf32, #tpu.memory_space<hbm>>
          tpu.enqueue_indirect_dma source(%dma_start3A_230 : memref<10240x64xf32, #tpu.memory_space<hbm>>) target(%arg12 : memref<128x64xf32, #tpu.memory_space<vmem>>) offsets(%dma_start3A_227 : memref<128xi32, #tpu.memory_space<vmem>>) semaphore(%arg18 : memref<!tpu.dma_semaphore, #tpu.memory_space<semaphore_mem>>)
        } else {
        }
        %add3A_197 = arith.constant 3 : i32
        %add3A_198 = arith.addi %add3A_90, %add3A_197 : i32
        %add3A_199 = arith.constant 5 : i32
        %add3A_200 = arith.addi %add3A_198, %add3A_199 : i32
        %lt3A_201 = arith.constant 160 : i32
        %lt3A_202 = arith.cmpi slt, %add3A_200, %lt3A_201 : i32
        %convert_element_type3A_203 = arith.extui %lt3A_202 : i1 to i32
        %cond3A_204 = arith.constant 0 : i32
        %cond3A_205 = arith.cmpi ne, %convert_element_type3A_203, %cond3A_204 : i32
        scf.if %cond3A_205 {
          %dma_wait3A_215 = arith.constant 0 : i32
          %dma_wait3A_216 = tpu.memref_slice %arg9[%add3A_148, %dma_wait3A_215] : memref<160x128xi32, #tpu.memory_space<vmem>> -> memref<1x128xi32, #tpu.memory_space<vmem>>
          %dma_wait3A_217 = tpu.memref_squeeze %dma_wait3A_216 : memref<1x128xi32, #tpu.memory_space<vmem>> -> memref<128xi32, #tpu.memory_space<vmem>>
          %dma_wait3A_218 = arith.constant 0 : i32
          %dma_wait3A_219 = arith.constant 0 : i32
          %dma_wait3A_220 = tpu.memref_slice %arg15[%dma_wait3A_218, %dma_wait3A_219] : memref<10240x64xf32, #tpu.memory_space<vmem_shared>> -> memref<10240x64xf32, #tpu.memory_space<vmem_shared>>
          tpu.wait_indirect_dma semaphore(%arg24 : memref<!tpu.dma_semaphore, #tpu.memory_space<semaphore_mem>>) src(%arg13 : memref<128x64xf32, #tpu.memory_space<vmem>>) dst(%dma_wait3A_220 : memref<10240x64xf32, #tpu.memory_space<vmem_shared>>)
          %add3A_221 = arith.constant 3 : i32
          %add3A_222 = arith.addi %add3A_90, %add3A_221 : i32
          %add3A_223 = arith.constant 5 : i32
          %add3A_224 = arith.addi %add3A_222, %add3A_223 : i32
          %dma_start3A_225 = arith.constant 0 : i32
          %dma_start3A_226 = tpu.memref_slice %arg8[%add3A_224, %dma_start3A_225] : memref<160x128xi32, #tpu.memory_space<vmem>> -> memref<1x128xi32, #tpu.memory_space<vmem>>
          %dma_start3A_227 = tpu.memref_squeeze %dma_start3A_226 : memref<1x128xi32, #tpu.memory_space<vmem>> -> memref<128xi32, #tpu.memory_space<vmem>>
          %dma_start3A_228 = arith.constant 0 : i32
          %dma_start3A_229 = arith.constant 0 : i32
          %dma_start3A_230 = tpu.memref_slice %arg5[%dma_start3A_228, %dma_start3A_229] : memref<10240x64xf32, #tpu.memory_space<hbm>> -> memref<10240x64xf32, #tpu.memory_space<hbm>>
          tpu.enqueue_indirect_dma source(%dma_start3A_230 : memref<10240x64xf32, #tpu.memory_space<hbm>>) target(%arg13 : memref<128x64xf32, #tpu.memory_space<vmem>>) offsets(%dma_start3A_227 : memref<128xi32, #tpu.memory_space<vmem>>) semaphore(%arg19 : memref<!tpu.dma_semaphore, #tpu.memory_space<semaphore_mem>>)
        } else {
        }
        %add3A_206 = arith.constant 4 : i32
        %add3A_207 = arith.addi %add3A_90, %add3A_206 : i32
        %add3A_208 = arith.constant 5 : i32
        %add3A_209 = arith.addi %add3A_207, %add3A_208 : i32
        %lt3A_210 = arith.constant 160 : i32
        %lt3A_211 = arith.cmpi slt, %add3A_209, %lt3A_210 : i32
        %convert_element_type3A_212 = arith.extui %lt3A_211 : i1 to i32
        %cond3A_213 = arith.constant 0 : i32
        %cond3A_214 = arith.cmpi ne, %convert_element_type3A_212, %cond3A_213 : i32
        scf.if %cond3A_214 {
          %dma_wait3A_215 = arith.constant 0 : i32
          %dma_wait3A_216 = tpu.memref_slice %arg9[%add3A_164, %dma_wait3A_215] : memref<160x128xi32, #tpu.memory_space<vmem>> -> memref<1x128xi32, #tpu.memory_space<vmem>>
          %dma_wait3A_217 = tpu.memref_squeeze %dma_wait3A_216 : memref<1x128xi32, #tpu.memory_space<vmem>> -> memref<128xi32, #tpu.memory_space<vmem>>
          %dma_wait3A_218 = arith.constant 0 : i32
          %dma_wait3A_219 = arith.constant 0 : i32
          %dma_wait3A_220 = tpu.memref_slice %arg15[%dma_wait3A_218, %dma_wait3A_219] : memref<10240x64xf32, #tpu.memory_space<vmem_shared>> -> memref<10240x64xf32, #tpu.memory_space<vmem_shared>>
          tpu.wait_indirect_dma semaphore(%arg25 : memref<!tpu.dma_semaphore, #tpu.memory_space<semaphore_mem>>) src(%arg14 : memref<128x64xf32, #tpu.memory_space<vmem>>) dst(%dma_wait3A_220 : memref<10240x64xf32, #tpu.memory_space<vmem_shared>>)
          %add3A_221 = arith.constant 4 : i32
          %add3A_222 = arith.addi %add3A_90, %add3A_221 : i32
          %add3A_223 = arith.constant 5 : i32
          %add3A_224 = arith.addi %add3A_222, %add3A_223 : i32
          %dma_start3A_225 = arith.constant 0 : i32
          %dma_start3A_226 = tpu.memref_slice %arg8[%add3A_224, %dma_start3A_225] : memref<160x128xi32, #tpu.memory_space<vmem>> -> memref<1x128xi32, #tpu.memory_space<vmem>>
          %dma_start3A_227 = tpu.memref_squeeze %dma_start3A_226 : memref<1x128xi32, #tpu.memory_space<vmem>> -> memref<128xi32, #tpu.memory_space<vmem>>
          %dma_start3A_228 = arith.constant 0 : i32
          %dma_start3A_229 = arith.constant 0 : i32
          %dma_start3A_230 = tpu.memref_slice %arg5[%dma_start3A_228, %dma_start3A_229] : memref<10240x64xf32, #tpu.memory_space<hbm>> -> memref<10240x64xf32, #tpu.memory_space<hbm>>
          tpu.enqueue_indirect_dma source(%dma_start3A_230 : memref<10240x64xf32, #tpu.memory_space<hbm>>) target(%arg14 : memref<128x64xf32, #tpu.memory_space<vmem>>) offsets(%dma_start3A_227 : memref<128xi32, #tpu.memory_space<vmem>>) semaphore(%arg20 : memref<!tpu.dma_semaphore, #tpu.memory_space<semaphore_mem>>)
        } else {
        }
      }
      %scan3A_52 = arith.constant 32 : i32
      %dma_wait3A = arith.constant 155 : i32
      %dma_wait3A_53 = arith.constant 0 : i32
      %dma_wait3A_54 = tpu.memref_slice %arg9[%dma_wait3A, %dma_wait3A_53] : memref<160x128xi32, #tpu.memory_space<vmem>> -> memref<1x128xi32, #tpu.memory_space<vmem>>
      %dma_wait3A_55 = tpu.memref_squeeze %dma_wait3A_54 : memref<1x128xi32, #tpu.memory_space<vmem>> -> memref<128xi32, #tpu.memory_space<vmem>>
      %dma_wait3A_56 = arith.constant 0 : i32
      %dma_wait3A_57 = arith.constant 0 : i32
      %dma_wait3A_58 = tpu.memref_slice %arg15[%dma_wait3A_56, %dma_wait3A_57] : memref<10240x64xf32, #tpu.memory_space<vmem_shared>> -> memref<10240x64xf32, #tpu.memory_space<vmem_shared>>
      tpu.wait_indirect_dma semaphore(%arg21 : memref<!tpu.dma_semaphore, #tpu.memory_space<semaphore_mem>>) src(%arg10 : memref<128x64xf32, #tpu.memory_space<vmem>>) dst(%dma_wait3A_58 : memref<10240x64xf32, #tpu.memory_space<vmem_shared>>)
      %dma_wait3A_59 = arith.constant 156 : i32
      %dma_wait3A_60 = arith.constant 0 : i32
      %dma_wait3A_61 = tpu.memref_slice %arg9[%dma_wait3A_59, %dma_wait3A_60] : memref<160x128xi32, #tpu.memory_space<vmem>> -> memref<1x128xi32, #tpu.memory_space<vmem>>
      %dma_wait3A_62 = tpu.memref_squeeze %dma_wait3A_61 : memref<1x128xi32, #tpu.memory_space<vmem>> -> memref<128xi32, #tpu.memory_space<vmem>>
      %dma_wait3A_63 = arith.constant 0 : i32
      %dma_wait3A_64 = arith.constant 0 : i32
      %dma_wait3A_65 = tpu.memref_slice %arg15[%dma_wait3A_63, %dma_wait3A_64] : memref<10240x64xf32, #tpu.memory_space<vmem_shared>> -> memref<10240x64xf32, #tpu.memory_space<vmem_shared>>
      tpu.wait_indirect_dma semaphore(%arg22 : memref<!tpu.dma_semaphore, #tpu.memory_space<semaphore_mem>>) src(%arg11 : memref<128x64xf32, #tpu.memory_space<vmem>>) dst(%dma_wait3A_65 : memref<10240x64xf32, #tpu.memory_space<vmem_shared>>)
      %dma_wait3A_66 = arith.constant 157 : i32
      %dma_wait3A_67 = arith.constant 0 : i32
      %dma_wait3A_68 = tpu.memref_slice %arg9[%dma_wait3A_66, %dma_wait3A_67] : memref<160x128xi32, #tpu.memory_space<vmem>> -> memref<1x128xi32, #tpu.memory_space<vmem>>
      %dma_wait3A_69 = tpu.memref_squeeze %dma_wait3A_68 : memref<1x128xi32, #tpu.memory_space<vmem>> -> memref<128xi32, #tpu.memory_space<vmem>>
      %dma_wait3A_70 = arith.constant 0 : i32
      %dma_wait3A_71 = arith.constant 0 : i32
      %dma_wait3A_72 = tpu.memref_slice %arg15[%dma_wait3A_70, %dma_wait3A_71] : memref<10240x64xf32, #tpu.memory_space<vmem_shared>> -> memref<10240x64xf32, #tpu.memory_space<vmem_shared>>
      tpu.wait_indirect_dma semaphore(%arg23 : memref<!tpu.dma_semaphore, #tpu.memory_space<semaphore_mem>>) src(%arg12 : memref<128x64xf32, #tpu.memory_space<vmem>>) dst(%dma_wait3A_72 : memref<10240x64xf32, #tpu.memory_space<vmem_shared>>)
      %dma_wait3A_73 = arith.constant 158 : i32
      %dma_wait3A_74 = arith.constant 0 : i32
      %dma_wait3A_75 = tpu.memref_slice %arg9[%dma_wait3A_73, %dma_wait3A_74] : memref<160x128xi32, #tpu.memory_space<vmem>> -> memref<1x128xi32, #tpu.memory_space<vmem>>
      %dma_wait3A_76 = tpu.memref_squeeze %dma_wait3A_75 : memref<1x128xi32, #tpu.memory_space<vmem>> -> memref<128xi32, #tpu.memory_space<vmem>>
      %dma_wait3A_77 = arith.constant 0 : i32
      %dma_wait3A_78 = arith.constant 0 : i32
      %dma_wait3A_79 = tpu.memref_slice %arg15[%dma_wait3A_77, %dma_wait3A_78] : memref<10240x64xf32, #tpu.memory_space<vmem_shared>> -> memref<10240x64xf32, #tpu.memory_space<vmem_shared>>
      tpu.wait_indirect_dma semaphore(%arg24 : memref<!tpu.dma_semaphore, #tpu.memory_space<semaphore_mem>>) src(%arg13 : memref<128x64xf32, #tpu.memory_space<vmem>>) dst(%dma_wait3A_79 : memref<10240x64xf32, #tpu.memory_space<vmem_shared>>)
      %dma_wait3A_80 = arith.constant 159 : i32
      %dma_wait3A_81 = arith.constant 0 : i32
      %dma_wait3A_82 = tpu.memref_slice %arg9[%dma_wait3A_80, %dma_wait3A_81] : memref<160x128xi32, #tpu.memory_space<vmem>> -> memref<1x128xi32, #tpu.memory_space<vmem>>
      %dma_wait3A_83 = tpu.memref_squeeze %dma_wait3A_82 : memref<1x128xi32, #tpu.memory_space<vmem>> -> memref<128xi32, #tpu.memory_space<vmem>>
      %dma_wait3A_84 = arith.constant 0 : i32
      %dma_wait3A_85 = arith.constant 0 : i32
      %dma_wait3A_86 = tpu.memref_slice %arg15[%dma_wait3A_84, %dma_wait3A_85] : memref<10240x64xf32, #tpu.memory_space<vmem_shared>> -> memref<10240x64xf32, #tpu.memory_space<vmem_shared>>
      tpu.wait_indirect_dma semaphore(%arg25 : memref<!tpu.dma_semaphore, #tpu.memory_space<semaphore_mem>>) src(%arg14 : memref<128x64xf32, #tpu.memory_space<vmem>>) dst(%dma_wait3A_86 : memref<10240x64xf32, #tpu.memory_space<vmem_shared>>)
    } else {
    }
    %barrier3A_12 = arith.constant 0 : index
    tpu.barrier barrier_id(%barrier3A_12)
    %mul3A_13 = arith.constant 640 : i32
    %mul3A_14 = arith.muli %arg1, %mul3A_13 : i32
    "tpu.region"() ({
      %run_scoped3A = tpu.sem_alloc : memref<!tpu.dma_semaphore, #tpu.memory_space<semaphore_mem>>
      %dma_start3A = arith.constant 0 : i32
      %dma_start3A_15 = tpu.memref_slice %arg7[%arg0, %mul3A_14, %dma_start3A] : memref<2x10240x64xf32, #tpu.memory_space<hbm>> -> memref<1x640x64xf32, #tpu.memory_space<hbm>>
      %dma_start3A_16 = tpu.memref_squeeze %dma_start3A_15 : memref<1x640x64xf32, #tpu.memory_space<hbm>> -> memref<640x64xf32, #tpu.memory_space<hbm>>
      %dma_start3A_17 = arith.constant 0 : i32
      %dma_start3A_18 = tpu.memref_slice %arg15[%mul3A_14, %dma_start3A_17] : memref<10240x64xf32, #tpu.memory_space<vmem_shared>> -> memref<640x64xf32, #tpu.memory_space<vmem_shared>>
      tpu.enqueue_dma source(%dma_start3A_18 : memref<640x64xf32, #tpu.memory_space<vmem_shared>>) target(%dma_start3A_16 : memref<640x64xf32, #tpu.memory_space<hbm>>) target_semaphore(%run_scoped3A : memref<!tpu.dma_semaphore, #tpu.memory_space<semaphore_mem>>)
      %dma_wait3A = arith.constant 0 : i32
      %dma_wait3A_19 = tpu.memref_slice %arg7[%arg0, %mul3A_14, %dma_wait3A] : memref<2x10240x64xf32, #tpu.memory_space<hbm>> -> memref<1x640x64xf32, #tpu.memory_space<hbm>>
      %dma_wait3A_20 = tpu.memref_squeeze %dma_wait3A_19 : memref<1x640x64xf32, #tpu.memory_space<hbm>> -> memref<640x64xf32, #tpu.memory_space<hbm>>
      %dma_wait3A_21 = arith.constant 0 : i32
      %dma_wait3A_22 = tpu.memref_slice %arg15[%mul3A_14, %dma_wait3A_21] : memref<10240x64xf32, #tpu.memory_space<vmem_shared>> -> memref<640x64xf32, #tpu.memory_space<vmem_shared>>
      tpu.wait_dma2 semaphore(%run_scoped3A : memref<!tpu.dma_semaphore, #tpu.memory_space<semaphore_mem>>) src(%dma_wait3A_22 : memref<640x64xf32, #tpu.memory_space<vmem_shared>>) dst(%dma_wait3A_20 : memref<640x64xf32, #tpu.memory_space<hbm>>)
      tpu.yield
    }) : () -> ()
    return
  }
}

#map = affine_map<(d0, d1) -> (0, 0)>
#map1 = affine_map<(d0, d1) -> (0, 0, 0)>
module attributes {stable_mosaic.version = 14 : i64} {
  func.func @_prop(%arg0: i32, %arg1: i32, %arg2: memref<2560x128xi32, #tpu.memory_space<hbm>>, %arg3: memref<2560x128xi32, #tpu.memory_space<hbm>>, %arg4: memref<10240x16xf32, #tpu.memory_space<hbm>>, %arg5: memref<640x16xf32, #tpu.memory_space<hbm>>, %arg6: memref<2x10240x16xf32, #tpu.memory_space<hbm>>, %arg7: memref<80x128xi32, #tpu.memory_space<vmem>>, %arg8: memref<80x128xi32, #tpu.memory_space<vmem>>, %arg9: memref<128x16xf32, #tpu.memory_space<vmem>>, %arg10: memref<128x16xf32, #tpu.memory_space<vmem>>, %arg11: memref<128x16xf32, #tpu.memory_space<vmem>>, %arg12: memref<128x16xf32, #tpu.memory_space<vmem>>, %arg13: memref<128x16xf32, #tpu.memory_space<vmem>>, %arg14: memref<128x16xf32, #tpu.memory_space<vmem>>, %arg15: memref<128x16xf32, #tpu.memory_space<vmem>>, %arg16: memref<128x16xf32, #tpu.memory_space<vmem>>, %arg17: memref<10240x16xf32, #tpu.memory_space<vmem_shared>>, %arg18: memref<!tpu.dma_semaphore, #tpu.memory_space<semaphore_mem>>, %arg19: memref<!tpu.dma_semaphore, #tpu.memory_space<semaphore_mem>>, %arg20: memref<!tpu.dma_semaphore, #tpu.memory_space<semaphore_mem>>, %arg21: memref<!tpu.dma_semaphore, #tpu.memory_space<semaphore_mem>>, %arg22: memref<!tpu.dma_semaphore, #tpu.memory_space<semaphore_mem>>, %arg23: memref<!tpu.dma_semaphore, #tpu.memory_space<semaphore_mem>>, %arg24: memref<!tpu.dma_semaphore, #tpu.memory_space<semaphore_mem>>, %arg25: memref<!tpu.dma_semaphore, #tpu.memory_space<semaphore_mem>>, %arg26: memref<!tpu.dma_semaphore, #tpu.memory_space<semaphore_mem>>, %arg27: memref<!tpu.dma_semaphore, #tpu.memory_space<semaphore_mem>>, %arg28: memref<!tpu.dma_semaphore, #tpu.memory_space<semaphore_mem>>, %arg29: memref<!tpu.dma_semaphore, #tpu.memory_space<semaphore_mem>>, %arg30: memref<!tpu.dma_semaphore, #tpu.memory_space<semaphore_mem>>, %arg31: memref<!tpu.dma_semaphore, #tpu.memory_space<semaphore_mem>>, %arg32: memref<!tpu.dma_semaphore, #tpu.memory_space<semaphore_mem>>, %arg33: memref<!tpu.dma_semaphore, #tpu.memory_space<semaphore_mem>>) attributes {dimension_semantics = [#tpu.dimension_semantics<core_parallel>, #tpu.dimension_semantics<subcore_parallel>], iteration_bounds = array<i64: 2, 16>, scalar_prefetch = 0 : i64, scratch_operands = 27 : i64, tpu.core_type = #tpu.core_type<sc_vector_subcore>, window_params = [{transform_indices = #map}, {transform_indices = #map}, {transform_indices = #map}, {transform_indices = #map}, {transform_indices = #map1}]} {
    %mul3A = arith.constant 2 : i32
    %mul3A_0 = arith.muli %arg1, %mul3A : i32
    %add3A = arith.addi %mul3A_0, %arg0 : i32
    %mul3A_1 = arith.constant 80 : i32
    %mul3A_2 = arith.muli %add3A, %mul3A_1 : i32
    "tpu.region"() ({
      %run_scoped3A = tpu.sem_alloc : memref<!tpu.dma_semaphore, #tpu.memory_space<semaphore_mem>>
      %dma_start3A_124 = arith.constant 0 : i32
      %dma_start3A_125 = tpu.memref_slice %arg2[%mul3A_2, %dma_start3A_124] : memref<2560x128xi32, #tpu.memory_space<hbm>> -> memref<80x128xi32, #tpu.memory_space<hbm>>
      %dma_start3A_126 = arith.constant 0 : i32
      %dma_start3A_127 = tpu.memref_slice %arg2[%mul3A_2, %dma_start3A_126] : memref<2560x128xi32, #tpu.memory_space<hbm>> -> memref<80x128xi32, #tpu.memory_space<hbm>>
      tpu.enqueue_dma source(%dma_start3A_127 : memref<80x128xi32, #tpu.memory_space<hbm>>) target(%arg7 : memref<80x128xi32, #tpu.memory_space<vmem>>) target_semaphore(%run_scoped3A : memref<!tpu.dma_semaphore, #tpu.memory_space<semaphore_mem>>)
      %dma_wait3A_128 = arith.constant 0 : i32
      %dma_wait3A_129 = tpu.memref_slice %arg2[%mul3A_2, %dma_wait3A_128] : memref<2560x128xi32, #tpu.memory_space<hbm>> -> memref<80x128xi32, #tpu.memory_space<hbm>>
      %dma_wait3A_130 = arith.constant 0 : i32
      %dma_wait3A_131 = tpu.memref_slice %arg2[%mul3A_2, %dma_wait3A_130] : memref<2560x128xi32, #tpu.memory_space<hbm>> -> memref<80x128xi32, #tpu.memory_space<hbm>>
      tpu.wait_dma2 semaphore(%run_scoped3A : memref<!tpu.dma_semaphore, #tpu.memory_space<semaphore_mem>>) src(%dma_wait3A_131 : memref<80x128xi32, #tpu.memory_space<hbm>>) dst(%arg7 : memref<80x128xi32, #tpu.memory_space<vmem>>)
      tpu.yield
    }) : () -> ()
    %mul3A_3 = arith.constant 80 : i32
    %mul3A_4 = arith.muli %add3A, %mul3A_3 : i32
    "tpu.region"() ({
      %run_scoped3A = tpu.sem_alloc : memref<!tpu.dma_semaphore, #tpu.memory_space<semaphore_mem>>
      %dma_start3A_124 = arith.constant 0 : i32
      %dma_start3A_125 = tpu.memref_slice %arg3[%mul3A_4, %dma_start3A_124] : memref<2560x128xi32, #tpu.memory_space<hbm>> -> memref<80x128xi32, #tpu.memory_space<hbm>>
      %dma_start3A_126 = arith.constant 0 : i32
      %dma_start3A_127 = tpu.memref_slice %arg3[%mul3A_4, %dma_start3A_126] : memref<2560x128xi32, #tpu.memory_space<hbm>> -> memref<80x128xi32, #tpu.memory_space<hbm>>
      tpu.enqueue_dma source(%dma_start3A_127 : memref<80x128xi32, #tpu.memory_space<hbm>>) target(%arg8 : memref<80x128xi32, #tpu.memory_space<vmem>>) target_semaphore(%run_scoped3A : memref<!tpu.dma_semaphore, #tpu.memory_space<semaphore_mem>>)
      %dma_wait3A_128 = arith.constant 0 : i32
      %dma_wait3A_129 = tpu.memref_slice %arg3[%mul3A_4, %dma_wait3A_128] : memref<2560x128xi32, #tpu.memory_space<hbm>> -> memref<80x128xi32, #tpu.memory_space<hbm>>
      %dma_wait3A_130 = arith.constant 0 : i32
      %dma_wait3A_131 = tpu.memref_slice %arg3[%mul3A_4, %dma_wait3A_130] : memref<2560x128xi32, #tpu.memory_space<hbm>> -> memref<80x128xi32, #tpu.memory_space<hbm>>
      tpu.wait_dma2 semaphore(%run_scoped3A : memref<!tpu.dma_semaphore, #tpu.memory_space<semaphore_mem>>) src(%dma_wait3A_131 : memref<80x128xi32, #tpu.memory_space<hbm>>) dst(%arg8 : memref<80x128xi32, #tpu.memory_space<vmem>>)
      tpu.yield
    }) : () -> ()
    %mul3A_5 = arith.constant 640 : i32
    %mul3A_6 = arith.muli %arg1, %mul3A_5 : i32
    "tpu.region"() ({
      %run_scoped3A = tpu.sem_alloc : memref<!tpu.dma_semaphore, #tpu.memory_space<semaphore_mem>>
      %dma_start3A_124 = arith.constant 0 : i32
      %dma_start3A_125 = tpu.memref_slice %arg17[%mul3A_6, %dma_start3A_124] : memref<10240x16xf32, #tpu.memory_space<vmem_shared>> -> memref<640x16xf32, #tpu.memory_space<vmem_shared>>
      tpu.enqueue_dma source(%arg5 : memref<640x16xf32, #tpu.memory_space<hbm>>) target(%dma_start3A_125 : memref<640x16xf32, #tpu.memory_space<vmem_shared>>) target_semaphore(%run_scoped3A : memref<!tpu.dma_semaphore, #tpu.memory_space<semaphore_mem>>)
      %dma_wait3A_126 = arith.constant 0 : i32
      %dma_wait3A_127 = tpu.memref_slice %arg17[%mul3A_6, %dma_wait3A_126] : memref<10240x16xf32, #tpu.memory_space<vmem_shared>> -> memref<640x16xf32, #tpu.memory_space<vmem_shared>>
      tpu.wait_dma2 semaphore(%run_scoped3A : memref<!tpu.dma_semaphore, #tpu.memory_space<semaphore_mem>>) src(%arg5 : memref<640x16xf32, #tpu.memory_space<hbm>>) dst(%dma_wait3A_127 : memref<640x16xf32, #tpu.memory_space<vmem_shared>>)
      tpu.yield
    }) : () -> ()
    %barrier3A = arith.constant 0 : index
    tpu.barrier barrier_id(%barrier3A)
    %dma_start3A = arith.constant 0 : i32
    %dma_start3A_7 = arith.constant 0 : i32
    %dma_start3A_8 = tpu.memref_slice %arg7[%dma_start3A, %dma_start3A_7] : memref<80x128xi32, #tpu.memory_space<vmem>> -> memref<1x128xi32, #tpu.memory_space<vmem>>
    %dma_start3A_9 = tpu.memref_squeeze %dma_start3A_8 : memref<1x128xi32, #tpu.memory_space<vmem>> -> memref<128xi32, #tpu.memory_space<vmem>>
    %dma_start3A_10 = arith.constant 0 : i32
    %dma_start3A_11 = arith.constant 0 : i32
    %dma_start3A_12 = tpu.memref_slice %arg4[%dma_start3A_10, %dma_start3A_11] : memref<10240x16xf32, #tpu.memory_space<hbm>> -> memref<10240x16xf32, #tpu.memory_space<hbm>>
    tpu.enqueue_indirect_dma source(%dma_start3A_12 : memref<10240x16xf32, #tpu.memory_space<hbm>>) target(%arg9 : memref<128x16xf32, #tpu.memory_space<vmem>>) offsets(%dma_start3A_9 : memref<128xi32, #tpu.memory_space<vmem>>) semaphore(%arg18 : memref<!tpu.dma_semaphore, #tpu.memory_space<semaphore_mem>>)
    %dma_start3A_13 = arith.constant 1 : i32
    %dma_start3A_14 = arith.constant 0 : i32
    %dma_start3A_15 = tpu.memref_slice %arg7[%dma_start3A_13, %dma_start3A_14] : memref<80x128xi32, #tpu.memory_space<vmem>> -> memref<1x128xi32, #tpu.memory_space<vmem>>
    %dma_start3A_16 = tpu.memref_squeeze %dma_start3A_15 : memref<1x128xi32, #tpu.memory_space<vmem>> -> memref<128xi32, #tpu.memory_space<vmem>>
    %dma_start3A_17 = arith.constant 0 : i32
    %dma_start3A_18 = arith.constant 0 : i32
    %dma_start3A_19 = tpu.memref_slice %arg4[%dma_start3A_17, %dma_start3A_18] : memref<10240x16xf32, #tpu.memory_space<hbm>> -> memref<10240x16xf32, #tpu.memory_space<hbm>>
    tpu.enqueue_indirect_dma source(%dma_start3A_19 : memref<10240x16xf32, #tpu.memory_space<hbm>>) target(%arg10 : memref<128x16xf32, #tpu.memory_space<vmem>>) offsets(%dma_start3A_16 : memref<128xi32, #tpu.memory_space<vmem>>) semaphore(%arg19 : memref<!tpu.dma_semaphore, #tpu.memory_space<semaphore_mem>>)
    %dma_start3A_20 = arith.constant 2 : i32
    %dma_start3A_21 = arith.constant 0 : i32
    %dma_start3A_22 = tpu.memref_slice %arg7[%dma_start3A_20, %dma_start3A_21] : memref<80x128xi32, #tpu.memory_space<vmem>> -> memref<1x128xi32, #tpu.memory_space<vmem>>
    %dma_start3A_23 = tpu.memref_squeeze %dma_start3A_22 : memref<1x128xi32, #tpu.memory_space<vmem>> -> memref<128xi32, #tpu.memory_space<vmem>>
    %dma_start3A_24 = arith.constant 0 : i32
    %dma_start3A_25 = arith.constant 0 : i32
    %dma_start3A_26 = tpu.memref_slice %arg4[%dma_start3A_24, %dma_start3A_25] : memref<10240x16xf32, #tpu.memory_space<hbm>> -> memref<10240x16xf32, #tpu.memory_space<hbm>>
    tpu.enqueue_indirect_dma source(%dma_start3A_26 : memref<10240x16xf32, #tpu.memory_space<hbm>>) target(%arg11 : memref<128x16xf32, #tpu.memory_space<vmem>>) offsets(%dma_start3A_23 : memref<128xi32, #tpu.memory_space<vmem>>) semaphore(%arg20 : memref<!tpu.dma_semaphore, #tpu.memory_space<semaphore_mem>>)
    %dma_start3A_27 = arith.constant 3 : i32
    %dma_start3A_28 = arith.constant 0 : i32
    %dma_start3A_29 = tpu.memref_slice %arg7[%dma_start3A_27, %dma_start3A_28] : memref<80x128xi32, #tpu.memory_space<vmem>> -> memref<1x128xi32, #tpu.memory_space<vmem>>
    %dma_start3A_30 = tpu.memref_squeeze %dma_start3A_29 : memref<1x128xi32, #tpu.memory_space<vmem>> -> memref<128xi32, #tpu.memory_space<vmem>>
    %dma_start3A_31 = arith.constant 0 : i32
    %dma_start3A_32 = arith.constant 0 : i32
    %dma_start3A_33 = tpu.memref_slice %arg4[%dma_start3A_31, %dma_start3A_32] : memref<10240x16xf32, #tpu.memory_space<hbm>> -> memref<10240x16xf32, #tpu.memory_space<hbm>>
    tpu.enqueue_indirect_dma source(%dma_start3A_33 : memref<10240x16xf32, #tpu.memory_space<hbm>>) target(%arg12 : memref<128x16xf32, #tpu.memory_space<vmem>>) offsets(%dma_start3A_30 : memref<128xi32, #tpu.memory_space<vmem>>) semaphore(%arg21 : memref<!tpu.dma_semaphore, #tpu.memory_space<semaphore_mem>>)
    %dma_start3A_34 = arith.constant 4 : i32
    %dma_start3A_35 = arith.constant 0 : i32
    %dma_start3A_36 = tpu.memref_slice %arg7[%dma_start3A_34, %dma_start3A_35] : memref<80x128xi32, #tpu.memory_space<vmem>> -> memref<1x128xi32, #tpu.memory_space<vmem>>
    %dma_start3A_37 = tpu.memref_squeeze %dma_start3A_36 : memref<1x128xi32, #tpu.memory_space<vmem>> -> memref<128xi32, #tpu.memory_space<vmem>>
    %dma_start3A_38 = arith.constant 0 : i32
    %dma_start3A_39 = arith.constant 0 : i32
    %dma_start3A_40 = tpu.memref_slice %arg4[%dma_start3A_38, %dma_start3A_39] : memref<10240x16xf32, #tpu.memory_space<hbm>> -> memref<10240x16xf32, #tpu.memory_space<hbm>>
    tpu.enqueue_indirect_dma source(%dma_start3A_40 : memref<10240x16xf32, #tpu.memory_space<hbm>>) target(%arg13 : memref<128x16xf32, #tpu.memory_space<vmem>>) offsets(%dma_start3A_37 : memref<128xi32, #tpu.memory_space<vmem>>) semaphore(%arg22 : memref<!tpu.dma_semaphore, #tpu.memory_space<semaphore_mem>>)
    %dma_start3A_41 = arith.constant 5 : i32
    %dma_start3A_42 = arith.constant 0 : i32
    %dma_start3A_43 = tpu.memref_slice %arg7[%dma_start3A_41, %dma_start3A_42] : memref<80x128xi32, #tpu.memory_space<vmem>> -> memref<1x128xi32, #tpu.memory_space<vmem>>
    %dma_start3A_44 = tpu.memref_squeeze %dma_start3A_43 : memref<1x128xi32, #tpu.memory_space<vmem>> -> memref<128xi32, #tpu.memory_space<vmem>>
    %dma_start3A_45 = arith.constant 0 : i32
    %dma_start3A_46 = arith.constant 0 : i32
    %dma_start3A_47 = tpu.memref_slice %arg4[%dma_start3A_45, %dma_start3A_46] : memref<10240x16xf32, #tpu.memory_space<hbm>> -> memref<10240x16xf32, #tpu.memory_space<hbm>>
    tpu.enqueue_indirect_dma source(%dma_start3A_47 : memref<10240x16xf32, #tpu.memory_space<hbm>>) target(%arg14 : memref<128x16xf32, #tpu.memory_space<vmem>>) offsets(%dma_start3A_44 : memref<128xi32, #tpu.memory_space<vmem>>) semaphore(%arg23 : memref<!tpu.dma_semaphore, #tpu.memory_space<semaphore_mem>>)
    %dma_start3A_48 = arith.constant 6 : i32
    %dma_start3A_49 = arith.constant 0 : i32
    %dma_start3A_50 = tpu.memref_slice %arg7[%dma_start3A_48, %dma_start3A_49] : memref<80x128xi32, #tpu.memory_space<vmem>> -> memref<1x128xi32, #tpu.memory_space<vmem>>
    %dma_start3A_51 = tpu.memref_squeeze %dma_start3A_50 : memref<1x128xi32, #tpu.memory_space<vmem>> -> memref<128xi32, #tpu.memory_space<vmem>>
    %dma_start3A_52 = arith.constant 0 : i32
    %dma_start3A_53 = arith.constant 0 : i32
    %dma_start3A_54 = tpu.memref_slice %arg4[%dma_start3A_52, %dma_start3A_53] : memref<10240x16xf32, #tpu.memory_space<hbm>> -> memref<10240x16xf32, #tpu.memory_space<hbm>>
    tpu.enqueue_indirect_dma source(%dma_start3A_54 : memref<10240x16xf32, #tpu.memory_space<hbm>>) target(%arg15 : memref<128x16xf32, #tpu.memory_space<vmem>>) offsets(%dma_start3A_51 : memref<128xi32, #tpu.memory_space<vmem>>) semaphore(%arg24 : memref<!tpu.dma_semaphore, #tpu.memory_space<semaphore_mem>>)
    %dma_start3A_55 = arith.constant 7 : i32
    %dma_start3A_56 = arith.constant 0 : i32
    %dma_start3A_57 = tpu.memref_slice %arg7[%dma_start3A_55, %dma_start3A_56] : memref<80x128xi32, #tpu.memory_space<vmem>> -> memref<1x128xi32, #tpu.memory_space<vmem>>
    %dma_start3A_58 = tpu.memref_squeeze %dma_start3A_57 : memref<1x128xi32, #tpu.memory_space<vmem>> -> memref<128xi32, #tpu.memory_space<vmem>>
    %dma_start3A_59 = arith.constant 0 : i32
    %dma_start3A_60 = arith.constant 0 : i32
    %dma_start3A_61 = tpu.memref_slice %arg4[%dma_start3A_59, %dma_start3A_60] : memref<10240x16xf32, #tpu.memory_space<hbm>> -> memref<10240x16xf32, #tpu.memory_space<hbm>>
    tpu.enqueue_indirect_dma source(%dma_start3A_61 : memref<10240x16xf32, #tpu.memory_space<hbm>>) target(%arg16 : memref<128x16xf32, #tpu.memory_space<vmem>>) offsets(%dma_start3A_58 : memref<128xi32, #tpu.memory_space<vmem>>) semaphore(%arg25 : memref<!tpu.dma_semaphore, #tpu.memory_space<semaphore_mem>>)
    %scan3A = arith.constant 0 : i32
    %scan3A_62 = arith.constant 10 : i32
    %scan3A_63 = arith.addi %scan3A, %scan3A_62 : i32
    %scan3A_64 = arith.constant 1 : i32
    scf.for %scan3A_124 = %scan3A to %scan3A_63 step %scan3A_64  : i32 {
      %mul3A_125 = arith.constant 8 : i32
      %mul3A_126 = arith.muli %scan3A_124, %mul3A_125 : i32
      %add3A_127 = arith.constant 0 : i32
      %add3A_128 = arith.addi %add3A_127, %mul3A_126 : i32
      %add3A_129 = arith.constant 0 : i32
      %add3A_130 = arith.addi %add3A_128, %add3A_129 : i32
      %dma_wait3A_131 = arith.constant 0 : i32
      %dma_wait3A_132 = tpu.memref_slice %arg7[%add3A_130, %dma_wait3A_131] : memref<80x128xi32, #tpu.memory_space<vmem>> -> memref<1x128xi32, #tpu.memory_space<vmem>>
      %dma_wait3A_133 = tpu.memref_squeeze %dma_wait3A_132 : memref<1x128xi32, #tpu.memory_space<vmem>> -> memref<128xi32, #tpu.memory_space<vmem>>
      %dma_wait3A_134 = arith.constant 0 : i32
      %dma_wait3A_135 = arith.constant 0 : i32
      %dma_wait3A_136 = tpu.memref_slice %arg4[%dma_wait3A_134, %dma_wait3A_135] : memref<10240x16xf32, #tpu.memory_space<hbm>> -> memref<10240x16xf32, #tpu.memory_space<hbm>>
      tpu.wait_indirect_dma semaphore(%arg18 : memref<!tpu.dma_semaphore, #tpu.memory_space<semaphore_mem>>) src(%dma_wait3A_136 : memref<10240x16xf32, #tpu.memory_space<hbm>>) dst(%arg9 : memref<128x16xf32, #tpu.memory_space<vmem>>)
      %add3A_137 = arith.constant 0 : i32
      %add3A_138 = arith.addi %add3A_128, %add3A_137 : i32
      %dma_start3A_139 = arith.constant 0 : i32
      %dma_start3A_140 = tpu.memref_slice %arg8[%add3A_138, %dma_start3A_139] : memref<80x128xi32, #tpu.memory_space<vmem>> -> memref<1x128xi32, #tpu.memory_space<vmem>>
      %dma_start3A_141 = tpu.memref_squeeze %dma_start3A_140 : memref<1x128xi32, #tpu.memory_space<vmem>> -> memref<128xi32, #tpu.memory_space<vmem>>
      %dma_start3A_142 = arith.constant 0 : i32
      %dma_start3A_143 = arith.constant 0 : i32
      %dma_start3A_144 = tpu.memref_slice %arg17[%dma_start3A_142, %dma_start3A_143] : memref<10240x16xf32, #tpu.memory_space<vmem_shared>> -> memref<10240x16xf32, #tpu.memory_space<vmem_shared>>
      tpu.enqueue_indirect_dma source(%arg9 : memref<128x16xf32, #tpu.memory_space<vmem>>) target(%dma_start3A_144 : memref<10240x16xf32, #tpu.memory_space<vmem_shared>>) offsets(%dma_start3A_141 : memref<128xi32, #tpu.memory_space<vmem>>) semaphore(%arg26 : memref<!tpu.dma_semaphore, #tpu.memory_space<semaphore_mem>>) {add = true}
      %add3A_145 = arith.constant 1 : i32
      %add3A_146 = arith.addi %add3A_128, %add3A_145 : i32
      %dma_wait3A_147 = arith.constant 0 : i32
      %dma_wait3A_148 = tpu.memref_slice %arg7[%add3A_146, %dma_wait3A_147] : memref<80x128xi32, #tpu.memory_space<vmem>> -> memref<1x128xi32, #tpu.memory_space<vmem>>
      %dma_wait3A_149 = tpu.memref_squeeze %dma_wait3A_148 : memref<1x128xi32, #tpu.memory_space<vmem>> -> memref<128xi32, #tpu.memory_space<vmem>>
      %dma_wait3A_150 = arith.constant 0 : i32
      %dma_wait3A_151 = arith.constant 0 : i32
      %dma_wait3A_152 = tpu.memref_slice %arg4[%dma_wait3A_150, %dma_wait3A_151] : memref<10240x16xf32, #tpu.memory_space<hbm>> -> memref<10240x16xf32, #tpu.memory_space<hbm>>
      tpu.wait_indirect_dma semaphore(%arg19 : memref<!tpu.dma_semaphore, #tpu.memory_space<semaphore_mem>>) src(%dma_wait3A_152 : memref<10240x16xf32, #tpu.memory_space<hbm>>) dst(%arg10 : memref<128x16xf32, #tpu.memory_space<vmem>>)
      %add3A_153 = arith.constant 1 : i32
      %add3A_154 = arith.addi %add3A_128, %add3A_153 : i32
      %dma_start3A_155 = arith.constant 0 : i32
      %dma_start3A_156 = tpu.memref_slice %arg8[%add3A_154, %dma_start3A_155] : memref<80x128xi32, #tpu.memory_space<vmem>> -> memref<1x128xi32, #tpu.memory_space<vmem>>
      %dma_start3A_157 = tpu.memref_squeeze %dma_start3A_156 : memref<1x128xi32, #tpu.memory_space<vmem>> -> memref<128xi32, #tpu.memory_space<vmem>>
      %dma_start3A_158 = arith.constant 0 : i32
      %dma_start3A_159 = arith.constant 0 : i32
      %dma_start3A_160 = tpu.memref_slice %arg17[%dma_start3A_158, %dma_start3A_159] : memref<10240x16xf32, #tpu.memory_space<vmem_shared>> -> memref<10240x16xf32, #tpu.memory_space<vmem_shared>>
      tpu.enqueue_indirect_dma source(%arg10 : memref<128x16xf32, #tpu.memory_space<vmem>>) target(%dma_start3A_160 : memref<10240x16xf32, #tpu.memory_space<vmem_shared>>) offsets(%dma_start3A_157 : memref<128xi32, #tpu.memory_space<vmem>>) semaphore(%arg27 : memref<!tpu.dma_semaphore, #tpu.memory_space<semaphore_mem>>) {add = true}
      %add3A_161 = arith.constant 2 : i32
      %add3A_162 = arith.addi %add3A_128, %add3A_161 : i32
      %dma_wait3A_163 = arith.constant 0 : i32
      %dma_wait3A_164 = tpu.memref_slice %arg7[%add3A_162, %dma_wait3A_163] : memref<80x128xi32, #tpu.memory_space<vmem>> -> memref<1x128xi32, #tpu.memory_space<vmem>>
      %dma_wait3A_165 = tpu.memref_squeeze %dma_wait3A_164 : memref<1x128xi32, #tpu.memory_space<vmem>> -> memref<128xi32, #tpu.memory_space<vmem>>
      %dma_wait3A_166 = arith.constant 0 : i32
      %dma_wait3A_167 = arith.constant 0 : i32
      %dma_wait3A_168 = tpu.memref_slice %arg4[%dma_wait3A_166, %dma_wait3A_167] : memref<10240x16xf32, #tpu.memory_space<hbm>> -> memref<10240x16xf32, #tpu.memory_space<hbm>>
      tpu.wait_indirect_dma semaphore(%arg20 : memref<!tpu.dma_semaphore, #tpu.memory_space<semaphore_mem>>) src(%dma_wait3A_168 : memref<10240x16xf32, #tpu.memory_space<hbm>>) dst(%arg11 : memref<128x16xf32, #tpu.memory_space<vmem>>)
      %add3A_169 = arith.constant 2 : i32
      %add3A_170 = arith.addi %add3A_128, %add3A_169 : i32
      %dma_start3A_171 = arith.constant 0 : i32
      %dma_start3A_172 = tpu.memref_slice %arg8[%add3A_170, %dma_start3A_171] : memref<80x128xi32, #tpu.memory_space<vmem>> -> memref<1x128xi32, #tpu.memory_space<vmem>>
      %dma_start3A_173 = tpu.memref_squeeze %dma_start3A_172 : memref<1x128xi32, #tpu.memory_space<vmem>> -> memref<128xi32, #tpu.memory_space<vmem>>
      %dma_start3A_174 = arith.constant 0 : i32
      %dma_start3A_175 = arith.constant 0 : i32
      %dma_start3A_176 = tpu.memref_slice %arg17[%dma_start3A_174, %dma_start3A_175] : memref<10240x16xf32, #tpu.memory_space<vmem_shared>> -> memref<10240x16xf32, #tpu.memory_space<vmem_shared>>
      tpu.enqueue_indirect_dma source(%arg11 : memref<128x16xf32, #tpu.memory_space<vmem>>) target(%dma_start3A_176 : memref<10240x16xf32, #tpu.memory_space<vmem_shared>>) offsets(%dma_start3A_173 : memref<128xi32, #tpu.memory_space<vmem>>) semaphore(%arg28 : memref<!tpu.dma_semaphore, #tpu.memory_space<semaphore_mem>>) {add = true}
      %add3A_177 = arith.constant 3 : i32
      %add3A_178 = arith.addi %add3A_128, %add3A_177 : i32
      %dma_wait3A_179 = arith.constant 0 : i32
      %dma_wait3A_180 = tpu.memref_slice %arg7[%add3A_178, %dma_wait3A_179] : memref<80x128xi32, #tpu.memory_space<vmem>> -> memref<1x128xi32, #tpu.memory_space<vmem>>
      %dma_wait3A_181 = tpu.memref_squeeze %dma_wait3A_180 : memref<1x128xi32, #tpu.memory_space<vmem>> -> memref<128xi32, #tpu.memory_space<vmem>>
      %dma_wait3A_182 = arith.constant 0 : i32
      %dma_wait3A_183 = arith.constant 0 : i32
      %dma_wait3A_184 = tpu.memref_slice %arg4[%dma_wait3A_182, %dma_wait3A_183] : memref<10240x16xf32, #tpu.memory_space<hbm>> -> memref<10240x16xf32, #tpu.memory_space<hbm>>
      tpu.wait_indirect_dma semaphore(%arg21 : memref<!tpu.dma_semaphore, #tpu.memory_space<semaphore_mem>>) src(%dma_wait3A_184 : memref<10240x16xf32, #tpu.memory_space<hbm>>) dst(%arg12 : memref<128x16xf32, #tpu.memory_space<vmem>>)
      %add3A_185 = arith.constant 3 : i32
      %add3A_186 = arith.addi %add3A_128, %add3A_185 : i32
      %dma_start3A_187 = arith.constant 0 : i32
      %dma_start3A_188 = tpu.memref_slice %arg8[%add3A_186, %dma_start3A_187] : memref<80x128xi32, #tpu.memory_space<vmem>> -> memref<1x128xi32, #tpu.memory_space<vmem>>
      %dma_start3A_189 = tpu.memref_squeeze %dma_start3A_188 : memref<1x128xi32, #tpu.memory_space<vmem>> -> memref<128xi32, #tpu.memory_space<vmem>>
      %dma_start3A_190 = arith.constant 0 : i32
      %dma_start3A_191 = arith.constant 0 : i32
      %dma_start3A_192 = tpu.memref_slice %arg17[%dma_start3A_190, %dma_start3A_191] : memref<10240x16xf32, #tpu.memory_space<vmem_shared>> -> memref<10240x16xf32, #tpu.memory_space<vmem_shared>>
      tpu.enqueue_indirect_dma source(%arg12 : memref<128x16xf32, #tpu.memory_space<vmem>>) target(%dma_start3A_192 : memref<10240x16xf32, #tpu.memory_space<vmem_shared>>) offsets(%dma_start3A_189 : memref<128xi32, #tpu.memory_space<vmem>>) semaphore(%arg29 : memref<!tpu.dma_semaphore, #tpu.memory_space<semaphore_mem>>) {add = true}
      %add3A_193 = arith.constant 4 : i32
      %add3A_194 = arith.addi %add3A_128, %add3A_193 : i32
      %dma_wait3A_195 = arith.constant 0 : i32
      %dma_wait3A_196 = tpu.memref_slice %arg7[%add3A_194, %dma_wait3A_195] : memref<80x128xi32, #tpu.memory_space<vmem>> -> memref<1x128xi32, #tpu.memory_space<vmem>>
      %dma_wait3A_197 = tpu.memref_squeeze %dma_wait3A_196 : memref<1x128xi32, #tpu.memory_space<vmem>> -> memref<128xi32, #tpu.memory_space<vmem>>
      %dma_wait3A_198 = arith.constant 0 : i32
      %dma_wait3A_199 = arith.constant 0 : i32
      %dma_wait3A_200 = tpu.memref_slice %arg4[%dma_wait3A_198, %dma_wait3A_199] : memref<10240x16xf32, #tpu.memory_space<hbm>> -> memref<10240x16xf32, #tpu.memory_space<hbm>>
      tpu.wait_indirect_dma semaphore(%arg22 : memref<!tpu.dma_semaphore, #tpu.memory_space<semaphore_mem>>) src(%dma_wait3A_200 : memref<10240x16xf32, #tpu.memory_space<hbm>>) dst(%arg13 : memref<128x16xf32, #tpu.memory_space<vmem>>)
      %add3A_201 = arith.constant 4 : i32
      %add3A_202 = arith.addi %add3A_128, %add3A_201 : i32
      %dma_start3A_203 = arith.constant 0 : i32
      %dma_start3A_204 = tpu.memref_slice %arg8[%add3A_202, %dma_start3A_203] : memref<80x128xi32, #tpu.memory_space<vmem>> -> memref<1x128xi32, #tpu.memory_space<vmem>>
      %dma_start3A_205 = tpu.memref_squeeze %dma_start3A_204 : memref<1x128xi32, #tpu.memory_space<vmem>> -> memref<128xi32, #tpu.memory_space<vmem>>
      %dma_start3A_206 = arith.constant 0 : i32
      %dma_start3A_207 = arith.constant 0 : i32
      %dma_start3A_208 = tpu.memref_slice %arg17[%dma_start3A_206, %dma_start3A_207] : memref<10240x16xf32, #tpu.memory_space<vmem_shared>> -> memref<10240x16xf32, #tpu.memory_space<vmem_shared>>
      tpu.enqueue_indirect_dma source(%arg13 : memref<128x16xf32, #tpu.memory_space<vmem>>) target(%dma_start3A_208 : memref<10240x16xf32, #tpu.memory_space<vmem_shared>>) offsets(%dma_start3A_205 : memref<128xi32, #tpu.memory_space<vmem>>) semaphore(%arg30 : memref<!tpu.dma_semaphore, #tpu.memory_space<semaphore_mem>>) {add = true}
      %add3A_209 = arith.constant 5 : i32
      %add3A_210 = arith.addi %add3A_128, %add3A_209 : i32
      %dma_wait3A_211 = arith.constant 0 : i32
      %dma_wait3A_212 = tpu.memref_slice %arg7[%add3A_210, %dma_wait3A_211] : memref<80x128xi32, #tpu.memory_space<vmem>> -> memref<1x128xi32, #tpu.memory_space<vmem>>
      %dma_wait3A_213 = tpu.memref_squeeze %dma_wait3A_212 : memref<1x128xi32, #tpu.memory_space<vmem>> -> memref<128xi32, #tpu.memory_space<vmem>>
      %dma_wait3A_214 = arith.constant 0 : i32
      %dma_wait3A_215 = arith.constant 0 : i32
      %dma_wait3A_216 = tpu.memref_slice %arg4[%dma_wait3A_214, %dma_wait3A_215] : memref<10240x16xf32, #tpu.memory_space<hbm>> -> memref<10240x16xf32, #tpu.memory_space<hbm>>
      tpu.wait_indirect_dma semaphore(%arg23 : memref<!tpu.dma_semaphore, #tpu.memory_space<semaphore_mem>>) src(%dma_wait3A_216 : memref<10240x16xf32, #tpu.memory_space<hbm>>) dst(%arg14 : memref<128x16xf32, #tpu.memory_space<vmem>>)
      %add3A_217 = arith.constant 5 : i32
      %add3A_218 = arith.addi %add3A_128, %add3A_217 : i32
      %dma_start3A_219 = arith.constant 0 : i32
      %dma_start3A_220 = tpu.memref_slice %arg8[%add3A_218, %dma_start3A_219] : memref<80x128xi32, #tpu.memory_space<vmem>> -> memref<1x128xi32, #tpu.memory_space<vmem>>
      %dma_start3A_221 = tpu.memref_squeeze %dma_start3A_220 : memref<1x128xi32, #tpu.memory_space<vmem>> -> memref<128xi32, #tpu.memory_space<vmem>>
      %dma_start3A_222 = arith.constant 0 : i32
      %dma_start3A_223 = arith.constant 0 : i32
      %dma_start3A_224 = tpu.memref_slice %arg17[%dma_start3A_222, %dma_start3A_223] : memref<10240x16xf32, #tpu.memory_space<vmem_shared>> -> memref<10240x16xf32, #tpu.memory_space<vmem_shared>>
      tpu.enqueue_indirect_dma source(%arg14 : memref<128x16xf32, #tpu.memory_space<vmem>>) target(%dma_start3A_224 : memref<10240x16xf32, #tpu.memory_space<vmem_shared>>) offsets(%dma_start3A_221 : memref<128xi32, #tpu.memory_space<vmem>>) semaphore(%arg31 : memref<!tpu.dma_semaphore, #tpu.memory_space<semaphore_mem>>) {add = true}
      %add3A_225 = arith.constant 6 : i32
      %add3A_226 = arith.addi %add3A_128, %add3A_225 : i32
      %dma_wait3A_227 = arith.constant 0 : i32
      %dma_wait3A_228 = tpu.memref_slice %arg7[%add3A_226, %dma_wait3A_227] : memref<80x128xi32, #tpu.memory_space<vmem>> -> memref<1x128xi32, #tpu.memory_space<vmem>>
      %dma_wait3A_229 = tpu.memref_squeeze %dma_wait3A_228 : memref<1x128xi32, #tpu.memory_space<vmem>> -> memref<128xi32, #tpu.memory_space<vmem>>
      %dma_wait3A_230 = arith.constant 0 : i32
      %dma_wait3A_231 = arith.constant 0 : i32
      %dma_wait3A_232 = tpu.memref_slice %arg4[%dma_wait3A_230, %dma_wait3A_231] : memref<10240x16xf32, #tpu.memory_space<hbm>> -> memref<10240x16xf32, #tpu.memory_space<hbm>>
      tpu.wait_indirect_dma semaphore(%arg24 : memref<!tpu.dma_semaphore, #tpu.memory_space<semaphore_mem>>) src(%dma_wait3A_232 : memref<10240x16xf32, #tpu.memory_space<hbm>>) dst(%arg15 : memref<128x16xf32, #tpu.memory_space<vmem>>)
      %add3A_233 = arith.constant 6 : i32
      %add3A_234 = arith.addi %add3A_128, %add3A_233 : i32
      %dma_start3A_235 = arith.constant 0 : i32
      %dma_start3A_236 = tpu.memref_slice %arg8[%add3A_234, %dma_start3A_235] : memref<80x128xi32, #tpu.memory_space<vmem>> -> memref<1x128xi32, #tpu.memory_space<vmem>>
      %dma_start3A_237 = tpu.memref_squeeze %dma_start3A_236 : memref<1x128xi32, #tpu.memory_space<vmem>> -> memref<128xi32, #tpu.memory_space<vmem>>
      %dma_start3A_238 = arith.constant 0 : i32
      %dma_start3A_239 = arith.constant 0 : i32
      %dma_start3A_240 = tpu.memref_slice %arg17[%dma_start3A_238, %dma_start3A_239] : memref<10240x16xf32, #tpu.memory_space<vmem_shared>> -> memref<10240x16xf32, #tpu.memory_space<vmem_shared>>
      tpu.enqueue_indirect_dma source(%arg15 : memref<128x16xf32, #tpu.memory_space<vmem>>) target(%dma_start3A_240 : memref<10240x16xf32, #tpu.memory_space<vmem_shared>>) offsets(%dma_start3A_237 : memref<128xi32, #tpu.memory_space<vmem>>) semaphore(%arg32 : memref<!tpu.dma_semaphore, #tpu.memory_space<semaphore_mem>>) {add = true}
      %add3A_241 = arith.constant 7 : i32
      %add3A_242 = arith.addi %add3A_128, %add3A_241 : i32
      %dma_wait3A_243 = arith.constant 0 : i32
      %dma_wait3A_244 = tpu.memref_slice %arg7[%add3A_242, %dma_wait3A_243] : memref<80x128xi32, #tpu.memory_space<vmem>> -> memref<1x128xi32, #tpu.memory_space<vmem>>
      %dma_wait3A_245 = tpu.memref_squeeze %dma_wait3A_244 : memref<1x128xi32, #tpu.memory_space<vmem>> -> memref<128xi32, #tpu.memory_space<vmem>>
      %dma_wait3A_246 = arith.constant 0 : i32
      %dma_wait3A_247 = arith.constant 0 : i32
      %dma_wait3A_248 = tpu.memref_slice %arg4[%dma_wait3A_246, %dma_wait3A_247] : memref<10240x16xf32, #tpu.memory_space<hbm>> -> memref<10240x16xf32, #tpu.memory_space<hbm>>
      tpu.wait_indirect_dma semaphore(%arg25 : memref<!tpu.dma_semaphore, #tpu.memory_space<semaphore_mem>>) src(%dma_wait3A_248 : memref<10240x16xf32, #tpu.memory_space<hbm>>) dst(%arg16 : memref<128x16xf32, #tpu.memory_space<vmem>>)
      %add3A_249 = arith.constant 7 : i32
      %add3A_250 = arith.addi %add3A_128, %add3A_249 : i32
      %dma_start3A_251 = arith.constant 0 : i32
      %dma_start3A_252 = tpu.memref_slice %arg8[%add3A_250, %dma_start3A_251] : memref<80x128xi32, #tpu.memory_space<vmem>> -> memref<1x128xi32, #tpu.memory_space<vmem>>
      %dma_start3A_253 = tpu.memref_squeeze %dma_start3A_252 : memref<1x128xi32, #tpu.memory_space<vmem>> -> memref<128xi32, #tpu.memory_space<vmem>>
      %dma_start3A_254 = arith.constant 0 : i32
      %dma_start3A_255 = arith.constant 0 : i32
      %dma_start3A_256 = tpu.memref_slice %arg17[%dma_start3A_254, %dma_start3A_255] : memref<10240x16xf32, #tpu.memory_space<vmem_shared>> -> memref<10240x16xf32, #tpu.memory_space<vmem_shared>>
      tpu.enqueue_indirect_dma source(%arg16 : memref<128x16xf32, #tpu.memory_space<vmem>>) target(%dma_start3A_256 : memref<10240x16xf32, #tpu.memory_space<vmem_shared>>) offsets(%dma_start3A_253 : memref<128xi32, #tpu.memory_space<vmem>>) semaphore(%arg33 : memref<!tpu.dma_semaphore, #tpu.memory_space<semaphore_mem>>) {add = true}
      %add3A_257 = arith.constant 0 : i32
      %add3A_258 = arith.addi %add3A_128, %add3A_257 : i32
      %add3A_259 = arith.constant 8 : i32
      %add3A_260 = arith.addi %add3A_258, %add3A_259 : i32
      %lt3A = arith.constant 80 : i32
      %lt3A_261 = arith.cmpi slt, %add3A_260, %lt3A : i32
      %convert_element_type3A = arith.extui %lt3A_261 : i1 to i32
      %cond3A = arith.constant 0 : i32
      %cond3A_262 = arith.cmpi ne, %convert_element_type3A, %cond3A : i32
      scf.if %cond3A_262 {
        %dma_wait3A_326 = arith.constant 0 : i32
        %dma_wait3A_327 = tpu.memref_slice %arg8[%add3A_138, %dma_wait3A_326] : memref<80x128xi32, #tpu.memory_space<vmem>> -> memref<1x128xi32, #tpu.memory_space<vmem>>
        %dma_wait3A_328 = tpu.memref_squeeze %dma_wait3A_327 : memref<1x128xi32, #tpu.memory_space<vmem>> -> memref<128xi32, #tpu.memory_space<vmem>>
        %dma_wait3A_329 = arith.constant 0 : i32
        %dma_wait3A_330 = arith.constant 0 : i32
        %dma_wait3A_331 = tpu.memref_slice %arg17[%dma_wait3A_329, %dma_wait3A_330] : memref<10240x16xf32, #tpu.memory_space<vmem_shared>> -> memref<10240x16xf32, #tpu.memory_space<vmem_shared>>
        tpu.wait_indirect_dma semaphore(%arg26 : memref<!tpu.dma_semaphore, #tpu.memory_space<semaphore_mem>>) src(%arg9 : memref<128x16xf32, #tpu.memory_space<vmem>>) dst(%dma_wait3A_331 : memref<10240x16xf32, #tpu.memory_space<vmem_shared>>)
        %add3A_332 = arith.constant 0 : i32
        %add3A_333 = arith.addi %add3A_128, %add3A_332 : i32
        %add3A_334 = arith.constant 8 : i32
        %add3A_335 = arith.addi %add3A_333, %add3A_334 : i32
        %dma_start3A_336 = arith.constant 0 : i32
        %dma_start3A_337 = tpu.memref_slice %arg7[%add3A_335, %dma_start3A_336] : memref<80x128xi32, #tpu.memory_space<vmem>> -> memref<1x128xi32, #tpu.memory_space<vmem>>
        %dma_start3A_338 = tpu.memref_squeeze %dma_start3A_337 : memref<1x128xi32, #tpu.memory_space<vmem>> -> memref<128xi32, #tpu.memory_space<vmem>>
        %dma_start3A_339 = arith.constant 0 : i32
        %dma_start3A_340 = arith.constant 0 : i32
        %dma_start3A_341 = tpu.memref_slice %arg4[%dma_start3A_339, %dma_start3A_340] : memref<10240x16xf32, #tpu.memory_space<hbm>> -> memref<10240x16xf32, #tpu.memory_space<hbm>>
        tpu.enqueue_indirect_dma source(%dma_start3A_341 : memref<10240x16xf32, #tpu.memory_space<hbm>>) target(%arg9 : memref<128x16xf32, #tpu.memory_space<vmem>>) offsets(%dma_start3A_338 : memref<128xi32, #tpu.memory_space<vmem>>) semaphore(%arg18 : memref<!tpu.dma_semaphore, #tpu.memory_space<semaphore_mem>>)
      } else {
      }
      %add3A_263 = arith.constant 1 : i32
      %add3A_264 = arith.addi %add3A_128, %add3A_263 : i32
      %add3A_265 = arith.constant 8 : i32
      %add3A_266 = arith.addi %add3A_264, %add3A_265 : i32
      %lt3A_267 = arith.constant 80 : i32
      %lt3A_268 = arith.cmpi slt, %add3A_266, %lt3A_267 : i32
      %convert_element_type3A_269 = arith.extui %lt3A_268 : i1 to i32
      %cond3A_270 = arith.constant 0 : i32
      %cond3A_271 = arith.cmpi ne, %convert_element_type3A_269, %cond3A_270 : i32
      scf.if %cond3A_271 {
        %dma_wait3A_326 = arith.constant 0 : i32
        %dma_wait3A_327 = tpu.memref_slice %arg8[%add3A_154, %dma_wait3A_326] : memref<80x128xi32, #tpu.memory_space<vmem>> -> memref<1x128xi32, #tpu.memory_space<vmem>>
        %dma_wait3A_328 = tpu.memref_squeeze %dma_wait3A_327 : memref<1x128xi32, #tpu.memory_space<vmem>> -> memref<128xi32, #tpu.memory_space<vmem>>
        %dma_wait3A_329 = arith.constant 0 : i32
        %dma_wait3A_330 = arith.constant 0 : i32
        %dma_wait3A_331 = tpu.memref_slice %arg17[%dma_wait3A_329, %dma_wait3A_330] : memref<10240x16xf32, #tpu.memory_space<vmem_shared>> -> memref<10240x16xf32, #tpu.memory_space<vmem_shared>>
        tpu.wait_indirect_dma semaphore(%arg27 : memref<!tpu.dma_semaphore, #tpu.memory_space<semaphore_mem>>) src(%arg10 : memref<128x16xf32, #tpu.memory_space<vmem>>) dst(%dma_wait3A_331 : memref<10240x16xf32, #tpu.memory_space<vmem_shared>>)
        %add3A_332 = arith.constant 1 : i32
        %add3A_333 = arith.addi %add3A_128, %add3A_332 : i32
        %add3A_334 = arith.constant 8 : i32
        %add3A_335 = arith.addi %add3A_333, %add3A_334 : i32
        %dma_start3A_336 = arith.constant 0 : i32
        %dma_start3A_337 = tpu.memref_slice %arg7[%add3A_335, %dma_start3A_336] : memref<80x128xi32, #tpu.memory_space<vmem>> -> memref<1x128xi32, #tpu.memory_space<vmem>>
        %dma_start3A_338 = tpu.memref_squeeze %dma_start3A_337 : memref<1x128xi32, #tpu.memory_space<vmem>> -> memref<128xi32, #tpu.memory_space<vmem>>
        %dma_start3A_339 = arith.constant 0 : i32
        %dma_start3A_340 = arith.constant 0 : i32
        %dma_start3A_341 = tpu.memref_slice %arg4[%dma_start3A_339, %dma_start3A_340] : memref<10240x16xf32, #tpu.memory_space<hbm>> -> memref<10240x16xf32, #tpu.memory_space<hbm>>
        tpu.enqueue_indirect_dma source(%dma_start3A_341 : memref<10240x16xf32, #tpu.memory_space<hbm>>) target(%arg10 : memref<128x16xf32, #tpu.memory_space<vmem>>) offsets(%dma_start3A_338 : memref<128xi32, #tpu.memory_space<vmem>>) semaphore(%arg19 : memref<!tpu.dma_semaphore, #tpu.memory_space<semaphore_mem>>)
      } else {
      }
      %add3A_272 = arith.constant 2 : i32
      %add3A_273 = arith.addi %add3A_128, %add3A_272 : i32
      %add3A_274 = arith.constant 8 : i32
      %add3A_275 = arith.addi %add3A_273, %add3A_274 : i32
      %lt3A_276 = arith.constant 80 : i32
      %lt3A_277 = arith.cmpi slt, %add3A_275, %lt3A_276 : i32
      %convert_element_type3A_278 = arith.extui %lt3A_277 : i1 to i32
      %cond3A_279 = arith.constant 0 : i32
      %cond3A_280 = arith.cmpi ne, %convert_element_type3A_278, %cond3A_279 : i32
      scf.if %cond3A_280 {
        %dma_wait3A_326 = arith.constant 0 : i32
        %dma_wait3A_327 = tpu.memref_slice %arg8[%add3A_170, %dma_wait3A_326] : memref<80x128xi32, #tpu.memory_space<vmem>> -> memref<1x128xi32, #tpu.memory_space<vmem>>
        %dma_wait3A_328 = tpu.memref_squeeze %dma_wait3A_327 : memref<1x128xi32, #tpu.memory_space<vmem>> -> memref<128xi32, #tpu.memory_space<vmem>>
        %dma_wait3A_329 = arith.constant 0 : i32
        %dma_wait3A_330 = arith.constant 0 : i32
        %dma_wait3A_331 = tpu.memref_slice %arg17[%dma_wait3A_329, %dma_wait3A_330] : memref<10240x16xf32, #tpu.memory_space<vmem_shared>> -> memref<10240x16xf32, #tpu.memory_space<vmem_shared>>
        tpu.wait_indirect_dma semaphore(%arg28 : memref<!tpu.dma_semaphore, #tpu.memory_space<semaphore_mem>>) src(%arg11 : memref<128x16xf32, #tpu.memory_space<vmem>>) dst(%dma_wait3A_331 : memref<10240x16xf32, #tpu.memory_space<vmem_shared>>)
        %add3A_332 = arith.constant 2 : i32
        %add3A_333 = arith.addi %add3A_128, %add3A_332 : i32
        %add3A_334 = arith.constant 8 : i32
        %add3A_335 = arith.addi %add3A_333, %add3A_334 : i32
        %dma_start3A_336 = arith.constant 0 : i32
        %dma_start3A_337 = tpu.memref_slice %arg7[%add3A_335, %dma_start3A_336] : memref<80x128xi32, #tpu.memory_space<vmem>> -> memref<1x128xi32, #tpu.memory_space<vmem>>
        %dma_start3A_338 = tpu.memref_squeeze %dma_start3A_337 : memref<1x128xi32, #tpu.memory_space<vmem>> -> memref<128xi32, #tpu.memory_space<vmem>>
        %dma_start3A_339 = arith.constant 0 : i32
        %dma_start3A_340 = arith.constant 0 : i32
        %dma_start3A_341 = tpu.memref_slice %arg4[%dma_start3A_339, %dma_start3A_340] : memref<10240x16xf32, #tpu.memory_space<hbm>> -> memref<10240x16xf32, #tpu.memory_space<hbm>>
        tpu.enqueue_indirect_dma source(%dma_start3A_341 : memref<10240x16xf32, #tpu.memory_space<hbm>>) target(%arg11 : memref<128x16xf32, #tpu.memory_space<vmem>>) offsets(%dma_start3A_338 : memref<128xi32, #tpu.memory_space<vmem>>) semaphore(%arg20 : memref<!tpu.dma_semaphore, #tpu.memory_space<semaphore_mem>>)
      } else {
      }
      %add3A_281 = arith.constant 3 : i32
      %add3A_282 = arith.addi %add3A_128, %add3A_281 : i32
      %add3A_283 = arith.constant 8 : i32
      %add3A_284 = arith.addi %add3A_282, %add3A_283 : i32
      %lt3A_285 = arith.constant 80 : i32
      %lt3A_286 = arith.cmpi slt, %add3A_284, %lt3A_285 : i32
      %convert_element_type3A_287 = arith.extui %lt3A_286 : i1 to i32
      %cond3A_288 = arith.constant 0 : i32
      %cond3A_289 = arith.cmpi ne, %convert_element_type3A_287, %cond3A_288 : i32
      scf.if %cond3A_289 {
        %dma_wait3A_326 = arith.constant 0 : i32
        %dma_wait3A_327 = tpu.memref_slice %arg8[%add3A_186, %dma_wait3A_326] : memref<80x128xi32, #tpu.memory_space<vmem>> -> memref<1x128xi32, #tpu.memory_space<vmem>>
        %dma_wait3A_328 = tpu.memref_squeeze %dma_wait3A_327 : memref<1x128xi32, #tpu.memory_space<vmem>> -> memref<128xi32, #tpu.memory_space<vmem>>
        %dma_wait3A_329 = arith.constant 0 : i32
        %dma_wait3A_330 = arith.constant 0 : i32
        %dma_wait3A_331 = tpu.memref_slice %arg17[%dma_wait3A_329, %dma_wait3A_330] : memref<10240x16xf32, #tpu.memory_space<vmem_shared>> -> memref<10240x16xf32, #tpu.memory_space<vmem_shared>>
        tpu.wait_indirect_dma semaphore(%arg29 : memref<!tpu.dma_semaphore, #tpu.memory_space<semaphore_mem>>) src(%arg12 : memref<128x16xf32, #tpu.memory_space<vmem>>) dst(%dma_wait3A_331 : memref<10240x16xf32, #tpu.memory_space<vmem_shared>>)
        %add3A_332 = arith.constant 3 : i32
        %add3A_333 = arith.addi %add3A_128, %add3A_332 : i32
        %add3A_334 = arith.constant 8 : i32
        %add3A_335 = arith.addi %add3A_333, %add3A_334 : i32
        %dma_start3A_336 = arith.constant 0 : i32
        %dma_start3A_337 = tpu.memref_slice %arg7[%add3A_335, %dma_start3A_336] : memref<80x128xi32, #tpu.memory_space<vmem>> -> memref<1x128xi32, #tpu.memory_space<vmem>>
        %dma_start3A_338 = tpu.memref_squeeze %dma_start3A_337 : memref<1x128xi32, #tpu.memory_space<vmem>> -> memref<128xi32, #tpu.memory_space<vmem>>
        %dma_start3A_339 = arith.constant 0 : i32
        %dma_start3A_340 = arith.constant 0 : i32
        %dma_start3A_341 = tpu.memref_slice %arg4[%dma_start3A_339, %dma_start3A_340] : memref<10240x16xf32, #tpu.memory_space<hbm>> -> memref<10240x16xf32, #tpu.memory_space<hbm>>
        tpu.enqueue_indirect_dma source(%dma_start3A_341 : memref<10240x16xf32, #tpu.memory_space<hbm>>) target(%arg12 : memref<128x16xf32, #tpu.memory_space<vmem>>) offsets(%dma_start3A_338 : memref<128xi32, #tpu.memory_space<vmem>>) semaphore(%arg21 : memref<!tpu.dma_semaphore, #tpu.memory_space<semaphore_mem>>)
      } else {
      }
      %add3A_290 = arith.constant 4 : i32
      %add3A_291 = arith.addi %add3A_128, %add3A_290 : i32
      %add3A_292 = arith.constant 8 : i32
      %add3A_293 = arith.addi %add3A_291, %add3A_292 : i32
      %lt3A_294 = arith.constant 80 : i32
      %lt3A_295 = arith.cmpi slt, %add3A_293, %lt3A_294 : i32
      %convert_element_type3A_296 = arith.extui %lt3A_295 : i1 to i32
      %cond3A_297 = arith.constant 0 : i32
      %cond3A_298 = arith.cmpi ne, %convert_element_type3A_296, %cond3A_297 : i32
      scf.if %cond3A_298 {
        %dma_wait3A_326 = arith.constant 0 : i32
        %dma_wait3A_327 = tpu.memref_slice %arg8[%add3A_202, %dma_wait3A_326] : memref<80x128xi32, #tpu.memory_space<vmem>> -> memref<1x128xi32, #tpu.memory_space<vmem>>
        %dma_wait3A_328 = tpu.memref_squeeze %dma_wait3A_327 : memref<1x128xi32, #tpu.memory_space<vmem>> -> memref<128xi32, #tpu.memory_space<vmem>>
        %dma_wait3A_329 = arith.constant 0 : i32
        %dma_wait3A_330 = arith.constant 0 : i32
        %dma_wait3A_331 = tpu.memref_slice %arg17[%dma_wait3A_329, %dma_wait3A_330] : memref<10240x16xf32, #tpu.memory_space<vmem_shared>> -> memref<10240x16xf32, #tpu.memory_space<vmem_shared>>
        tpu.wait_indirect_dma semaphore(%arg30 : memref<!tpu.dma_semaphore, #tpu.memory_space<semaphore_mem>>) src(%arg13 : memref<128x16xf32, #tpu.memory_space<vmem>>) dst(%dma_wait3A_331 : memref<10240x16xf32, #tpu.memory_space<vmem_shared>>)
        %add3A_332 = arith.constant 4 : i32
        %add3A_333 = arith.addi %add3A_128, %add3A_332 : i32
        %add3A_334 = arith.constant 8 : i32
        %add3A_335 = arith.addi %add3A_333, %add3A_334 : i32
        %dma_start3A_336 = arith.constant 0 : i32
        %dma_start3A_337 = tpu.memref_slice %arg7[%add3A_335, %dma_start3A_336] : memref<80x128xi32, #tpu.memory_space<vmem>> -> memref<1x128xi32, #tpu.memory_space<vmem>>
        %dma_start3A_338 = tpu.memref_squeeze %dma_start3A_337 : memref<1x128xi32, #tpu.memory_space<vmem>> -> memref<128xi32, #tpu.memory_space<vmem>>
        %dma_start3A_339 = arith.constant 0 : i32
        %dma_start3A_340 = arith.constant 0 : i32
        %dma_start3A_341 = tpu.memref_slice %arg4[%dma_start3A_339, %dma_start3A_340] : memref<10240x16xf32, #tpu.memory_space<hbm>> -> memref<10240x16xf32, #tpu.memory_space<hbm>>
        tpu.enqueue_indirect_dma source(%dma_start3A_341 : memref<10240x16xf32, #tpu.memory_space<hbm>>) target(%arg13 : memref<128x16xf32, #tpu.memory_space<vmem>>) offsets(%dma_start3A_338 : memref<128xi32, #tpu.memory_space<vmem>>) semaphore(%arg22 : memref<!tpu.dma_semaphore, #tpu.memory_space<semaphore_mem>>)
      } else {
      }
      %add3A_299 = arith.constant 5 : i32
      %add3A_300 = arith.addi %add3A_128, %add3A_299 : i32
      %add3A_301 = arith.constant 8 : i32
      %add3A_302 = arith.addi %add3A_300, %add3A_301 : i32
      %lt3A_303 = arith.constant 80 : i32
      %lt3A_304 = arith.cmpi slt, %add3A_302, %lt3A_303 : i32
      %convert_element_type3A_305 = arith.extui %lt3A_304 : i1 to i32
      %cond3A_306 = arith.constant 0 : i32
      %cond3A_307 = arith.cmpi ne, %convert_element_type3A_305, %cond3A_306 : i32
      scf.if %cond3A_307 {
        %dma_wait3A_326 = arith.constant 0 : i32
        %dma_wait3A_327 = tpu.memref_slice %arg8[%add3A_218, %dma_wait3A_326] : memref<80x128xi32, #tpu.memory_space<vmem>> -> memref<1x128xi32, #tpu.memory_space<vmem>>
        %dma_wait3A_328 = tpu.memref_squeeze %dma_wait3A_327 : memref<1x128xi32, #tpu.memory_space<vmem>> -> memref<128xi32, #tpu.memory_space<vmem>>
        %dma_wait3A_329 = arith.constant 0 : i32
        %dma_wait3A_330 = arith.constant 0 : i32
        %dma_wait3A_331 = tpu.memref_slice %arg17[%dma_wait3A_329, %dma_wait3A_330] : memref<10240x16xf32, #tpu.memory_space<vmem_shared>> -> memref<10240x16xf32, #tpu.memory_space<vmem_shared>>
        tpu.wait_indirect_dma semaphore(%arg31 : memref<!tpu.dma_semaphore, #tpu.memory_space<semaphore_mem>>) src(%arg14 : memref<128x16xf32, #tpu.memory_space<vmem>>) dst(%dma_wait3A_331 : memref<10240x16xf32, #tpu.memory_space<vmem_shared>>)
        %add3A_332 = arith.constant 5 : i32
        %add3A_333 = arith.addi %add3A_128, %add3A_332 : i32
        %add3A_334 = arith.constant 8 : i32
        %add3A_335 = arith.addi %add3A_333, %add3A_334 : i32
        %dma_start3A_336 = arith.constant 0 : i32
        %dma_start3A_337 = tpu.memref_slice %arg7[%add3A_335, %dma_start3A_336] : memref<80x128xi32, #tpu.memory_space<vmem>> -> memref<1x128xi32, #tpu.memory_space<vmem>>
        %dma_start3A_338 = tpu.memref_squeeze %dma_start3A_337 : memref<1x128xi32, #tpu.memory_space<vmem>> -> memref<128xi32, #tpu.memory_space<vmem>>
        %dma_start3A_339 = arith.constant 0 : i32
        %dma_start3A_340 = arith.constant 0 : i32
        %dma_start3A_341 = tpu.memref_slice %arg4[%dma_start3A_339, %dma_start3A_340] : memref<10240x16xf32, #tpu.memory_space<hbm>> -> memref<10240x16xf32, #tpu.memory_space<hbm>>
        tpu.enqueue_indirect_dma source(%dma_start3A_341 : memref<10240x16xf32, #tpu.memory_space<hbm>>) target(%arg14 : memref<128x16xf32, #tpu.memory_space<vmem>>) offsets(%dma_start3A_338 : memref<128xi32, #tpu.memory_space<vmem>>) semaphore(%arg23 : memref<!tpu.dma_semaphore, #tpu.memory_space<semaphore_mem>>)
      } else {
      }
      %add3A_308 = arith.constant 6 : i32
      %add3A_309 = arith.addi %add3A_128, %add3A_308 : i32
      %add3A_310 = arith.constant 8 : i32
      %add3A_311 = arith.addi %add3A_309, %add3A_310 : i32
      %lt3A_312 = arith.constant 80 : i32
      %lt3A_313 = arith.cmpi slt, %add3A_311, %lt3A_312 : i32
      %convert_element_type3A_314 = arith.extui %lt3A_313 : i1 to i32
      %cond3A_315 = arith.constant 0 : i32
      %cond3A_316 = arith.cmpi ne, %convert_element_type3A_314, %cond3A_315 : i32
      scf.if %cond3A_316 {
        %dma_wait3A_326 = arith.constant 0 : i32
        %dma_wait3A_327 = tpu.memref_slice %arg8[%add3A_234, %dma_wait3A_326] : memref<80x128xi32, #tpu.memory_space<vmem>> -> memref<1x128xi32, #tpu.memory_space<vmem>>
        %dma_wait3A_328 = tpu.memref_squeeze %dma_wait3A_327 : memref<1x128xi32, #tpu.memory_space<vmem>> -> memref<128xi32, #tpu.memory_space<vmem>>
        %dma_wait3A_329 = arith.constant 0 : i32
        %dma_wait3A_330 = arith.constant 0 : i32
        %dma_wait3A_331 = tpu.memref_slice %arg17[%dma_wait3A_329, %dma_wait3A_330] : memref<10240x16xf32, #tpu.memory_space<vmem_shared>> -> memref<10240x16xf32, #tpu.memory_space<vmem_shared>>
        tpu.wait_indirect_dma semaphore(%arg32 : memref<!tpu.dma_semaphore, #tpu.memory_space<semaphore_mem>>) src(%arg15 : memref<128x16xf32, #tpu.memory_space<vmem>>) dst(%dma_wait3A_331 : memref<10240x16xf32, #tpu.memory_space<vmem_shared>>)
        %add3A_332 = arith.constant 6 : i32
        %add3A_333 = arith.addi %add3A_128, %add3A_332 : i32
        %add3A_334 = arith.constant 8 : i32
        %add3A_335 = arith.addi %add3A_333, %add3A_334 : i32
        %dma_start3A_336 = arith.constant 0 : i32
        %dma_start3A_337 = tpu.memref_slice %arg7[%add3A_335, %dma_start3A_336] : memref<80x128xi32, #tpu.memory_space<vmem>> -> memref<1x128xi32, #tpu.memory_space<vmem>>
        %dma_start3A_338 = tpu.memref_squeeze %dma_start3A_337 : memref<1x128xi32, #tpu.memory_space<vmem>> -> memref<128xi32, #tpu.memory_space<vmem>>
        %dma_start3A_339 = arith.constant 0 : i32
        %dma_start3A_340 = arith.constant 0 : i32
        %dma_start3A_341 = tpu.memref_slice %arg4[%dma_start3A_339, %dma_start3A_340] : memref<10240x16xf32, #tpu.memory_space<hbm>> -> memref<10240x16xf32, #tpu.memory_space<hbm>>
        tpu.enqueue_indirect_dma source(%dma_start3A_341 : memref<10240x16xf32, #tpu.memory_space<hbm>>) target(%arg15 : memref<128x16xf32, #tpu.memory_space<vmem>>) offsets(%dma_start3A_338 : memref<128xi32, #tpu.memory_space<vmem>>) semaphore(%arg24 : memref<!tpu.dma_semaphore, #tpu.memory_space<semaphore_mem>>)
      } else {
      }
      %add3A_317 = arith.constant 7 : i32
      %add3A_318 = arith.addi %add3A_128, %add3A_317 : i32
      %add3A_319 = arith.constant 8 : i32
      %add3A_320 = arith.addi %add3A_318, %add3A_319 : i32
      %lt3A_321 = arith.constant 80 : i32
      %lt3A_322 = arith.cmpi slt, %add3A_320, %lt3A_321 : i32
      %convert_element_type3A_323 = arith.extui %lt3A_322 : i1 to i32
      %cond3A_324 = arith.constant 0 : i32
      %cond3A_325 = arith.cmpi ne, %convert_element_type3A_323, %cond3A_324 : i32
      scf.if %cond3A_325 {
        %dma_wait3A_326 = arith.constant 0 : i32
        %dma_wait3A_327 = tpu.memref_slice %arg8[%add3A_250, %dma_wait3A_326] : memref<80x128xi32, #tpu.memory_space<vmem>> -> memref<1x128xi32, #tpu.memory_space<vmem>>
        %dma_wait3A_328 = tpu.memref_squeeze %dma_wait3A_327 : memref<1x128xi32, #tpu.memory_space<vmem>> -> memref<128xi32, #tpu.memory_space<vmem>>
        %dma_wait3A_329 = arith.constant 0 : i32
        %dma_wait3A_330 = arith.constant 0 : i32
        %dma_wait3A_331 = tpu.memref_slice %arg17[%dma_wait3A_329, %dma_wait3A_330] : memref<10240x16xf32, #tpu.memory_space<vmem_shared>> -> memref<10240x16xf32, #tpu.memory_space<vmem_shared>>
        tpu.wait_indirect_dma semaphore(%arg33 : memref<!tpu.dma_semaphore, #tpu.memory_space<semaphore_mem>>) src(%arg16 : memref<128x16xf32, #tpu.memory_space<vmem>>) dst(%dma_wait3A_331 : memref<10240x16xf32, #tpu.memory_space<vmem_shared>>)
        %add3A_332 = arith.constant 7 : i32
        %add3A_333 = arith.addi %add3A_128, %add3A_332 : i32
        %add3A_334 = arith.constant 8 : i32
        %add3A_335 = arith.addi %add3A_333, %add3A_334 : i32
        %dma_start3A_336 = arith.constant 0 : i32
        %dma_start3A_337 = tpu.memref_slice %arg7[%add3A_335, %dma_start3A_336] : memref<80x128xi32, #tpu.memory_space<vmem>> -> memref<1x128xi32, #tpu.memory_space<vmem>>
        %dma_start3A_338 = tpu.memref_squeeze %dma_start3A_337 : memref<1x128xi32, #tpu.memory_space<vmem>> -> memref<128xi32, #tpu.memory_space<vmem>>
        %dma_start3A_339 = arith.constant 0 : i32
        %dma_start3A_340 = arith.constant 0 : i32
        %dma_start3A_341 = tpu.memref_slice %arg4[%dma_start3A_339, %dma_start3A_340] : memref<10240x16xf32, #tpu.memory_space<hbm>> -> memref<10240x16xf32, #tpu.memory_space<hbm>>
        tpu.enqueue_indirect_dma source(%dma_start3A_341 : memref<10240x16xf32, #tpu.memory_space<hbm>>) target(%arg16 : memref<128x16xf32, #tpu.memory_space<vmem>>) offsets(%dma_start3A_338 : memref<128xi32, #tpu.memory_space<vmem>>) semaphore(%arg25 : memref<!tpu.dma_semaphore, #tpu.memory_space<semaphore_mem>>)
      } else {
      }
    }
    %scan3A_65 = arith.constant 10 : i32
    %dma_wait3A = arith.constant 72 : i32
    %dma_wait3A_66 = arith.constant 0 : i32
    %dma_wait3A_67 = tpu.memref_slice %arg8[%dma_wait3A, %dma_wait3A_66] : memref<80x128xi32, #tpu.memory_space<vmem>> -> memref<1x128xi32, #tpu.memory_space<vmem>>
    %dma_wait3A_68 = tpu.memref_squeeze %dma_wait3A_67 : memref<1x128xi32, #tpu.memory_space<vmem>> -> memref<128xi32, #tpu.memory_space<vmem>>
    %dma_wait3A_69 = arith.constant 0 : i32
    %dma_wait3A_70 = arith.constant 0 : i32
    %dma_wait3A_71 = tpu.memref_slice %arg17[%dma_wait3A_69, %dma_wait3A_70] : memref<10240x16xf32, #tpu.memory_space<vmem_shared>> -> memref<10240x16xf32, #tpu.memory_space<vmem_shared>>
    tpu.wait_indirect_dma semaphore(%arg26 : memref<!tpu.dma_semaphore, #tpu.memory_space<semaphore_mem>>) src(%arg9 : memref<128x16xf32, #tpu.memory_space<vmem>>) dst(%dma_wait3A_71 : memref<10240x16xf32, #tpu.memory_space<vmem_shared>>)
    %dma_wait3A_72 = arith.constant 73 : i32
    %dma_wait3A_73 = arith.constant 0 : i32
    %dma_wait3A_74 = tpu.memref_slice %arg8[%dma_wait3A_72, %dma_wait3A_73] : memref<80x128xi32, #tpu.memory_space<vmem>> -> memref<1x128xi32, #tpu.memory_space<vmem>>
    %dma_wait3A_75 = tpu.memref_squeeze %dma_wait3A_74 : memref<1x128xi32, #tpu.memory_space<vmem>> -> memref<128xi32, #tpu.memory_space<vmem>>
    %dma_wait3A_76 = arith.constant 0 : i32
    %dma_wait3A_77 = arith.constant 0 : i32
    %dma_wait3A_78 = tpu.memref_slice %arg17[%dma_wait3A_76, %dma_wait3A_77] : memref<10240x16xf32, #tpu.memory_space<vmem_shared>> -> memref<10240x16xf32, #tpu.memory_space<vmem_shared>>
    tpu.wait_indirect_dma semaphore(%arg27 : memref<!tpu.dma_semaphore, #tpu.memory_space<semaphore_mem>>) src(%arg10 : memref<128x16xf32, #tpu.memory_space<vmem>>) dst(%dma_wait3A_78 : memref<10240x16xf32, #tpu.memory_space<vmem_shared>>)
    %dma_wait3A_79 = arith.constant 74 : i32
    %dma_wait3A_80 = arith.constant 0 : i32
    %dma_wait3A_81 = tpu.memref_slice %arg8[%dma_wait3A_79, %dma_wait3A_80] : memref<80x128xi32, #tpu.memory_space<vmem>> -> memref<1x128xi32, #tpu.memory_space<vmem>>
    %dma_wait3A_82 = tpu.memref_squeeze %dma_wait3A_81 : memref<1x128xi32, #tpu.memory_space<vmem>> -> memref<128xi32, #tpu.memory_space<vmem>>
    %dma_wait3A_83 = arith.constant 0 : i32
    %dma_wait3A_84 = arith.constant 0 : i32
    %dma_wait3A_85 = tpu.memref_slice %arg17[%dma_wait3A_83, %dma_wait3A_84] : memref<10240x16xf32, #tpu.memory_space<vmem_shared>> -> memref<10240x16xf32, #tpu.memory_space<vmem_shared>>
    tpu.wait_indirect_dma semaphore(%arg28 : memref<!tpu.dma_semaphore, #tpu.memory_space<semaphore_mem>>) src(%arg11 : memref<128x16xf32, #tpu.memory_space<vmem>>) dst(%dma_wait3A_85 : memref<10240x16xf32, #tpu.memory_space<vmem_shared>>)
    %dma_wait3A_86 = arith.constant 75 : i32
    %dma_wait3A_87 = arith.constant 0 : i32
    %dma_wait3A_88 = tpu.memref_slice %arg8[%dma_wait3A_86, %dma_wait3A_87] : memref<80x128xi32, #tpu.memory_space<vmem>> -> memref<1x128xi32, #tpu.memory_space<vmem>>
    %dma_wait3A_89 = tpu.memref_squeeze %dma_wait3A_88 : memref<1x128xi32, #tpu.memory_space<vmem>> -> memref<128xi32, #tpu.memory_space<vmem>>
    %dma_wait3A_90 = arith.constant 0 : i32
    %dma_wait3A_91 = arith.constant 0 : i32
    %dma_wait3A_92 = tpu.memref_slice %arg17[%dma_wait3A_90, %dma_wait3A_91] : memref<10240x16xf32, #tpu.memory_space<vmem_shared>> -> memref<10240x16xf32, #tpu.memory_space<vmem_shared>>
    tpu.wait_indirect_dma semaphore(%arg29 : memref<!tpu.dma_semaphore, #tpu.memory_space<semaphore_mem>>) src(%arg12 : memref<128x16xf32, #tpu.memory_space<vmem>>) dst(%dma_wait3A_92 : memref<10240x16xf32, #tpu.memory_space<vmem_shared>>)
    %dma_wait3A_93 = arith.constant 76 : i32
    %dma_wait3A_94 = arith.constant 0 : i32
    %dma_wait3A_95 = tpu.memref_slice %arg8[%dma_wait3A_93, %dma_wait3A_94] : memref<80x128xi32, #tpu.memory_space<vmem>> -> memref<1x128xi32, #tpu.memory_space<vmem>>
    %dma_wait3A_96 = tpu.memref_squeeze %dma_wait3A_95 : memref<1x128xi32, #tpu.memory_space<vmem>> -> memref<128xi32, #tpu.memory_space<vmem>>
    %dma_wait3A_97 = arith.constant 0 : i32
    %dma_wait3A_98 = arith.constant 0 : i32
    %dma_wait3A_99 = tpu.memref_slice %arg17[%dma_wait3A_97, %dma_wait3A_98] : memref<10240x16xf32, #tpu.memory_space<vmem_shared>> -> memref<10240x16xf32, #tpu.memory_space<vmem_shared>>
    tpu.wait_indirect_dma semaphore(%arg30 : memref<!tpu.dma_semaphore, #tpu.memory_space<semaphore_mem>>) src(%arg13 : memref<128x16xf32, #tpu.memory_space<vmem>>) dst(%dma_wait3A_99 : memref<10240x16xf32, #tpu.memory_space<vmem_shared>>)
    %dma_wait3A_100 = arith.constant 77 : i32
    %dma_wait3A_101 = arith.constant 0 : i32
    %dma_wait3A_102 = tpu.memref_slice %arg8[%dma_wait3A_100, %dma_wait3A_101] : memref<80x128xi32, #tpu.memory_space<vmem>> -> memref<1x128xi32, #tpu.memory_space<vmem>>
    %dma_wait3A_103 = tpu.memref_squeeze %dma_wait3A_102 : memref<1x128xi32, #tpu.memory_space<vmem>> -> memref<128xi32, #tpu.memory_space<vmem>>
    %dma_wait3A_104 = arith.constant 0 : i32
    %dma_wait3A_105 = arith.constant 0 : i32
    %dma_wait3A_106 = tpu.memref_slice %arg17[%dma_wait3A_104, %dma_wait3A_105] : memref<10240x16xf32, #tpu.memory_space<vmem_shared>> -> memref<10240x16xf32, #tpu.memory_space<vmem_shared>>
    tpu.wait_indirect_dma semaphore(%arg31 : memref<!tpu.dma_semaphore, #tpu.memory_space<semaphore_mem>>) src(%arg14 : memref<128x16xf32, #tpu.memory_space<vmem>>) dst(%dma_wait3A_106 : memref<10240x16xf32, #tpu.memory_space<vmem_shared>>)
    %dma_wait3A_107 = arith.constant 78 : i32
    %dma_wait3A_108 = arith.constant 0 : i32
    %dma_wait3A_109 = tpu.memref_slice %arg8[%dma_wait3A_107, %dma_wait3A_108] : memref<80x128xi32, #tpu.memory_space<vmem>> -> memref<1x128xi32, #tpu.memory_space<vmem>>
    %dma_wait3A_110 = tpu.memref_squeeze %dma_wait3A_109 : memref<1x128xi32, #tpu.memory_space<vmem>> -> memref<128xi32, #tpu.memory_space<vmem>>
    %dma_wait3A_111 = arith.constant 0 : i32
    %dma_wait3A_112 = arith.constant 0 : i32
    %dma_wait3A_113 = tpu.memref_slice %arg17[%dma_wait3A_111, %dma_wait3A_112] : memref<10240x16xf32, #tpu.memory_space<vmem_shared>> -> memref<10240x16xf32, #tpu.memory_space<vmem_shared>>
    tpu.wait_indirect_dma semaphore(%arg32 : memref<!tpu.dma_semaphore, #tpu.memory_space<semaphore_mem>>) src(%arg15 : memref<128x16xf32, #tpu.memory_space<vmem>>) dst(%dma_wait3A_113 : memref<10240x16xf32, #tpu.memory_space<vmem_shared>>)
    %dma_wait3A_114 = arith.constant 79 : i32
    %dma_wait3A_115 = arith.constant 0 : i32
    %dma_wait3A_116 = tpu.memref_slice %arg8[%dma_wait3A_114, %dma_wait3A_115] : memref<80x128xi32, #tpu.memory_space<vmem>> -> memref<1x128xi32, #tpu.memory_space<vmem>>
    %dma_wait3A_117 = tpu.memref_squeeze %dma_wait3A_116 : memref<1x128xi32, #tpu.memory_space<vmem>> -> memref<128xi32, #tpu.memory_space<vmem>>
    %dma_wait3A_118 = arith.constant 0 : i32
    %dma_wait3A_119 = arith.constant 0 : i32
    %dma_wait3A_120 = tpu.memref_slice %arg17[%dma_wait3A_118, %dma_wait3A_119] : memref<10240x16xf32, #tpu.memory_space<vmem_shared>> -> memref<10240x16xf32, #tpu.memory_space<vmem_shared>>
    tpu.wait_indirect_dma semaphore(%arg33 : memref<!tpu.dma_semaphore, #tpu.memory_space<semaphore_mem>>) src(%arg16 : memref<128x16xf32, #tpu.memory_space<vmem>>) dst(%dma_wait3A_120 : memref<10240x16xf32, #tpu.memory_space<vmem_shared>>)
    %barrier3A_121 = arith.constant 0 : index
    tpu.barrier barrier_id(%barrier3A_121)
    %mul3A_122 = arith.constant 640 : i32
    %mul3A_123 = arith.muli %arg1, %mul3A_122 : i32
    "tpu.region"() ({
      %run_scoped3A = tpu.sem_alloc : memref<!tpu.dma_semaphore, #tpu.memory_space<semaphore_mem>>
      %dma_start3A_124 = arith.constant 0 : i32
      %dma_start3A_125 = tpu.memref_slice %arg6[%arg0, %mul3A_123, %dma_start3A_124] : memref<2x10240x16xf32, #tpu.memory_space<hbm>> -> memref<1x640x16xf32, #tpu.memory_space<hbm>>
      %dma_start3A_126 = tpu.memref_squeeze %dma_start3A_125 : memref<1x640x16xf32, #tpu.memory_space<hbm>> -> memref<640x16xf32, #tpu.memory_space<hbm>>
      %dma_start3A_127 = arith.constant 0 : i32
      %dma_start3A_128 = tpu.memref_slice %arg17[%mul3A_123, %dma_start3A_127] : memref<10240x16xf32, #tpu.memory_space<vmem_shared>> -> memref<640x16xf32, #tpu.memory_space<vmem_shared>>
      tpu.enqueue_dma source(%dma_start3A_128 : memref<640x16xf32, #tpu.memory_space<vmem_shared>>) target(%dma_start3A_126 : memref<640x16xf32, #tpu.memory_space<hbm>>) target_semaphore(%run_scoped3A : memref<!tpu.dma_semaphore, #tpu.memory_space<semaphore_mem>>)
      %dma_wait3A_129 = arith.constant 0 : i32
      %dma_wait3A_130 = tpu.memref_slice %arg6[%arg0, %mul3A_123, %dma_wait3A_129] : memref<2x10240x16xf32, #tpu.memory_space<hbm>> -> memref<1x640x16xf32, #tpu.memory_space<hbm>>
      %dma_wait3A_131 = tpu.memref_squeeze %dma_wait3A_130 : memref<1x640x16xf32, #tpu.memory_space<hbm>> -> memref<640x16xf32, #tpu.memory_space<hbm>>
      %dma_wait3A_132 = arith.constant 0 : i32
      %dma_wait3A_133 = tpu.memref_slice %arg17[%mul3A_123, %dma_wait3A_132] : memref<10240x16xf32, #tpu.memory_space<vmem_shared>> -> memref<640x16xf32, #tpu.memory_space<vmem_shared>>
      tpu.wait_dma2 semaphore(%run_scoped3A : memref<!tpu.dma_semaphore, #tpu.memory_space<semaphore_mem>>) src(%dma_wait3A_133 : memref<640x16xf32, #tpu.memory_space<vmem_shared>>) dst(%dma_wait3A_131 : memref<640x16xf32, #tpu.memory_space<hbm>>)
      tpu.yield
    }) : () -> ()
    return
  }
}

module attributes {stable_mosaic.version = 14 : i64} {
  func.func @_tc_prep_body(%arg0: i32, %arg1: memref<2x2048x16xf32, #tpu.memory_space<vmem>>, %arg2: memref<2048x128xf32, #tpu.memory_space<vmem>>, %arg3: memref<128x128xf32, #tpu.memory_space<vmem>>, %arg4: memref<2048x1xf32, #tpu.memory_space<vmem>>, %arg5: memref<2048x64xf32, #tpu.memory_space<vmem>>, %arg6: memref<2048x64xf32, #tpu.memory_space<vmem>>) attributes {dimension_semantics = [#tpu.dimension_semantics<arbitrary>], iteration_bounds = array<i64: 5>, scalar_prefetch = 0 : i64, scratch_operands = 0 : i64, tpu.core_type = #tpu.core_type<tc>, window_params = [{transform_indices = @transform_0, window_bounds = array<i64: 2, 2048, 16>}, {transform_indices = @transform_1, window_bounds = array<i64: 2048, 128>}, {pipeline_mode = #tpu.pipeline_mode<synchronous>, transform_indices = @transform_2, window_bounds = array<i64: 128, 128>}, {transform_indices = @transform_3, window_bounds = array<i64: 2048, 1>}, {transform_indices = @transform_4, window_bounds = array<i64: 2048, 64>}, {transform_indices = @transform_5, window_bounds = array<i64: 2048, 64>}]} {
    %get3A = arith.constant 0 : index
    %get3A_0 = arith.constant 0 : index
    %get3A_1 = arith.constant 0 : index
    %get3A_2 = vector.load %arg1[%get3A, %get3A_0, %get3A_1] : memref<2x2048x16xf32, #tpu.memory_space<vmem>>, vector<1x2048x16xf32>
    %get3A_3 = vector.shape_cast %get3A_2 : vector<1x2048x16xf32> to vector<2048x16xf32>
    %slice3A = vector.extract_strided_slice %get3A_3 {offsets = [0, 0], sizes = [2048, 1], strides = [1, 1]} : vector<2048x16xf32> to vector<2048x1xf32>
    %get3A_4 = arith.constant 1 : index
    %get3A_5 = arith.constant 0 : index
    %get3A_6 = arith.constant 0 : index
    %get3A_7 = vector.load %arg1[%get3A_4, %get3A_5, %get3A_6] : memref<2x2048x16xf32, #tpu.memory_space<vmem>>, vector<1x2048x16xf32>
    %get3A_8 = vector.shape_cast %get3A_7 : vector<1x2048x16xf32> to vector<2048x16xf32>
    %slice3A_9 = vector.extract_strided_slice %get3A_8 {offsets = [0, 0], sizes = [2048, 1], strides = [1, 1]} : vector<2048x16xf32> to vector<2048x1xf32>
    %add3A = arith.addf %slice3A, %slice3A_9 : vector<2048x1xf32>
    %add3A_10 = arith.constant 1.000000e+00 : f32
    %add3A_11 = vector.broadcast %add3A_10 : f32 to vector<2048x1xf32>
    %add3A_12 = arith.addf %add3A, %add3A_11 : vector<2048x1xf32>
    %sqrt3A = math.sqrt %add3A_12 : vector<2048x1xf32>
    %div3A = arith.constant 1.000000e+00 : f32
    %div3A_13 = vector.broadcast %div3A : f32 to vector<2048x1xf32>
    %div3A_14 = arith.divf %div3A_13, %sqrt3A : vector<2048x1xf32>
    %swap3A = arith.constant 0 : index
    %swap3A_15 = arith.constant 0 : index
    %swap3A_16 = vector.load %arg4[%swap3A, %swap3A_15] : memref<2048x1xf32, #tpu.memory_space<vmem>>, vector<2048x1xf32>
    tpu.vector_store %arg4[%swap3A, %swap3A_15], %div3A_14 {strides = array<i32>} : memref<2048x1xf32, #tpu.memory_space<vmem>>, vector<2048x1xf32>,
    %get3A_17 = arith.constant 0 : index
    %get3A_18 = arith.constant 0 : index
    %get3A_19 = vector.load %arg2[%get3A_17, %get3A_18] : memref<2048x128xf32, #tpu.memory_space<vmem>>, vector<2048x128xf32>
    %get3A_20 = arith.constant 0 : index
    %get3A_21 = arith.constant 0 : index
    %get3A_22 = vector.load %arg3[%get3A_20, %get3A_21] : memref<128x128xf32, #tpu.memory_space<vmem>>, vector<128x128xf32>
    %dot_general3A = arith.constant dense<0.000000e+00> : vector<2048x128xf32>
    %dot_general3A_23 = tpu.matmul %get3A_19, %get3A_22, %dot_general3A {dimension_numbers = #tpu.dot_dimension_numbers<[1], [0], [0], [1], [0, 0, 1, 1], [], []>, transpose_lhs_hint = false} : vector<2048x128xf32>, vector<128x128xf32>, vector<2048x128xf32> -> vector<2048x128xf32>
    %mul3A = vector.broadcast %div3A_14 : vector<2048x1xf32> to vector<2048x128xf32>
    %mul3A_24 = arith.mulf %mul3A, %dot_general3A_23 : vector<2048x128xf32>
    %slice3A_25 = vector.extract_strided_slice %mul3A_24 {offsets = [0, 0], sizes = [2048, 64], strides = [1, 1]} : vector<2048x128xf32> to vector<2048x64xf32>
    %swap3A_26 = arith.constant 0 : index
    %swap3A_27 = arith.constant 0 : index
    %swap3A_28 = vector.load %arg5[%swap3A_26, %swap3A_27] : memref<2048x64xf32, #tpu.memory_space<vmem>>, vector<2048x64xf32>
    tpu.vector_store %arg5[%swap3A_26, %swap3A_27], %slice3A_25 {strides = array<i32>} : memref<2048x64xf32, #tpu.memory_space<vmem>>, vector<2048x64xf32>,
    %slice3A_29 = vector.extract_strided_slice %mul3A_24 {offsets = [0, 64], sizes = [2048, 64], strides = [1, 1]} : vector<2048x128xf32> to vector<2048x64xf32>
    %swap3A_30 = arith.constant 0 : index
    %swap3A_31 = arith.constant 0 : index
    %swap3A_32 = vector.load %arg6[%swap3A_30, %swap3A_31] : memref<2048x64xf32, #tpu.memory_space<vmem>>, vector<2048x64xf32>
    tpu.vector_store %arg6[%swap3A_30, %swap3A_31], %slice3A_29 {strides = array<i32>} : memref<2048x64xf32, #tpu.memory_space<vmem>>, vector<2048x64xf32>,
    return
  }
  func.func @transform_0(%arg0: i32) -> (i32, i32, i32) {
    %c0_i32 = arith.constant 0 : i32
    %c0_i32_0 = arith.constant 0 : i32
    %c0_i32_1 = arith.constant 0 : i32
    return %c0_i32, %arg0, %c0_i32_0 : i32, i32, i32
  }
  func.func @transform_1(%arg0: i32) -> (i32, i32) {
    %c0_i32 = arith.constant 0 : i32
    %c0_i32_0 = arith.constant 0 : i32
    return %arg0, %c0_i32 : i32, i32
  }
  func.func @transform_2(%arg0: i32) -> (i32, i32) {
    %c0_i32 = arith.constant 0 : i32
    %c0_i32_0 = arith.constant 0 : i32
    %c0_i32_1 = arith.constant 0 : i32
    return %c0_i32, %c0_i32_0 : i32, i32
  }
  func.func @transform_3(%arg0: i32) -> (i32, i32) {
    %c0_i32 = arith.constant 0 : i32
    %c0_i32_0 = arith.constant 0 : i32
    return %arg0, %c0_i32 : i32, i32
  }
  func.func @transform_4(%arg0: i32) -> (i32, i32) {
    %c0_i32 = arith.constant 0 : i32
    %c0_i32_0 = arith.constant 0 : i32
    return %arg0, %c0_i32 : i32, i32
  }
  func.func @transform_5(%arg0: i32) -> (i32, i32) {
    %c0_i32 = arith.constant 0 : i32
    %c0_i32_0 = arith.constant 0 : i32
    return %arg0, %c0_i32 : i32, i32
  }
}

module attributes {stable_mosaic.version = 14 : i64} {
  func.func @_tc_h0u1_body(%arg0: i32, %arg1: memref<2x2048x64xf32, #tpu.memory_space<vmem>>, %arg2: memref<2048x64xf32, #tpu.memory_space<vmem>>, %arg3: memref<2048x64xf32, #tpu.memory_space<vmem>>, %arg4: memref<2048x1xf32, #tpu.memory_space<vmem>>, %arg5: memref<1x128xf32, #tpu.memory_space<vmem>>, %arg6: memref<128x64xf32, #tpu.memory_space<vmem>>, %arg7: memref<2048x64xf32, #tpu.memory_space<vmem>>) attributes {dimension_semantics = [#tpu.dimension_semantics<arbitrary>], iteration_bounds = array<i64: 5>, scalar_prefetch = 0 : i64, scratch_operands = 0 : i64, tpu.core_type = #tpu.core_type<tc>, window_params = [{transform_indices = @transform_0, window_bounds = array<i64: 2, 2048, 64>}, {transform_indices = @transform_1, window_bounds = array<i64: 2048, 64>}, {transform_indices = @transform_2, window_bounds = array<i64: 2048, 64>}, {transform_indices = @transform_3, window_bounds = array<i64: 2048, 1>}, {pipeline_mode = #tpu.pipeline_mode<synchronous>, transform_indices = @transform_4, window_bounds = array<i64: 1, 128>}, {pipeline_mode = #tpu.pipeline_mode<synchronous>, transform_indices = @transform_5, window_bounds = array<i64: 128, 64>}, {transform_indices = @transform_6, window_bounds = array<i64: 2048, 64>}]} {
    %get3A = arith.constant 0 : index
    %get3A_0 = arith.constant 0 : index
    %get3A_1 = vector.load %arg4[%get3A, %get3A_0] : memref<2048x1xf32, #tpu.memory_space<vmem>>, vector<2048x1xf32>
    %get3A_2 = arith.constant 0 : index
    %get3A_3 = arith.constant 0 : index
    %get3A_4 = arith.constant 0 : index
    %get3A_5 = vector.load %arg1[%get3A_2, %get3A_3, %get3A_4] : memref<2x2048x64xf32, #tpu.memory_space<vmem>>, vector<1x2048x64xf32>
    %get3A_6 = vector.shape_cast %get3A_5 : vector<1x2048x64xf32> to vector<2048x64xf32>
    %get3A_7 = arith.constant 0 : index
    %get3A_8 = arith.constant 0 : index
    %get3A_9 = vector.load %arg2[%get3A_7, %get3A_8] : memref<2048x64xf32, #tpu.memory_space<vmem>>, vector<2048x64xf32>
    %add3A = arith.addf %get3A_6, %get3A_9 : vector<2048x64xf32>
    %mul3A = vector.broadcast %get3A_1 : vector<2048x1xf32> to vector<2048x64xf32>
    %mul3A_10 = arith.mulf %mul3A, %add3A : vector<2048x64xf32>
    %get3A_11 = arith.constant 1 : index
    %get3A_12 = arith.constant 0 : index
    %get3A_13 = arith.constant 0 : index
    %get3A_14 = vector.load %arg1[%get3A_11, %get3A_12, %get3A_13] : memref<2x2048x64xf32, #tpu.memory_space<vmem>>, vector<1x2048x64xf32>
    %get3A_15 = vector.shape_cast %get3A_14 : vector<1x2048x64xf32> to vector<2048x64xf32>
    %get3A_16 = arith.constant 0 : index
    %get3A_17 = arith.constant 0 : index
    %get3A_18 = vector.load %arg3[%get3A_16, %get3A_17] : memref<2048x64xf32, #tpu.memory_space<vmem>>, vector<2048x64xf32>
    %add3A_19 = arith.addf %get3A_15, %get3A_18 : vector<2048x64xf32>
    %mul3A_20 = vector.broadcast %get3A_1 : vector<2048x1xf32> to vector<2048x64xf32>
    %mul3A_21 = arith.mulf %mul3A_20, %add3A_19 : vector<2048x64xf32>
    %concatenate3A = tpu.concatenate %mul3A_10, %mul3A_21 in 1 : vector<2048x64xf32>, vector<2048x64xf32> -> vector<2048x128xf32>
    %get3A_22 = arith.constant 0 : index
    %get3A_23 = arith.constant 0 : index
    %get3A_24 = vector.load %arg5[%get3A_22, %get3A_23] : memref<1x128xf32, #tpu.memory_space<vmem>>, vector<1x128xf32>
    %add3A_25 = vector.broadcast %get3A_24 : vector<1x128xf32> to vector<2048x128xf32>
    %add3A_26 = arith.addf %concatenate3A, %add3A_25 : vector<2048x128xf32>
    %get3A_27 = arith.constant 0 : index
    %get3A_28 = arith.constant 0 : index
    %get3A_29 = vector.load %arg6[%get3A_27, %get3A_28] : memref<128x64xf32, #tpu.memory_space<vmem>>, vector<128x64xf32>
    %dot_general3A = arith.constant dense<0.000000e+00> : vector<2048x64xf32>
    %dot_general3A_30 = tpu.matmul %add3A_26, %get3A_29, %dot_general3A {dimension_numbers = #tpu.dot_dimension_numbers<[1], [0], [0], [1], [0, 0, 1, 1], [], []>, transpose_lhs_hint = false} : vector<2048x128xf32>, vector<128x64xf32>, vector<2048x64xf32> -> vector<2048x64xf32>
    %mul3A_31 = vector.broadcast %get3A_1 : vector<2048x1xf32> to vector<2048x64xf32>
    %mul3A_32 = arith.mulf %mul3A_31, %dot_general3A_30 : vector<2048x64xf32>
    %swap3A = arith.constant 0 : index
    %swap3A_33 = arith.constant 0 : index
    %swap3A_34 = vector.load %arg7[%swap3A, %swap3A_33] : memref<2048x64xf32, #tpu.memory_space<vmem>>, vector<2048x64xf32>
    tpu.vector_store %arg7[%swap3A, %swap3A_33], %mul3A_32 {strides = array<i32>} : memref<2048x64xf32, #tpu.memory_space<vmem>>, vector<2048x64xf32>,
    return
  }
  func.func @transform_0(%arg0: i32) -> (i32, i32, i32) {
    %c0_i32 = arith.constant 0 : i32
    %c0_i32_0 = arith.constant 0 : i32
    %c0_i32_1 = arith.constant 0 : i32
    return %c0_i32, %arg0, %c0_i32_0 : i32, i32, i32
  }
  func.func @transform_1(%arg0: i32) -> (i32, i32) {
    %c0_i32 = arith.constant 0 : i32
    %c0_i32_0 = arith.constant 0 : i32
    return %arg0, %c0_i32 : i32, i32
  }
  func.func @transform_2(%arg0: i32) -> (i32, i32) {
    %c0_i32 = arith.constant 0 : i32
    %c0_i32_0 = arith.constant 0 : i32
    return %arg0, %c0_i32 : i32, i32
  }
  func.func @transform_3(%arg0: i32) -> (i32, i32) {
    %c0_i32 = arith.constant 0 : i32
    %c0_i32_0 = arith.constant 0 : i32
    return %arg0, %c0_i32 : i32, i32
  }
  func.func @transform_4(%arg0: i32) -> (i32, i32) {
    %c0_i32 = arith.constant 0 : i32
    %c0_i32_0 = arith.constant 0 : i32
    %c0_i32_1 = arith.constant 0 : i32
    return %c0_i32, %c0_i32_0 : i32, i32
  }
  func.func @transform_5(%arg0: i32) -> (i32, i32) {
    %c0_i32 = arith.constant 0 : i32
    %c0_i32_0 = arith.constant 0 : i32
    %c0_i32_1 = arith.constant 0 : i32
    return %c0_i32, %c0_i32_0 : i32, i32
  }
  func.func @transform_6(%arg0: i32) -> (i32, i32) {
    %c0_i32 = arith.constant 0 : i32
    %c0_i32_0 = arith.constant 0 : i32
    return %arg0, %c0_i32 : i32, i32
  }
}

module attributes {stable_mosaic.version = 14 : i64} {
  func.func @_tc_h1_body(%arg0: i32, %arg1: memref<2x2048x64xf32, #tpu.memory_space<vmem>>, %arg2: memref<2048x64xf32, #tpu.memory_space<vmem>>, %arg3: memref<2048x1xf32, #tpu.memory_space<vmem>>, %arg4: memref<1x64xf32, #tpu.memory_space<vmem>>, %arg5: memref<64x1xf32, #tpu.memory_space<vmem>>, %arg6: memref<2048x1xi32, #tpu.memory_space<vmem>>, %arg7: memref<2048x16xf32, #tpu.memory_space<vmem>>, %arg8: memref<8x64xf32, #tpu.memory_space<vmem>>, %arg9: memref<8x64xf32, #tpu.memory_space<vmem>>) attributes {dimension_semantics = [#tpu.dimension_semantics<arbitrary>], iteration_bounds = array<i64: 5>, scalar_prefetch = 0 : i64, scratch_operands = 0 : i64, tpu.core_type = #tpu.core_type<tc>, window_params = [{transform_indices = @transform_0, window_bounds = array<i64: 2, 2048, 64>}, {transform_indices = @transform_1, window_bounds = array<i64: 2048, 64>}, {transform_indices = @transform_2, window_bounds = array<i64: 2048, 1>}, {pipeline_mode = #tpu.pipeline_mode<synchronous>, transform_indices = @transform_3, window_bounds = array<i64: 1, 64>}, {pipeline_mode = #tpu.pipeline_mode<synchronous>, transform_indices = @transform_4, window_bounds = array<i64: 64, 1>}, {transform_indices = @transform_5, window_bounds = array<i64: 2048, 1>}, {transform_indices = @transform_6, window_bounds = array<i64: 2048, 16>}, {pipeline_mode = #tpu.pipeline_mode<synchronous>, transform_indices = @transform_7, window_bounds = array<i64: 8, 64>}, {pipeline_mode = #tpu.pipeline_mode<synchronous>, transform_indices = @transform_8, window_bounds = array<i64: 8, 64>}]} {
    %get3A = arith.constant 0 : index
    %get3A_0 = arith.constant 0 : index
    %get3A_1 = vector.load %arg3[%get3A, %get3A_0] : memref<2048x1xf32, #tpu.memory_space<vmem>>, vector<2048x1xf32>
    %get3A_2 = arith.constant 0 : index
    %get3A_3 = arith.constant 0 : index
    %get3A_4 = arith.constant 0 : index
    %get3A_5 = vector.load %arg1[%get3A_2, %get3A_3, %get3A_4] : memref<2x2048x64xf32, #tpu.memory_space<vmem>>, vector<1x2048x64xf32>
    %get3A_6 = vector.shape_cast %get3A_5 : vector<1x2048x64xf32> to vector<2048x64xf32>
    %get3A_7 = arith.constant 1 : index
    %get3A_8 = arith.constant 0 : index
    %get3A_9 = arith.constant 0 : index
    %get3A_10 = vector.load %arg1[%get3A_7, %get3A_8, %get3A_9] : memref<2x2048x64xf32, #tpu.memory_space<vmem>>, vector<1x2048x64xf32>
    %get3A_11 = vector.shape_cast %get3A_10 : vector<1x2048x64xf32> to vector<2048x64xf32>
    %add3A = arith.addf %get3A_6, %get3A_11 : vector<2048x64xf32>
    %get3A_12 = arith.constant 0 : index
    %get3A_13 = arith.constant 0 : index
    %get3A_14 = vector.load %arg2[%get3A_12, %get3A_13] : memref<2048x64xf32, #tpu.memory_space<vmem>>, vector<2048x64xf32>
    %add3A_15 = arith.addf %add3A, %get3A_14 : vector<2048x64xf32>
    %mul3A = vector.broadcast %get3A_1 : vector<2048x1xf32> to vector<2048x64xf32>
    %mul3A_16 = arith.mulf %mul3A, %add3A_15 : vector<2048x64xf32>
    %get3A_17 = arith.constant 0 : index
    %get3A_18 = arith.constant 0 : index
    %get3A_19 = vector.load %arg4[%get3A_17, %get3A_18] : memref<1x64xf32, #tpu.memory_space<vmem>>, vector<1x64xf32>
    %add3A_20 = vector.broadcast %get3A_19 : vector<1x64xf32> to vector<2048x64xf32>
    %add3A_21 = arith.addf %mul3A_16, %add3A_20 : vector<2048x64xf32>
    %gt3A = arith.constant 0.000000e+00 : f32
    %gt3A_22 = vector.broadcast %gt3A : f32 to vector<2048x64xf32>
    %gt3A_23 = arith.cmpf ogt, %add3A_21, %gt3A_22 : vector<2048x64xf32>
    %mul3A_24 = arith.constant 0.00999999977 : f32
    %mul3A_25 = vector.broadcast %mul3A_24 : f32 to vector<2048x64xf32>
    %mul3A_26 = arith.mulf %mul3A_25, %add3A_21 : vector<2048x64xf32>
    %select_n3A = arith.select %gt3A_23, %add3A_21, %mul3A_26 : vector<2048x64xi1>, vector<2048x64xf32>
    %get3A_27 = arith.constant 0 : index
    %get3A_28 = arith.constant 0 : index
    %get3A_29 = vector.load %arg5[%get3A_27, %get3A_28] : memref<64x1xf32, #tpu.memory_space<vmem>>, vector<64x1xf32>
    %dot_general3A = arith.constant dense<0.000000e+00> : vector<2048x1xf32>
    %dot_general3A_30 = tpu.matmul %select_n3A, %get3A_29, %dot_general3A {dimension_numbers = #tpu.dot_dimension_numbers<[1], [0], [0], [1], [0, 0, 1, 1], [], []>, transpose_lhs_hint = false} : vector<2048x64xf32>, vector<64x1xf32>, vector<2048x1xf32> -> vector<2048x1xf32>
    %mul3A_31 = arith.mulf %get3A_1, %dot_general3A_30 : vector<2048x1xf32>
    %broadcast_in_dim3A = arith.constant 1.000000e+00 : f32
    %broadcast_in_dim3A_32 = vector.broadcast %broadcast_in_dim3A : f32 to vector<1x16xf32>
    %mul3A_33 = vector.broadcast %mul3A_31 : vector<2048x1xf32> to vector<2048x16xf32>
    %mul3A_34 = vector.broadcast %broadcast_in_dim3A_32 : vector<1x16xf32> to vector<2048x16xf32>
    %mul3A_35 = arith.mulf %mul3A_33, %mul3A_34 : vector<2048x16xf32>
    %swap3A = arith.constant 0 : index
    %swap3A_36 = arith.constant 0 : index
    %swap3A_37 = vector.load %arg7[%swap3A, %swap3A_36] : memref<2048x16xf32, #tpu.memory_space<vmem>>, vector<2048x16xf32>
    tpu.vector_store %arg7[%swap3A, %swap3A_36], %mul3A_35 {strides = array<i32>} : memref<2048x16xf32, #tpu.memory_space<vmem>>, vector<2048x16xf32>,
    %get3A_38 = arith.constant 0 : index
    %get3A_39 = arith.constant 0 : index
    %get3A_40 = vector.load %arg6[%get3A_38, %get3A_39] : memref<2048x1xi32, #tpu.memory_space<vmem>>, vector<2048x1xi32>
    %eq3A = arith.constant 0 : i32
    %eq3A_41 = vector.broadcast %eq3A : i32 to vector<2048x1xi32>
    %eq3A_42 = arith.cmpi eq, %get3A_40, %eq3A_41 : vector<2048x1xi32>
    %convert_element_type3A = arith.extui %eq3A_42 : vector<2048x1xi1> to vector<2048x1xi32>
    %convert_element_type3A_43 = arith.sitofp %convert_element_type3A : vector<2048x1xi32> to vector<2048x1xf32>
    %mul3A_44 = vector.broadcast %convert_element_type3A_43 : vector<2048x1xf32> to vector<2048x64xf32>
    %mul3A_45 = arith.mulf %select_n3A, %mul3A_44 : vector<2048x64xf32>
    %reduce_sum3A = arith.constant dense<0.000000e+00> : vector<64xf32>
    %reduce_sum3A_46 = vector.multi_reduction <add>, %mul3A_45, %reduce_sum3A [0] : vector<2048x64xf32> to vector<64xf32>
    %broadcast_in_dim3A_47 = vector.shape_cast %reduce_sum3A_46 : vector<64xf32> to vector<1x64xf32>
    %broadcast_in_dim3A_48 = arith.constant 1.000000e+00 : f32
    %broadcast_in_dim3A_49 = vector.broadcast %broadcast_in_dim3A_48 : f32 to vector<1x64xf32>
    %mul3A_50 = vector.broadcast %convert_element_type3A_43 : vector<2048x1xf32> to vector<2048x64xf32>
    %mul3A_51 = vector.broadcast %broadcast_in_dim3A_49 : vector<1x64xf32> to vector<2048x64xf32>
    %mul3A_52 = arith.mulf %mul3A_50, %mul3A_51 : vector<2048x64xf32>
    %reduce_sum3A_53 = arith.constant dense<0.000000e+00> : vector<64xf32>
    %reduce_sum3A_54 = vector.multi_reduction <add>, %mul3A_52, %reduce_sum3A_53 [0] : vector<2048x64xf32> to vector<64xf32>
    %broadcast_in_dim3A_55 = vector.shape_cast %reduce_sum3A_54 : vector<64xf32> to vector<1x64xf32>
    %eq3A_56 = arith.constant 1 : i32
    %eq3A_57 = vector.broadcast %eq3A_56 : i32 to vector<2048x1xi32>
    %eq3A_58 = arith.cmpi eq, %get3A_40, %eq3A_57 : vector<2048x1xi32>
    %convert_element_type3A_59 = arith.extui %eq3A_58 : vector<2048x1xi1> to vector<2048x1xi32>
    %convert_element_type3A_60 = arith.sitofp %convert_element_type3A_59 : vector<2048x1xi32> to vector<2048x1xf32>
    %mul3A_61 = vector.broadcast %convert_element_type3A_60 : vector<2048x1xf32> to vector<2048x64xf32>
    %mul3A_62 = arith.mulf %select_n3A, %mul3A_61 : vector<2048x64xf32>
    %reduce_sum3A_63 = arith.constant dense<0.000000e+00> : vector<64xf32>
    %reduce_sum3A_64 = vector.multi_reduction <add>, %mul3A_62, %reduce_sum3A_63 [0] : vector<2048x64xf32> to vector<64xf32>
    %broadcast_in_dim3A_65 = vector.shape_cast %reduce_sum3A_64 : vector<64xf32> to vector<1x64xf32>
    %broadcast_in_dim3A_66 = arith.constant 1.000000e+00 : f32
    %broadcast_in_dim3A_67 = vector.broadcast %broadcast_in_dim3A_66 : f32 to vector<1x64xf32>
    %mul3A_68 = vector.broadcast %convert_element_type3A_60 : vector<2048x1xf32> to vector<2048x64xf32>
    %mul3A_69 = vector.broadcast %broadcast_in_dim3A_67 : vector<1x64xf32> to vector<2048x64xf32>
    %mul3A_70 = arith.mulf %mul3A_68, %mul3A_69 : vector<2048x64xf32>
    %reduce_sum3A_71 = arith.constant dense<0.000000e+00> : vector<64xf32>
    %reduce_sum3A_72 = vector.multi_reduction <add>, %mul3A_70, %reduce_sum3A_71 [0] : vector<2048x64xf32> to vector<64xf32>
    %broadcast_in_dim3A_73 = vector.shape_cast %reduce_sum3A_72 : vector<64xf32> to vector<1x64xf32>
    %eq3A_74 = arith.constant 2 : i32
    %eq3A_75 = vector.broadcast %eq3A_74 : i32 to vector<2048x1xi32>
    %eq3A_76 = arith.cmpi eq, %get3A_40, %eq3A_75 : vector<2048x1xi32>
    %convert_element_type3A_77 = arith.extui %eq3A_76 : vector<2048x1xi1> to vector<2048x1xi32>
    %convert_element_type3A_78 = arith.sitofp %convert_element_type3A_77 : vector<2048x1xi32> to vector<2048x1xf32>
    %mul3A_79 = vector.broadcast %convert_element_type3A_78 : vector<2048x1xf32> to vector<2048x64xf32>
    %mul3A_80 = arith.mulf %select_n3A, %mul3A_79 : vector<2048x64xf32>
    %reduce_sum3A_81 = arith.constant dense<0.000000e+00> : vector<64xf32>
    %reduce_sum3A_82 = vector.multi_reduction <add>, %mul3A_80, %reduce_sum3A_81 [0] : vector<2048x64xf32> to vector<64xf32>
    %broadcast_in_dim3A_83 = vector.shape_cast %reduce_sum3A_82 : vector<64xf32> to vector<1x64xf32>
    %broadcast_in_dim3A_84 = arith.constant 1.000000e+00 : f32
    %broadcast_in_dim3A_85 = vector.broadcast %broadcast_in_dim3A_84 : f32 to vector<1x64xf32>
    %mul3A_86 = vector.broadcast %convert_element_type3A_78 : vector<2048x1xf32> to vector<2048x64xf32>
    %mul3A_87 = vector.broadcast %broadcast_in_dim3A_85 : vector<1x64xf32> to vector<2048x64xf32>
    %mul3A_88 = arith.mulf %mul3A_86, %mul3A_87 : vector<2048x64xf32>
    %reduce_sum3A_89 = arith.constant dense<0.000000e+00> : vector<64xf32>
    %reduce_sum3A_90 = vector.multi_reduction <add>, %mul3A_88, %reduce_sum3A_89 [0] : vector<2048x64xf32> to vector<64xf32>
    %broadcast_in_dim3A_91 = vector.shape_cast %reduce_sum3A_90 : vector<64xf32> to vector<1x64xf32>
    %eq3A_92 = arith.constant 3 : i32
    %eq3A_93 = vector.broadcast %eq3A_92 : i32 to vector<2048x1xi32>
    %eq3A_94 = arith.cmpi eq, %get3A_40, %eq3A_93 : vector<2048x1xi32>
    %convert_element_type3A_95 = arith.extui %eq3A_94 : vector<2048x1xi1> to vector<2048x1xi32>
    %convert_element_type3A_96 = arith.sitofp %convert_element_type3A_95 : vector<2048x1xi32> to vector<2048x1xf32>
    %mul3A_97 = vector.broadcast %convert_element_type3A_96 : vector<2048x1xf32> to vector<2048x64xf32>
    %mul3A_98 = arith.mulf %select_n3A, %mul3A_97 : vector<2048x64xf32>
    %reduce_sum3A_99 = arith.constant dense<0.000000e+00> : vector<64xf32>
    %reduce_sum3A_100 = vector.multi_reduction <add>, %mul3A_98, %reduce_sum3A_99 [0] : vector<2048x64xf32> to vector<64xf32>
    %broadcast_in_dim3A_101 = vector.shape_cast %reduce_sum3A_100 : vector<64xf32> to vector<1x64xf32>
    %broadcast_in_dim3A_102 = arith.constant 1.000000e+00 : f32
    %broadcast_in_dim3A_103 = vector.broadcast %broadcast_in_dim3A_102 : f32 to vector<1x64xf32>
    %mul3A_104 = vector.broadcast %convert_element_type3A_96 : vector<2048x1xf32> to vector<2048x64xf32>
    %mul3A_105 = vector.broadcast %broadcast_in_dim3A_103 : vector<1x64xf32> to vector<2048x64xf32>
    %mul3A_106 = arith.mulf %mul3A_104, %mul3A_105 : vector<2048x64xf32>
    %reduce_sum3A_107 = arith.constant dense<0.000000e+00> : vector<64xf32>
    %reduce_sum3A_108 = vector.multi_reduction <add>, %mul3A_106, %reduce_sum3A_107 [0] : vector<2048x64xf32> to vector<64xf32>
    %broadcast_in_dim3A_109 = vector.shape_cast %reduce_sum3A_108 : vector<64xf32> to vector<1x64xf32>
    %eq3A_110 = arith.constant 4 : i32
    %eq3A_111 = vector.broadcast %eq3A_110 : i32 to vector<2048x1xi32>
    %eq3A_112 = arith.cmpi eq, %get3A_40, %eq3A_111 : vector<2048x1xi32>
    %convert_element_type3A_113 = arith.extui %eq3A_112 : vector<2048x1xi1> to vector<2048x1xi32>
    %convert_element_type3A_114 = arith.sitofp %convert_element_type3A_113 : vector<2048x1xi32> to vector<2048x1xf32>
    %mul3A_115 = vector.broadcast %convert_element_type3A_114 : vector<2048x1xf32> to vector<2048x64xf32>
    %mul3A_116 = arith.mulf %select_n3A, %mul3A_115 : vector<2048x64xf32>
    %reduce_sum3A_117 = arith.constant dense<0.000000e+00> : vector<64xf32>
    %reduce_sum3A_118 = vector.multi_reduction <add>, %mul3A_116, %reduce_sum3A_117 [0] : vector<2048x64xf32> to vector<64xf32>
    %broadcast_in_dim3A_119 = vector.shape_cast %reduce_sum3A_118 : vector<64xf32> to vector<1x64xf32>
    %broadcast_in_dim3A_120 = arith.constant 1.000000e+00 : f32
    %broadcast_in_dim3A_121 = vector.broadcast %broadcast_in_dim3A_120 : f32 to vector<1x64xf32>
    %mul3A_122 = vector.broadcast %convert_element_type3A_114 : vector<2048x1xf32> to vector<2048x64xf32>
    %mul3A_123 = vector.broadcast %broadcast_in_dim3A_121 : vector<1x64xf32> to vector<2048x64xf32>
    %mul3A_124 = arith.mulf %mul3A_122, %mul3A_123 : vector<2048x64xf32>
    %reduce_sum3A_125 = arith.constant dense<0.000000e+00> : vector<64xf32>
    %reduce_sum3A_126 = vector.multi_reduction <add>, %mul3A_124, %reduce_sum3A_125 [0] : vector<2048x64xf32> to vector<64xf32>
    %broadcast_in_dim3A_127 = vector.shape_cast %reduce_sum3A_126 : vector<64xf32> to vector<1x64xf32>
    %eq3A_128 = arith.constant 5 : i32
    %eq3A_129 = vector.broadcast %eq3A_128 : i32 to vector<2048x1xi32>
    %eq3A_130 = arith.cmpi eq, %get3A_40, %eq3A_129 : vector<2048x1xi32>
    %convert_element_type3A_131 = arith.extui %eq3A_130 : vector<2048x1xi1> to vector<2048x1xi32>
    %convert_element_type3A_132 = arith.sitofp %convert_element_type3A_131 : vector<2048x1xi32> to vector<2048x1xf32>
    %mul3A_133 = vector.broadcast %convert_element_type3A_132 : vector<2048x1xf32> to vector<2048x64xf32>
    %mul3A_134 = arith.mulf %select_n3A, %mul3A_133 : vector<2048x64xf32>
    %reduce_sum3A_135 = arith.constant dense<0.000000e+00> : vector<64xf32>
    %reduce_sum3A_136 = vector.multi_reduction <add>, %mul3A_134, %reduce_sum3A_135 [0] : vector<2048x64xf32> to vector<64xf32>
    %broadcast_in_dim3A_137 = vector.shape_cast %reduce_sum3A_136 : vector<64xf32> to vector<1x64xf32>
    %broadcast_in_dim3A_138 = arith.constant 1.000000e+00 : f32
    %broadcast_in_dim3A_139 = vector.broadcast %broadcast_in_dim3A_138 : f32 to vector<1x64xf32>
    %mul3A_140 = vector.broadcast %convert_element_type3A_132 : vector<2048x1xf32> to vector<2048x64xf32>
    %mul3A_141 = vector.broadcast %broadcast_in_dim3A_139 : vector<1x64xf32> to vector<2048x64xf32>
    %mul3A_142 = arith.mulf %mul3A_140, %mul3A_141 : vector<2048x64xf32>
    %reduce_sum3A_143 = arith.constant dense<0.000000e+00> : vector<64xf32>
    %reduce_sum3A_144 = vector.multi_reduction <add>, %mul3A_142, %reduce_sum3A_143 [0] : vector<2048x64xf32> to vector<64xf32>
    %broadcast_in_dim3A_145 = vector.shape_cast %reduce_sum3A_144 : vector<64xf32> to vector<1x64xf32>
    %eq3A_146 = arith.constant 6 : i32
    %eq3A_147 = vector.broadcast %eq3A_146 : i32 to vector<2048x1xi32>
    %eq3A_148 = arith.cmpi eq, %get3A_40, %eq3A_147 : vector<2048x1xi32>
    %convert_element_type3A_149 = arith.extui %eq3A_148 : vector<2048x1xi1> to vector<2048x1xi32>
    %convert_element_type3A_150 = arith.sitofp %convert_element_type3A_149 : vector<2048x1xi32> to vector<2048x1xf32>
    %mul3A_151 = vector.broadcast %convert_element_type3A_150 : vector<2048x1xf32> to vector<2048x64xf32>
    %mul3A_152 = arith.mulf %select_n3A, %mul3A_151 : vector<2048x64xf32>
    %reduce_sum3A_153 = arith.constant dense<0.000000e+00> : vector<64xf32>
    %reduce_sum3A_154 = vector.multi_reduction <add>, %mul3A_152, %reduce_sum3A_153 [0] : vector<2048x64xf32> to vector<64xf32>
    %broadcast_in_dim3A_155 = vector.shape_cast %reduce_sum3A_154 : vector<64xf32> to vector<1x64xf32>
    %broadcast_in_dim3A_156 = arith.constant 1.000000e+00 : f32
    %broadcast_in_dim3A_157 = vector.broadcast %broadcast_in_dim3A_156 : f32 to vector<1x64xf32>
    %mul3A_158 = vector.broadcast %convert_element_type3A_150 : vector<2048x1xf32> to vector<2048x64xf32>
    %mul3A_159 = vector.broadcast %broadcast_in_dim3A_157 : vector<1x64xf32> to vector<2048x64xf32>
    %mul3A_160 = arith.mulf %mul3A_158, %mul3A_159 : vector<2048x64xf32>
    %reduce_sum3A_161 = arith.constant dense<0.000000e+00> : vector<64xf32>
    %reduce_sum3A_162 = vector.multi_reduction <add>, %mul3A_160, %reduce_sum3A_161 [0] : vector<2048x64xf32> to vector<64xf32>
    %broadcast_in_dim3A_163 = vector.shape_cast %reduce_sum3A_162 : vector<64xf32> to vector<1x64xf32>
    %eq3A_164 = arith.constant 7 : i32
    %eq3A_165 = vector.broadcast %eq3A_164 : i32 to vector<2048x1xi32>
    %eq3A_166 = arith.cmpi eq, %get3A_40, %eq3A_165 : vector<2048x1xi32>
    %convert_element_type3A_167 = arith.extui %eq3A_166 : vector<2048x1xi1> to vector<2048x1xi32>
    %convert_element_type3A_168 = arith.sitofp %convert_element_type3A_167 : vector<2048x1xi32> to vector<2048x1xf32>
    %mul3A_169 = vector.broadcast %convert_element_type3A_168 : vector<2048x1xf32> to vector<2048x64xf32>
    %mul3A_170 = arith.mulf %select_n3A, %mul3A_169 : vector<2048x64xf32>
    %reduce_sum3A_171 = arith.constant dense<0.000000e+00> : vector<64xf32>
    %reduce_sum3A_172 = vector.multi_reduction <add>, %mul3A_170, %reduce_sum3A_171 [0] : vector<2048x64xf32> to vector<64xf32>
    %broadcast_in_dim3A_173 = vector.shape_cast %reduce_sum3A_172 : vector<64xf32> to vector<1x64xf32>
    %broadcast_in_dim3A_174 = arith.constant 1.000000e+00 : f32
    %broadcast_in_dim3A_175 = vector.broadcast %broadcast_in_dim3A_174 : f32 to vector<1x64xf32>
    %mul3A_176 = vector.broadcast %convert_element_type3A_168 : vector<2048x1xf32> to vector<2048x64xf32>
    %mul3A_177 = vector.broadcast %broadcast_in_dim3A_175 : vector<1x64xf32> to vector<2048x64xf32>
    %mul3A_178 = arith.mulf %mul3A_176, %mul3A_177 : vector<2048x64xf32>
    %reduce_sum3A_179 = arith.constant dense<0.000000e+00> : vector<64xf32>
    %reduce_sum3A_180 = vector.multi_reduction <add>, %mul3A_178, %reduce_sum3A_179 [0] : vector<2048x64xf32> to vector<64xf32>
    %broadcast_in_dim3A_181 = vector.shape_cast %reduce_sum3A_180 : vector<64xf32> to vector<1x64xf32>
    %concatenate3A = tpu.concatenate %broadcast_in_dim3A_47, %broadcast_in_dim3A_65, %broadcast_in_dim3A_83, %broadcast_in_dim3A_101, %broadcast_in_dim3A_119, %broadcast_in_dim3A_137, %broadcast_in_dim3A_155, %broadcast_in_dim3A_173 in 0 : vector<1x64xf32>, vector<1x64xf32>, vector<1x64xf32>, vector<1x64xf32>, vector<1x64xf32>, vector<1x64xf32>, vector<1x64xf32>, vector<1x64xf32> -> vector<8x64xf32>
    %concatenate3A_182 = tpu.concatenate %broadcast_in_dim3A_55, %broadcast_in_dim3A_73, %broadcast_in_dim3A_91, %broadcast_in_dim3A_109, %broadcast_in_dim3A_127, %broadcast_in_dim3A_145, %broadcast_in_dim3A_163, %broadcast_in_dim3A_181 in 0 : vector<1x64xf32>, vector<1x64xf32>, vector<1x64xf32>, vector<1x64xf32>, vector<1x64xf32>, vector<1x64xf32>, vector<1x64xf32>, vector<1x64xf32> -> vector<8x64xf32>
    %eq3A_183 = arith.constant 0 : i32
    %eq3A_184 = arith.cmpi eq, %arg0, %eq3A_183 : i32
    %convert_element_type3A_185 = arith.extui %eq3A_184 : i1 to i32
    %cond3A = arith.constant 0 : i32
    %cond3A_186 = arith.cmpi ne, %convert_element_type3A_185, %cond3A : i32
    scf.if %cond3A_186 {
      %swap3A_192 = arith.constant 0 : index
      %swap3A_193 = arith.constant 0 : index
      %swap3A_194 = vector.load %arg8[%swap3A_192, %swap3A_193] : memref<8x64xf32, #tpu.memory_space<vmem>>, vector<8x64xf32>
      tpu.vector_store %arg8[%swap3A_192, %swap3A_193], %concatenate3A {strides = array<i32>} : memref<8x64xf32, #tpu.memory_space<vmem>>, vector<8x64xf32>,
      %swap3A_195 = arith.constant 0 : index
      %swap3A_196 = arith.constant 0 : index
      %swap3A_197 = vector.load %arg9[%swap3A_195, %swap3A_196] : memref<8x64xf32, #tpu.memory_space<vmem>>, vector<8x64xf32>
      tpu.vector_store %arg9[%swap3A_195, %swap3A_196], %concatenate3A_182 {strides = array<i32>} : memref<8x64xf32, #tpu.memory_space<vmem>>, vector<8x64xf32>,
    } else {
    }
    %gt3A_187 = arith.constant 0 : i32
    %gt3A_188 = arith.cmpi sgt, %arg0, %gt3A_187 : i32
    %convert_element_type3A_189 = arith.extui %gt3A_188 : i1 to i32
    %cond3A_190 = arith.constant 0 : i32
    %cond3A_191 = arith.cmpi ne, %convert_element_type3A_189, %cond3A_190 : i32
    scf.if %cond3A_191 {
      %get3A_192 = arith.constant 0 : index
      %get3A_193 = arith.constant 0 : index
      %get3A_194 = vector.load %arg8[%get3A_192, %get3A_193] : memref<8x64xf32, #tpu.memory_space<vmem>>, vector<8x64xf32>
      %add3A_195 = arith.addf %get3A_194, %concatenate3A : vector<8x64xf32>
      %swap3A_196 = arith.constant 0 : index
      %swap3A_197 = arith.constant 0 : index
      %swap3A_198 = vector.load %arg8[%swap3A_196, %swap3A_197] : memref<8x64xf32, #tpu.memory_space<vmem>>, vector<8x64xf32>
      tpu.vector_store %arg8[%swap3A_196, %swap3A_197], %add3A_195 {strides = array<i32>} : memref<8x64xf32, #tpu.memory_space<vmem>>, vector<8x64xf32>,
      %get3A_199 = arith.constant 0 : index
      %get3A_200 = arith.constant 0 : index
      %get3A_201 = vector.load %arg9[%get3A_199, %get3A_200] : memref<8x64xf32, #tpu.memory_space<vmem>>, vector<8x64xf32>
      %add3A_202 = arith.addf %get3A_201, %concatenate3A_182 : vector<8x64xf32>
      %swap3A_203 = arith.constant 0 : index
      %swap3A_204 = arith.constant 0 : index
      %swap3A_205 = vector.load %arg9[%swap3A_203, %swap3A_204] : memref<8x64xf32, #tpu.memory_space<vmem>>, vector<8x64xf32>
      tpu.vector_store %arg9[%swap3A_203, %swap3A_204], %add3A_202 {strides = array<i32>} : memref<8x64xf32, #tpu.memory_space<vmem>>, vector<8x64xf32>,
    } else {
    }
    return
  }
  func.func @transform_0(%arg0: i32) -> (i32, i32, i32) {
    %c0_i32 = arith.constant 0 : i32
    %c0_i32_0 = arith.constant 0 : i32
    %c0_i32_1 = arith.constant 0 : i32
    return %c0_i32, %arg0, %c0_i32_0 : i32, i32, i32
  }
  func.func @transform_1(%arg0: i32) -> (i32, i32) {
    %c0_i32 = arith.constant 0 : i32
    %c0_i32_0 = arith.constant 0 : i32
    return %arg0, %c0_i32 : i32, i32
  }
  func.func @transform_2(%arg0: i32) -> (i32, i32) {
    %c0_i32 = arith.constant 0 : i32
    %c0_i32_0 = arith.constant 0 : i32
    return %arg0, %c0_i32 : i32, i32
  }
  func.func @transform_3(%arg0: i32) -> (i32, i32) {
    %c0_i32 = arith.constant 0 : i32
    %c0_i32_0 = arith.constant 0 : i32
    %c0_i32_1 = arith.constant 0 : i32
    return %c0_i32, %c0_i32_0 : i32, i32
  }
  func.func @transform_4(%arg0: i32) -> (i32, i32) {
    %c0_i32 = arith.constant 0 : i32
    %c0_i32_0 = arith.constant 0 : i32
    %c0_i32_1 = arith.constant 0 : i32
    return %c0_i32, %c0_i32_0 : i32, i32
  }
  func.func @transform_5(%arg0: i32) -> (i32, i32) {
    %c0_i32 = arith.constant 0 : i32
    %c0_i32_0 = arith.constant 0 : i32
    return %arg0, %c0_i32 : i32, i32
  }
  func.func @transform_6(%arg0: i32) -> (i32, i32) {
    %c0_i32 = arith.constant 0 : i32
    %c0_i32_0 = arith.constant 0 : i32
    return %arg0, %c0_i32 : i32, i32
  }
  func.func @transform_7(%arg0: i32) -> (i32, i32) {
    %c0_i32 = arith.constant 0 : i32
    %c0_i32_0 = arith.constant 0 : i32
    %c0_i32_1 = arith.constant 0 : i32
    return %c0_i32, %c0_i32_0 : i32, i32
  }
  func.func @transform_8(%arg0: i32) -> (i32, i32) {
    %c0_i32 = arith.constant 0 : i32
    %c0_i32_0 = arith.constant 0 : i32
    %c0_i32_1 = arith.constant 0 : i32
    return %c0_i32, %c0_i32_0 : i32, i32
  }
}

module attributes {stable_mosaic.version = 14 : i64} {
  func.func @_tc_final_body(%arg0: i32, %arg1: memref<2x2048x16xf32, #tpu.memory_space<vmem>>, %arg2: memref<2048x16xf32, #tpu.memory_space<vmem>>, %arg3: memref<2048x1xf32, #tpu.memory_space<vmem>>, %arg4: memref<1x1xf32, #tpu.memory_space<vmem>>, %arg5: memref<8x64xf32, #tpu.memory_space<vmem>>, %arg6: memref<8x64xf32, #tpu.memory_space<vmem>>, %arg7: memref<64x1xf32, #tpu.memory_space<vmem>>, %arg8: memref<1x1xf32, #tpu.memory_space<vmem>>, %arg9: memref<2048x1xf32, #tpu.memory_space<vmem>>, %arg10: memref<8x1xf32, #tpu.memory_space<vmem>>) attributes {dimension_semantics = [#tpu.dimension_semantics<arbitrary>], iteration_bounds = array<i64: 5>, scalar_prefetch = 0 : i64, scratch_operands = 0 : i64, tpu.core_type = #tpu.core_type<tc>, window_params = [{transform_indices = @transform_0, window_bounds = array<i64: 2, 2048, 16>}, {transform_indices = @transform_1, window_bounds = array<i64: 2048, 16>}, {transform_indices = @transform_2, window_bounds = array<i64: 2048, 1>}, {pipeline_mode = #tpu.pipeline_mode<synchronous>, transform_indices = @transform_3, window_bounds = array<i64: 1, 1>}, {pipeline_mode = #tpu.pipeline_mode<synchronous>, transform_indices = @transform_4, window_bounds = array<i64: 8, 64>}, {pipeline_mode = #tpu.pipeline_mode<synchronous>, transform_indices = @transform_5, window_bounds = array<i64: 8, 64>}, {pipeline_mode = #tpu.pipeline_mode<synchronous>, transform_indices = @transform_6, window_bounds = array<i64: 64, 1>}, {pipeline_mode = #tpu.pipeline_mode<synchronous>, transform_indices = @transform_7, window_bounds = array<i64: 1, 1>}, {transform_indices = @transform_8, window_bounds = array<i64: 2048, 1>}, {pipeline_mode = #tpu.pipeline_mode<synchronous>, transform_indices = @transform_9, window_bounds = array<i64: 8, 1>}]} {
    %get3A = arith.constant 0 : index
    %get3A_0 = arith.constant 0 : index
    %get3A_1 = vector.load %arg3[%get3A, %get3A_0] : memref<2048x1xf32, #tpu.memory_space<vmem>>, vector<2048x1xf32>
    %get3A_2 = arith.constant 0 : index
    %get3A_3 = arith.constant 0 : index
    %get3A_4 = arith.constant 0 : index
    %get3A_5 = vector.load %arg1[%get3A_2, %get3A_3, %get3A_4] : memref<2x2048x16xf32, #tpu.memory_space<vmem>>, vector<1x2048x16xf32>
    %get3A_6 = vector.shape_cast %get3A_5 : vector<1x2048x16xf32> to vector<2048x16xf32>
    %slice3A = vector.extract_strided_slice %get3A_6 {offsets = [0, 0], sizes = [2048, 1], strides = [1, 1]} : vector<2048x16xf32> to vector<2048x1xf32>
    %get3A_7 = arith.constant 1 : index
    %get3A_8 = arith.constant 0 : index
    %get3A_9 = arith.constant 0 : index
    %get3A_10 = vector.load %arg1[%get3A_7, %get3A_8, %get3A_9] : memref<2x2048x16xf32, #tpu.memory_space<vmem>>, vector<1x2048x16xf32>
    %get3A_11 = vector.shape_cast %get3A_10 : vector<1x2048x16xf32> to vector<2048x16xf32>
    %slice3A_12 = vector.extract_strided_slice %get3A_11 {offsets = [0, 0], sizes = [2048, 1], strides = [1, 1]} : vector<2048x16xf32> to vector<2048x1xf32>
    %add3A = arith.addf %slice3A, %slice3A_12 : vector<2048x1xf32>
    %get3A_13 = arith.constant 0 : index
    %get3A_14 = arith.constant 0 : index
    %get3A_15 = vector.load %arg2[%get3A_13, %get3A_14] : memref<2048x16xf32, #tpu.memory_space<vmem>>, vector<2048x16xf32>
    %slice3A_16 = vector.extract_strided_slice %get3A_15 {offsets = [0, 0], sizes = [2048, 1], strides = [1, 1]} : vector<2048x16xf32> to vector<2048x1xf32>
    %add3A_17 = arith.addf %add3A, %slice3A_16 : vector<2048x1xf32>
    %mul3A = arith.mulf %get3A_1, %add3A_17 : vector<2048x1xf32>
    %get3A_18 = arith.constant 0 : index
    %get3A_19 = arith.constant 0 : index
    %get3A_20 = vector.load %arg4[%get3A_18, %get3A_19] : memref<1x1xf32, #tpu.memory_space<vmem>>, vector<1x1xf32>
    %add3A_21 = vector.broadcast %get3A_20 : vector<1x1xf32> to vector<2048x1xf32>
    %add3A_22 = arith.addf %mul3A, %add3A_21 : vector<2048x1xf32>
    %swap3A = arith.constant 0 : index
    %swap3A_23 = arith.constant 0 : index
    %swap3A_24 = vector.load %arg9[%swap3A, %swap3A_23] : memref<2048x1xf32, #tpu.memory_space<vmem>>, vector<2048x1xf32>
    tpu.vector_store %arg9[%swap3A, %swap3A_23], %add3A_22 {strides = array<i32>} : memref<2048x1xf32, #tpu.memory_space<vmem>>, vector<2048x1xf32>,
    %eq3A = arith.constant 0 : i32
    %eq3A_25 = arith.cmpi eq, %arg0, %eq3A : i32
    %convert_element_type3A = arith.extui %eq3A_25 : i1 to i32
    %cond3A = arith.constant 0 : i32
    %cond3A_26 = arith.cmpi ne, %convert_element_type3A, %cond3A : i32
    scf.if %cond3A_26 {
      %get3A_27 = arith.constant 0 : index
      %get3A_28 = arith.constant 0 : index
      %get3A_29 = vector.load %arg5[%get3A_27, %get3A_28] : memref<8x64xf32, #tpu.memory_space<vmem>>, vector<8x64xf32>
      %get3A_30 = arith.constant 0 : index
      %get3A_31 = arith.constant 0 : index
      %get3A_32 = vector.load %arg6[%get3A_30, %get3A_31] : memref<8x64xf32, #tpu.memory_space<vmem>>, vector<8x64xf32>
      %max3A = arith.constant 1.000000e+00 : f32
      %max3A_33 = vector.broadcast %max3A : f32 to vector<8x64xf32>
      %max3A_34 = arith.maximumf %get3A_32, %max3A_33 : vector<8x64xf32>
      %div3A = arith.divf %get3A_29, %max3A_34 : vector<8x64xf32>
      %get3A_35 = arith.constant 0 : index
      %get3A_36 = arith.constant 0 : index
      %get3A_37 = vector.load %arg7[%get3A_35, %get3A_36] : memref<64x1xf32, #tpu.memory_space<vmem>>, vector<64x1xf32>
      %dot_general3A = arith.constant dense<0.000000e+00> : vector<8x1xf32>
      %dot_general3A_38 = tpu.matmul %div3A, %get3A_37, %dot_general3A {dimension_numbers = #tpu.dot_dimension_numbers<[1], [0], [0], [1], [0, 0, 1, 1], [], []>, transpose_lhs_hint = false} : vector<8x64xf32>, vector<64x1xf32>, vector<8x1xf32> -> vector<8x1xf32>
      %get3A_39 = arith.constant 0 : index
      %get3A_40 = arith.constant 0 : index
      %get3A_41 = vector.load %arg8[%get3A_39, %get3A_40] : memref<1x1xf32, #tpu.memory_space<vmem>>, vector<1x1xf32>
      %add3A_42 = vector.broadcast %get3A_41 : vector<1x1xf32> to vector<8x1xf32>
      %add3A_43 = arith.addf %dot_general3A_38, %add3A_42 : vector<8x1xf32>
      %swap3A_44 = arith.constant 0 : index
      %swap3A_45 = arith.constant 0 : index
      %swap3A_46 = vector.load %arg10[%swap3A_44, %swap3A_45] : memref<8x1xf32, #tpu.memory_space<vmem>>, vector<8x1xf32>
      tpu.vector_store %arg10[%swap3A_44, %swap3A_45], %add3A_43 {strides = array<i32>} : memref<8x1xf32, #tpu.memory_space<vmem>>, vector<8x1xf32>,
    } else {
    }
    return
  }
  func.func @transform_0(%arg0: i32) -> (i32, i32, i32) {
    %c0_i32 = arith.constant 0 : i32
    %c0_i32_0 = arith.constant 0 : i32
    %c0_i32_1 = arith.constant 0 : i32
    return %c0_i32, %arg0, %c0_i32_0 : i32, i32, i32
  }
  func.func @transform_1(%arg0: i32) -> (i32, i32) {
    %c0_i32 = arith.constant 0 : i32
    %c0_i32_0 = arith.constant 0 : i32
    return %arg0, %c0_i32 : i32, i32
  }
  func.func @transform_2(%arg0: i32) -> (i32, i32) {
    %c0_i32 = arith.constant 0 : i32
    %c0_i32_0 = arith.constant 0 : i32
    return %arg0, %c0_i32 : i32, i32
  }
  func.func @transform_3(%arg0: i32) -> (i32, i32) {
    %c0_i32 = arith.constant 0 : i32
    %c0_i32_0 = arith.constant 0 : i32
    %c0_i32_1 = arith.constant 0 : i32
    return %c0_i32, %c0_i32_0 : i32, i32
  }
  func.func @transform_4(%arg0: i32) -> (i32, i32) {
    %c0_i32 = arith.constant 0 : i32
    %c0_i32_0 = arith.constant 0 : i32
    %c0_i32_1 = arith.constant 0 : i32
    return %c0_i32, %c0_i32_0 : i32, i32
  }
  func.func @transform_5(%arg0: i32) -> (i32, i32) {
    %c0_i32 = arith.constant 0 : i32
    %c0_i32_0 = arith.constant 0 : i32
    %c0_i32_1 = arith.constant 0 : i32
    return %c0_i32, %c0_i32_0 : i32, i32
  }
  func.func @transform_6(%arg0: i32) -> (i32, i32) {
    %c0_i32 = arith.constant 0 : i32
    %c0_i32_0 = arith.constant 0 : i32
    %c0_i32_1 = arith.constant 0 : i32
    return %c0_i32, %c0_i32_0 : i32, i32
  }
  func.func @transform_7(%arg0: i32) -> (i32, i32) {
    %c0_i32 = arith.constant 0 : i32
    %c0_i32_0 = arith.constant 0 : i32
    %c0_i32_1 = arith.constant 0 : i32
    return %c0_i32, %c0_i32_0 : i32, i32
  }
  func.func @transform_8(%arg0: i32) -> (i32, i32) {
    %c0_i32 = arith.constant 0 : i32
    %c0_i32_0 = arith.constant 0 : i32
    return %arg0, %c0_i32 : i32, i32
  }
  func.func @transform_9(%arg0: i32) -> (i32, i32) {
    %c0_i32 = arith.constant 0 : i32
    %c0_i32_0 = arith.constant 0 : i32
    %c0_i32_1 = arith.constant 0 : i32
    return %c0_i32, %c0_i32_0 : i32, i32
  }
}

</mosaic_0001>

<sc_bundles>
// kernel: kernel.10.cloned.1.call-start
scs
__scs_entry_jumppad:
0x0: {  	(pc) =	sbr.rel $0x88, $3  }
0x1: {  	(tag) =	ssettag $0x0;
	lr =	simm.s32 $0x1  }
0x2: {  	[smem:$0x3F96] =	sst lr;
	_ =	strace $0xD0000000  }
0x3: {  	_ = 	snop  }
0x4: {  	_ = 	snop  }
0x5: {  	_ = 	snop  }
0x6: {  	_ = 	snop  }
0x7: {  	_ = 	snop  }
__scs_overlays_trampoline_lowered:
0x8: {  	[smem:$0x3FA5] =	sst s0  }
0x9: {  	[smem:$0x3FA6] =	sst s1  }
0xa: {  	[smem:$0x3FA7] =	sst s2  }
0xb: {  	[smem:$0x3FA8] =	sst s3  }
0xc: {  	[smem:$0x3FA9] =	sst s4  }
0xd: {  	[smem:$0x3FAA] =	sst s5  }
0xe: {  	[smem:$0x3FAB] =	sst s6  }
0xf: {  	[smem:$0x3FAC] =	sst s7  }
0x10: {  	[smem:$0x3FAD] =	sst s8  }
0x11: {  	[smem:$0x3FAE] =	sst s9;
	s0 =	simm.s32 @!p0 $0x0  }
0x12: {  	s1 =	sld [smem:$0x3F94];
	s0 =	simm.s32 @p0 $0x1  }
0x13: {  	[smem:$0x3FAF] =	sst s0;
	s0 =	simm.s32 @!p1 $0x0  }
0x14: {  	s2 =	sld [smem:$0x3F93];
	s0 =	simm.s32 @p1 $0x1  }
0x15: {  	[smem:$0x3FB0] =	sst s0;
	s0 =	simm.s32 @!p2 $0x0  }
0x16: {  	s3 =	sld [smem:$0x3FDB];
	s0 =	simm.s32 @p2 $0x1  }
0x17: {  	s4 =	simm.s32 $0x1BF5;
	[smem:$0x3FB2] =	sst s0  }
0x18: {  	s0 =	sld [smem:$0x3F95];
	_ =	swait.ge [sflag:s4], $0x0  }
0x19: {  	s7 =	sld [smem:$0x3F96]  }
0x1a: {  	s8 =	sadd.s32 $0xFFFFE003, lr  }
0x1b: {  	s9 =	sadd.s32 $0xFFFFFEF7, lr;
	s5 =	simm.s32 $0xFFFFFFFF;
	p2 =	slt.u32 s8, $0xFFFFF086  }
0x1c: {  	p1 =	slt.u32 s9, $0xF7A;
	s5 =	simm.s32 @!p2 $0x0  }
0x1d: {  	s5 =	simm.s32 @p1 $0x1;
	p0 =	seq.s32 s7, s2  }
0x1e: {  	s7 =	smul.u32 @!p0 $0xF7A, s2;
	p2 =	seq.s32 @!p0 s5, $0x0  }
0x1f: {  	s9 =	smul.u32 $0xF7A, s1;
	s8 =	simm.s32 @!p0 $0x1BF5;
	p2 =	por !p2, p0  }
0x20: {  	[sflag:s8] =	ssyncset.s32 @!p0 $0xFFFFF086;
	s6 =	sadd.s32 @!p0 s3, s7;
	s7 =	simm.s32 @!p0 $0x108  }
0x21: {  	s3 =	sadd.s32 s3, s9;
	s6 =	sadd.s32 @!p0 $0x88, s6;
	s7 =	simm.s32 @p2 $0x1082  }
0x22: {  	[simem:s7], [sflag:s8] =	dma.local @!p0 [hbm:s6], $0xF7A  }
0x23: {  	s9 =	sor.u32 $0xD0000000, s2;
	s6 =	simm.s32 $0x108;
	_ =	swait.ge @!p0 [sflag:s8], $0x0  }
0x24: {  	s3 =	sadd.s32 $0x88, s3;
	s6 =	simm.s32 @!p1 $0x1082;
	[sflag:s4] =	ssyncset.s32 $0xFFFFF086  }
0x25: {  	[simem:s6], [sflag:s4] =	dma.local [hbm:s3], $0xF7A  }
0x26: {  	[smem:$0x3F96] =	sst s1;
	(tag) =	ssettag s2;
	_ =	strace s9  }
0x27: {  	s1 =	sld [smem:$0x3FA6]  }
0x28: {  	s2 =	sld [smem:$0x3FA7]  }
0x29: {  	s4 =	sld [smem:$0x3FA9]  }
0x2a: {  	p0 =	seq.s32 s5, $0x0;
	s5 =	sld [smem:$0x3FAA]  }
0x2b: {  	s6 =	sld [smem:$0x3FAB]  }
0x2c: {  	s7 =	sld [smem:$0x3FAC]  }
0x2d: {  	s3 =	simm.s32 $0x108;
	s8 =	sld [smem:$0x3FAD]  }
0x2e: {  	s3 =	simm.s32 @!p0 $0x1082;
	s9 =	sld [smem:$0x3FAE]  }
0x2f: {  	lr =	sadd.s32 s0, s3;
	s0 =	sld [smem:$0x3FA5]  }
0x30: {  	s3 =	sld [smem:$0x3FA8]  }
0x31: {  	[smem:$0x3FB1] =	sst s10  }
0x32: {  	s10 =	sld [smem:$0x3FAF];
	_ =	sdelay $0x3  }
0x33: {  	p0 =	seq.s32 s10, $0x1;
	s10 =	sld [smem:$0x3FB1];
	_ =	sdelay $0x3  }
0x34: {  	[smem:$0x3FB1] =	sst s10  }
0x35: {  	s10 =	sld [smem:$0x3FB0];
	_ =	sdelay $0x3  }
0x36: {  	p1 =	seq.s32 s10, $0x1;
	s10 =	sld [smem:$0x3FB1];
	_ =	sdelay $0x3  }
0x37: {  	[smem:$0x3FB1] =	sst s10  }
0x38: {  	s10 =	sld [smem:$0x3FB2]  }
0x39: {  	_ = 	snop;
	(pc) =	sbr.ind lr, $3  }
0x3a: {  	_ = 	snop  }
0x3b: {  	_ = 	snop  }
0x3c: {  	p2 =	seq.s32 s10, $0x1;
	s10 =	sld [smem:$0x3FB1]  }
0x3d: {  	_ =	shalt  }
0x3e: {  	_ =	shalt  }
0x3f: {  	_ =	shalt  }
0x40: {  	_ =	shalt  }
0x41: {  	_ =	shalt  }
0x42: {  	_ =	shalt  }
0x43: {  	_ =	shalt  }
0x44: {  	_ =	shalt  }
0x45: {  	_ =	shalt  }
0x46: {  	_ =	shalt  }
0x47: {  	_ =	shalt  }
0x48: {  	_ =	shalt  }
0x49: {  	_ =	shalt  }
0x4a: {  	_ =	shalt  }
0x4b: {  	_ =	shalt  }
0x4c: {  	_ =	shalt  }
0x4d: {  	_ =	shalt  }
0x4e: {  	_ =	shalt  }
0x4f: {  	_ =	shalt  }
0x50: {  	_ =	shalt  }
0x51: {  	_ =	shalt  }
0x52: {  	_ =	shalt  }
0x53: {  	_ =	shalt  }
0x54: {  	_ =	shalt  }
0x55: {  	_ =	shalt  }
0x56: {  	_ =	shalt  }
0x57: {  	_ =	shalt  }
0x58: {  	_ =	shalt  }
0x59: {  	_ =	shalt  }
0x5a: {  	_ =	shalt  }
0x5b: {  	_ =	shalt  }
0x5c: {  	_ =	shalt  }
0x5d: {  	_ =	shalt  }
0x5e: {  	_ =	shalt  }
0x5f: {  	_ =	shalt  }
0x60: {  	_ =	shalt  }
0x61: {  	_ =	shalt  }
0x62: {  	_ =	shalt  }
0x63: {  	_ =	shalt  }
0x64: {  	_ =	shalt  }
0x65: {  	_ =	shalt  }
0x66: {  	_ =	shalt  }
0x67: {  	_ =	shalt  }
0x68: {  	_ =	shalt  }
0x69: {  	_ =	shalt  }
0x6a: {  	_ =	shalt  }
0x6b: {  	_ =	shalt  }
0x6c: {  	_ =	shalt  }
0x6d: {  	_ =	shalt  }
0x6e: {  	_ =	shalt  }
0x6f: {  	_ =	shalt  }
0x70: {  	_ =	shalt  }
0x71: {  	_ =	shalt  }
0x72: {  	_ =	shalt  }
0x73: {  	_ =	shalt  }
0x74: {  	_ =	shalt  }
0x75: {  	_ =	shalt  }
0x76: {  	_ =	shalt  }
0x77: {  	_ =	shalt  }
0x78: {  	_ =	shalt  }
0x79: {  	_ =	shalt  }
0x7a: {  	_ =	shalt  }
0x7b: {  	_ =	shalt  }
0x7c: {  	_ =	shalt  }
0x7d: {  	_ =	shalt  }
0x7e: {  	_ =	shalt  }
0x7f: {  	_ =	shalt  }
0x80: {  	_ =	shalt  }
0x81: {  	_ =	shalt  }
0x82: {  	_ =	shalt  }
0x83: {  	_ =	shalt  }
0x84: {  	_ =	shalt  }
0x85: {  	_ =	shalt  }
0x86: {  	_ =	shalt  }
0x87: {  	_ =	shalt  }
.Lfunc_end0:
.L_simem_size_0:
called_computation_lowered:
.L_overlay_start_0:
0x88: {  	s2 =	sld [smem:$0x3FD9]  }
0x89: {  	s3 =	sld [smem:$0x3FFE];
	_ =	sdelay $0x1  }
0x8a: {  	s1 =	srdreg.scid  }
0x8b: {  	s0 =	sand.u32 $0x1, s1  }
0x8c: {  	s14 =	sshll.u32 s0, $0xA;
	s2 =	sadd.s32 s3, s2  }
0x8d: {  	s2 =	sadd.s32 s2, s14  }
0x8e: {  	[smem:$0x3FBD] =	sst s2  }
0x8f: {  	_ = 	snop  }
0x90: {  	s2 =	sld [smem:$0x3FD0];
	_ =	sdelay $0x2  }
0x91: {  	s15 =	simm.s32 $0xA;
	s4 =	simm.s32 $0x10  }
0x92: {  	[smem:s4], [sflag:s15] =	dma.local [hbm:s2], $0x1  }
0x93: {  	_ =	swait.eq [sflag:s15], $0x1  }
0x94: {  	[sflag:s15] =	ssyncset.done $0x0  }
0x95: {  	[sflag:s15] =	ssyncadd.s32 $0xFFFFFFFF  }
0x96: {  	s16 =	sld [smem:$0x10];
	(tm) =	ssettm $0x1  }
0x97: {  	s17 =	sld [smem:$0x3FFB];
	_ =	sdelay $0x3  }
0x98: {  	_ =	strace s17  }
0x99: {  	s3 =	sld [smem:$0x3FFC];
	_ =	sdelay $0x3  }
0x9a: {  	_ =	strace s3  }
0x9b: {  	s3 =	sld [smem:$0x3FFD];
	_ =	sdelay $0x3  }
0x9c: {  	_ =	strace s3  }
0x9d: {  	_ =	strace $0x8FFFFFFF  }
0x9e: {  	s18 =	sld [smem:$0x3FDB];
	_ =	sdelay $0x1  }
0x9f: {  	s19 =	simm.s32 $_scs_section_size  }
0xa0: {  	s5 =	simm.s32 $_size__tile_overlayer_lowered;
	s6 =	simm.s32 $_tile_overlayer_lowered  }
0xa1: {  	s22 =	simm.s32 $0x1BFF;
	s21 =	sshll.u32 s6, $0x1;
	s3 =	sadd.s32 s19, s18  }
0xa2: {  	s7 =	simm.s32 $0x0;
	s20 =	sshll.u32 s5, $0x1;
	s5 =	sadd.s32 s21, s3  }
0xa3: {  	[timem:s7], [sflag:s22] =	dma.local [hbm:s5], s20  }
0xa4: {  	_ =	swait.ge [sflag:s22], s20  }
0xa5: {  	s4 =	ssub.s32 $0x0, s20;
	[sflag:s22] =	ssyncset.done $0x0  }
0xa6: {  	[sflag:s22] =	ssyncadd.s32 s4;
	_ =	sdelay $0x1  }
0xa7: {  	s23 =	simm.s32 $0x1B8B  }
0xa8: {  	_ =	swait.ge [sflag:s23], $0x1  }
0xa9: {  	[sflag:s23] =	ssyncset.done $0x0  }
0xaa: {  	s25 =	simm.s32 $0x1B8E;
	s24 =	sld [smem:$0x3FFE];
	[sflag:s23] =	ssyncadd.s32 $0xFFFFFFFF  }
0xab: {  	s26 =	simm.s32 $execute0_lowered;
	[smem:$0x3FD2] =	sst s25  }
0xac: {  	s5 =	sshll.u32 s26, $0x1;
	_ =	strace $0x80000046;
	[dreg:$0x1] =	wrdreg $0xFFFFFFFF  }
0xad: {  	s28 =	simm.s32 $_size_execute0_lowered;
	s3 =	sadd.s32 s3, s5;
	[dreg:$0x0] =	wrdreg $0x0  }
0xae: {  	s5 =	sshll.u32 s28, $0x1;
	[dreg:$0x2] =	wrdreg s3  }
0xaf: {  	[dreg:$0x3] =	wrdreg s5  }
0xb0: {  	[dreg:$0x4] =	wrdreg $0xC0  }
0xb1: {  	_ =	task [dreg:s7], $0x5FFFF  }
0xb2: {  	[dreg:$0x1] =	wrdreg $0xFFFFFFFF  }
0xb3: {  	[dreg:$0x0] =	wrdreg $0x60  }
0xb4: {  	[dreg:$0x2] =	wrdreg s24  }
0xb5: {  	[dreg:$0x3] =	wrdreg s16  }
0xb6: {  	[dreg:$0x4] =	wrdreg $0x30000  }
0xb7: {  	[dreg:$0x5] =	wrdreg $0x9  }
0xb8: {  	_ =	task.clear_ibuf [dreg:s7], $0x6FFFF;
	_ =	strace $0x90000046  }
0xb9: {  	s29 =	simm.s32 $0x9;
	_ =	strace $0x80000048  }
0xba: {  	_ =	swait.ge [sflag:s29], $0x1  }
0xbb: {  	[sflag:s29] =	ssyncadd.s32 $0xFFFFFFFF  }
0xbc: {  	_ =	strace $0x90000048  }
0xbd: {  	_ =	sfence  }
0xbe: {  	s30 =	sld [smem:$0x0];
	_ =	sdelay $0x2  }
0xbf: {  	s31 =	sshll.u32 s1, $0xD;
	s1 =	sshrl.u32 s1, $0x2  }
0xc0: {  	s3 =	sand.u32 $0x4000, s31;
	s1 =	sadd.s32 s1, s30  }
0xc1: {  	s0 =	sor.u32 s3, s0;
	s1 =	sshll.u32 s1, $0x11  }
0xc2: {  	s0 =	sor.u32 s1, s0  }
0xc3: {  	s0 =	sadd.s32 $0x8F2B, s0  }
0xc4: {  	[sflag:s0] =	ssyncadd.remote.s32 $0x1  }
0xc5: {  	_ =	sfence.sel $0xFFFF  }
0xc6: {  	[dreg:$0x0] =	wrdreg $0xFFFFFFFF;
	(pc) =	sbr.abs _section_cstart, $3  }
0xc7: {  	[dreg:$0x1] =	wrdreg $0xFFFFFFFF  }
0xc8: {  	_ =	task.clear_ibuf [dreg:s7], $0x2FFFF;
	_ =	strace $0x9FFFFFFF  }
0xc9: {  	(tm) =	ssettm $0x7FFFFFFF  }
tec
execute0_lowered:
.L_overlay_start_1:
0x0: {  	(tag) =	ssettag $0x1  }
0x1: {  	s6 =	rddreg [dreg:$0x0]  }
0x2: {  	s2 =	rddreg [dreg:$0x1]  }
0x3: {  	s3 =	rddreg [dreg:$0x2]  }
0x4: {  	s0 =	rddreg [dreg:$0x3];
	s4 =	srdreg.scid  }
0x5: {  	s1 =	stileid.u32;
	s13 =	simm.s32 $0x80;
	s14 =	simm.s32 $0x1  }
0x6: {  	s15 =	simm.s32 $0x0;
	s5 =	sand.u32 $0x1, s4;
	s7 =	sshll.u32 s1, $0x1  }
0x7: {  	s8 =	smul.u32 $0x2800, s1;
	s4 =	simm.s32 $0x0;
	s31 =	sshll.u32 s1, $0x6  }
0x8: {  	s7 =	sor.u32 s5, s7;
	s9 =	smul.u32 $0x28000, s5;
	[smem:$0x7FF] =	sst s4  }
0x9: {  	s10 =	ssub.s32 $0x2, s5;
	s5 =	sadd.s32 $0x15A00, s6;
	s7 =	smul.u32 $0x500, s7  }
0xa: {  	_ =	strace $0x80000047;
	s11 =	sshrl.u32 s10, $0x1;
	s12 =	sadd.s32 s8, s3  }
0xb: {  	s9 =	sadd.s32 s8, s9;
	s10 =	ssub.s32 s10, s11;
	s11 =	sor.u32 $0x1C02, s31  }
0xc: {  	s12 =	sshrl.u32 s12, $0x3;
	s7 =	sadd.s32 s7, s6;
	s9 =	sshrl.u32 s9, $0x3  }
0xd: {  	s8 =	smax.u32 s10, $0x1;
	s10 =	simm.s32 $0x2;
	s9 =	sadd.s32 s9, s6  }
0xe: {  	s6 =	sadd.s32 $0x1A00, s7;
	s7 =	sadd.s32 $0x15C00, s9;
	s9 =	simm.s32 $0x2800  }
.LBB2_1:
0xf: {  	[tilespmem:s9], [sflag:$0x2] =	stream.linear.gather [hbm4b:s5+s4], $0x800, $0x38;
	[tilespmem:$0x5800] =	vst v63  }
0x10: {  	_ =	swait.ge [sflag:s10], $0x800  }
0x11: {  	[sflag:s10] =	ssyncset.done $0x0  }
0x12: {  	[sflag:s10] =	ssyncadd.s32 $0xFFFFF800  }
0x13: {  	[tilespmem:s4], [sflag:$0x2] =	stream.linear.gather [hbm4b:s6+s4], $0x2800, $0x38;
	[tilespmem:$0x5800] =	vst v63  }
0x14: {  	_ =	swait.ge [sflag:s10], $0x2800  }
0x15: {  	[sflag:s10] =	ssyncset.done $0x0  }
0x16: {  	[sflag:s10] =	ssyncadd.s32 $0xFFFFD800  }
0x17: {  	[spmem:s12], [sflag:s11] =	dma.local [hbm:s2], $0x500  }
0x18: {  	_ =	swait.ge [sflag:s10], $0x500  }
0x19: {  	[sflag:s10] =	ssyncset.done $0x0  }
0x1a: {  	[sflag:s10] =	ssyncadd.s32 $0xFFFFFB00  }
0x1b: {  	s16 =	simm.s32 $0x0;
	[bflag:$0x0] =	sbarrier.arrive $0xFFFF  }
.LBB2_2:
0x1c: {  	p0 =	sne.s32 s16, $0x9E00  }
.Ltmp0:
0x1d: {  	_ = 	snop;
	(pc) =	sbr.rel @p0 .LBB2_2-.Ltmp0, $3  }
0x1e: {  	_ =	sdelay $0x1  }
0x1f: {  	s17 =	sshra.s32 s16, $0x2;
	s16 =	sadd.s32 $0x200, s16  }
0x20: {  	[spmem:s3] =	stream.indirect.scatter.add.f32 [tilespmem:s9], [sflag:$0x1], $0x10, s17, s13, $0xb8;
	[tilespmem:$0x5800] =	vst v63  }
0x21: {  	_ =	swait.ge [sflag:s14], $0x800  }
0x22: {  	s16 =	simm.s32 $0x4F;
	[sflag:s14] =	ssyncset.done $0x0  }
.LBB2_4:
0x23: {  	p0 =	sne.s32 s16, $0x1;
	s16 =	sadd.s32 $0xFFFFFFFF, s16;
	[sflag:s14] =	ssyncadd.s32 $0xFFFFF800  }
.Ltmp1:
0x24: {  	(pc) =	sbr.rel @p0 .LBB2_4-.Ltmp1, $3  }
0x25: {  	_ =	sdelay $0x1  }
0x26: {  	_ =	swait.ge [sflag:s14], $0x800  }
0x27: {  	[sflag:s14] =	ssyncset.done $0x0  }
0x28: {  	s15 =	sadd.s32 $0x1, s15  }
0x29: {  	[sflag:s14] =	ssyncadd.s32 $0xFFFFF800;
	p0 =	sne.s32 s15, s8  }
.Ltmp2:
0x2a: {  	[bflag:$0x0] =	sbarrier.arrive $0xFFFF;
	(pc) =	sbr.rel @p0 .LBB2_1-.Ltmp2, $4  }
0x2b: {  	[hbm:s7], [sflag:s11] =	dma.local [spmem:s12], $0x500  }
0x2c: {  	_ =	swait.ge [sflag:s10], $0x500  }
0x2d: {  	[sflag:s10] =	ssyncset.done $0x0  }
0x2e: {  	[sflag:s10] =	ssyncadd.s32 $0xFFFFFB00  }
0x2f: {  	_ =	sfence.sel $0x180000  }
0x30: {  	[bflag:$0x0] =	sbarrier.arrive $0xFFFF  }
0x31: {  	p0 =	sne.s32 s1, $0x0;
	_ =	strace $0x90000047  }
0x32: {  	s0 =	sadd.s32 @!p0 $0x100000, s0;
	[bflag:$0x2] =	sbarrier.arrive $0xFFFF  }
0x33: {  	[sflag:s0] =	ssyncadd.tile.s32 @!p0 $0x1;
	_ =	shalt  }
.Lfunc_end2:
_tile_overlayer_lowered:
.L_overlay_start_2:
0x34: {  	(tag) =	ssettag $0x2  }
0x35: {  	s0 =	rddreg [dreg:$0x0];
	s2 =	stileid.u32  }
0x36: {  	s1 =	rddreg [dreg:$0x1];
	p0 =	sne.s32 s2, $0x0  }
0x37: {  	s3 =	rddreg [dreg:$0x2];
	[bflag:$0x3] =	sbarrier.arrive $0xFFFF;
	s2 =	simm.s32 @!p0 $0x1C02  }
0x38: {  	[timem:s3], [sflag:s2] =	dma.local @!p0 [hbm:s0], s1  }
0x39: {  	s0 =	simm.s32 @!p0 $0x2  }
0x3a: {  	_ =	swait.ge @!p0 [sflag:s0], s1  }
0x3b: {  	s1 =	ssub.s32 @!p0 $0x0, s1;
	[sflag:s0] =	ssyncset.done @!p0 $0x0  }
0x3c: {  	[sflag:s0] =	ssyncadd.s32 @!p0 s1  }
0x3d: {  	[bflag:$0x3] =	sbarrier.arrive $0xFFFF  }
0x3e: {  	_ =	shalt  }

// kernel: kernel.13.cloned.1.call-start
scs
__scs_entry_jumppad:
0x0: {  	(pc) =	sbr.rel $0x88, $3  }
0x1: {  	(tag) =	ssettag $0x0;
	lr =	simm.s32 $0x1  }
0x2: {  	[smem:$0x3F96] =	sst lr;
	_ =	strace $0xD0000000  }
0x3: {  	_ = 	snop  }
0x4: {  	_ = 	snop  }
0x5: {  	_ = 	snop  }
0x6: {  	_ = 	snop  }
0x7: {  	_ = 	snop  }
__scs_overlays_trampoline_lowered:
0x8: {  	[smem:$0x3FA5] =	sst s0  }
0x9: {  	[smem:$0x3FA6] =	sst s1  }
0xa: {  	[smem:$0x3FA7] =	sst s2  }
0xb: {  	[smem:$0x3FA8] =	sst s3  }
0xc: {  	[smem:$0x3FA9] =	sst s4  }
0xd: {  	[smem:$0x3FAA] =	sst s5  }
0xe: {  	[smem:$0x3FAB] =	sst s6  }
0xf: {  	[smem:$0x3FAC] =	sst s7  }
0x10: {  	[smem:$0x3FAD] =	sst s8  }
0x11: {  	[smem:$0x3FAE] =	sst s9;
	s0 =	simm.s32 @!p0 $0x0  }
0x12: {  	s1 =	sld [smem:$0x3F94];
	s0 =	simm.s32 @p0 $0x1  }
0x13: {  	[smem:$0x3FAF] =	sst s0;
	s0 =	simm.s32 @!p1 $0x0  }
0x14: {  	s2 =	sld [smem:$0x3F93];
	s0 =	simm.s32 @p1 $0x1  }
0x15: {  	[smem:$0x3FB0] =	sst s0;
	s0 =	simm.s32 @!p2 $0x0  }
0x16: {  	s3 =	sld [smem:$0x3FDB];
	s0 =	simm.s32 @p2 $0x1  }
0x17: {  	s4 =	simm.s32 $0x1BF5;
	[smem:$0x3FB2] =	sst s0  }
0x18: {  	s0 =	sld [smem:$0x3F95];
	_ =	swait.ge [sflag:s4], $0x0  }
0x19: {  	s7 =	sld [smem:$0x3F96]  }
0x1a: {  	s8 =	sadd.s32 $0xFFFFE003, lr  }
0x1b: {  	s9 =	sadd.s32 $0xFFFFFEF7, lr;
	s5 =	simm.s32 $0xFFFFFFFF;
	p2 =	slt.u32 s8, $0xFFFFF086  }
0x1c: {  	p1 =	slt.u32 s9, $0xF7A;
	s5 =	simm.s32 @!p2 $0x0  }
0x1d: {  	s5 =	simm.s32 @p1 $0x1;
	p0 =	seq.s32 s7, s2  }
0x1e: {  	s7 =	smul.u32 @!p0 $0xF7A, s2;
	p2 =	seq.s32 @!p0 s5, $0x0  }
0x1f: {  	s9 =	smul.u32 $0xF7A, s1;
	s8 =	simm.s32 @!p0 $0x1BF5;
	p2 =	por !p2, p0  }
0x20: {  	[sflag:s8] =	ssyncset.s32 @!p0 $0xFFFFF086;
	s6 =	sadd.s32 @!p0 s3, s7;
	s7 =	simm.s32 @!p0 $0x108  }
0x21: {  	s3 =	sadd.s32 s3, s9;
	s6 =	sadd.s32 @!p0 $0x88, s6;
	s7 =	simm.s32 @p2 $0x1082  }
0x22: {  	[simem:s7], [sflag:s8] =	dma.local @!p0 [hbm:s6], $0xF7A  }
0x23: {  	s9 =	sor.u32 $0xD0000000, s2;
	s6 =	simm.s32 $0x108;
	_ =	swait.ge @!p0 [sflag:s8], $0x0  }
0x24: {  	s3 =	sadd.s32 $0x88, s3;
	s6 =	simm.s32 @!p1 $0x1082;
	[sflag:s4] =	ssyncset.s32 $0xFFFFF086  }
0x25: {  	[simem:s6], [sflag:s4] =	dma.local [hbm:s3], $0xF7A  }
0x26: {  	[smem:$0x3F96] =	sst s1;
	(tag) =	ssettag s2;
	_ =	strace s9  }
0x27: {  	s1 =	sld [smem:$0x3FA6]  }
0x28: {  	s2 =	sld [smem:$0x3FA7]  }
0x29: {  	s4 =	sld [smem:$0x3FA9]  }
0x2a: {  	p0 =	seq.s32 s5, $0x0;
	s5 =	sld [smem:$0x3FAA]  }
0x2b: {  	s6 =	sld [smem:$0x3FAB]  }
0x2c: {  	s7 =	sld [smem:$0x3FAC]  }
0x2d: {  	s3 =	simm.s32 $0x108;
	s8 =	sld [smem:$0x3FAD]  }
0x2e: {  	s3 =	simm.s32 @!p0 $0x1082;
	s9 =	sld [smem:$0x3FAE]  }
0x2f: {  	lr =	sadd.s32 s0, s3;
	s0 =	sld [smem:$0x3FA5]  }
0x30: {  	s3 =	sld [smem:$0x3FA8]  }
0x31: {  	[smem:$0x3FB1] =	sst s10  }
0x32: {  	s10 =	sld [smem:$0x3FAF];
	_ =	sdelay $0x3  }
0x33: {  	p0 =	seq.s32 s10, $0x1;
	s10 =	sld [smem:$0x3FB1];
	_ =	sdelay $0x3  }
0x34: {  	[smem:$0x3FB1] =	sst s10  }
0x35: {  	s10 =	sld [smem:$0x3FB0];
	_ =	sdelay $0x3  }
0x36: {  	p1 =	seq.s32 s10, $0x1;
	s10 =	sld [smem:$0x3FB1];
	_ =	sdelay $0x3  }
0x37: {  	[smem:$0x3FB1] =	sst s10  }
0x38: {  	s10 =	sld [smem:$0x3FB2]  }
0x39: {  	_ = 	snop;
	(pc) =	sbr.ind lr, $3  }
0x3a: {  	_ = 	snop  }
0x3b: {  	_ = 	snop  }
0x3c: {  	p2 =	seq.s32 s10, $0x1;
	s10 =	sld [smem:$0x3FB1]  }
0x3d: {  	_ =	shalt  }
0x3e: {  	_ =	shalt  }
0x3f: {  	_ =	shalt  }
0x40: {  	_ =	shalt  }
0x41: {  	_ =	shalt  }
0x42: {  	_ =	shalt  }
0x43: {  	_ =	shalt  }
0x44: {  	_ =	shalt  }
0x45: {  	_ =	shalt  }
0x46: {  	_ =	shalt  }
0x47: {  	_ =	shalt  }
0x48: {  	_ =	shalt  }
0x49: {  	_ =	shalt  }
0x4a: {  	_ =	shalt  }
0x4b: {  	_ =	shalt  }
0x4c: {  	_ =	shalt  }
0x4d: {  	_ =	shalt  }
0x4e: {  	_ =	shalt  }
0x4f: {  	_ =	shalt  }
0x50: {  	_ =	shalt  }
0x51: {  	_ =	shalt  }
0x52: {  	_ =	shalt  }
0x53: {  	_ =	shalt  }
0x54: {  	_ =	shalt  }
0x55: {  	_ =	shalt  }
0x56: {  	_ =	shalt  }
0x57: {  	_ =	shalt  }
0x58: {  	_ =	shalt  }
0x59: {  	_ =	shalt  }
0x5a: {  	_ =	shalt  }
0x5b: {  	_ =	shalt  }
0x5c: {  	_ =	shalt  }
0x5d: {  	_ =	shalt  }
0x5e: {  	_ =	shalt  }
0x5f: {  	_ =	shalt  }
0x60: {  	_ =	shalt  }
0x61: {  	_ =	shalt  }
0x62: {  	_ =	shalt  }
0x63: {  	_ =	shalt  }
0x64: {  	_ =	shalt  }
0x65: {  	_ =	shalt  }
0x66: {  	_ =	shalt  }
0x67: {  	_ =	shalt  }
0x68: {  	_ =	shalt  }
0x69: {  	_ =	shalt  }
0x6a: {  	_ =	shalt  }
0x6b: {  	_ =	shalt  }
0x6c: {  	_ =	shalt  }
0x6d: {  	_ =	shalt  }
0x6e: {  	_ =	shalt  }
0x6f: {  	_ =	shalt  }
0x70: {  	_ =	shalt  }
0x71: {  	_ =	shalt  }
0x72: {  	_ =	shalt  }
0x73: {  	_ =	shalt  }
0x74: {  	_ =	shalt  }
0x75: {  	_ =	shalt  }
0x76: {  	_ =	shalt  }
0x77: {  	_ =	shalt  }
0x78: {  	_ =	shalt  }
0x79: {  	_ =	shalt  }
0x7a: {  	_ =	shalt  }
0x7b: {  	_ =	shalt  }
0x7c: {  	_ =	shalt  }
0x7d: {  	_ =	shalt  }
0x7e: {  	_ =	shalt  }
0x7f: {  	_ =	shalt  }
0x80: {  	_ =	shalt  }
0x81: {  	_ =	shalt  }
0x82: {  	_ =	shalt  }
0x83: {  	_ =	shalt  }
0x84: {  	_ =	shalt  }
0x85: {  	_ =	shalt  }
0x86: {  	_ =	shalt  }
0x87: {  	_ =	shalt  }
.Lfunc_end0:
.L_simem_size_0:
called_computation.1_lowered:
.L_overlay_start_0:
0x88: {  	s2 =	sld [smem:$0x3FD9]  }
0x89: {  	s3 =	sld [smem:$0x3FFE];
	_ =	sdelay $0x1  }
0x8a: {  	s1 =	srdreg.scid  }
0x8b: {  	s0 =	sand.u32 $0x1, s1  }
0x8c: {  	s16 =	sshll.u32 s0, $0xA;
	s2 =	sadd.s32 s3, s2  }
0x8d: {  	s2 =	sadd.s32 s2, s16  }
0x8e: {  	[smem:$0x3FBD] =	sst s2  }
0x8f: {  	_ = 	snop  }
0x90: {  	(tm) =	ssettm $0x1  }
0x91: {  	s17 =	sld [smem:$0x3FFB];
	_ =	sdelay $0x3  }
0x92: {  	_ =	strace s17  }
0x93: {  	s2 =	sld [smem:$0x3FFC];
	_ =	sdelay $0x3  }
0x94: {  	_ =	strace s2  }
0x95: {  	s2 =	sld [smem:$0x3FFD];
	_ =	sdelay $0x3  }
0x96: {  	_ =	strace s2  }
0x97: {  	_ =	strace $0x8FFFFFFF  }
0x98: {  	s18 =	sld [smem:$0x3FDB];
	_ =	sdelay $0x1  }
0x99: {  	s19 =	simm.s32 $_scs_section_size  }
0x9a: {  	s4 =	simm.s32 $_size__tile_overlayer_lowered;
	s5 =	simm.s32 $_tile_overlayer_lowered  }
0x9b: {  	s22 =	simm.s32 $0x1BFF;
	s21 =	sshll.u32 s5, $0x1;
	s2 =	sadd.s32 s19, s18  }
0x9c: {  	s6 =	simm.s32 $0x0;
	s20 =	sshll.u32 s4, $0x1;
	s4 =	sadd.s32 s21, s2  }
0x9d: {  	[timem:s6], [sflag:s22] =	dma.local [hbm:s4], s20  }
0x9e: {  	_ =	swait.ge [sflag:s22], s20  }
0x9f: {  	s3 =	ssub.s32 $0x0, s20;
	[sflag:s22] =	ssyncset.done $0x0  }
0xa0: {  	[sflag:s22] =	ssyncadd.s32 s3;
	_ =	sdelay $0x1  }
0xa1: {  	s23 =	simm.s32 $0x1B8B  }
0xa2: {  	_ =	swait.ge [sflag:s23], $0x1  }
0xa3: {  	[sflag:s23] =	ssyncset.done $0x0  }
0xa4: {  	s25 =	simm.s32 $0x1B8E;
	s24 =	sld [smem:$0x3FFE];
	[sflag:s23] =	ssyncadd.s32 $0xFFFFFFFF  }
0xa5: {  	s26 =	simm.s32 $execute0_lowered;
	[smem:$0x3FD2] =	sst s25  }
0xa6: {  	s4 =	sshll.u32 s26, $0x1;
	_ =	strace $0x80000049;
	[dreg:$0x1] =	wrdreg $0xFFFFFFFF  }
0xa7: {  	s28 =	simm.s32 $_size_execute0_lowered;
	s2 =	sadd.s32 s2, s4;
	[dreg:$0x0] =	wrdreg $0x0  }
0xa8: {  	s4 =	sshll.u32 s28, $0x1;
	[dreg:$0x2] =	wrdreg s2  }
0xa9: {  	[dreg:$0x3] =	wrdreg s4  }
0xaa: {  	[dreg:$0x4] =	wrdreg $0xC0  }
0xab: {  	_ =	task [dreg:s6], $0x5FFFF  }
0xac: {  	[dreg:$0x1] =	wrdreg $0xFFFFFFFF  }
0xad: {  	[dreg:$0x0] =	wrdreg $0x60  }
0xae: {  	[dreg:$0x2] =	wrdreg s24  }
0xaf: {  	[dreg:$0x3] =	wrdreg $0x140000  }
0xb0: {  	[dreg:$0x4] =	wrdreg $0x9  }
0xb1: {  	_ =	task.clear_ibuf [dreg:s6], $0x5FFFF;
	_ =	strace $0x90000049  }
0xb2: {  	s29 =	simm.s32 $0x9;
	_ =	strace $0x8000004B  }
0xb3: {  	_ =	swait.ge [sflag:s29], $0x1  }
0xb4: {  	[sflag:s29] =	ssyncadd.s32 $0xFFFFFFFF  }
0xb5: {  	_ =	strace $0x9000004B  }
0xb6: {  	_ =	sfence  }
0xb7: {  	s30 =	sld [smem:$0x0];
	_ =	sdelay $0x2  }
0xb8: {  	s31 =	sshll.u32 s1, $0xD;
	s1 =	sshrl.u32 s1, $0x2  }
0xb9: {  	s3 =	sand.u32 $0x4000, s31;
	s1 =	sadd.s32 s1, s30  }
0xba: {  	s0 =	sor.u32 s3, s0;
	s1 =	sshll.u32 s1, $0x11  }
0xbb: {  	s0 =	sor.u32 s1, s0  }
0xbc: {  	s0 =	sadd.s32 $0x8F2B, s0  }
0xbd: {  	[sflag:s0] =	ssyncadd.remote.s32 $0x1  }
0xbe: {  	_ =	sfence.sel $0xFFFF  }
0xbf: {  	[dreg:$0x0] =	wrdreg $0xFFFFFFFF;
	(pc) =	sbr.abs _section_cstart, $3  }
0xc0: {  	[dreg:$0x1] =	wrdreg $0xFFFFFFFF  }
0xc1: {  	_ =	task.clear_ibuf [dreg:s6], $0x2FFFF;
	_ =	strace $0x9FFFFFFF  }
0xc2: {  	(tm) =	ssettm $0x7FFFFFFF  }
0xc3: {  	_ =	shalt  }
tec
execute0_lowered:
.L_overlay_start_1:
0x0: {  	(tag) =	ssettag $0x1  }
0x1: {  	s0 =	rddreg [dreg:$0x0]  }
0x2: {  	s2 =	rddreg [dreg:$0x1]  }
0x3: {  	s3 =	stileid.u32;
	s4 =	srdreg.scid  }
0x4: {  	s5 =	simm.s32 $0x0;
	s15 =	simm.s32 $0x80;
	s16 =	simm.s32 $0xA000  }
0x5: {  	s17 =	simm.s32 $0xC000;
	s19 =	simm.s32 $0xE000;
	s21 =	simm.s32 $0x10000  }
0x6: {  	s23 =	simm.s32 $0x12000;
	s28 =	simm.s32 $0x4;
	s29 =	simm.s32 $0x5  }
0x7: {  	s30 =	simm.s32 $0x6;
	s31 =	simm.s32 $0x7;
	s12 =	simm.s32 $0xA  }
0x8: {  	s22 =	simm.s32 $0x0;
	s1 =	smul.u32 $0xA00, s3;
	s9 =	sand.u32 $0x1, s4  }
0x9: {  	s10 =	smul.u32 $0xA000, s3;
	[smem:$0x7FF] =	sst s5;
	s4 =	sadd.s32 $0x29A00, s0  }
0xa: {  	s5 =	sadd.s32 $0x15A00, s0;
	s26 =	sshll.u32 s3, $0x6;
	s24 =	smul.u32 $0xA0000, s9  }
0xb: {  	_ =	strace $0x8000004A;
	s7 =	ssub.s32 $0x2, s9;
	p0 =	seq.s32 s9, $0x1  }
0xc: {  	s13 =	sor.u32 $0x1C0B, s26;
	s26 =	simm.s32 $0x3;
	s1 =	sadd.s32 s1, s0  }
0xd: {  	s11 =	sshrl.u32 s7, $0x1;
	s25 =	sadd.s32 s10, s2;
	s6 =	sadd.s32 s10, s24  }
.Ltmp0:
0xe: {  	s11 =	ssub.s32 s7, s11;
	s7 =	sadd.s32 $0xBA00, s1;
	(pc) =	sbr.rel .LBB2_1-.Ltmp0, $4  }
0xf: {  	s14 =	sshrl.u32 s25, $0x3;
	s24 =	simm.s32 $0x1;
	s25 =	simm.s32 $0x2  }
0x10: {  	s8 =	sshrl.u32 s6, $0x3;
	s6 =	sadd.s32 $0x3DA00, s0;
	s10 =	smax.u32 s11, $0x1  }
0x11: {  	s11 =	simm.s32 $0xB;
	s0 =	sadd.s32 s8, s0;
	s8 =	sadd.s32 $0x1A00, s1  }
0x12: {  	s1 =	simm.s32 $0x9;
	s9 =	sadd.s32 $0x3EE00, s0;
	s0 =	simm.s32 $0x8  }
.LBB2_7:
0x13: {  	[tilespmem:s23], [sflag:$0x5] =	stream.indirect.gather [hbm4b:s5+s15], $0x40, s20, s15, $0xb8;
	[tilespmem:$0x1E000] =	vst v63  }
.LBB2_8:
0x14: {  	_ =	swait.ge [sflag:s24], $0x2000  }
0x15: {  	[sflag:s24] =	ssyncset.done $0x0  }
0x16: {  	s3 =	simm.s32 $0x9D80;
	[sflag:s24] =	ssyncadd.s32 $0xFFFFE000  }
0x17: {  	[spmem:s2] =	stream.indirect.scatter.add.f32 [tilespmem:s16], [sflag:$0x6], $0x40, s3, s15, $0xb8;
	[tilespmem:$0x1E000] =	vst v63  }
0x18: {  	_ =	swait.ge [sflag:s25], $0x2000  }
0x19: {  	[sflag:s25] =	ssyncset.done $0x0  }
0x1a: {  	s18 =	simm.s32 $0x9E00;
	[sflag:s25] =	ssyncadd.s32 $0xFFFFE000  }
0x1b: {  	[spmem:s2] =	stream.indirect.scatter.add.f32 [tilespmem:s17], [sflag:$0x7], $0x40, s18, s15, $0xb8;
	[tilespmem:$0x1E000] =	vst v63  }
0x1c: {  	_ =	swait.ge [sflag:s26], $0x2000  }
0x1d: {  	[sflag:s26] =	ssyncset.done $0x0  }
0x1e: {  	s20 =	simm.s32 $0x9E80;
	[sflag:s26] =	ssyncadd.s32 $0xFFFFE000  }
0x1f: {  	[spmem:s2] =	stream.indirect.scatter.add.f32 [tilespmem:s19], [sflag:$0x8], $0x40, s20, s15, $0xb8;
	[tilespmem:$0x1E000] =	vst v63  }
0x20: {  	_ =	swait.ge [sflag:s28], $0x2000  }
0x21: {  	[sflag:s28] =	ssyncset.done $0x0  }
0x22: {  	s18 =	simm.s32 $0x9F00;
	[sflag:s28] =	ssyncadd.s32 $0xFFFFE000  }
0x23: {  	[spmem:s2] =	stream.indirect.scatter.add.f32 [tilespmem:s21], [sflag:$0x9], $0x40, s18, s15, $0xb8;
	[tilespmem:$0x1E000] =	vst v63  }
0x24: {  	_ =	swait.ge [sflag:s29], $0x2000  }
0x25: {  	[sflag:s29] =	ssyncset.done $0x0  }
0x26: {  	s20 =	simm.s32 $0x9F80;
	[sflag:s29] =	ssyncadd.s32 $0xFFFFE000  }
0x27: {  	[spmem:s2] =	stream.indirect.scatter.add.f32 [tilespmem:s23], [sflag:$0xA], $0x40, s20, s15, $0xb8;
	[tilespmem:$0x1E000] =	vst v63  }
0x28: {  	_ =	swait.ge [sflag:s30], $0x2000  }
0x29: {  	[sflag:s30] =	ssyncset.done $0x0  }
0x2a: {  	[sflag:s30] =	ssyncadd.s32 $0xFFFFE000  }
0x2b: {  	_ =	swait.ge [sflag:s31], $0x2000  }
0x2c: {  	[sflag:s31] =	ssyncset.done $0x0  }
0x2d: {  	[sflag:s31] =	ssyncadd.s32 $0xFFFFE000  }
0x2e: {  	_ =	swait.ge [sflag:s0], $0x2000  }
0x2f: {  	[sflag:s0] =	ssyncset.done $0x0  }
0x30: {  	[sflag:s0] =	ssyncadd.s32 $0xFFFFE000  }
0x31: {  	_ =	swait.ge [sflag:s1], $0x2000  }
0x32: {  	[sflag:s1] =	ssyncset.done $0x0  }
0x33: {  	[sflag:s1] =	ssyncadd.s32 $0xFFFFE000  }
0x34: {  	_ =	swait.ge [sflag:s12], $0x2000  }
0x35: {  	s22 =	sadd.s32 $0x1, s22;
	[sflag:s12] =	ssyncset.done $0x0  }
0x36: {  	p1 =	sne.s32 s22, s10;
	[sflag:s12] =	ssyncadd.s32 $0xFFFFE000  }
.Ltmp1:
0x37: {  	[bflag:$0x0] =	sbarrier.arrive $0xFFFF;
	(pc) =	sbr.rel @!p1 .LBB2_9-.Ltmp1, $4  }
0x38: {  	[hbm:s9], [sflag:s13] =	dma.local [spmem:s14], $0x1400  }
0x39: {  	_ =	swait.ge [sflag:s11], $0x1400  }
0x3a: {  	[sflag:s11] =	ssyncset.done $0x0  }
0x3b: {  	[sflag:s11] =	ssyncadd.s32 $0xFFFFEC00  }
.LBB2_1:
0x3c: {  	s3 =	simm.s32 $0x0  }
0x3d: {  	[tilespmem:s3], [sflag:$0xB] =	stream.linear.gather [hbm4b:s7+s3], $0x5000, $0x38;
	[tilespmem:$0x1E000] =	vst v63  }
0x3e: {  	_ =	swait.ge [sflag:s11], $0x5000  }
0x3f: {  	[sflag:s11] =	ssyncset.done $0x0  }
0x40: {  	s18 =	simm.s32 $0x5000;
	[sflag:s11] =	ssyncadd.s32 $0xFFFFB000  }
0x41: {  	[tilespmem:s18], [sflag:$0xB] =	stream.linear.gather [hbm4b:s8+s3], $0x5000, $0x38;
	[tilespmem:$0x1E000] =	vst v63  }
0x42: {  	_ =	swait.ge [sflag:s11], $0x5000  }
0x43: {  	[sflag:s11] =	ssyncset.done $0x0  }
0x44: {  	[sflag:s11] =	ssyncadd.s32 $0xFFFFB000  }
0x45: {  	[spmem:s14], [sflag:s13] =	dma.local [hbm:s6], $0x1400  }
.Ltmp2:
0x46: {  	_ =	swait.ge [sflag:s11], $0x1400;
	(pc) =	sbr.rel @!p0 .LBB2_2-.Ltmp2, $3  }
0x47: {  	[sflag:s11] =	ssyncset.done $0x0  }
0x48: {  	[sflag:s11] =	ssyncadd.s32 $0xFFFFEC00  }
0x49: {  	[bflag:$0x0] =	sbarrier.arrive $0xFFFF;
	_ =	sdelay $0x1  }
0x4a: {  	s3 =	simm.s32 $0x0  }
0x4b: {  	[tilespmem:s16], [sflag:$0x1] =	stream.indirect.gather [hbm4b:s5+s15], $0x40, s3, s15, $0xb8;
	[tilespmem:$0x1E000] =	vst v63  }
0x4c: {  	_ = 	snop  }
0x4d: {  	[tilespmem:s17], [sflag:$0x2] =	stream.indirect.gather [hbm4b:s5+s15], $0x40, s15, s15, $0xb8;
	[tilespmem:$0x1E000] =	vst v63  }
0x4e: {  	s18 =	simm.s32 $0x100  }
0x4f: {  	[tilespmem:s19], [sflag:$0x3] =	stream.indirect.gather [hbm4b:s5+s15], $0x40, s18, s15, $0xb8;
	[tilespmem:$0x1E000] =	vst v63  }
0x50: {  	s20 =	simm.s32 $0x180  }
0x51: {  	[tilespmem:s21], [sflag:$0x4] =	stream.indirect.gather [hbm4b:s5+s15], $0x40, s20, s15, $0xb8;
	[tilespmem:$0x1E000] =	vst v63  }
0x52: {  	s18 =	simm.s32 $0x200  }
0x53: {  	[tilespmem:s23], [sflag:$0x5] =	stream.indirect.gather [hbm4b:s5+s15], $0x40, s18, s15, $0xb8;
	[tilespmem:$0x1E000] =	vst v63  }
0x54: {  	_ =	swait.ge [sflag:s24], $0x2000  }
0x55: {  	[sflag:s24] =	ssyncset.done $0x0  }
0x56: {  	s20 =	simm.s32 $0x5000;
	[sflag:s24] =	ssyncadd.s32 $0xFFFFE000  }
0x57: {  	[spmem:s2] =	stream.indirect.scatter.add.f32 [tilespmem:s16], [sflag:$0x6], $0x40, s20, s15, $0xb8;
	[tilespmem:$0x1E000] =	vst v63  }
0x58: {  	_ =	swait.ge [sflag:s25], $0x2000  }
0x59: {  	[sflag:s25] =	ssyncset.done $0x0  }
0x5a: {  	s18 =	simm.s32 $0x5080;
	[sflag:s25] =	ssyncadd.s32 $0xFFFFE000  }
0x5b: {  	[spmem:s2] =	stream.indirect.scatter.add.f32 [tilespmem:s17], [sflag:$0x7], $0x40, s18, s15, $0xb8;
	[tilespmem:$0x1E000] =	vst v63  }
0x5c: {  	_ =	swait.ge [sflag:s26], $0x2000  }
0x5d: {  	[sflag:s26] =	ssyncset.done $0x0  }
0x5e: {  	s20 =	simm.s32 $0x5100;
	[sflag:s26] =	ssyncadd.s32 $0xFFFFE000  }
0x5f: {  	[spmem:s2] =	stream.indirect.scatter.add.f32 [tilespmem:s19], [sflag:$0x8], $0x40, s20, s15, $0xb8;
	[tilespmem:$0x1E000] =	vst v63  }
0x60: {  	_ =	swait.ge [sflag:s28], $0x2000  }
0x61: {  	[sflag:s28] =	ssyncset.done $0x0  }
0x62: {  	s18 =	simm.s32 $0x5180;
	[sflag:s28] =	ssyncadd.s32 $0xFFFFE000  }
0x63: {  	[spmem:s2] =	stream.indirect.scatter.add.f32 [tilespmem:s21], [sflag:$0x9], $0x40, s18, s15, $0xb8;
	[tilespmem:$0x1E000] =	vst v63  }
0x64: {  	_ =	swait.ge [sflag:s29], $0x2000  }
0x65: {  	[sflag:s29] =	ssyncset.done $0x0  }
0x66: {  	s20 =	simm.s32 $0x5200;
	[sflag:s29] =	ssyncadd.s32 $0xFFFFE000  }
0x67: {  	[spmem:s2] =	stream.indirect.scatter.add.f32 [tilespmem:s23], [sflag:$0xA], $0x40, s20, s15, $0xb8;
	[tilespmem:$0x1E000] =	vst v63  }
0x68: {  	_ =	swait.ge [sflag:s30], $0x2000  }
0x69: {  	[sflag:s30] =	ssyncset.done $0x0  }
0x6a: {  	s18 =	simm.s32 $0x280;
	[sflag:s30] =	ssyncadd.s32 $0xFFFFE000  }
0x6b: {  	[tilespmem:s16], [sflag:$0x1] =	stream.indirect.gather [hbm4b:s5+s15], $0x40, s18, s15, $0xb8;
	[tilespmem:$0x1E000] =	vst v63  }
0x6c: {  	_ =	swait.ge [sflag:s31], $0x2000  }
0x6d: {  	[sflag:s31] =	ssyncset.done $0x0  }
0x6e: {  	s20 =	simm.s32 $0x300;
	[sflag:s31] =	ssyncadd.s32 $0xFFFFE000  }
0x6f: {  	[tilespmem:s17], [sflag:$0x2] =	stream.indirect.gather [hbm4b:s5+s15], $0x40, s20, s15, $0xb8;
	[tilespmem:$0x1E000] =	vst v63  }
0x70: {  	_ =	swait.ge [sflag:s0], $0x2000  }
0x71: {  	[sflag:s0] =	ssyncset.done $0x0  }
0x72: {  	s18 =	simm.s32 $0x380;
	[sflag:s0] =	ssyncadd.s32 $0xFFFFE000  }
0x73: {  	[tilespmem:s19], [sflag:$0x3] =	stream.indirect.gather [hbm4b:s5+s15], $0x40, s18, s15, $0xb8;
	[tilespmem:$0x1E000] =	vst v63  }
0x74: {  	_ =	swait.ge [sflag:s1], $0x2000  }
0x75: {  	[sflag:s1] =	ssyncset.done $0x0  }
0x76: {  	s20 =	simm.s32 $0x400;
	[sflag:s1] =	ssyncadd.s32 $0xFFFFE000  }
0x77: {  	[tilespmem:s21], [sflag:$0x4] =	stream.indirect.gather [hbm4b:s5+s15], $0x40, s20, s15, $0xb8;
	[tilespmem:$0x1E000] =	vst v63  }
0x78: {  	_ =	swait.ge [sflag:s12], $0x2000  }
0x79: {  	[sflag:s12] =	ssyncset.done $0x0  }
0x7a: {  	s18 =	simm.s32 $0xA00;
	s20 =	simm.s32 $0x480;
	[sflag:s12] =	ssyncadd.s32 $0xFFFFE000  }
.LBB2_6:
0x7b: {  	[tilespmem:s23], [sflag:$0x5] =	stream.indirect.gather [hbm4b:s5+s15], $0x40, s20, s15, $0xb8;
	[tilespmem:$0x1E000] =	vst v63  }
0x7c: {  	s3 =	smov.u32 s18  }
0x7d: {  	p1 =	sne.s32 s18, $0x12C00;
	s18 =	sadd.s32 $0xA00, s18;
	_ =	swait.ge [sflag:s24], $0x2000  }
0x7e: {  	s20 =	sshra.s32 s3, $0x2;
	[sflag:s24] =	ssyncset.done $0x0  }
0x7f: {  	s3 =	sadd.s32 $0x5000, s20;
	[sflag:s24] =	ssyncadd.s32 $0xFFFFE000  }
0x80: {  	[spmem:s2] =	stream.indirect.scatter.add.f32 [tilespmem:s16], [sflag:$0x6], $0x40, s3, s15, $0xb8;
	[tilespmem:$0x1E000] =	vst v63  }
0x81: {  	_ =	swait.ge [sflag:s25], $0x2000  }
0x82: {  	[sflag:s25] =	ssyncset.done $0x0  }
0x83: {  	s3 =	sadd.s32 $0x5080, s20;
	[sflag:s25] =	ssyncadd.s32 $0xFFFFE000  }
0x84: {  	[spmem:s2] =	stream.indirect.scatter.add.f32 [tilespmem:s17], [sflag:$0x7], $0x40, s3, s15, $0xb8;
	[tilespmem:$0x1E000] =	vst v63  }
0x85: {  	_ =	swait.ge [sflag:s26], $0x2000  }
0x86: {  	[sflag:s26] =	ssyncset.done $0x0  }
0x87: {  	s3 =	sadd.s32 $0x5100, s20;
	[sflag:s26] =	ssyncadd.s32 $0xFFFFE000  }
0x88: {  	[spmem:s2] =	stream.indirect.scatter.add.f32 [tilespmem:s19], [sflag:$0x8], $0x40, s3, s15, $0xb8;
	[tilespmem:$0x1E000] =	vst v63  }
0x89: {  	_ =	swait.ge [sflag:s28], $0x2000  }
0x8a: {  	[sflag:s28] =	ssyncset.done $0x0  }
0x8b: {  	s3 =	sadd.s32 $0x5180, s20;
	[sflag:s28] =	ssyncadd.s32 $0xFFFFE000  }
0x8c: {  	[spmem:s2] =	stream.indirect.scatter.add.f32 [tilespmem:s21], [sflag:$0x9], $0x40, s3, s15, $0xb8;
	[tilespmem:$0x1E000] =	vst v63  }
0x8d: {  	_ =	swait.ge [sflag:s29], $0x2000  }
0x8e: {  	[sflag:s29] =	ssyncset.done $0x0  }
0x8f: {  	s3 =	sadd.s32 $0x5200, s20;
	[sflag:s29] =	ssyncadd.s32 $0xFFFFE000  }
0x90: {  	[spmem:s2] =	stream.indirect.scatter.add.f32 [tilespmem:s23], [sflag:$0xA], $0x40, s3, s15, $0xb8;
	[tilespmem:$0x1E000] =	vst v63  }
0x91: {  	_ =	swait.ge [sflag:s30], $0x2000  }
0x92: {  	[sflag:s30] =	ssyncset.done $0x0  }
0x93: {  	s3 =	sadd.s32 $0x280, s20;
	[sflag:s30] =	ssyncadd.s32 $0xFFFFE000  }
0x94: {  	[tilespmem:s16], [sflag:$0x1] =	stream.indirect.gather [hbm4b:s5+s15], $0x40, s3, s15, $0xb8;
	[tilespmem:$0x1E000] =	vst v63  }
0x95: {  	_ =	swait.ge [sflag:s31], $0x2000  }
0x96: {  	[sflag:s31] =	ssyncset.done $0x0  }
0x97: {  	s3 =	sadd.s32 $0x300, s20;
	[sflag:s31] =	ssyncadd.s32 $0xFFFFE000  }
0x98: {  	[tilespmem:s17], [sflag:$0x2] =	stream.indirect.gather [hbm4b:s5+s15], $0x40, s3, s15, $0xb8;
	[tilespmem:$0x1E000] =	vst v63  }
0x99: {  	_ =	swait.ge [sflag:s0], $0x2000  }
0x9a: {  	[sflag:s0] =	ssyncset.done $0x0  }
0x9b: {  	s3 =	sadd.s32 $0x380, s20;
	[sflag:s0] =	ssyncadd.s32 $0xFFFFE000  }
0x9c: {  	[tilespmem:s19], [sflag:$0x3] =	stream.indirect.gather [hbm4b:s5+s15], $0x40, s3, s15, $0xb8;
	[tilespmem:$0x1E000] =	vst v63  }
0x9d: {  	_ =	swait.ge [sflag:s1], $0x2000  }
0x9e: {  	[sflag:s1] =	ssyncset.done $0x0  }
.Ltmp3:
0x9f: {  	s3 =	sadd.s32 $0x400, s20;
	[sflag:s1] =	ssyncadd.s32 $0xFFFFE000;
	(pc) =	sbr.rel @p1 .LBB2_6-.Ltmp3, $4  }
0xa0: {  	[tilespmem:s21], [sflag:$0x4] =	stream.indirect.gather [hbm4b:s5+s15], $0x40, s3, s15, $0xb8;
	[tilespmem:$0x1E000] =	vst v63  }
0xa1: {  	_ =	swait.ge [sflag:s12], $0x2000  }
0xa2: {  	[sflag:s12] =	ssyncset.done $0x0  }
0xa3: {  	s20 =	sadd.s32 $0x480, s20;
	[sflag:s12] =	ssyncadd.s32 $0xFFFFE000  }
.Ltmp4:
0xa4: {  	_ = 	snop;
	(pc) =	sbr.rel .LBB2_7-.Ltmp4, $1  }
0xa5: {  	_ =	sdelay $0x3  }
.LBB2_2:
0xa6: {  	s18 =	simm.s32 $0x0  }
0xa7: {  	[tilespmem:s16], [sflag:$0x1] =	stream.indirect.gather [hbm4b:s4+s15], $0x40, s18, s15, $0xb8;
	[tilespmem:$0x1E000] =	vst v63  }
0xa8: {  	_ = 	snop  }
0xa9: {  	[tilespmem:s17], [sflag:$0x2] =	stream.indirect.gather [hbm4b:s4+s15], $0x40, s15, s15, $0xb8;
	[tilespmem:$0x1E000] =	vst v63  }
0xaa: {  	s3 =	simm.s32 $0x100  }
0xab: {  	[tilespmem:s19], [sflag:$0x3] =	stream.indirect.gather [hbm4b:s4+s15], $0x40, s3, s15, $0xb8;
	[tilespmem:$0x1E000] =	vst v63  }
0xac: {  	s20 =	simm.s32 $0x180  }
0xad: {  	[tilespmem:s21], [sflag:$0x4] =	stream.indirect.gather [hbm4b:s4+s15], $0x40, s20, s15, $0xb8;
	[tilespmem:$0x1E000] =	vst v63  }
0xae: {  	s18 =	simm.s32 $0x200  }
0xaf: {  	[tilespmem:s23], [sflag:$0x5] =	stream.indirect.gather [hbm4b:s4+s15], $0x40, s18, s15, $0xb8;
	[tilespmem:$0x1E000] =	vst v63  }
0xb0: {  	_ =	swait.ge [sflag:s24], $0x2000  }
0xb1: {  	[sflag:s24] =	ssyncset.done $0x0  }
0xb2: {  	s20 =	simm.s32 $0x5000;
	[sflag:s24] =	ssyncadd.s32 $0xFFFFE000  }
0xb3: {  	[spmem:s2] =	stream.indirect.scatter.add.f32 [tilespmem:s16], [sflag:$0x6], $0x40, s20, s15, $0xb8;
	[tilespmem:$0x1E000] =	vst v63  }
0xb4: {  	_ =	swait.ge [sflag:s25], $0x2000  }
0xb5: {  	[sflag:s25] =	ssyncset.done $0x0  }
0xb6: {  	s3 =	simm.s32 $0x5080;
	[sflag:s25] =	ssyncadd.s32 $0xFFFFE000  }
0xb7: {  	[spmem:s2] =	stream.indirect.scatter.add.f32 [tilespmem:s17], [sflag:$0x7], $0x40, s3, s15, $0xb8;
	[tilespmem:$0x1E000] =	vst v63  }
0xb8: {  	_ =	swait.ge [sflag:s26], $0x2000  }
0xb9: {  	[sflag:s26] =	ssyncset.done $0x0  }
0xba: {  	s20 =	simm.s32 $0x5100;
	[sflag:s26] =	ssyncadd.s32 $0xFFFFE000  }
0xbb: {  	[spmem:s2] =	stream.indirect.scatter.add.f32 [tilespmem:s19], [sflag:$0x8], $0x40, s20, s15, $0xb8;
	[tilespmem:$0x1E000] =	vst v63  }
0xbc: {  	_ =	swait.ge [sflag:s28], $0x2000  }
0xbd: {  	[sflag:s28] =	ssyncset.done $0x0  }
0xbe: {  	s3 =	simm.s32 $0x5180;
	[sflag:s28] =	ssyncadd.s32 $0xFFFFE000  }
0xbf: {  	[spmem:s2] =	stream.indirect.scatter.add.f32 [tilespmem:s21], [sflag:$0x9], $0x40, s3, s15, $0xb8;
	[tilespmem:$0x1E000] =	vst v63  }
0xc0: {  	_ =	swait.ge [sflag:s29], $0x2000  }
0xc1: {  	[sflag:s29] =	ssyncset.done $0x0  }
0xc2: {  	s20 =	simm.s32 $0x5200;
	[sflag:s29] =	ssyncadd.s32 $0xFFFFE000  }
0xc3: {  	[spmem:s2] =	stream.indirect.scatter.add.f32 [tilespmem:s23], [sflag:$0xA], $0x40, s20, s15, $0xb8;
	[tilespmem:$0x1E000] =	vst v63  }
0xc4: {  	_ =	swait.ge [sflag:s30], $0x2000  }
0xc5: {  	[sflag:s30] =	ssyncset.done $0x0  }
0xc6: {  	s3 =	simm.s32 $0x280;
	[sflag:s30] =	ssyncadd.s32 $0xFFFFE000  }
0xc7: {  	[tilespmem:s16], [sflag:$0x1] =	stream.indirect.gather [hbm4b:s4+s15], $0x40, s3, s15, $0xb8;
	[tilespmem:$0x1E000] =	vst v63  }
0xc8: {  	_ =	swait.ge [sflag:s31], $0x2000  }
0xc9: {  	[sflag:s31] =	ssyncset.done $0x0  }
0xca: {  	s20 =	simm.s32 $0x300;
	[sflag:s31] =	ssyncadd.s32 $0xFFFFE000  }
0xcb: {  	[tilespmem:s17], [sflag:$0x2] =	stream.indirect.gather [hbm4b:s4+s15], $0x40, s20, s15, $0xb8;
	[tilespmem:$0x1E000] =	vst v63  }
0xcc: {  	_ =	swait.ge [sflag:s0], $0x2000  }
0xcd: {  	[sflag:s0] =	ssyncset.done $0x0  }
0xce: {  	s3 =	simm.s32 $0x380;
	[sflag:s0] =	ssyncadd.s32 $0xFFFFE000  }
0xcf: {  	[tilespmem:s19], [sflag:$0x3] =	stream.indirect.gather [hbm4b:s4+s15], $0x40, s3, s15, $0xb8;
	[tilespmem:$0x1E000] =	vst v63  }
0xd0: {  	_ =	swait.ge [sflag:s1], $0x2000  }
0xd1: {  	[sflag:s1] =	ssyncset.done $0x0  }
0xd2: {  	s20 =	simm.s32 $0x400;
	[sflag:s1] =	ssyncadd.s32 $0xFFFFE000  }
0xd3: {  	[tilespmem:s21], [sflag:$0x4] =	stream.indirect.gather [hbm4b:s4+s15], $0x40, s20, s15, $0xb8;
	[tilespmem:$0x1E000] =	vst v63  }
0xd4: {  	_ =	swait.ge [sflag:s12], $0x2000  }
0xd5: {  	[sflag:s12] =	ssyncset.done $0x0  }
0xd6: {  	s18 =	simm.s32 $0xA00;
	s20 =	simm.s32 $0x480;
	[sflag:s12] =	ssyncadd.s32 $0xFFFFE000  }
.LBB2_3:
0xd7: {  	[tilespmem:s23], [sflag:$0x5] =	stream.indirect.gather [hbm4b:s4+s15], $0x40, s20, s15, $0xb8;
	[tilespmem:$0x1E000] =	vst v63  }
0xd8: {  	s20 =	smov.u32 s18  }
0xd9: {  	p1 =	seq.s32 s18, $0x12C00;
	s18 =	sadd.s32 $0xA00, s18;
	_ =	swait.ge [sflag:s24], $0x2000  }
0xda: {  	s20 =	sshra.s32 s20, $0x2;
	[sflag:s24] =	ssyncset.done $0x0  }
0xdb: {  	s3 =	sadd.s32 $0x5000, s20;
	[sflag:s24] =	ssyncadd.s32 $0xFFFFE000  }
0xdc: {  	[spmem:s2] =	stream.indirect.scatter.add.f32 [tilespmem:s16], [sflag:$0x6], $0x40, s3, s15, $0xb8;
	[tilespmem:$0x1E000] =	vst v63  }
0xdd: {  	_ =	swait.ge [sflag:s25], $0x2000  }
0xde: {  	[sflag:s25] =	ssyncset.done $0x0  }
0xdf: {  	s3 =	sadd.s32 $0x5080, s20;
	[sflag:s25] =	ssyncadd.s32 $0xFFFFE000  }
0xe0: {  	[spmem:s2] =	stream.indirect.scatter.add.f32 [tilespmem:s17], [sflag:$0x7], $0x40, s3, s15, $0xb8;
	[tilespmem:$0x1E000] =	vst v63  }
0xe1: {  	_ =	swait.ge [sflag:s26], $0x2000  }
0xe2: {  	[sflag:s26] =	ssyncset.done $0x0  }
0xe3: {  	s3 =	sadd.s32 $0x5100, s20;
	[sflag:s26] =	ssyncadd.s32 $0xFFFFE000  }
0xe4: {  	[spmem:s2] =	stream.indirect.scatter.add.f32 [tilespmem:s19], [sflag:$0x8], $0x40, s3, s15, $0xb8;
	[tilespmem:$0x1E000] =	vst v63  }
0xe5: {  	_ =	swait.ge [sflag:s28], $0x2000  }
0xe6: {  	[sflag:s28] =	ssyncset.done $0x0  }
0xe7: {  	s3 =	sadd.s32 $0x5180, s20;
	[sflag:s28] =	ssyncadd.s32 $0xFFFFE000  }
0xe8: {  	[spmem:s2] =	stream.indirect.scatter.add.f32 [tilespmem:s21], [sflag:$0x9], $0x40, s3, s15, $0xb8;
	[tilespmem:$0x1E000] =	vst v63  }
0xe9: {  	_ =	swait.ge [sflag:s29], $0x2000  }
0xea: {  	[sflag:s29] =	ssyncset.done $0x0  }
0xeb: {  	s3 =	sadd.s32 $0x5200, s20;
	[sflag:s29] =	ssyncadd.s32 $0xFFFFE000  }
0xec: {  	[spmem:s2] =	stream.indirect.scatter.add.f32 [tilespmem:s23], [sflag:$0xA], $0x40, s3, s15, $0xb8;
	[tilespmem:$0x1E000] =	vst v63  }
0xed: {  	_ =	swait.ge [sflag:s30], $0x2000  }
0xee: {  	[sflag:s30] =	ssyncset.done $0x0  }
0xef: {  	s3 =	sadd.s32 $0x280, s20;
	[sflag:s30] =	ssyncadd.s32 $0xFFFFE000  }
0xf0: {  	[tilespmem:s16], [sflag:$0x1] =	stream.indirect.gather [hbm4b:s4+s15], $0x40, s3, s15, $0xb8;
	[tilespmem:$0x1E000] =	vst v63  }
0xf1: {  	_ =	swait.ge [sflag:s31], $0x2000  }
0xf2: {  	[sflag:s31] =	ssyncset.done $0x0  }
0xf3: {  	s3 =	sadd.s32 $0x300, s20;
	[sflag:s31] =	ssyncadd.s32 $0xFFFFE000  }
0xf4: {  	[tilespmem:s17], [sflag:$0x2] =	stream.indirect.gather [hbm4b:s4+s15], $0x40, s3, s15, $0xb8;
	[tilespmem:$0x1E000] =	vst v63  }
0xf5: {  	_ =	swait.ge [sflag:s0], $0x2000  }
0xf6: {  	[sflag:s0] =	ssyncset.done $0x0  }
0xf7: {  	s3 =	sadd.s32 $0x380, s20;
	[sflag:s0] =	ssyncadd.s32 $0xFFFFE000  }
0xf8: {  	[tilespmem:s19], [sflag:$0x3] =	stream.indirect.gather [hbm4b:s4+s15], $0x40, s3, s15, $0xb8;
	[tilespmem:$0x1E000] =	vst v63  }
0xf9: {  	_ =	swait.ge [sflag:s1], $0x2000  }
0xfa: {  	[sflag:s1] =	ssyncset.done $0x0  }
.Ltmp5:
0xfb: {  	s3 =	sadd.s32 $0x400, s20;
	[sflag:s1] =	ssyncadd.s32 $0xFFFFE000;
	(pc) =	sbr.rel @!p1 .LBB2_3-.Ltmp5, $4  }
0xfc: {  	[tilespmem:s21], [sflag:$0x4] =	stream.indirect.gather [hbm4b:s4+s15], $0x40, s3, s15, $0xb8;
	[tilespmem:$0x1E000] =	vst v63  }
0xfd: {  	_ =	swait.ge [sflag:s12], $0x2000  }
0xfe: {  	[sflag:s12] =	ssyncset.done $0x0  }
0xff: {  	s20 =	sadd.s32 $0x480, s20;
	[sflag:s12] =	ssyncadd.s32 $0xFFFFE000  }
.Ltmp6:
0x100: {  	(pc) =	sbr.rel .LBB2_8-.Ltmp6, $2  }
0x101: {  	_ =	sdelay $0x2  }
0x102: {  	[tilespmem:s23], [sflag:$0x5] =	stream.indirect.gather [hbm4b:s4+s15], $0x40, s20, s15, $0xb8;
	[tilespmem:$0x1E000] =	vst v63  }
.LBB2_9:
0x103: {  	_ =	sfence.sel $0x180000  }
0x104: {  	[bflag:$0x0] =	sbarrier.arrive $0xFFFF  }
0x105: {  	_ =	strace $0x9000004A  }
0x106: {  	s0 =	stileid.u32;
	[bflag:$0x2] =	sbarrier.arrive $0xFFFF  }
0x107: {  	p0 =	sne.s32 s0, $0x0;
	s0 =	rddreg [dreg:$0x2]  }
0x108: {  	s0 =	sadd.s32 @!p0 $0x100000, s0  }
0x109: {  	[sflag:s0] =	ssyncadd.tile.s32 @!p0 $0x1;
	_ =	shalt  }
.Lfunc_end2:
_tile_overlayer_lowered:
.L_overlay_start_2:
0x10a: {  	(tag) =	ssettag $0x2  }
0x10b: {  	s0 =	rddreg [dreg:$0x0];
	s2 =	stileid.u32  }
0x10c: {  	s1 =	rddreg [dreg:$0x1];
	p0 =	sne.s32 s2, $0x0  }
0x10d: {  	s3 =	rddreg [dreg:$0x2];
	[bflag:$0x3] =	sbarrier.arrive $0xFFFF;
	s2 =	simm.s32 @!p0 $0x1C0B  }
0x10e: {  	[timem:s3], [sflag:s2] =	dma.local @!p0 [hbm:s0], s1  }
0x10f: {  	s0 =	simm.s32 @!p0 $0xB  }
0x110: {  	_ =	swait.ge @!p0 [sflag:s0], s1  }
0x111: {  	s1 =	ssub.s32 @!p0 $0x0, s1;
	[sflag:s0] =	ssyncset.done @!p0 $0x0  }
0x112: {  	[sflag:s0] =	ssyncadd.s32 @!p0 s1  }
0x113: {  	[bflag:$0x3] =	sbarrier.arrive $0xFFFF  }
0x114: {  	_ =	shalt  }

// kernel: kernel.16.cloned.1.call-start
scs
__scs_entry_jumppad:
0x0: {  	(pc) =	sbr.rel $0x88, $3  }
0x1: {  	(tag) =	ssettag $0x0;
	lr =	simm.s32 $0x1  }
0x2: {  	[smem:$0x3F96] =	sst lr;
	_ =	strace $0xD0000000  }
0x3: {  	_ = 	snop  }
0x4: {  	_ = 	snop  }
0x5: {  	_ = 	snop  }
0x6: {  	_ = 	snop  }
0x7: {  	_ = 	snop  }
__scs_overlays_trampoline_lowered:
0x8: {  	[smem:$0x3FA5] =	sst s0  }
0x9: {  	[smem:$0x3FA6] =	sst s1  }
0xa: {  	[smem:$0x3FA7] =	sst s2  }
0xb: {  	[smem:$0x3FA8] =	sst s3  }
0xc: {  	[smem:$0x3FA9] =	sst s4  }
0xd: {  	[smem:$0x3FAA] =	sst s5  }
0xe: {  	[smem:$0x3FAB] =	sst s6  }
0xf: {  	[smem:$0x3FAC] =	sst s7  }
0x10: {  	[smem:$0x3FAD] =	sst s8  }
0x11: {  	[smem:$0x3FAE] =	sst s9;
	s0 =	simm.s32 @!p0 $0x0  }
0x12: {  	s1 =	sld [smem:$0x3F94];
	s0 =	simm.s32 @p0 $0x1  }
0x13: {  	[smem:$0x3FAF] =	sst s0;
	s0 =	simm.s32 @!p1 $0x0  }
0x14: {  	s2 =	sld [smem:$0x3F93];
	s0 =	simm.s32 @p1 $0x1  }
0x15: {  	[smem:$0x3FB0] =	sst s0;
	s0 =	simm.s32 @!p2 $0x0  }
0x16: {  	s3 =	sld [smem:$0x3FDB];
	s0 =	simm.s32 @p2 $0x1  }
0x17: {  	s4 =	simm.s32 $0x1BF5;
	[smem:$0x3FB2] =	sst s0  }
0x18: {  	s0 =	sld [smem:$0x3F95];
	_ =	swait.ge [sflag:s4], $0x0  }
0x19: {  	s7 =	sld [smem:$0x3F96]  }
0x1a: {  	s8 =	sadd.s32 $0xFFFFE003, lr  }
0x1b: {  	s9 =	sadd.s32 $0xFFFFFEF7, lr;
	s5 =	simm.s32 $0xFFFFFFFF;
	p2 =	slt.u32 s8, $0xFFFFF086  }
0x1c: {  	p1 =	slt.u32 s9, $0xF7A;
	s5 =	simm.s32 @!p2 $0x0  }
0x1d: {  	s5 =	simm.s32 @p1 $0x1;
	p0 =	seq.s32 s7, s2  }
0x1e: {  	s7 =	smul.u32 @!p0 $0xF7A, s2;
	p2 =	seq.s32 @!p0 s5, $0x0  }
0x1f: {  	s9 =	smul.u32 $0xF7A, s1;
	s8 =	simm.s32 @!p0 $0x1BF5;
	p2 =	por !p2, p0  }
0x20: {  	[sflag:s8] =	ssyncset.s32 @!p0 $0xFFFFF086;
	s6 =	sadd.s32 @!p0 s3, s7;
	s7 =	simm.s32 @!p0 $0x108  }
0x21: {  	s3 =	sadd.s32 s3, s9;
	s6 =	sadd.s32 @!p0 $0x88, s6;
	s7 =	simm.s32 @p2 $0x1082  }
0x22: {  	[simem:s7], [sflag:s8] =	dma.local @!p0 [hbm:s6], $0xF7A  }
0x23: {  	s9 =	sor.u32 $0xD0000000, s2;
	s6 =	simm.s32 $0x108;
	_ =	swait.ge @!p0 [sflag:s8], $0x0  }
0x24: {  	s3 =	sadd.s32 $0x88, s3;
	s6 =	simm.s32 @!p1 $0x1082;
	[sflag:s4] =	ssyncset.s32 $0xFFFFF086  }
0x25: {  	[simem:s6], [sflag:s4] =	dma.local [hbm:s3], $0xF7A  }
0x26: {  	[smem:$0x3F96] =	sst s1;
	(tag) =	ssettag s2;
	_ =	strace s9  }
0x27: {  	s1 =	sld [smem:$0x3FA6]  }
0x28: {  	s2 =	sld [smem:$0x3FA7]  }
0x29: {  	s4 =	sld [smem:$0x3FA9]  }
0x2a: {  	p0 =	seq.s32 s5, $0x0;
	s5 =	sld [smem:$0x3FAA]  }
0x2b: {  	s6 =	sld [smem:$0x3FAB]  }
0x2c: {  	s7 =	sld [smem:$0x3FAC]  }
0x2d: {  	s3 =	simm.s32 $0x108;
	s8 =	sld [smem:$0x3FAD]  }
0x2e: {  	s3 =	simm.s32 @!p0 $0x1082;
	s9 =	sld [smem:$0x3FAE]  }
0x2f: {  	lr =	sadd.s32 s0, s3;
	s0 =	sld [smem:$0x3FA5]  }
0x30: {  	s3 =	sld [smem:$0x3FA8]  }
0x31: {  	[smem:$0x3FB1] =	sst s10  }
0x32: {  	s10 =	sld [smem:$0x3FAF];
	_ =	sdelay $0x3  }
0x33: {  	p0 =	seq.s32 s10, $0x1;
	s10 =	sld [smem:$0x3FB1];
	_ =	sdelay $0x3  }
0x34: {  	[smem:$0x3FB1] =	sst s10  }
0x35: {  	s10 =	sld [smem:$0x3FB0];
	_ =	sdelay $0x3  }
0x36: {  	p1 =	seq.s32 s10, $0x1;
	s10 =	sld [smem:$0x3FB1];
	_ =	sdelay $0x3  }
0x37: {  	[smem:$0x3FB1] =	sst s10  }
0x38: {  	s10 =	sld [smem:$0x3FB2]  }
0x39: {  	_ = 	snop;
	(pc) =	sbr.ind lr, $3  }
0x3a: {  	_ = 	snop  }
0x3b: {  	_ = 	snop  }
0x3c: {  	p2 =	seq.s32 s10, $0x1;
	s10 =	sld [smem:$0x3FB1]  }
0x3d: {  	_ =	shalt  }
0x3e: {  	_ =	shalt  }
0x3f: {  	_ =	shalt  }
0x40: {  	_ =	shalt  }
0x41: {  	_ =	shalt  }
0x42: {  	_ =	shalt  }
0x43: {  	_ =	shalt  }
0x44: {  	_ =	shalt  }
0x45: {  	_ =	shalt  }
0x46: {  	_ =	shalt  }
0x47: {  	_ =	shalt  }
0x48: {  	_ =	shalt  }
0x49: {  	_ =	shalt  }
0x4a: {  	_ =	shalt  }
0x4b: {  	_ =	shalt  }
0x4c: {  	_ =	shalt  }
0x4d: {  	_ =	shalt  }
0x4e: {  	_ =	shalt  }
0x4f: {  	_ =	shalt  }
0x50: {  	_ =	shalt  }
0x51: {  	_ =	shalt  }
0x52: {  	_ =	shalt  }
0x53: {  	_ =	shalt  }
0x54: {  	_ =	shalt  }
0x55: {  	_ =	shalt  }
0x56: {  	_ =	shalt  }
0x57: {  	_ =	shalt  }
0x58: {  	_ =	shalt  }
0x59: {  	_ =	shalt  }
0x5a: {  	_ =	shalt  }
0x5b: {  	_ =	shalt  }
0x5c: {  	_ =	shalt  }
0x5d: {  	_ =	shalt  }
0x5e: {  	_ =	shalt  }
0x5f: {  	_ =	shalt  }
0x60: {  	_ =	shalt  }
0x61: {  	_ =	shalt  }
0x62: {  	_ =	shalt  }
0x63: {  	_ =	shalt  }
0x64: {  	_ =	shalt  }
0x65: {  	_ =	shalt  }
0x66: {  	_ =	shalt  }
0x67: {  	_ =	shalt  }
0x68: {  	_ =	shalt  }
0x69: {  	_ =	shalt  }
0x6a: {  	_ =	shalt  }
0x6b: {  	_ =	shalt  }
0x6c: {  	_ =	shalt  }
0x6d: {  	_ =	shalt  }
0x6e: {  	_ =	shalt  }
0x6f: {  	_ =	shalt  }
0x70: {  	_ =	shalt  }
0x71: {  	_ =	shalt  }
0x72: {  	_ =	shalt  }
0x73: {  	_ =	shalt  }
0x74: {  	_ =	shalt  }
0x75: {  	_ =	shalt  }
0x76: {  	_ =	shalt  }
0x77: {  	_ =	shalt  }
0x78: {  	_ =	shalt  }
0x79: {  	_ =	shalt  }
0x7a: {  	_ =	shalt  }
0x7b: {  	_ =	shalt  }
0x7c: {  	_ =	shalt  }
0x7d: {  	_ =	shalt  }
0x7e: {  	_ =	shalt  }
0x7f: {  	_ =	shalt  }
0x80: {  	_ =	shalt  }
0x81: {  	_ =	shalt  }
0x82: {  	_ =	shalt  }
0x83: {  	_ =	shalt  }
0x84: {  	_ =	shalt  }
0x85: {  	_ =	shalt  }
0x86: {  	_ =	shalt  }
0x87: {  	_ =	shalt  }
.Lfunc_end0:
.L_simem_size_0:
called_computation.2_lowered:
.L_overlay_start_0:
0x88: {  	s2 =	sld [smem:$0x3FD9]  }
0x89: {  	s3 =	sld [smem:$0x3FFE];
	_ =	sdelay $0x1  }
0x8a: {  	s1 =	srdreg.scid  }
0x8b: {  	s0 =	sand.u32 $0x1, s1  }
0x8c: {  	s16 =	sshll.u32 s0, $0xA;
	s2 =	sadd.s32 s3, s2  }
0x8d: {  	s2 =	sadd.s32 s2, s16  }
0x8e: {  	[smem:$0x3FBD] =	sst s2  }
0x8f: {  	_ = 	snop  }
0x90: {  	(tm) =	ssettm $0x1  }
0x91: {  	s17 =	sld [smem:$0x3FFB];
	_ =	sdelay $0x3  }
0x92: {  	_ =	strace s17  }
0x93: {  	s2 =	sld [smem:$0x3FFC];
	_ =	sdelay $0x3  }
0x94: {  	_ =	strace s2  }
0x95: {  	s2 =	sld [smem:$0x3FFD];
	_ =	sdelay $0x3  }
0x96: {  	_ =	strace s2  }
0x97: {  	_ =	strace $0x8FFFFFFF  }
0x98: {  	s18 =	sld [smem:$0x3FDB];
	_ =	sdelay $0x1  }
0x99: {  	s19 =	simm.s32 $_scs_section_size  }
0x9a: {  	s4 =	simm.s32 $_size__tile_overlayer_lowered;
	s5 =	simm.s32 $_tile_overlayer_lowered  }
0x9b: {  	s22 =	simm.s32 $0x1BFF;
	s21 =	sshll.u32 s5, $0x1;
	s2 =	sadd.s32 s19, s18  }
0x9c: {  	s6 =	simm.s32 $0x0;
	s20 =	sshll.u32 s4, $0x1;
	s4 =	sadd.s32 s21, s2  }
0x9d: {  	[timem:s6], [sflag:s22] =	dma.local [hbm:s4], s20  }
0x9e: {  	_ =	swait.ge [sflag:s22], s20  }
0x9f: {  	s3 =	ssub.s32 $0x0, s20;
	[sflag:s22] =	ssyncset.done $0x0  }
0xa0: {  	[sflag:s22] =	ssyncadd.s32 s3;
	_ =	sdelay $0x1  }
0xa1: {  	s23 =	simm.s32 $0x1B8B  }
0xa2: {  	_ =	swait.ge [sflag:s23], $0x1  }
0xa3: {  	[sflag:s23] =	ssyncset.done $0x0  }
0xa4: {  	s25 =	simm.s32 $0x1B8E;
	s24 =	sld [smem:$0x3FFE];
	[sflag:s23] =	ssyncadd.s32 $0xFFFFFFFF  }
0xa5: {  	s26 =	simm.s32 $execute0_lowered;
	[smem:$0x3FD2] =	sst s25  }
0xa6: {  	s4 =	sshll.u32 s26, $0x1;
	_ =	strace $0x8000004C;
	[dreg:$0x1] =	wrdreg $0xFFFFFFFF  }
0xa7: {  	s28 =	simm.s32 $_size_execute0_lowered;
	s2 =	sadd.s32 s2, s4;
	[dreg:$0x0] =	wrdreg $0x0  }
0xa8: {  	s4 =	sshll.u32 s28, $0x1;
	[dreg:$0x2] =	wrdreg s2  }
0xa9: {  	[dreg:$0x3] =	wrdreg s4  }
0xaa: {  	[dreg:$0x4] =	wrdreg $0xC0  }
0xab: {  	_ =	task [dreg:s6], $0x5FFFF  }
0xac: {  	[dreg:$0x1] =	wrdreg $0xFFFFFFFF  }
0xad: {  	[dreg:$0x0] =	wrdreg $0x60  }
0xae: {  	[dreg:$0x2] =	wrdreg s24  }
0xaf: {  	[dreg:$0x3] =	wrdreg $0x150000  }
0xb0: {  	[dreg:$0x4] =	wrdreg $0x9  }
0xb1: {  	_ =	task.clear_ibuf [dreg:s6], $0x5FFFF;
	_ =	strace $0x9000004C  }
0xb2: {  	s29 =	simm.s32 $0x9;
	_ =	strace $0x8000004E  }
0xb3: {  	_ =	swait.ge [sflag:s29], $0x1  }
0xb4: {  	[sflag:s29] =	ssyncadd.s32 $0xFFFFFFFF  }
0xb5: {  	_ =	strace $0x9000004E  }
0xb6: {  	_ =	sfence  }
0xb7: {  	s30 =	sld [smem:$0x0];
	_ =	sdelay $0x2  }
0xb8: {  	s31 =	sshll.u32 s1, $0xD;
	s1 =	sshrl.u32 s1, $0x2  }
0xb9: {  	s3 =	sand.u32 $0x4000, s31;
	s1 =	sadd.s32 s1, s30  }
0xba: {  	s0 =	sor.u32 s3, s0;
	s1 =	sshll.u32 s1, $0x11  }
0xbb: {  	s0 =	sor.u32 s1, s0  }
0xbc: {  	s0 =	sadd.s32 $0x8F2B, s0  }
0xbd: {  	[sflag:s0] =	ssyncadd.remote.s32 $0x1  }
0xbe: {  	_ =	sfence.sel $0xFFFF  }
0xbf: {  	[dreg:$0x0] =	wrdreg $0xFFFFFFFF;
	(pc) =	sbr.abs _section_cstart, $3  }
0xc0: {  	[dreg:$0x1] =	wrdreg $0xFFFFFFFF  }
0xc1: {  	_ =	task.clear_ibuf [dreg:s6], $0x2FFFF;
	_ =	strace $0x9FFFFFFF  }
0xc2: {  	(tm) =	ssettm $0x7FFFFFFF  }
0xc3: {  	_ =	shalt  }
tec
execute0_lowered:
.L_overlay_start_1:
0x0: {  	(tag) =	ssettag $0x1  }
0x1: {  	s0 =	srdreg.scid;
	s3 =	rddreg [dreg:$0x0]  }
0x2: {  	s7 =	stileid.u32;
	s2 =	rddreg [dreg:$0x1];
	s6 =	simm.s32 $0x0  }
0x3: {  	s13 =	simm.s32 $0x11;
	s14 =	simm.s32 $0x80;
	s15 =	simm.s32 $0x5000  }
0x4: {  	s16 =	simm.s32 $0x7000;
	s18 =	simm.s32 $0x9000;
	s20 =	simm.s32 $0xB000  }
0x5: {  	s29 =	simm.s32 $0x13000;
	s30 =	simm.s32 $0x1;
	s31 =	simm.s32 $0x2  }
0x6: {  	s11 =	simm.s32 $0x5;
	s17 =	simm.s32 $0x6;
	s19 =	simm.s32 $0x7  }
0x7: {  	s21 =	simm.s32 $0x8;
	s28 =	simm.s32 $0xB;
	s9 =	simm.s32 $0x10  }
0x8: {  	s10 =	simm.s32 $0x0;
	s0 =	sand.u32 $0x1, s0;
	s1 =	sshll.u32 s7, $0x1  }
0x9: {  	s5 =	smul.u32 $0xA000, s7;
	[smem:$0x7FF] =	sst s6;
	s8 =	sadd.s32 $0x3DA00, s3  }
0xa: {  	s26 =	sshll.u32 s7, $0x6;
	s7 =	simm.s32 $0xE;
	s1 =	sor.u32 s0, s1  }
0xb: {  	s4 =	smul.u32 $0xA0000, s0;
	_ =	strace $0x8000004D;
	[dreg:$0x3] =	wrdreg s8  }
0xc: {  	s0 =	ssub.s32 $0x2, s0;
	s8 =	simm.s32 $0xF;
	[dreg:$0xa] =	wrdreg s10  }
0xd: {  	s1 =	smul.u32 $0x500, s1;
	s23 =	sshrl.u32 s0, $0x1;
	s25 =	sadd.s32 s5, s2  }
0xe: {  	s22 =	sadd.s32 s5, s4;
	s4 =	sadd.s32 $0x15A00, s3;
	s0 =	ssub.s32 s0, s23  }
0xf: {  	s12 =	sshrl.u32 s25, $0x3;
	s23 =	simm.s32 $0x9;
	s25 =	simm.s32 $0xA  }
0x10: {  	s5 =	simm.s32 $0xC;
	s1 =	sadd.s32 s1, s3;
	s6 =	sshrl.u32 s22, $0x3  }
0x11: {  	s0 =	smax.u32 s0, $0x1;
	s22 =	simm.s32 $0xD000;
	[dreg:$0x8] =	wrdreg s12  }
0x12: {  	s3 =	sadd.s32 s6, s3;
	s24 =	sadd.s32 $0xBA00, s1;
	[dreg:$0x7] =	wrdreg s0  }
0x13: {  	s1 =	sadd.s32 $0x1A00, s1;
	s0 =	sor.u32 $0x1C11, s26;
	[dreg:$0x4] =	wrdreg s24  }
0x14: {  	s26 =	simm.s32 $0x11000;
	s6 =	simm.s32 $0xD;
	[dreg:$0x5] =	wrdreg s1  }
0x15: {  	s3 =	sadd.s32 $0x3EE00, s3;
	[dreg:$0x9] =	wrdreg s0;
	s24 =	simm.s32 $0xF000  }
0x16: {  	s1 =	simm.s32 $0x3;
	s0 =	simm.s32 $0x4;
	[dreg:$0x6] =	wrdreg s3  }
.LBB2_1:
0x17: {  	s3 =	simm.s32 $0x0;
	s12 =	rddreg [dreg:$0x4]  }
0x18: {  	[tilespmem:s3], [sflag:$0x11] =	stream.linear.gather [hbm4b:s12+s3], $0x2800, $0x38;
	[tilespmem:$0x1F000] =	vst v63  }
0x19: {  	_ =	swait.ge [sflag:s13], $0x2800  }
0x1a: {  	s10 =	simm.s32 $0x0;
	[sflag:s13] =	ssyncset.done $0x0  }
0x1b: {  	s3 =	simm.s32 $0x2800;
	s12 =	rddreg [dreg:$0x5];
	[sflag:s13] =	ssyncadd.s32 $0xFFFFD800  }
0x1c: {  	[tilespmem:s3], [sflag:$0x11] =	stream.linear.gather [hbm4b:s12+s10], $0x2800, $0x38;
	[tilespmem:$0x1F000] =	vst v63  }
0x1d: {  	s10 =	rddreg [dreg:$0x9];
	_ =	swait.ge [sflag:s13], $0x2800  }
0x1e: {  	[sflag:s13] =	ssyncset.done $0x0;
	s12 =	rddreg [dreg:$0x3]  }
0x1f: {  	s3 =	rddreg [dreg:$0x8];
	[sflag:s13] =	ssyncadd.s32 $0xFFFFD800  }
0x20: {  	[spmem:s3], [sflag:s10] =	dma.local [hbm:s12], $0x1400  }
0x21: {  	_ =	swait.ge [sflag:s13], $0x1400  }
0x22: {  	[sflag:s13] =	ssyncset.done $0x0  }
0x23: {  	[sflag:s13] =	ssyncadd.s32 $0xFFFFEC00  }
0x24: {  	s13 =	simm.s32 $0x0;
	[bflag:$0x0] =	sbarrier.arrive $0xFFFF  }
0x25: {  	[tilespmem:s15], [sflag:$0x1] =	stream.indirect.gather [hbm4b:s4+s14], $0x40, s13, s14, $0xb8;
	[tilespmem:$0x1F000] =	vst v63  }
0x26: {  	_ = 	snop  }
0x27: {  	[tilespmem:s16], [sflag:$0x2] =	stream.indirect.gather [hbm4b:s4+s14], $0x40, s14, s14, $0xb8;
	[tilespmem:$0x1F000] =	vst v63  }
0x28: {  	s3 =	simm.s32 $0x100  }
0x29: {  	[tilespmem:s18], [sflag:$0x3] =	stream.indirect.gather [hbm4b:s4+s14], $0x40, s3, s14, $0xb8;
	[tilespmem:$0x1F000] =	vst v63  }
0x2a: {  	s12 =	simm.s32 $0x180  }
0x2b: {  	[tilespmem:s20], [sflag:$0x4] =	stream.indirect.gather [hbm4b:s4+s14], $0x40, s12, s14, $0xb8;
	[tilespmem:$0x1F000] =	vst v63  }
0x2c: {  	s13 =	simm.s32 $0x200  }
0x2d: {  	[tilespmem:s22], [sflag:$0x5] =	stream.indirect.gather [hbm4b:s4+s14], $0x40, s13, s14, $0xb8;
	[tilespmem:$0x1F000] =	vst v63  }
0x2e: {  	s3 =	simm.s32 $0x280  }
0x2f: {  	[tilespmem:s24], [sflag:$0x6] =	stream.indirect.gather [hbm4b:s4+s14], $0x40, s3, s14, $0xb8;
	[tilespmem:$0x1F000] =	vst v63  }
0x30: {  	s12 =	simm.s32 $0x300  }
0x31: {  	[tilespmem:s26], [sflag:$0x7] =	stream.indirect.gather [hbm4b:s4+s14], $0x40, s12, s14, $0xb8;
	[tilespmem:$0x1F000] =	vst v63  }
0x32: {  	s13 =	simm.s32 $0x380  }
0x33: {  	[tilespmem:s29], [sflag:$0x8] =	stream.indirect.gather [hbm4b:s4+s14], $0x40, s13, s14, $0xb8;
	[tilespmem:$0x1F000] =	vst v63  }
0x34: {  	_ =	swait.ge [sflag:s30], $0x2000  }
0x35: {  	[sflag:s30] =	ssyncset.done $0x0  }
0x36: {  	s3 =	simm.s32 $0x2800;
	[sflag:s30] =	ssyncadd.s32 $0xFFFFE000  }
0x37: {  	[spmem:s2] =	stream.indirect.scatter.add.f32 [tilespmem:s15], [sflag:$0x9], $0x40, s3, s14, $0xb8;
	[tilespmem:$0x1F000] =	vst v63  }
0x38: {  	_ =	swait.ge [sflag:s31], $0x2000  }
0x39: {  	[sflag:s31] =	ssyncset.done $0x0  }
0x3a: {  	s10 =	simm.s32 $0x2880;
	[sflag:s31] =	ssyncadd.s32 $0xFFFFE000  }
0x3b: {  	[spmem:s2] =	stream.indirect.scatter.add.f32 [tilespmem:s16], [sflag:$0xA], $0x40, s10, s14, $0xb8;
	[tilespmem:$0x1F000] =	vst v63  }
0x3c: {  	_ =	swait.ge [sflag:s1], $0x2000  }
0x3d: {  	[sflag:s1] =	ssyncset.done $0x0  }
0x3e: {  	s13 =	simm.s32 $0x2900;
	[sflag:s1] =	ssyncadd.s32 $0xFFFFE000  }
0x3f: {  	[spmem:s2] =	stream.indirect.scatter.add.f32 [tilespmem:s18], [sflag:$0xB], $0x40, s13, s14, $0xb8;
	[tilespmem:$0x1F000] =	vst v63  }
0x40: {  	_ =	swait.ge [sflag:s0], $0x2000  }
0x41: {  	[sflag:s0] =	ssyncset.done $0x0  }
0x42: {  	s3 =	simm.s32 $0x2980;
	[sflag:s0] =	ssyncadd.s32 $0xFFFFE000  }
0x43: {  	[spmem:s2] =	stream.indirect.scatter.add.f32 [tilespmem:s20], [sflag:$0xC], $0x40, s3, s14, $0xb8;
	[tilespmem:$0x1F000] =	vst v63  }
0x44: {  	_ =	swait.ge [sflag:s11], $0x2000  }
0x45: {  	[sflag:s11] =	ssyncset.done $0x0  }
0x46: {  	s10 =	simm.s32 $0x2A00;
	[sflag:s11] =	ssyncadd.s32 $0xFFFFE000  }
0x47: {  	[spmem:s2] =	stream.indirect.scatter.add.f32 [tilespmem:s22], [sflag:$0xD], $0x40, s10, s14, $0xb8;
	[tilespmem:$0x1F000] =	vst v63  }
0x48: {  	_ =	swait.ge [sflag:s17], $0x2000  }
0x49: {  	[sflag:s17] =	ssyncset.done $0x0  }
0x4a: {  	s13 =	simm.s32 $0x2A80;
	[sflag:s17] =	ssyncadd.s32 $0xFFFFE000  }
0x4b: {  	[spmem:s2] =	stream.indirect.scatter.add.f32 [tilespmem:s24], [sflag:$0xE], $0x40, s13, s14, $0xb8;
	[tilespmem:$0x1F000] =	vst v63  }
0x4c: {  	_ =	swait.ge [sflag:s19], $0x2000  }
0x4d: {  	[sflag:s19] =	ssyncset.done $0x0  }
0x4e: {  	s3 =	simm.s32 $0x2B00;
	[sflag:s19] =	ssyncadd.s32 $0xFFFFE000  }
0x4f: {  	[spmem:s2] =	stream.indirect.scatter.add.f32 [tilespmem:s26], [sflag:$0xF], $0x40, s3, s14, $0xb8;
	[tilespmem:$0x1F000] =	vst v63  }
0x50: {  	_ =	swait.ge [sflag:s21], $0x2000  }
0x51: {  	[sflag:s21] =	ssyncset.done $0x0  }
0x52: {  	s10 =	simm.s32 $0x2B80;
	[sflag:s21] =	ssyncadd.s32 $0xFFFFE000  }
0x53: {  	[spmem:s2] =	stream.indirect.scatter.add.f32 [tilespmem:s29], [sflag:$0x10], $0x40, s10, s14, $0xb8;
	[tilespmem:$0x1F000] =	vst v63  }
0x54: {  	_ =	swait.ge [sflag:s23], $0x2000  }
0x55: {  	[sflag:s23] =	ssyncset.done $0x0  }
0x56: {  	s13 =	simm.s32 $0x400;
	[sflag:s23] =	ssyncadd.s32 $0xFFFFE000  }
0x57: {  	[tilespmem:s15], [sflag:$0x1] =	stream.indirect.gather [hbm4b:s4+s14], $0x40, s13, s14, $0xb8;
	[tilespmem:$0x1F000] =	vst v63  }
0x58: {  	_ =	swait.ge [sflag:s25], $0x2000  }
0x59: {  	[sflag:s25] =	ssyncset.done $0x0  }
0x5a: {  	s3 =	simm.s32 $0x480;
	[sflag:s25] =	ssyncadd.s32 $0xFFFFE000  }
0x5b: {  	[tilespmem:s16], [sflag:$0x2] =	stream.indirect.gather [hbm4b:s4+s14], $0x40, s3, s14, $0xb8;
	[tilespmem:$0x1F000] =	vst v63  }
0x5c: {  	_ =	swait.ge [sflag:s28], $0x2000  }
0x5d: {  	[sflag:s28] =	ssyncset.done $0x0  }
0x5e: {  	s10 =	simm.s32 $0x500;
	[sflag:s28] =	ssyncadd.s32 $0xFFFFE000  }
0x5f: {  	[tilespmem:s18], [sflag:$0x3] =	stream.indirect.gather [hbm4b:s4+s14], $0x40, s10, s14, $0xb8;
	[tilespmem:$0x1F000] =	vst v63  }
0x60: {  	_ =	swait.ge [sflag:s5], $0x2000  }
0x61: {  	[sflag:s5] =	ssyncset.done $0x0  }
0x62: {  	s13 =	simm.s32 $0x580;
	[sflag:s5] =	ssyncadd.s32 $0xFFFFE000  }
0x63: {  	[tilespmem:s20], [sflag:$0x4] =	stream.indirect.gather [hbm4b:s4+s14], $0x40, s13, s14, $0xb8;
	[tilespmem:$0x1F000] =	vst v63  }
0x64: {  	_ =	swait.ge [sflag:s6], $0x2000  }
0x65: {  	[sflag:s6] =	ssyncset.done $0x0  }
0x66: {  	s3 =	simm.s32 $0x600;
	[sflag:s6] =	ssyncadd.s32 $0xFFFFE000  }
0x67: {  	[tilespmem:s22], [sflag:$0x5] =	stream.indirect.gather [hbm4b:s4+s14], $0x40, s3, s14, $0xb8;
	[tilespmem:$0x1F000] =	vst v63  }
0x68: {  	_ =	swait.ge [sflag:s7], $0x2000  }
0x69: {  	[sflag:s7] =	ssyncset.done $0x0  }
0x6a: {  	s10 =	simm.s32 $0x680;
	[sflag:s7] =	ssyncadd.s32 $0xFFFFE000  }
0x6b: {  	[tilespmem:s24], [sflag:$0x6] =	stream.indirect.gather [hbm4b:s4+s14], $0x40, s10, s14, $0xb8;
	[tilespmem:$0x1F000] =	vst v63  }
0x6c: {  	_ =	swait.ge [sflag:s8], $0x2000  }
0x6d: {  	[sflag:s8] =	ssyncset.done $0x0  }
0x6e: {  	s13 =	simm.s32 $0x700;
	[sflag:s8] =	ssyncadd.s32 $0xFFFFE000  }
0x6f: {  	[tilespmem:s26], [sflag:$0x7] =	stream.indirect.gather [hbm4b:s4+s14], $0x40, s13, s14, $0xb8;
	[tilespmem:$0x1F000] =	vst v63  }
0x70: {  	_ =	swait.ge [sflag:s9], $0x2000  }
0x71: {  	[sflag:s9] =	ssyncset.done $0x0  }
0x72: {  	s12 =	simm.s32 $0x1000;
	s13 =	simm.s32 $0x780;
	[sflag:s9] =	ssyncadd.s32 $0xFFFFE000  }
.LBB2_2:
0x73: {  	[tilespmem:s29], [sflag:$0x8] =	stream.indirect.gather [hbm4b:s4+s14], $0x40, s13, s14, $0xb8;
	[tilespmem:$0x1F000] =	vst v63  }
0x74: {  	s13 =	smov.u32 s12  }
0x75: {  	p0 =	sne.s32 s12, $0x8000;
	s12 =	sadd.s32 $0x1000, s12;
	_ =	swait.ge [sflag:s30], $0x2000  }
0x76: {  	s13 =	sshra.s32 s13, $0x2;
	[sflag:s30] =	ssyncset.done $0x0  }
0x77: {  	s10 =	sadd.s32 $0x2800, s13;
	[sflag:s30] =	ssyncadd.s32 $0xFFFFE000  }
0x78: {  	[spmem:s2] =	stream.indirect.scatter.add.f32 [tilespmem:s15], [sflag:$0x9], $0x40, s10, s14, $0xb8;
	[tilespmem:$0x1F000] =	vst v63  }
0x79: {  	_ =	swait.ge [sflag:s31], $0x2000  }
0x7a: {  	[sflag:s31] =	ssyncset.done $0x0  }
0x7b: {  	s10 =	sadd.s32 $0x2880, s13;
	[sflag:s31] =	ssyncadd.s32 $0xFFFFE000  }
0x7c: {  	[spmem:s2] =	stream.indirect.scatter.add.f32 [tilespmem:s16], [sflag:$0xA], $0x40, s10, s14, $0xb8;
	[tilespmem:$0x1F000] =	vst v63  }
0x7d: {  	_ =	swait.ge [sflag:s1], $0x2000  }
0x7e: {  	[sflag:s1] =	ssyncset.done $0x0  }
0x7f: {  	s10 =	sadd.s32 $0x2900, s13;
	[sflag:s1] =	ssyncadd.s32 $0xFFFFE000  }
0x80: {  	[spmem:s2] =	stream.indirect.scatter.add.f32 [tilespmem:s18], [sflag:$0xB], $0x40, s10, s14, $0xb8;
	[tilespmem:$0x1F000] =	vst v63  }
0x81: {  	_ =	swait.ge [sflag:s0], $0x2000  }
0x82: {  	[sflag:s0] =	ssyncset.done $0x0  }
0x83: {  	s10 =	sadd.s32 $0x2980, s13;
	[sflag:s0] =	ssyncadd.s32 $0xFFFFE000  }
0x84: {  	[spmem:s2] =	stream.indirect.scatter.add.f32 [tilespmem:s20], [sflag:$0xC], $0x40, s10, s14, $0xb8;
	[tilespmem:$0x1F000] =	vst v63  }
0x85: {  	_ =	swait.ge [sflag:s11], $0x2000  }
0x86: {  	[sflag:s11] =	ssyncset.done $0x0  }
0x87: {  	s10 =	sadd.s32 $0x2A00, s13;
	[sflag:s11] =	ssyncadd.s32 $0xFFFFE000  }
0x88: {  	[spmem:s2] =	stream.indirect.scatter.add.f32 [tilespmem:s22], [sflag:$0xD], $0x40, s10, s14, $0xb8;
	[tilespmem:$0x1F000] =	vst v63  }
0x89: {  	_ =	swait.ge [sflag:s17], $0x2000  }
0x8a: {  	[sflag:s17] =	ssyncset.done $0x0  }
0x8b: {  	s10 =	sadd.s32 $0x2A80, s13;
	[sflag:s17] =	ssyncadd.s32 $0xFFFFE000  }
0x8c: {  	[spmem:s2] =	stream.indirect.scatter.add.f32 [tilespmem:s24], [sflag:$0xE], $0x40, s10, s14, $0xb8;
	[tilespmem:$0x1F000] =	vst v63  }
0x8d: {  	_ =	swait.ge [sflag:s19], $0x2000  }
0x8e: {  	[sflag:s19] =	ssyncset.done $0x0  }
0x8f: {  	s10 =	sadd.s32 $0x2B00, s13;
	[sflag:s19] =	ssyncadd.s32 $0xFFFFE000  }
0x90: {  	[spmem:s2] =	stream.indirect.scatter.add.f32 [tilespmem:s26], [sflag:$0xF], $0x40, s10, s14, $0xb8;
	[tilespmem:$0x1F000] =	vst v63  }
0x91: {  	_ =	swait.ge [sflag:s21], $0x2000  }
0x92: {  	[sflag:s21] =	ssyncset.done $0x0  }
0x93: {  	s10 =	sadd.s32 $0x2B80, s13;
	[sflag:s21] =	ssyncadd.s32 $0xFFFFE000  }
0x94: {  	[spmem:s2] =	stream.indirect.scatter.add.f32 [tilespmem:s29], [sflag:$0x10], $0x40, s10, s14, $0xb8;
	[tilespmem:$0x1F000] =	vst v63  }
0x95: {  	_ =	swait.ge [sflag:s23], $0x2000  }
0x96: {  	[sflag:s23] =	ssyncset.done $0x0  }
0x97: {  	s10 =	sadd.s32 $0x400, s13;
	[sflag:s23] =	ssyncadd.s32 $0xFFFFE000  }
0x98: {  	[tilespmem:s15], [sflag:$0x1] =	stream.indirect.gather [hbm4b:s4+s14], $0x40, s10, s14, $0xb8;
	[tilespmem:$0x1F000] =	vst v63  }
0x99: {  	_ =	swait.ge [sflag:s25], $0x2000  }
0x9a: {  	[sflag:s25] =	ssyncset.done $0x0  }
0x9b: {  	s10 =	sadd.s32 $0x480, s13;
	[sflag:s25] =	ssyncadd.s32 $0xFFFFE000  }
0x9c: {  	[tilespmem:s16], [sflag:$0x2] =	stream.indirect.gather [hbm4b:s4+s14], $0x40, s10, s14, $0xb8;
	[tilespmem:$0x1F000] =	vst v63  }
0x9d: {  	_ =	swait.ge [sflag:s28], $0x2000  }
0x9e: {  	[sflag:s28] =	ssyncset.done $0x0  }
0x9f: {  	s10 =	sadd.s32 $0x500, s13;
	[sflag:s28] =	ssyncadd.s32 $0xFFFFE000  }
0xa0: {  	[tilespmem:s18], [sflag:$0x3] =	stream.indirect.gather [hbm4b:s4+s14], $0x40, s10, s14, $0xb8;
	[tilespmem:$0x1F000] =	vst v63  }
0xa1: {  	_ =	swait.ge [sflag:s5], $0x2000  }
0xa2: {  	[sflag:s5] =	ssyncset.done $0x0  }
0xa3: {  	s10 =	sadd.s32 $0x580, s13;
	[sflag:s5] =	ssyncadd.s32 $0xFFFFE000  }
0xa4: {  	[tilespmem:s20], [sflag:$0x4] =	stream.indirect.gather [hbm4b:s4+s14], $0x40, s10, s14, $0xb8;
	[tilespmem:$0x1F000] =	vst v63  }
0xa5: {  	_ =	swait.ge [sflag:s6], $0x2000  }
0xa6: {  	[sflag:s6] =	ssyncset.done $0x0  }
0xa7: {  	s10 =	sadd.s32 $0x600, s13;
	[sflag:s6] =	ssyncadd.s32 $0xFFFFE000  }
0xa8: {  	[tilespmem:s22], [sflag:$0x5] =	stream.indirect.gather [hbm4b:s4+s14], $0x40, s10, s14, $0xb8;
	[tilespmem:$0x1F000] =	vst v63  }
0xa9: {  	_ =	swait.ge [sflag:s7], $0x2000  }
0xaa: {  	[sflag:s7] =	ssyncset.done $0x0  }
0xab: {  	s10 =	sadd.s32 $0x680, s13;
	[sflag:s7] =	ssyncadd.s32 $0xFFFFE000  }
0xac: {  	[tilespmem:s24], [sflag:$0x6] =	stream.indirect.gather [hbm4b:s4+s14], $0x40, s10, s14, $0xb8;
	[tilespmem:$0x1F000] =	vst v63  }
0xad: {  	_ =	swait.ge [sflag:s8], $0x2000  }
0xae: {  	[sflag:s8] =	ssyncset.done $0x0  }
.Ltmp0:
0xaf: {  	s10 =	sadd.s32 $0x700, s13;
	[sflag:s8] =	ssyncadd.s32 $0xFFFFE000;
	(pc) =	sbr.rel @p0 .LBB2_2-.Ltmp0, $4  }
0xb0: {  	[tilespmem:s26], [sflag:$0x7] =	stream.indirect.gather [hbm4b:s4+s14], $0x40, s10, s14, $0xb8;
	[tilespmem:$0x1F000] =	vst v63  }
0xb1: {  	_ =	swait.ge [sflag:s9], $0x2000  }
0xb2: {  	[sflag:s9] =	ssyncset.done $0x0  }
0xb3: {  	s13 =	sadd.s32 $0x780, s13;
	[sflag:s9] =	ssyncadd.s32 $0xFFFFE000  }
0xb4: {  	[tilespmem:s29], [sflag:$0x8] =	stream.indirect.gather [hbm4b:s4+s14], $0x40, s13, s14, $0xb8;
	[tilespmem:$0x1F000] =	vst v63  }
0xb5: {  	_ =	swait.ge [sflag:s30], $0x2000  }
0xb6: {  	[sflag:s30] =	ssyncset.done $0x0  }
0xb7: {  	s10 =	simm.s32 $0x4C00;
	[sflag:s30] =	ssyncadd.s32 $0xFFFFE000  }
0xb8: {  	[spmem:s2] =	stream.indirect.scatter.add.f32 [tilespmem:s15], [sflag:$0x9], $0x40, s10, s14, $0xb8;
	[tilespmem:$0x1F000] =	vst v63  }
0xb9: {  	_ =	swait.ge [sflag:s31], $0x2000  }
0xba: {  	[sflag:s31] =	ssyncset.done $0x0  }
0xbb: {  	s12 =	simm.s32 $0x4C80;
	[sflag:s31] =	ssyncadd.s32 $0xFFFFE000  }
0xbc: {  	[spmem:s2] =	stream.indirect.scatter.add.f32 [tilespmem:s16], [sflag:$0xA], $0x40, s12, s14, $0xb8;
	[tilespmem:$0x1F000] =	vst v63  }
0xbd: {  	_ =	swait.ge [sflag:s1], $0x2000  }
0xbe: {  	[sflag:s1] =	ssyncset.done $0x0  }
0xbf: {  	s13 =	simm.s32 $0x4D00;
	[sflag:s1] =	ssyncadd.s32 $0xFFFFE000  }
0xc0: {  	[spmem:s2] =	stream.indirect.scatter.add.f32 [tilespmem:s18], [sflag:$0xB], $0x40, s13, s14, $0xb8;
	[tilespmem:$0x1F000] =	vst v63  }
0xc1: {  	_ =	swait.ge [sflag:s0], $0x2000  }
0xc2: {  	[sflag:s0] =	ssyncset.done $0x0  }
0xc3: {  	s3 =	simm.s32 $0x4D80;
	[sflag:s0] =	ssyncadd.s32 $0xFFFFE000  }
0xc4: {  	[spmem:s2] =	stream.indirect.scatter.add.f32 [tilespmem:s20], [sflag:$0xC], $0x40, s3, s14, $0xb8;
	[tilespmem:$0x1F000] =	vst v63  }
0xc5: {  	_ =	swait.ge [sflag:s11], $0x2000  }
0xc6: {  	[sflag:s11] =	ssyncset.done $0x0  }
0xc7: {  	s12 =	simm.s32 $0x4E00;
	[sflag:s11] =	ssyncadd.s32 $0xFFFFE000  }
0xc8: {  	[spmem:s2] =	stream.indirect.scatter.add.f32 [tilespmem:s22], [sflag:$0xD], $0x40, s12, s14, $0xb8;
	[tilespmem:$0x1F000] =	vst v63  }
0xc9: {  	_ =	swait.ge [sflag:s17], $0x2000  }
0xca: {  	[sflag:s17] =	ssyncset.done $0x0  }
0xcb: {  	s13 =	simm.s32 $0x4E80;
	[sflag:s17] =	ssyncadd.s32 $0xFFFFE000  }
0xcc: {  	[spmem:s2] =	stream.indirect.scatter.add.f32 [tilespmem:s24], [sflag:$0xE], $0x40, s13, s14, $0xb8;
	[tilespmem:$0x1F000] =	vst v63  }
0xcd: {  	_ =	swait.ge [sflag:s19], $0x2000  }
0xce: {  	[sflag:s19] =	ssyncset.done $0x0  }
0xcf: {  	s3 =	simm.s32 $0x4F00;
	[sflag:s19] =	ssyncadd.s32 $0xFFFFE000  }
0xd0: {  	[spmem:s2] =	stream.indirect.scatter.add.f32 [tilespmem:s26], [sflag:$0xF], $0x40, s3, s14, $0xb8;
	[tilespmem:$0x1F000] =	vst v63  }
0xd1: {  	_ =	swait.ge [sflag:s21], $0x2000  }
0xd2: {  	[sflag:s21] =	ssyncset.done $0x0  }
0xd3: {  	s12 =	simm.s32 $0x4F80;
	[sflag:s21] =	ssyncadd.s32 $0xFFFFE000  }
0xd4: {  	[spmem:s2] =	stream.indirect.scatter.add.f32 [tilespmem:s29], [sflag:$0x10], $0x40, s12, s14, $0xb8;
	[tilespmem:$0x1F000] =	vst v63  }
0xd5: {  	_ =	swait.ge [sflag:s23], $0x2000  }
0xd6: {  	[sflag:s23] =	ssyncset.done $0x0  }
0xd7: {  	[sflag:s23] =	ssyncadd.s32 $0xFFFFE000  }
0xd8: {  	_ =	swait.ge [sflag:s25], $0x2000  }
0xd9: {  	[sflag:s25] =	ssyncset.done $0x0  }
0xda: {  	[sflag:s25] =	ssyncadd.s32 $0xFFFFE000  }
0xdb: {  	_ =	swait.ge [sflag:s28], $0x2000  }
0xdc: {  	[sflag:s28] =	ssyncset.done $0x0  }
0xdd: {  	[sflag:s28] =	ssyncadd.s32 $0xFFFFE000  }
0xde: {  	_ =	swait.ge [sflag:s5], $0x2000  }
0xdf: {  	[sflag:s5] =	ssyncset.done $0x0  }
0xe0: {  	[sflag:s5] =	ssyncadd.s32 $0xFFFFE000  }
0xe1: {  	_ =	swait.ge [sflag:s6], $0x2000  }
0xe2: {  	[sflag:s6] =	ssyncset.done $0x0  }
0xe3: {  	[sflag:s6] =	ssyncadd.s32 $0xFFFFE000  }
0xe4: {  	_ =	swait.ge [sflag:s7], $0x2000  }
0xe5: {  	[sflag:s7] =	ssyncset.done $0x0  }
0xe6: {  	[sflag:s7] =	ssyncadd.s32 $0xFFFFE000  }
0xe7: {  	_ =	swait.ge [sflag:s8], $0x2000  }
0xe8: {  	[sflag:s8] =	ssyncset.done $0x0  }
0xe9: {  	[sflag:s8] =	ssyncadd.s32 $0xFFFFE000  }
0xea: {  	_ =	swait.ge [sflag:s9], $0x2000  }
0xeb: {  	[sflag:s9] =	ssyncset.done $0x0  }
0xec: {  	[sflag:s9] =	ssyncadd.s32 $0xFFFFE000  }
0xed: {  	[bflag:$0x0] =	sbarrier.arrive $0xFFFF  }
0xee: {  	s13 =	rddreg [dreg:$0x6]  }
0xef: {  	s12 =	rddreg [dreg:$0x8]  }
0xf0: {  	s3 =	rddreg [dreg:$0x9]  }
0xf1: {  	[hbm:s13], [sflag:s3] =	dma.local [spmem:s12], $0x1400  }
0xf2: {  	s13 =	simm.s32 $0x11  }
0xf3: {  	_ =	swait.ge [sflag:s13], $0x1400  }
0xf4: {  	s10 =	rddreg [dreg:$0xa]  }
0xf5: {  	s12 =	rddreg [dreg:$0x7];
	s3 =	sadd.s32 $0x1, s10  }
0xf6: {  	p0 =	sne.s32 s3, s12  }
.Ltmp1:
0xf7: {  	_ = 	snop;
	(pc) =	sbr.rel @p0 .LBB2_1-.Ltmp1, $3  }
0xf8: {  	_ =	sdelay $0x1  }
0xf9: {  	[sflag:s13] =	ssyncset.done $0x0  }
0xfa: {  	[sflag:s13] =	ssyncadd.s32 $0xFFFFEC00;
	[dreg:$0xa] =	wrdreg s3  }
0xfb: {  	_ =	sfence.sel $0x180000  }
0xfc: {  	[bflag:$0x0] =	sbarrier.arrive $0xFFFF  }
0xfd: {  	_ =	strace $0x9000004D  }
0xfe: {  	s0 =	stileid.u32;
	[bflag:$0x2] =	sbarrier.arrive $0xFFFF  }
0xff: {  	p0 =	sne.s32 s0, $0x0;
	s0 =	rddreg [dreg:$0x2]  }
0x100: {  	s0 =	sadd.s32 @!p0 $0x100000, s0  }
0x101: {  	[sflag:s0] =	ssyncadd.tile.s32 @!p0 $0x1;
	_ =	shalt  }
.Lfunc_end2:
_tile_overlayer_lowered:
.L_overlay_start_2:
0x102: {  	(tag) =	ssettag $0x2  }
0x103: {  	s0 =	rddreg [dreg:$0x0];
	s2 =	stileid.u32  }
0x104: {  	s1 =	rddreg [dreg:$0x1];
	p0 =	sne.s32 s2, $0x0  }
0x105: {  	s3 =	rddreg [dreg:$0x2];
	[bflag:$0x3] =	sbarrier.arrive $0xFFFF;
	s2 =	simm.s32 @!p0 $0x1C11  }
0x106: {  	[timem:s3], [sflag:s2] =	dma.local @!p0 [hbm:s0], s1  }
0x107: {  	s0 =	simm.s32 @!p0 $0x11  }
0x108: {  	_ =	swait.ge @!p0 [sflag:s0], s1  }
0x109: {  	s1 =	ssub.s32 @!p0 $0x0, s1;
	[sflag:s0] =	ssyncset.done @!p0 $0x0  }
0x10a: {  	[sflag:s0] =	ssyncadd.s32 @!p0 s1  }
0x10b: {  	[bflag:$0x3] =	sbarrier.arrive $0xFFFF  }
0x10c: {  	_ =	shalt  }

// kernel: kernel.19.cloned.1.call-start
scs
__scs_entry_jumppad:
0x0: {  	(pc) =	sbr.rel $0x88, $3  }
0x1: {  	(tag) =	ssettag $0x0;
	lr =	simm.s32 $0x1  }
0x2: {  	[smem:$0x3F96] =	sst lr;
	_ =	strace $0xD0000000  }
0x3: {  	_ = 	snop  }
0x4: {  	_ = 	snop  }
0x5: {  	_ = 	snop  }
0x6: {  	_ = 	snop  }
0x7: {  	_ = 	snop  }
__scs_overlays_trampoline_lowered:
0x8: {  	[smem:$0x3FA5] =	sst s0  }
0x9: {  	[smem:$0x3FA6] =	sst s1  }
0xa: {  	[smem:$0x3FA7] =	sst s2  }
0xb: {  	[smem:$0x3FA8] =	sst s3  }
0xc: {  	[smem:$0x3FA9] =	sst s4  }
0xd: {  	[smem:$0x3FAA] =	sst s5  }
0xe: {  	[smem:$0x3FAB] =	sst s6  }
0xf: {  	[smem:$0x3FAC] =	sst s7  }
0x10: {  	[smem:$0x3FAD] =	sst s8  }
0x11: {  	[smem:$0x3FAE] =	sst s9;
	s0 =	simm.s32 @!p0 $0x0  }
0x12: {  	s1 =	sld [smem:$0x3F94];
	s0 =	simm.s32 @p0 $0x1  }
0x13: {  	[smem:$0x3FAF] =	sst s0;
	s0 =	simm.s32 @!p1 $0x0  }
0x14: {  	s2 =	sld [smem:$0x3F93];
	s0 =	simm.s32 @p1 $0x1  }
0x15: {  	[smem:$0x3FB0] =	sst s0;
	s0 =	simm.s32 @!p2 $0x0  }
0x16: {  	s3 =	sld [smem:$0x3FDB];
	s0 =	simm.s32 @p2 $0x1  }
0x17: {  	s4 =	simm.s32 $0x1BF5;
	[smem:$0x3FB2] =	sst s0  }
0x18: {  	s0 =	sld [smem:$0x3F95];
	_ =	swait.ge [sflag:s4], $0x0  }
0x19: {  	s7 =	sld [smem:$0x3F96]  }
0x1a: {  	s8 =	sadd.s32 $0xFFFFE003, lr  }
0x1b: {  	s9 =	sadd.s32 $0xFFFFFEF7, lr;
	s5 =	simm.s32 $0xFFFFFFFF;
	p2 =	slt.u32 s8, $0xFFFFF086  }
0x1c: {  	p1 =	slt.u32 s9, $0xF7A;
	s5 =	simm.s32 @!p2 $0x0  }
0x1d: {  	s5 =	simm.s32 @p1 $0x1;
	p0 =	seq.s32 s7, s2  }
0x1e: {  	s7 =	smul.u32 @!p0 $0xF7A, s2;
	p2 =	seq.s32 @!p0 s5, $0x0  }
0x1f: {  	s9 =	smul.u32 $0xF7A, s1;
	s8 =	simm.s32 @!p0 $0x1BF5;
	p2 =	por !p2, p0  }
0x20: {  	[sflag:s8] =	ssyncset.s32 @!p0 $0xFFFFF086;
	s6 =	sadd.s32 @!p0 s3, s7;
	s7 =	simm.s32 @!p0 $0x108  }
0x21: {  	s3 =	sadd.s32 s3, s9;
	s6 =	sadd.s32 @!p0 $0x88, s6;
	s7 =	simm.s32 @p2 $0x1082  }
0x22: {  	[simem:s7], [sflag:s8] =	dma.local @!p0 [hbm:s6], $0xF7A  }
0x23: {  	s9 =	sor.u32 $0xD0000000, s2;
	s6 =	simm.s32 $0x108;
	_ =	swait.ge @!p0 [sflag:s8], $0x0  }
0x24: {  	s3 =	sadd.s32 $0x88, s3;
	s6 =	simm.s32 @!p1 $0x1082;
	[sflag:s4] =	ssyncset.s32 $0xFFFFF086  }
0x25: {  	[simem:s6], [sflag:s4] =	dma.local [hbm:s3], $0xF7A  }
0x26: {  	[smem:$0x3F96] =	sst s1;
	(tag) =	ssettag s2;
	_ =	strace s9  }
0x27: {  	s1 =	sld [smem:$0x3FA6]  }
0x28: {  	s2 =	sld [smem:$0x3FA7]  }
0x29: {  	s4 =	sld [smem:$0x3FA9]  }
0x2a: {  	p0 =	seq.s32 s5, $0x0;
	s5 =	sld [smem:$0x3FAA]  }
0x2b: {  	s6 =	sld [smem:$0x3FAB]  }
0x2c: {  	s7 =	sld [smem:$0x3FAC]  }
0x2d: {  	s3 =	simm.s32 $0x108;
	s8 =	sld [smem:$0x3FAD]  }
0x2e: {  	s3 =	simm.s32 @!p0 $0x1082;
	s9 =	sld [smem:$0x3FAE]  }
0x2f: {  	lr =	sadd.s32 s0, s3;
	s0 =	sld [smem:$0x3FA5]  }
0x30: {  	s3 =	sld [smem:$0x3FA8]  }
0x31: {  	[smem:$0x3FB1] =	sst s10  }
0x32: {  	s10 =	sld [smem:$0x3FAF];
	_ =	sdelay $0x3  }
0x33: {  	p0 =	seq.s32 s10, $0x1;
	s10 =	sld [smem:$0x3FB1];
	_ =	sdelay $0x3  }
0x34: {  	[smem:$0x3FB1] =	sst s10  }
0x35: {  	s10 =	sld [smem:$0x3FB0];
	_ =	sdelay $0x3  }
0x36: {  	p1 =	seq.s32 s10, $0x1;
	s10 =	sld [smem:$0x3FB1];
	_ =	sdelay $0x3  }
0x37: {  	[smem:$0x3FB1] =	sst s10  }
0x38: {  	s10 =	sld [smem:$0x3FB2]  }
0x39: {  	_ = 	snop;
	(pc) =	sbr.ind lr, $3  }
0x3a: {  	_ = 	snop  }
0x3b: {  	_ = 	snop  }
0x3c: {  	p2 =	seq.s32 s10, $0x1;
	s10 =	sld [smem:$0x3FB1]  }
0x3d: {  	_ =	shalt  }
0x3e: {  	_ =	shalt  }
0x3f: {  	_ =	shalt  }
0x40: {  	_ =	shalt  }
0x41: {  	_ =	shalt  }
0x42: {  	_ =	shalt  }
0x43: {  	_ =	shalt  }
0x44: {  	_ =	shalt  }
0x45: {  	_ =	shalt  }
0x46: {  	_ =	shalt  }
0x47: {  	_ =	shalt  }
0x48: {  	_ =	shalt  }
0x49: {  	_ =	shalt  }
0x4a: {  	_ =	shalt  }
0x4b: {  	_ =	shalt  }
0x4c: {  	_ =	shalt  }
0x4d: {  	_ =	shalt  }
0x4e: {  	_ =	shalt  }
0x4f: {  	_ =	shalt  }
0x50: {  	_ =	shalt  }
0x51: {  	_ =	shalt  }
0x52: {  	_ =	shalt  }
0x53: {  	_ =	shalt  }
0x54: {  	_ =	shalt  }
0x55: {  	_ =	shalt  }
0x56: {  	_ =	shalt  }
0x57: {  	_ =	shalt  }
0x58: {  	_ =	shalt  }
0x59: {  	_ =	shalt  }
0x5a: {  	_ =	shalt  }
0x5b: {  	_ =	shalt  }
0x5c: {  	_ =	shalt  }
0x5d: {  	_ =	shalt  }
0x5e: {  	_ =	shalt  }
0x5f: {  	_ =	shalt  }
0x60: {  	_ =	shalt  }
0x61: {  	_ =	shalt  }
0x62: {  	_ =	shalt  }
0x63: {  	_ =	shalt  }
0x64: {  	_ =	shalt  }
0x65: {  	_ =	shalt  }
0x66: {  	_ =	shalt  }
0x67: {  	_ =	shalt  }
0x68: {  	_ =	shalt  }
0x69: {  	_ =	shalt  }
0x6a: {  	_ =	shalt  }
0x6b: {  	_ =	shalt  }
0x6c: {  	_ =	shalt  }
0x6d: {  	_ =	shalt  }
0x6e: {  	_ =	shalt  }
0x6f: {  	_ =	shalt  }
0x70: {  	_ =	shalt  }
0x71: {  	_ =	shalt  }
0x72: {  	_ =	shalt  }
0x73: {  	_ =	shalt  }
0x74: {  	_ =	shalt  }
0x75: {  	_ =	shalt  }
0x76: {  	_ =	shalt  }
0x77: {  	_ =	shalt  }
0x78: {  	_ =	shalt  }
0x79: {  	_ =	shalt  }
0x7a: {  	_ =	shalt  }
0x7b: {  	_ =	shalt  }
0x7c: {  	_ =	shalt  }
0x7d: {  	_ =	shalt  }
0x7e: {  	_ =	shalt  }
0x7f: {  	_ =	shalt  }
0x80: {  	_ =	shalt  }
0x81: {  	_ =	shalt  }
0x82: {  	_ =	shalt  }
0x83: {  	_ =	shalt  }
0x84: {  	_ =	shalt  }
0x85: {  	_ =	shalt  }
0x86: {  	_ =	shalt  }
0x87: {  	_ =	shalt  }
.Lfunc_end0:
.L_simem_size_0:
called_computation.3_lowered:
.L_overlay_start_0:
0x88: {  	s2 =	sld [smem:$0x3FD9]  }
0x89: {  	s3 =	sld [smem:$0x3FFE];
	_ =	sdelay $0x1  }
0x8a: {  	s1 =	srdreg.scid  }
0x8b: {  	s0 =	sand.u32 $0x1, s1  }
0x8c: {  	s14 =	sshll.u32 s0, $0xA;
	s2 =	sadd.s32 s3, s2  }
0x8d: {  	s2 =	sadd.s32 s2, s14  }
0x8e: {  	[smem:$0x3FBD] =	sst s2  }
0x8f: {  	_ = 	snop  }
0x90: {  	s2 =	sld [smem:$0x3FD0];
	_ =	sdelay $0x2  }
0x91: {  	s15 =	simm.s32 $0xA;
	s4 =	simm.s32 $0x10  }
0x92: {  	[smem:s4], [sflag:s15] =	dma.local [hbm:s2], $0x1  }
0x93: {  	_ =	swait.eq [sflag:s15], $0x1  }
0x94: {  	[sflag:s15] =	ssyncset.done $0x0  }
0x95: {  	[sflag:s15] =	ssyncadd.s32 $0xFFFFFFFF  }
0x96: {  	s16 =	sld [smem:$0x10];
	(tm) =	ssettm $0x1  }
0x97: {  	s17 =	sld [smem:$0x3FFB];
	_ =	sdelay $0x3  }
0x98: {  	_ =	strace s17  }
0x99: {  	s3 =	sld [smem:$0x3FFC];
	_ =	sdelay $0x3  }
0x9a: {  	_ =	strace s3  }
0x9b: {  	s3 =	sld [smem:$0x3FFD];
	_ =	sdelay $0x3  }
0x9c: {  	_ =	strace s3  }
0x9d: {  	_ =	strace $0x8FFFFFFF  }
0x9e: {  	s18 =	sld [smem:$0x3FDB];
	_ =	sdelay $0x1  }
0x9f: {  	s19 =	simm.s32 $_scs_section_size  }
0xa0: {  	s5 =	simm.s32 $_size__tile_overlayer_lowered;
	s6 =	simm.s32 $_tile_overlayer_lowered  }
0xa1: {  	s22 =	simm.s32 $0x1BFF;
	s21 =	sshll.u32 s6, $0x1;
	s3 =	sadd.s32 s19, s18  }
0xa2: {  	s7 =	simm.s32 $0x0;
	s20 =	sshll.u32 s5, $0x1;
	s5 =	sadd.s32 s21, s3  }
0xa3: {  	[timem:s7], [sflag:s22] =	dma.local [hbm:s5], s20  }
0xa4: {  	_ =	swait.ge [sflag:s22], s20  }
0xa5: {  	s4 =	ssub.s32 $0x0, s20;
	[sflag:s22] =	ssyncset.done $0x0  }
0xa6: {  	[sflag:s22] =	ssyncadd.s32 s4;
	_ =	sdelay $0x1  }
0xa7: {  	s23 =	simm.s32 $0x1B8B  }
0xa8: {  	_ =	swait.ge [sflag:s23], $0x1  }
0xa9: {  	[sflag:s23] =	ssyncset.done $0x0  }
0xaa: {  	s25 =	simm.s32 $0x1B8E;
	s24 =	sld [smem:$0x3FFE];
	[sflag:s23] =	ssyncadd.s32 $0xFFFFFFFF  }
0xab: {  	s26 =	simm.s32 $execute0_lowered;
	[smem:$0x3FD2] =	sst s25  }
0xac: {  	s5 =	sshll.u32 s26, $0x1;
	_ =	strace $0x8000004F;
	[dreg:$0x1] =	wrdreg $0xFFFFFFFF  }
0xad: {  	s28 =	simm.s32 $_size_execute0_lowered;
	s3 =	sadd.s32 s3, s5;
	[dreg:$0x0] =	wrdreg $0x0  }
0xae: {  	s5 =	sshll.u32 s28, $0x1;
	[dreg:$0x2] =	wrdreg s3  }
0xaf: {  	[dreg:$0x3] =	wrdreg s5  }
0xb0: {  	[dreg:$0x4] =	wrdreg $0xC0  }
0xb1: {  	_ =	task [dreg:s7], $0x5FFFF  }
0xb2: {  	[dreg:$0x1] =	wrdreg $0xFFFFFFFF  }
0xb3: {  	[dreg:$0x0] =	wrdreg $0x60  }
0xb4: {  	[dreg:$0x2] =	wrdreg s24  }
0xb5: {  	[dreg:$0x3] =	wrdreg s16  }
0xb6: {  	[dreg:$0x4] =	wrdreg $0x90000  }
0xb7: {  	[dreg:$0x5] =	wrdreg $0x9  }
0xb8: {  	_ =	task.clear_ibuf [dreg:s7], $0x6FFFF;
	_ =	strace $0x9000004F  }
0xb9: {  	s29 =	simm.s32 $0x9;
	_ =	strace $0x80000051  }
0xba: {  	_ =	swait.ge [sflag:s29], $0x1  }
0xbb: {  	[sflag:s29] =	ssyncadd.s32 $0xFFFFFFFF  }
0xbc: {  	_ =	strace $0x90000051  }
0xbd: {  	_ =	sfence  }
0xbe: {  	s30 =	sld [smem:$0x0];
	_ =	sdelay $0x2  }
0xbf: {  	s31 =	sshll.u32 s1, $0xD;
	s1 =	sshrl.u32 s1, $0x2  }
0xc0: {  	s3 =	sand.u32 $0x4000, s31;
	s1 =	sadd.s32 s1, s30  }
0xc1: {  	s0 =	sor.u32 s3, s0;
	s1 =	sshll.u32 s1, $0x11  }
0xc2: {  	s0 =	sor.u32 s1, s0  }
0xc3: {  	s0 =	sadd.s32 $0x8F2B, s0  }
0xc4: {  	[sflag:s0] =	ssyncadd.remote.s32 $0x1  }
0xc5: {  	_ =	sfence.sel $0xFFFF  }
0xc6: {  	[dreg:$0x0] =	wrdreg $0xFFFFFFFF;
	(pc) =	sbr.abs _section_cstart, $3  }
0xc7: {  	[dreg:$0x1] =	wrdreg $0xFFFFFFFF  }
0xc8: {  	_ =	task.clear_ibuf [dreg:s7], $0x2FFFF;
	_ =	strace $0x9FFFFFFF  }
0xc9: {  	(tm) =	ssettm $0x7FFFFFFF  }
tec
execute0_lowered:
.L_overlay_start_1:
0x0: {  	(tag) =	ssettag $0x1  }
0x1: {  	s0 =	rddreg [dreg:$0x0]  }
0x2: {  	s3 =	rddreg [dreg:$0x2];
	s1 =	srdreg.scid  }
0x3: {  	s7 =	stileid.u32;
	s6 =	simm.s32 $0x0;
	s13 =	simm.s32 $0x11  }
0x4: {  	s14 =	simm.s32 $0x80;
	s15 =	simm.s32 $0x5000;
	s16 =	simm.s32 $0x5800  }
0x5: {  	s18 =	simm.s32 $0x6000;
	s20 =	simm.s32 $0x6800;
	s29 =	simm.s32 $0x8800  }
0x6: {  	s30 =	simm.s32 $0x1;
	s31 =	simm.s32 $0x2;
	s11 =	simm.s32 $0x6  }
0x7: {  	s17 =	simm.s32 $0x7;
	s19 =	simm.s32 $0x8;
	s28 =	simm.s32 $0xC  }
0x8: {  	s8 =	simm.s32 $0xF;
	s9 =	simm.s32 $0x10;
	s10 =	simm.s32 $0x0  }
0x9: {  	s1 =	sand.u32 $0x1, s1;
	s2 =	sshll.u32 s7, $0x1;
	s4 =	smul.u32 $0x2800, s7  }
0xa: {  	[smem:$0x7FF] =	sst s6;
	s26 =	sshll.u32 s7, $0x6;
	s6 =	simm.s32 $0xD  }
0xb: {  	s7 =	simm.s32 $0xE;
	s2 =	sor.u32 s1, s2;
	s5 =	smul.u32 $0x28000, s1  }
0xc: {  	_ =	strace $0x80000050;
	s1 =	ssub.s32 $0x2, s1;
	[dreg:$0xa] =	wrdreg s10  }
0xd: {  	s2 =	smul.u32 $0x500, s2;
	s22 =	sshrl.u32 s1, $0x1;
	s24 =	sadd.s32 s4, s3  }
0xe: {  	s5 =	sadd.s32 s4, s5;
	s1 =	ssub.s32 s1, s22;
	s12 =	sshrl.u32 s24, $0x3  }
0xf: {  	s22 =	simm.s32 $0x7000;
	s24 =	simm.s32 $0x7800;
	s2 =	sadd.s32 s2, s0  }
0x10: {  	s21 =	sshrl.u32 s5, $0x3;
	s5 =	sadd.s32 $0x15A00, s0;
	s25 =	smax.u32 s1, $0x1  }
0x11: {  	s1 =	simm.s32 $0x4;
	[dreg:$0x8] =	wrdreg s12;
	s0 =	sadd.s32 s21, s0  }
0x12: {  	s23 =	sadd.s32 $0xBA00, s2;
	s2 =	sadd.s32 $0x1A00, s2;
	[dreg:$0x7] =	wrdreg s25  }
0x13: {  	s21 =	simm.s32 $0x9;
	s25 =	simm.s32 $0xB;
	[dreg:$0x4] =	wrdreg s23  }
0x14: {  	[dreg:$0x5] =	wrdreg s2;
	s0 =	sadd.s32 $0x1AA00, s0;
	s2 =	simm.s32 $0x5  }
0x15: {  	s23 =	simm.s32 $0xA;
	[dreg:$0x6] =	wrdreg s0;
	s0 =	sor.u32 $0x1C11, s26  }
0x16: {  	s26 =	simm.s32 $0x8000;
	[dreg:$0x9] =	wrdreg s0;
	s0 =	simm.s32 $0x3  }
.LBB2_1:
0x17: {  	s4 =	simm.s32 $0x0;
	s10 =	rddreg [dreg:$0x4]  }
0x18: {  	[tilespmem:s4], [sflag:$0x11] =	stream.linear.gather [hbm4b:s10+s4], $0x2800, $0x38;
	[tilespmem:$0xB800] =	vst v63  }
0x19: {  	_ =	swait.ge [sflag:s13], $0x2800  }
0x1a: {  	s12 =	simm.s32 $0x0;
	[sflag:s13] =	ssyncset.done $0x0  }
0x1b: {  	s4 =	simm.s32 $0x2800;
	s10 =	rddreg [dreg:$0x5];
	[sflag:s13] =	ssyncadd.s32 $0xFFFFD800  }
0x1c: {  	[tilespmem:s4], [sflag:$0x11] =	stream.linear.gather [hbm4b:s10+s12], $0x2800, $0x38;
	[tilespmem:$0xB800] =	vst v63  }
0x1d: {  	s4 =	rddreg [dreg:$0x9];
	_ =	swait.ge [sflag:s13], $0x2800  }
0x1e: {  	[sflag:s13] =	ssyncset.done $0x0  }
0x1f: {  	s12 =	rddreg [dreg:$0x8];
	[sflag:s13] =	ssyncadd.s32 $0xFFFFD800  }
0x20: {  	s10 =	rddreg [dreg:$0x1]  }
0x21: {  	[spmem:s12], [sflag:s4] =	dma.local [hbm:s10], $0x500  }
0x22: {  	_ =	swait.ge [sflag:s13], $0x500  }
0x23: {  	[sflag:s13] =	ssyncset.done $0x0  }
0x24: {  	[sflag:s13] =	ssyncadd.s32 $0xFFFFFB00  }
0x25: {  	s13 =	simm.s32 $0x0;
	[bflag:$0x0] =	sbarrier.arrive $0xFFFF  }
0x26: {  	[tilespmem:s15], [sflag:$0x1] =	stream.indirect.gather [hbm4b:s5+s14], $0x10, s13, s14, $0xb8;
	[tilespmem:$0xB800] =	vst v63  }
0x27: {  	_ = 	snop  }
0x28: {  	[tilespmem:s16], [sflag:$0x2] =	stream.indirect.gather [hbm4b:s5+s14], $0x10, s14, s14, $0xb8;
	[tilespmem:$0xB800] =	vst v63  }
0x29: {  	s4 =	simm.s32 $0x100  }
0x2a: {  	[tilespmem:s18], [sflag:$0x3] =	stream.indirect.gather [hbm4b:s5+s14], $0x10, s4, s14, $0xb8;
	[tilespmem:$0xB800] =	vst v63  }
0x2b: {  	s12 =	simm.s32 $0x180  }
0x2c: {  	[tilespmem:s20], [sflag:$0x4] =	stream.indirect.gather [hbm4b:s5+s14], $0x10, s12, s14, $0xb8;
	[tilespmem:$0xB800] =	vst v63  }
0x2d: {  	s13 =	simm.s32 $0x200  }
0x2e: {  	[tilespmem:s22], [sflag:$0x5] =	stream.indirect.gather [hbm4b:s5+s14], $0x10, s13, s14, $0xb8;
	[tilespmem:$0xB800] =	vst v63  }
0x2f: {  	s4 =	simm.s32 $0x280  }
0x30: {  	[tilespmem:s24], [sflag:$0x6] =	stream.indirect.gather [hbm4b:s5+s14], $0x10, s4, s14, $0xb8;
	[tilespmem:$0xB800] =	vst v63  }
0x31: {  	s12 =	simm.s32 $0x300  }
0x32: {  	[tilespmem:s26], [sflag:$0x7] =	stream.indirect.gather [hbm4b:s5+s14], $0x10, s12, s14, $0xb8;
	[tilespmem:$0xB800] =	vst v63  }
0x33: {  	s13 =	simm.s32 $0x380  }
0x34: {  	[tilespmem:s29], [sflag:$0x8] =	stream.indirect.gather [hbm4b:s5+s14], $0x10, s13, s14, $0xb8;
	[tilespmem:$0xB800] =	vst v63  }
0x35: {  	_ =	swait.ge [sflag:s30], $0x800  }
0x36: {  	[sflag:s30] =	ssyncset.done $0x0  }
0x37: {  	s4 =	simm.s32 $0x2800;
	[sflag:s30] =	ssyncadd.s32 $0xFFFFF800  }
0x38: {  	[spmem:s3] =	stream.indirect.scatter.add.f32 [tilespmem:s15], [sflag:$0x9], $0x10, s4, s14, $0xb8;
	[tilespmem:$0xB800] =	vst v63  }
0x39: {  	_ =	swait.ge [sflag:s31], $0x800  }
0x3a: {  	[sflag:s31] =	ssyncset.done $0x0  }
0x3b: {  	s10 =	simm.s32 $0x2880;
	[sflag:s31] =	ssyncadd.s32 $0xFFFFF800  }
0x3c: {  	[spmem:s3] =	stream.indirect.scatter.add.f32 [tilespmem:s16], [sflag:$0xA], $0x10, s10, s14, $0xb8;
	[tilespmem:$0xB800] =	vst v63  }
0x3d: {  	_ =	swait.ge [sflag:s0], $0x800  }
0x3e: {  	[sflag:s0] =	ssyncset.done $0x0  }
0x3f: {  	s13 =	simm.s32 $0x2900;
	[sflag:s0] =	ssyncadd.s32 $0xFFFFF800  }
0x40: {  	[spmem:s3] =	stream.indirect.scatter.add.f32 [tilespmem:s18], [sflag:$0xB], $0x10, s13, s14, $0xb8;
	[tilespmem:$0xB800] =	vst v63  }
0x41: {  	_ =	swait.ge [sflag:s1], $0x800  }
0x42: {  	[sflag:s1] =	ssyncset.done $0x0  }
0x43: {  	s4 =	simm.s32 $0x2980;
	[sflag:s1] =	ssyncadd.s32 $0xFFFFF800  }
0x44: {  	[spmem:s3] =	stream.indirect.scatter.add.f32 [tilespmem:s20], [sflag:$0xC], $0x10, s4, s14, $0xb8;
	[tilespmem:$0xB800] =	vst v63  }
0x45: {  	_ =	swait.ge [sflag:s2], $0x800  }
0x46: {  	[sflag:s2] =	ssyncset.done $0x0  }
0x47: {  	s10 =	simm.s32 $0x2A00;
	[sflag:s2] =	ssyncadd.s32 $0xFFFFF800  }
0x48: {  	[spmem:s3] =	stream.indirect.scatter.add.f32 [tilespmem:s22], [sflag:$0xD], $0x10, s10, s14, $0xb8;
	[tilespmem:$0xB800] =	vst v63  }
0x49: {  	_ =	swait.ge [sflag:s11], $0x800  }
0x4a: {  	[sflag:s11] =	ssyncset.done $0x0  }
0x4b: {  	s13 =	simm.s32 $0x2A80;
	[sflag:s11] =	ssyncadd.s32 $0xFFFFF800  }
0x4c: {  	[spmem:s3] =	stream.indirect.scatter.add.f32 [tilespmem:s24], [sflag:$0xE], $0x10, s13, s14, $0xb8;
	[tilespmem:$0xB800] =	vst v63  }
0x4d: {  	_ =	swait.ge [sflag:s17], $0x800  }
0x4e: {  	[sflag:s17] =	ssyncset.done $0x0  }
0x4f: {  	s4 =	simm.s32 $0x2B00;
	[sflag:s17] =	ssyncadd.s32 $0xFFFFF800  }
0x50: {  	[spmem:s3] =	stream.indirect.scatter.add.f32 [tilespmem:s26], [sflag:$0xF], $0x10, s4, s14, $0xb8;
	[tilespmem:$0xB800] =	vst v63  }
0x51: {  	_ =	swait.ge [sflag:s19], $0x800  }
0x52: {  	[sflag:s19] =	ssyncset.done $0x0  }
0x53: {  	s10 =	simm.s32 $0x2B80;
	[sflag:s19] =	ssyncadd.s32 $0xFFFFF800  }
0x54: {  	[spmem:s3] =	stream.indirect.scatter.add.f32 [tilespmem:s29], [sflag:$0x10], $0x10, s10, s14, $0xb8;
	[tilespmem:$0xB800] =	vst v63  }
0x55: {  	_ =	swait.ge [sflag:s21], $0x800  }
0x56: {  	[sflag:s21] =	ssyncset.done $0x0  }
0x57: {  	s13 =	simm.s32 $0x400;
	[sflag:s21] =	ssyncadd.s32 $0xFFFFF800  }
0x58: {  	[tilespmem:s15], [sflag:$0x1] =	stream.indirect.gather [hbm4b:s5+s14], $0x10, s13, s14, $0xb8;
	[tilespmem:$0xB800] =	vst v63  }
0x59: {  	_ =	swait.ge [sflag:s23], $0x800  }
0x5a: {  	[sflag:s23] =	ssyncset.done $0x0  }
0x5b: {  	s4 =	simm.s32 $0x480;
	[sflag:s23] =	ssyncadd.s32 $0xFFFFF800  }
0x5c: {  	[tilespmem:s16], [sflag:$0x2] =	stream.indirect.gather [hbm4b:s5+s14], $0x10, s4, s14, $0xb8;
	[tilespmem:$0xB800] =	vst v63  }
0x5d: {  	_ =	swait.ge [sflag:s25], $0x800  }
0x5e: {  	[sflag:s25] =	ssyncset.done $0x0  }
0x5f: {  	s10 =	simm.s32 $0x500;
	[sflag:s25] =	ssyncadd.s32 $0xFFFFF800  }
0x60: {  	[tilespmem:s18], [sflag:$0x3] =	stream.indirect.gather [hbm4b:s5+s14], $0x10, s10, s14, $0xb8;
	[tilespmem:$0xB800] =	vst v63  }
0x61: {  	_ =	swait.ge [sflag:s28], $0x800  }
0x62: {  	[sflag:s28] =	ssyncset.done $0x0  }
0x63: {  	s13 =	simm.s32 $0x580;
	[sflag:s28] =	ssyncadd.s32 $0xFFFFF800  }
0x64: {  	[tilespmem:s20], [sflag:$0x4] =	stream.indirect.gather [hbm4b:s5+s14], $0x10, s13, s14, $0xb8;
	[tilespmem:$0xB800] =	vst v63  }
0x65: {  	_ =	swait.ge [sflag:s6], $0x800  }
0x66: {  	[sflag:s6] =	ssyncset.done $0x0  }
0x67: {  	s4 =	simm.s32 $0x600;
	[sflag:s6] =	ssyncadd.s32 $0xFFFFF800  }
0x68: {  	[tilespmem:s22], [sflag:$0x5] =	stream.indirect.gather [hbm4b:s5+s14], $0x10, s4, s14, $0xb8;
	[tilespmem:$0xB800] =	vst v63  }
0x69: {  	_ =	swait.ge [sflag:s7], $0x800  }
0x6a: {  	[sflag:s7] =	ssyncset.done $0x0  }
0x6b: {  	s10 =	simm.s32 $0x680;
	[sflag:s7] =	ssyncadd.s32 $0xFFFFF800  }
0x6c: {  	[tilespmem:s24], [sflag:$0x6] =	stream.indirect.gather [hbm4b:s5+s14], $0x10, s10, s14, $0xb8;
	[tilespmem:$0xB800] =	vst v63  }
0x6d: {  	_ =	swait.ge [sflag:s8], $0x800  }
0x6e: {  	[sflag:s8] =	ssyncset.done $0x0  }
0x6f: {  	s13 =	simm.s32 $0x700;
	[sflag:s8] =	ssyncadd.s32 $0xFFFFF800  }
0x70: {  	[tilespmem:s26], [sflag:$0x7] =	stream.indirect.gather [hbm4b:s5+s14], $0x10, s13, s14, $0xb8;
	[tilespmem:$0xB800] =	vst v63  }
0x71: {  	_ =	swait.ge [sflag:s9], $0x800  }
0x72: {  	[sflag:s9] =	ssyncset.done $0x0  }
0x73: {  	s12 =	simm.s32 $0x1000;
	s13 =	simm.s32 $0x780;
	[sflag:s9] =	ssyncadd.s32 $0xFFFFF800  }
.LBB2_2:
0x74: {  	[tilespmem:s29], [sflag:$0x8] =	stream.indirect.gather [hbm4b:s5+s14], $0x10, s13, s14, $0xb8;
	[tilespmem:$0xB800] =	vst v63  }
0x75: {  	s13 =	smov.u32 s12  }
0x76: {  	p0 =	sne.s32 s12, $0x8000;
	s12 =	sadd.s32 $0x1000, s12;
	_ =	swait.ge [sflag:s30], $0x800  }
0x77: {  	s13 =	sshra.s32 s13, $0x2;
	[sflag:s30] =	ssyncset.done $0x0  }
0x78: {  	s10 =	sadd.s32 $0x2800, s13;
	[sflag:s30] =	ssyncadd.s32 $0xFFFFF800  }
0x79: {  	[spmem:s3] =	stream.indirect.scatter.add.f32 [tilespmem:s15], [sflag:$0x9], $0x10, s10, s14, $0xb8;
	[tilespmem:$0xB800] =	vst v63  }
0x7a: {  	_ =	swait.ge [sflag:s31], $0x800  }
0x7b: {  	[sflag:s31] =	ssyncset.done $0x0  }
0x7c: {  	s10 =	sadd.s32 $0x2880, s13;
	[sflag:s31] =	ssyncadd.s32 $0xFFFFF800  }
0x7d: {  	[spmem:s3] =	stream.indirect.scatter.add.f32 [tilespmem:s16], [sflag:$0xA], $0x10, s10, s14, $0xb8;
	[tilespmem:$0xB800] =	vst v63  }
0x7e: {  	_ =	swait.ge [sflag:s0], $0x800  }
0x7f: {  	[sflag:s0] =	ssyncset.done $0x0  }
0x80: {  	s10 =	sadd.s32 $0x2900, s13;
	[sflag:s0] =	ssyncadd.s32 $0xFFFFF800  }
0x81: {  	[spmem:s3] =	stream.indirect.scatter.add.f32 [tilespmem:s18], [sflag:$0xB], $0x10, s10, s14, $0xb8;
	[tilespmem:$0xB800] =	vst v63  }
0x82: {  	_ =	swait.ge [sflag:s1], $0x800  }
0x83: {  	[sflag:s1] =	ssyncset.done $0x0  }
0x84: {  	s10 =	sadd.s32 $0x2980, s13;
	[sflag:s1] =	ssyncadd.s32 $0xFFFFF800  }
0x85: {  	[spmem:s3] =	stream.indirect.scatter.add.f32 [tilespmem:s20], [sflag:$0xC], $0x10, s10, s14, $0xb8;
	[tilespmem:$0xB800] =	vst v63  }
0x86: {  	_ =	swait.ge [sflag:s2], $0x800  }
0x87: {  	[sflag:s2] =	ssyncset.done $0x0  }
0x88: {  	s10 =	sadd.s32 $0x2A00, s13;
	[sflag:s2] =	ssyncadd.s32 $0xFFFFF800  }
0x89: {  	[spmem:s3] =	stream.indirect.scatter.add.f32 [tilespmem:s22], [sflag:$0xD], $0x10, s10, s14, $0xb8;
	[tilespmem:$0xB800] =	vst v63  }
0x8a: {  	_ =	swait.ge [sflag:s11], $0x800  }
0x8b: {  	[sflag:s11] =	ssyncset.done $0x0  }
0x8c: {  	s10 =	sadd.s32 $0x2A80, s13;
	[sflag:s11] =	ssyncadd.s32 $0xFFFFF800  }
0x8d: {  	[spmem:s3] =	stream.indirect.scatter.add.f32 [tilespmem:s24], [sflag:$0xE], $0x10, s10, s14, $0xb8;
	[tilespmem:$0xB800] =	vst v63  }
0x8e: {  	_ =	swait.ge [sflag:s17], $0x800  }
0x8f: {  	[sflag:s17] =	ssyncset.done $0x0  }
0x90: {  	s10 =	sadd.s32 $0x2B00, s13;
	[sflag:s17] =	ssyncadd.s32 $0xFFFFF800  }
0x91: {  	[spmem:s3] =	stream.indirect.scatter.add.f32 [tilespmem:s26], [sflag:$0xF], $0x10, s10, s14, $0xb8;
	[tilespmem:$0xB800] =	vst v63  }
0x92: {  	_ =	swait.ge [sflag:s19], $0x800  }
0x93: {  	[sflag:s19] =	ssyncset.done $0x0  }
0x94: {  	s10 =	sadd.s32 $0x2B80, s13;
	[sflag:s19] =	ssyncadd.s32 $0xFFFFF800  }
0x95: {  	[spmem:s3] =	stream.indirect.scatter.add.f32 [tilespmem:s29], [sflag:$0x10], $0x10, s10, s14, $0xb8;
	[tilespmem:$0xB800] =	vst v63  }
0x96: {  	_ =	swait.ge [sflag:s21], $0x800  }
0x97: {  	[sflag:s21] =	ssyncset.done $0x0  }
0x98: {  	s10 =	sadd.s32 $0x400, s13;
	[sflag:s21] =	ssyncadd.s32 $0xFFFFF800  }
0x99: {  	[tilespmem:s15], [sflag:$0x1] =	stream.indirect.gather [hbm4b:s5+s14], $0x10, s10, s14, $0xb8;
	[tilespmem:$0xB800] =	vst v63  }
0x9a: {  	_ =	swait.ge [sflag:s23], $0x800  }
0x9b: {  	[sflag:s23] =	ssyncset.done $0x0  }
0x9c: {  	s10 =	sadd.s32 $0x480, s13;
	[sflag:s23] =	ssyncadd.s32 $0xFFFFF800  }
0x9d: {  	[tilespmem:s16], [sflag:$0x2] =	stream.indirect.gather [hbm4b:s5+s14], $0x10, s10, s14, $0xb8;
	[tilespmem:$0xB800] =	vst v63  }
0x9e: {  	_ =	swait.ge [sflag:s25], $0x800  }
0x9f: {  	[sflag:s25] =	ssyncset.done $0x0  }
0xa0: {  	s10 =	sadd.s32 $0x500, s13;
	[sflag:s25] =	ssyncadd.s32 $0xFFFFF800  }
0xa1: {  	[tilespmem:s18], [sflag:$0x3] =	stream.indirect.gather [hbm4b:s5+s14], $0x10, s10, s14, $0xb8;
	[tilespmem:$0xB800] =	vst v63  }
0xa2: {  	_ =	swait.ge [sflag:s28], $0x800  }
0xa3: {  	[sflag:s28] =	ssyncset.done $0x0  }
0xa4: {  	s10 =	sadd.s32 $0x580, s13;
	[sflag:s28] =	ssyncadd.s32 $0xFFFFF800  }
0xa5: {  	[tilespmem:s20], [sflag:$0x4] =	stream.indirect.gather [hbm4b:s5+s14], $0x10, s10, s14, $0xb8;
	[tilespmem:$0xB800] =	vst v63  }
0xa6: {  	_ =	swait.ge [sflag:s6], $0x800  }
0xa7: {  	[sflag:s6] =	ssyncset.done $0x0  }
0xa8: {  	s10 =	sadd.s32 $0x600, s13;
	[sflag:s6] =	ssyncadd.s32 $0xFFFFF800  }
0xa9: {  	[tilespmem:s22], [sflag:$0x5] =	stream.indirect.gather [hbm4b:s5+s14], $0x10, s10, s14, $0xb8;
	[tilespmem:$0xB800] =	vst v63  }
0xaa: {  	_ =	swait.ge [sflag:s7], $0x800  }
0xab: {  	[sflag:s7] =	ssyncset.done $0x0  }
0xac: {  	s10 =	sadd.s32 $0x680, s13;
	[sflag:s7] =	ssyncadd.s32 $0xFFFFF800  }
0xad: {  	[tilespmem:s24], [sflag:$0x6] =	stream.indirect.gather [hbm4b:s5+s14], $0x10, s10, s14, $0xb8;
	[tilespmem:$0xB800] =	vst v63  }
0xae: {  	_ =	swait.ge [sflag:s8], $0x800  }
0xaf: {  	[sflag:s8] =	ssyncset.done $0x0  }
.Ltmp0:
0xb0: {  	s10 =	sadd.s32 $0x700, s13;
	[sflag:s8] =	ssyncadd.s32 $0xFFFFF800;
	(pc) =	sbr.rel @p0 .LBB2_2-.Ltmp0, $4  }
0xb1: {  	[tilespmem:s26], [sflag:$0x7] =	stream.indirect.gather [hbm4b:s5+s14], $0x10, s10, s14, $0xb8;
	[tilespmem:$0xB800] =	vst v63  }
0xb2: {  	_ =	swait.ge [sflag:s9], $0x800  }
0xb3: {  	[sflag:s9] =	ssyncset.done $0x0  }
0xb4: {  	s13 =	sadd.s32 $0x780, s13;
	[sflag:s9] =	ssyncadd.s32 $0xFFFFF800  }
0xb5: {  	[tilespmem:s29], [sflag:$0x8] =	stream.indirect.gather [hbm4b:s5+s14], $0x10, s13, s14, $0xb8;
	[tilespmem:$0xB800] =	vst v63  }
0xb6: {  	_ =	swait.ge [sflag:s30], $0x800  }
0xb7: {  	[sflag:s30] =	ssyncset.done $0x0  }
0xb8: {  	s10 =	simm.s32 $0x4C00;
	[sflag:s30] =	ssyncadd.s32 $0xFFFFF800  }
0xb9: {  	[spmem:s3] =	stream.indirect.scatter.add.f32 [tilespmem:s15], [sflag:$0x9], $0x10, s10, s14, $0xb8;
	[tilespmem:$0xB800] =	vst v63  }
0xba: {  	_ =	swait.ge [sflag:s31], $0x800  }
0xbb: {  	[sflag:s31] =	ssyncset.done $0x0  }
0xbc: {  	s12 =	simm.s32 $0x4C80;
	[sflag:s31] =	ssyncadd.s32 $0xFFFFF800  }
0xbd: {  	[spmem:s3] =	stream.indirect.scatter.add.f32 [tilespmem:s16], [sflag:$0xA], $0x10, s12, s14, $0xb8;
	[tilespmem:$0xB800] =	vst v63  }
0xbe: {  	_ =	swait.ge [sflag:s0], $0x800  }
0xbf: {  	[sflag:s0] =	ssyncset.done $0x0  }
0xc0: {  	s13 =	simm.s32 $0x4D00;
	[sflag:s0] =	ssyncadd.s32 $0xFFFFF800  }
0xc1: {  	[spmem:s3] =	stream.indirect.scatter.add.f32 [tilespmem:s18], [sflag:$0xB], $0x10, s13, s14, $0xb8;
	[tilespmem:$0xB800] =	vst v63  }
0xc2: {  	_ =	swait.ge [sflag:s1], $0x800  }
0xc3: {  	[sflag:s1] =	ssyncset.done $0x0  }
0xc4: {  	s4 =	simm.s32 $0x4D80;
	[sflag:s1] =	ssyncadd.s32 $0xFFFFF800  }
0xc5: {  	[spmem:s3] =	stream.indirect.scatter.add.f32 [tilespmem:s20], [sflag:$0xC], $0x10, s4, s14, $0xb8;
	[tilespmem:$0xB800] =	vst v63  }
0xc6: {  	_ =	swait.ge [sflag:s2], $0x800  }
0xc7: {  	[sflag:s2] =	ssyncset.done $0x0  }
0xc8: {  	s12 =	simm.s32 $0x4E00;
	[sflag:s2] =	ssyncadd.s32 $0xFFFFF800  }
0xc9: {  	[spmem:s3] =	stream.indirect.scatter.add.f32 [tilespmem:s22], [sflag:$0xD], $0x10, s12, s14, $0xb8;
	[tilespmem:$0xB800] =	vst v63  }
0xca: {  	_ =	swait.ge [sflag:s11], $0x800  }
0xcb: {  	[sflag:s11] =	ssyncset.done $0x0  }
0xcc: {  	s13 =	simm.s32 $0x4E80;
	[sflag:s11] =	ssyncadd.s32 $0xFFFFF800  }
0xcd: {  	[spmem:s3] =	stream.indirect.scatter.add.f32 [tilespmem:s24], [sflag:$0xE], $0x10, s13, s14, $0xb8;
	[tilespmem:$0xB800] =	vst v63  }
0xce: {  	_ =	swait.ge [sflag:s17], $0x800  }
0xcf: {  	[sflag:s17] =	ssyncset.done $0x0  }
0xd0: {  	s4 =	simm.s32 $0x4F00;
	[sflag:s17] =	ssyncadd.s32 $0xFFFFF800  }
0xd1: {  	[spmem:s3] =	stream.indirect.scatter.add.f32 [tilespmem:s26], [sflag:$0xF], $0x10, s4, s14, $0xb8;
	[tilespmem:$0xB800] =	vst v63  }
0xd2: {  	_ =	swait.ge [sflag:s19], $0x800  }
0xd3: {  	[sflag:s19] =	ssyncset.done $0x0  }
0xd4: {  	s12 =	simm.s32 $0x4F80;
	[sflag:s19] =	ssyncadd.s32 $0xFFFFF800  }
0xd5: {  	[spmem:s3] =	stream.indirect.scatter.add.f32 [tilespmem:s29], [sflag:$0x10], $0x10, s12, s14, $0xb8;
	[tilespmem:$0xB800] =	vst v63  }
0xd6: {  	_ =	swait.ge [sflag:s21], $0x800  }
0xd7: {  	[sflag:s21] =	ssyncset.done $0x0  }
0xd8: {  	[sflag:s21] =	ssyncadd.s32 $0xFFFFF800  }
0xd9: {  	_ =	swait.ge [sflag:s23], $0x800  }
0xda: {  	[sflag:s23] =	ssyncset.done $0x0  }
0xdb: {  	[sflag:s23] =	ssyncadd.s32 $0xFFFFF800  }
0xdc: {  	_ =	swait.ge [sflag:s25], $0x800  }
0xdd: {  	[sflag:s25] =	ssyncset.done $0x0  }
0xde: {  	[sflag:s25] =	ssyncadd.s32 $0xFFFFF800  }
0xdf: {  	_ =	swait.ge [sflag:s28], $0x800  }
0xe0: {  	[sflag:s28] =	ssyncset.done $0x0  }
0xe1: {  	[sflag:s28] =	ssyncadd.s32 $0xFFFFF800  }
0xe2: {  	_ =	swait.ge [sflag:s6], $0x800  }
0xe3: {  	[sflag:s6] =	ssyncset.done $0x0  }
0xe4: {  	[sflag:s6] =	ssyncadd.s32 $0xFFFFF800  }
0xe5: {  	_ =	swait.ge [sflag:s7], $0x800  }
0xe6: {  	[sflag:s7] =	ssyncset.done $0x0  }
0xe7: {  	[sflag:s7] =	ssyncadd.s32 $0xFFFFF800  }
0xe8: {  	_ =	swait.ge [sflag:s8], $0x800  }
0xe9: {  	[sflag:s8] =	ssyncset.done $0x0  }
0xea: {  	[sflag:s8] =	ssyncadd.s32 $0xFFFFF800  }
0xeb: {  	_ =	swait.ge [sflag:s9], $0x800  }
0xec: {  	[sflag:s9] =	ssyncset.done $0x0  }
0xed: {  	[sflag:s9] =	ssyncadd.s32 $0xFFFFF800  }
0xee: {  	[bflag:$0x0] =	sbarrier.arrive $0xFFFF  }
0xef: {  	s13 =	rddreg [dreg:$0x6]  }
0xf0: {  	s12 =	rddreg [dreg:$0x8]  }
0xf1: {  	s4 =	rddreg [dreg:$0x9]  }
0xf2: {  	[hbm:s13], [sflag:s4] =	dma.local [spmem:s12], $0x500  }
0xf3: {  	s13 =	simm.s32 $0x11  }
0xf4: {  	_ =	swait.ge [sflag:s13], $0x500  }
0xf5: {  	s10 =	rddreg [dreg:$0xa]  }
0xf6: {  	s12 =	rddreg [dreg:$0x7];
	s4 =	sadd.s32 $0x1, s10  }
0xf7: {  	p0 =	sne.s32 s4, s12  }
.Ltmp1:
0xf8: {  	_ = 	snop;
	(pc) =	sbr.rel @p0 .LBB2_1-.Ltmp1, $3  }
0xf9: {  	_ =	sdelay $0x1  }
0xfa: {  	[sflag:s13] =	ssyncset.done $0x0  }
0xfb: {  	[sflag:s13] =	ssyncadd.s32 $0xFFFFFB00;
	[dreg:$0xa] =	wrdreg s4  }
0xfc: {  	_ =	sfence.sel $0x180000  }
0xfd: {  	[bflag:$0x0] =	sbarrier.arrive $0xFFFF  }
0xfe: {  	_ =	strace $0x90000050  }
0xff: {  	s0 =	stileid.u32;
	[bflag:$0x2] =	sbarrier.arrive $0xFFFF  }
0x100: {  	p0 =	sne.s32 s0, $0x0;
	s0 =	rddreg [dreg:$0x3]  }
0x101: {  	s0 =	sadd.s32 @!p0 $0x100000, s0  }
0x102: {  	[sflag:s0] =	ssyncadd.tile.s32 @!p0 $0x1;
	_ =	shalt  }
.Lfunc_end2:
_tile_overlayer_lowered:
.L_overlay_start_2:
0x103: {  	(tag) =	ssettag $0x2  }
0x104: {  	s0 =	rddreg [dreg:$0x0];
	s2 =	stileid.u32  }
0x105: {  	s1 =	rddreg [dreg:$0x1];
	p0 =	sne.s32 s2, $0x0  }
0x106: {  	s3 =	rddreg [dreg:$0x2];
	[bflag:$0x3] =	sbarrier.arrive $0xFFFF;
	s2 =	simm.s32 @!p0 $0x1C11  }
0x107: {  	[timem:s3], [sflag:s2] =	dma.local @!p0 [hbm:s0], s1  }
0x108: {  	s0 =	simm.s32 @!p0 $0x11  }
0x109: {  	_ =	swait.ge @!p0 [sflag:s0], s1  }
0x10a: {  	s1 =	ssub.s32 @!p0 $0x0, s1;
	[sflag:s0] =	ssyncset.done @!p0 $0x0  }
0x10b: {  	[sflag:s0] =	ssyncadd.s32 @!p0 s1  }
0x10c: {  	[bflag:$0x3] =	sbarrier.arrive $0xFFFF  }
0x10d: {  	_ =	shalt  }

</sc_bundles>
